<compile_context>
chip_gen: v7x
topology: tpu7x:2x2x1
jax: 0.10.2.dev20260603
libtpu: 0.0.44.dev20260713+nightly
codegen_flags: <defaults>
</compile_context>

<pallas_src>
import functools

import numpy as np
import jax
import jax.numpy as jnp
from jax import lax
from jax.experimental import pallas as pl
from jax.experimental.pallas import tpu as pltpu
from jax.experimental.pallas import tpu_sc as plsc

DIM = 128
N_NODES = 10000
N_EDGES = 320000
N_RBF = 16
CUTOFF_G = 10.0
ENV_EXP = 5
OUT_DIM = 15

NC = 2
NS = 16
NW = NC * NS
LANES = 16


_EPT = N_EDGES // NW


def _dist2_body(px_h, py_h, pz_h, src_h, dst_h, d2_h,
                px_v, py_v, pz_v, src_v, dst_v, d2_v):
    c = lax.axis_index("c")
    s = lax.axis_index("s")
    wid = c * NS + s
    base = wid * _EPT
    pltpu.sync_copy(px_h, px_v)
    pltpu.sync_copy(py_h, py_v)
    pltpu.sync_copy(pz_h, pz_v)
    pltpu.sync_copy(src_h.at[pl.ds(base, _EPT)], src_v)
    pltpu.sync_copy(dst_h.at[pl.ds(base, _EPT)], dst_v)

    def step(i, _):
        sl = pl.ds(i * LANES, LANES)
        si = src_v[sl]
        di = dst_v[sl]
        dx = plsc.load_gather(px_v, [di]) - plsc.load_gather(px_v, [si])
        dy = plsc.load_gather(py_v, [di]) - plsc.load_gather(py_v, [si])
        dz = plsc.load_gather(pz_v, [di]) - plsc.load_gather(pz_v, [si])
        d2_v[sl] = dx * dx + dy * dy + dz * dz
        return 0

    lax.fori_loop(0, _EPT // LANES, step, 0)
    pltpu.sync_copy(d2_v, d2_h.at[pl.ds(base, _EPT)])


def _dist2_call(px, py, pz, src, dst):
    mesh = plsc.VectorSubcoreMesh(core_axis_name="c", subcore_axis_name="s",
                                  num_cores=NC, num_subcores=NS)
    return pl.kernel(
        _dist2_body,
        out_type=jax.ShapeDtypeStruct((N_EDGES,), jnp.float32),
        mesh=mesh,
        compiler_params=pltpu.CompilerParams(needs_layout_passes=False),
        scratch_types=[
            pltpu.VMEM((N_NODES,), jnp.float32),
            pltpu.VMEM((N_NODES,), jnp.float32),
            pltpu.VMEM((N_NODES,), jnp.float32),
            pltpu.VMEM((_EPT,), jnp.int32),
            pltpu.VMEM((_EPT,), jnp.int32),
            pltpu.VMEM((_EPT,), jnp.float32),
        ],
    )(px, py, pz, src, dst)



_K = 80
_NCHUNK = _EPT // _K


def _mul_chunk(prod_v, ew_v):
    def mul_row(r, _):
        for jj in range(DIM // LANES):
            sl = pl.ds(LANES * jj, LANES)
            prod_v[r, sl] = prod_v[r, sl] * ew_v[r, sl]
        return 0

    lax.fori_loop(0, _K, mul_row, 0)


def _gms_body(x_h, ew3_h, src_h, dst_h, out_h,
              src_v, pr_a, pr_b, ew_a, ew_b, dst_a, dst_b, zbuf, acc,
              gsem_a, gsem_b, ssem):
    c = lax.axis_index("c")
    s = lax.axis_index("s")
    wid = c * NS + s
    ebase = wid * _EPT

    _SBLK = 2000

    def load_src(blk):
        pltpu.sync_copy(src_h.at[pl.ds(ebase + blk * _SBLK, _SBLK)], src_v)

    load_src(0)

    for zr in range(16):
        for jj in range(DIM // LANES):
            zbuf[zr, pl.ds(jj * LANES, LANES)] = jnp.zeros((LANES,),
                                                           jnp.float32)

    def zc(i, _):
        ch = s + i * NS

        @pl.when(ch < N_NODES // 16)
        def _():
            pltpu.sync_copy(zbuf, acc.at[pl.ds(ch * 16, 16)])
        return 0

    lax.fori_loop(0, (N_NODES // 16 + NS - 1) // NS, zc, 0)
    plsc.subcore_barrier()

    def issue(i, pr_v, ew_v, dst_v, sem):
        eb = ebase + i * _K
        pltpu.async_copy(dst_h.at[pl.ds(eb, _K)], dst_v, sem)
        pltpu.async_copy(ew3_h.at[pl.ds(eb, _K)], ew_v, sem)
        off = (i % (_SBLK // _K)) * _K
        pltpu.async_copy(x_h.at[src_v.at[pl.ds(off, _K)]], pr_v, sem)

    def wait_in(pr_v, ew_v, dst_v, sem):
        pltpu.make_async_copy(dst_h.at[pl.ds(0, _K)], dst_v, sem).wait()
        pltpu.make_async_copy(ew3_h.at[pl.ds(0, _K)], ew_v, sem).wait()
        pltpu.make_async_copy(x_h.at[src_v.at[pl.ds(0, _K)]], pr_v, sem).wait()

    def drain_scatter():
        pltpu.make_async_copy(pr_a, acc.at[dst_a], ssem).wait()

    def do_chunk(i, pr_v, ew_v, dst_v, sem, pr_n, ew_n, dst_n, sem_n):
        wait_in(pr_v, ew_v, dst_v, sem)

        @pl.when(i > 0)
        def _():
            drain_scatter()

        @pl.when((i + 1) % (_SBLK // _K) == 0)
        def _():
            load_src((i + 1) // (_SBLK // _K))

        @pl.when(i + 1 < _NCHUNK)
        def _():
            issue(i + 1, pr_n, ew_n, dst_n, sem_n)

        _mul_chunk(pr_v, ew_v)
        pltpu.async_copy(pr_v, acc.at[dst_v], ssem, add=True)

    issue(0, pr_a, ew_a, dst_a, gsem_a)

    def body(i, _):
        @pl.when(i % 2 == 0)
        def _():
            do_chunk(i, pr_a, ew_a, dst_a, gsem_a, pr_b, ew_b, dst_b, gsem_b)

        @pl.when(i % 2 == 1)
        def _():
            do_chunk(i, pr_b, ew_b, dst_b, gsem_b, pr_a, ew_a, dst_a, gsem_a)
        return 0

    lax.fori_loop(0, _NCHUNK, body, 0)
    drain_scatter()
    plsc.subcore_barrier()

    def rb(i, _):
        ch = s + i * NS

        @pl.when(ch < N_NODES // 200)
        def _():
            pltpu.sync_copy(acc.at[pl.ds(ch * 200, 200)],
                            out_h.at[c, pl.ds(ch * 200, 200)])
        return 0

    lax.fori_loop(0, (N_NODES // 200 + NS - 1) // NS, rb, 0)


def _gather_mul_scatter(x, ew, src, dst):
    mesh = plsc.VectorSubcoreMesh(core_axis_name="c", subcore_axis_name="s",
                                  num_cores=NC, num_subcores=NS)
    return pl.kernel(
        _gms_body,
        out_type=jax.ShapeDtypeStruct((NC, N_NODES, DIM), jnp.float32),
        mesh=mesh,
        compiler_params=pltpu.CompilerParams(needs_layout_passes=False),
        scratch_types=[
            pltpu.VMEM((2000,), jnp.int32),
            pltpu.VMEM((_K, DIM), jnp.float32),
            pltpu.VMEM((_K, DIM), jnp.float32),
            pltpu.VMEM((_K, DIM), jnp.float32),
            pltpu.VMEM((_K, DIM), jnp.float32),
            pltpu.VMEM((_K,), jnp.int32),
            pltpu.VMEM((_K,), jnp.int32),
            pltpu.VMEM((16, DIM), jnp.float32),
            pltpu.VMEM_SHARED((N_NODES, DIM), jnp.float32),
            pltpu.SemaphoreType.DMA,
            pltpu.SemaphoreType.DMA,
            pltpu.SemaphoreType.DMA,
        ],
    )(x, ew, src, dst)



_BN = 2000


def _init_tc_body(pos_ref, w_ref, x_ref):
    p = pos_ref[...]
    w = w_ref[...]
    acc = p[:, 0:1] * w[0:1, :]
    acc += p[:, 1:2] * w[1:2, :]
    acc += p[:, 2:3] * w[2:3, :]
    x_ref[...] = jnp.maximum(acc, 0.0)


def _init_tc(pos, W_init):
    return pl.pallas_call(
        _init_tc_body,
        grid=(N_NODES // _BN,),
        in_specs=[
            pl.BlockSpec((_BN, 3), lambda i: (i, 0)),
            pl.BlockSpec((3, DIM), lambda i: (0, 0)),
        ],
        out_specs=pl.BlockSpec((_BN, DIM), lambda i: (i, 0)),
        out_shape=jax.ShapeDtypeStruct((N_NODES, DIM), jnp.float32),
    )(pos, W_init)


_ROWS_PAD = 2560
_EPAD = _ROWS_PAD * 128
_BW = 16
_BE = _BW * 128


def _ew_tc_body(d2_ref, freqs_ref, wrbf_ref, ew_ref):
    d2t = jnp.transpose(d2_ref[...])
    kof = freqs_ref[...] * jnp.float32(1.0 / np.pi)
    w = wrbf_ref[...]
    p = ENV_EXP + 1
    a = -(p + 1) * (p + 2) / 2.0
    b = p * (p + 2)
    cc = -p * (p + 1) / 2.0
    for j in range(_BW):
        d2 = d2t[:, j:j + 1]
        dist = jnp.sqrt(d2 + 1e-12)
        d = dist * (1.0 / CUTOFF_G)
        d_safe = jnp.maximum(d, 1e-6)
        d4 = (d_safe * d_safe) * (d_safe * d_safe)
        d5 = d4 * d_safe
        env = 1.0 / d_safe + a * d5 + b * d5 * d_safe \
            + cc * d5 * d_safe * d_safe
        env = jnp.where(d < 1.0, env, 0.0)
        kd = d * kof
        n = jnp.round(kd)
        t = jnp.float32(np.pi) * (kd - n)
        t2 = t * t
        st = t * (1.0 + t2 * (-1.0 / 6 + t2 * (1.0 / 120 + t2 *
            (-1.0 / 5040 + t2 * (1.0 / 362880)))))
        odd = n.astype(jnp.int32) & 1
        rbf = env * jnp.where(odd == 0, st, -st)
        ew_ref[pl.ds(j * 128, 128), :] = jnp.maximum(
            jnp.dot(rbf, w, preferred_element_type=jnp.float32), 0.0)


def _ew_tc(d2rows, freqs_row, W_rbf):
    return pl.pallas_call(
        _ew_tc_body,
        grid=(_ROWS_PAD // _BW,),
        in_specs=[
            pl.BlockSpec((_BW, 128), lambda i: (i, 0)),
            pl.BlockSpec((1, N_RBF), lambda i: (0, 0)),
            pl.BlockSpec((N_RBF, DIM), lambda i: (0, 0)),
        ],
        out_specs=pl.BlockSpec((_BE, DIM), lambda i: (i, 0)),
        out_shape=jax.ShapeDtypeStruct((_EPAD, DIM), jnp.float32),
    )(d2rows, freqs_row, W_rbf)


def _upd_tc_body(x_ref, g_ref, wm_ref, wu_ref, xo_ref):
    gsum = g_ref[0] + g_ref[1]
    aggr = jnp.dot(gsum, wm_ref[...], preferred_element_type=jnp.float32)
    h = jnp.dot(aggr, wu_ref[...], preferred_element_type=jnp.float32)
    xo_ref[...] = jnp.maximum(x_ref[...] + h, 0.0)


def _upd_tc(x, g, Wm, Wu):
    return pl.pallas_call(
        _upd_tc_body,
        grid=(N_NODES // _BN,),
        in_specs=[
            pl.BlockSpec((_BN, DIM), lambda i: (i, 0)),
            pl.BlockSpec((NC, _BN, DIM), lambda i: (0, i, 0)),
            pl.BlockSpec((DIM, DIM), lambda i: (0, 0)),
            pl.BlockSpec((DIM, DIM), lambda i: (0, 0)),
        ],
        out_specs=pl.BlockSpec((_BN, DIM), lambda i: (i, 0)),
        out_shape=jax.ShapeDtypeStruct((N_NODES, DIM), jnp.float32),
    )(x, g, Wm, Wu)


def _final_tc_body(x_ref, g_ref, wm_ref, wup_ref, wo_ref, out_ref):
    gsum = g_ref[0] + g_ref[1]
    aggr = jnp.dot(gsum, wm_ref[...], preferred_element_type=jnp.float32)
    h = jnp.dot(aggr, wup_ref[...], preferred_element_type=jnp.float32)
    x2 = jnp.maximum(x_ref[...] + h, 0.0)
    out_ref[...] = jnp.dot(x2, wo_ref[...], preferred_element_type=jnp.float32)


def _final_tc(x, g, Wm, Wup, Wo_pad):
    return pl.pallas_call(
        _final_tc_body,
        grid=(N_NODES // _BN,),
        in_specs=[
            pl.BlockSpec((_BN, DIM), lambda i: (i, 0)),
            pl.BlockSpec((NC, _BN, DIM), lambda i: (0, i, 0)),
            pl.BlockSpec((DIM, DIM), lambda i: (0, 0)),
            pl.BlockSpec((DIM, DIM), lambda i: (0, 0)),
            pl.BlockSpec((DIM, DIM), lambda i: (0, 0)),
        ],
        out_specs=pl.BlockSpec((_BN, DIM), lambda i: (i, 0)),
        out_shape=jax.ShapeDtypeStruct((N_NODES, DIM), jnp.float32),
    )(x, g, Wm, Wup, Wo_pad)



@jax.jit
def _run(pos, edge_index, W_init, freqs, W_rbf, W_msg, W_upd, W_out):
    src = edge_index[0]
    dst = edge_index[1]
    px = pos[:, 0]
    py = pos[:, 1]
    pz = pos[:, 2]

    d2 = _dist2_call(px, py, pz, src, dst)
    d2rows = jnp.pad(d2, (0, _EPAD - N_EDGES)).reshape(_ROWS_PAD, 128)
    ew = _ew_tc(d2rows, freqs.reshape(1, N_RBF), W_rbf)
    x = _init_tc(pos, W_init)

    g = _gather_mul_scatter(x, ew, src, dst)
    x = _upd_tc(x, g, W_msg[0], W_upd[0])

    g = _gather_mul_scatter(x, ew, src, dst)
    Wo_pad = jnp.pad(W_out, ((0, 0), (0, DIM - OUT_DIM)))
    out = _final_tc(x, g, W_msg[1], W_upd[1], Wo_pad)
    return out[:, :OUT_DIM]


def kernel(pos, edge_index, W_init, freqs, W_rbf, W_msg, W_upd, W_out):
    return _run(pos, edge_index, W_init, freqs, W_rbf, W_msg, W_upd, W_out)

# --- scband reference (transcript-rebuilt; emitter-appended) ---
"""Pipeline reference for scband-pamnet-18459769438710 (READ-ONLY COPY).

The authoritative reference and input builder live on the scoring server;
editing this copy changes nothing except your own understanding.
"""

import jax, jax.numpy as jnp
import numpy as np

DIM = 128
N_LAYER = 2
CUTOFF_G = 10.0
N_RBF = 16
OUT_DIM = 15
ENV_EXP = 5
N_NODES = 10000
N_EDGES = 320000


def bessel_rbf(dist, freqs, cutoff, exponent):
    # BesselBasisLayer: env(d/c) * sin(freq_k * d / c)
    d = dist / cutoff
    p = exponent + 1
    a = -(p + 1) * (p + 2) / 2.0
    b = p * (p + 2)
    c = -p * (p + 1) / 2.0
    d_safe = jnp.clip(d, 1e-6, None)
    env = 1.0 / d_safe + a * d_safe ** (p - 1) + b * d_safe ** p + c * d_safe ** (p + 1)
    env = jnp.where(d < 1.0, env, 0.0)
    return env[:, None] * jnp.sin(freqs[None, :] * d[:, None])


def setup_inputs(seed: int = 0) -> dict:
    key = jax.random.key(seed)
    ks = jax.random.split(key, 10)
    pos = jax.random.normal(ks[0], (N_NODES, 3), dtype=jnp.float32) * 3.0
    edge_index = jax.random.randint(ks[1], (2, N_EDGES), 0, N_NODES, dtype=jnp.int32)
    W_init = jax.random.normal(ks[2], (3, DIM), dtype=jnp.float32) * (1.0 / np.sqrt(3.0))
    freqs = jnp.asarray(np.pi * np.arange(1, N_RBF + 1), dtype=jnp.float32)
    W_rbf = jax.random.normal(ks[3], (N_RBF, DIM), dtype=jnp.float32) * (1.0 / np.sqrt(N_RBF))
    W_msg = jax.random.normal(ks[4], (N_LAYER, DIM, DIM), dtype=jnp.float32) * (1.0 / np.sqrt(DIM))
    W_upd = jax.random.normal(ks[5], (N_LAYER, DIM, DIM), dtype=jnp.float32) * (1.0 / np.sqrt(DIM))
    W_out = jax.random.normal(ks[6], (DIM, OUT_DIM), dtype=jnp.float32) * (1.0 / np.sqrt(DIM))
    return {"pos": pos, "edge_index": edge_index, "W_init": W_init, "freqs": freqs,
            "W_rbf": W_rbf, "W_msg": W_msg, "W_upd": W_upd, "W_out": W_out}


def reference(pos, edge_index, W_init, freqs, W_rbf, W_msg, W_upd, W_out):
    src = edge_index[0]
    dst = edge_index[1]
    # init_linear: MLP([3, dim]) on coordinates
    x = jax.nn.relu(pos @ W_init)
    # edge distances (get_edge_info)
    dvec = jnp.take(pos, dst, axis=0) - jnp.take(pos, src, axis=0)
    dist = jnp.sqrt(jnp.sum(dvec * dvec, axis=-1) + 1e-12)
    # rbf_g -> mlp_rbf_g edge gating
    rbf = bessel_rbf(dist, freqs, CUTOFF_G, ENV_EXP)
    edge_w = jax.nn.relu(rbf @ W_rbf)
    # Global_MessagePassing layers: gather -> gated message -> scatter-add -> update
    for l in range(N_LAYER):
        m = (jnp.take(x, src, axis=0) * edge_w) @ W_msg[l]
        aggr = jax.ops.segment_sum(m, dst, num_segments=N_NODES)
        x = jax.nn.relu(x + aggr @ W_upd[l])
    return x @ W_out

if __name__ == "__main__":
    import jax
    _d = setup_inputs()
    print(jax.jit(kernel)(*tuple(_d.values())))

</pallas_src>

<mosaic_0001>
#map = affine_map<(d0, d1) -> (0)>
module attributes {stable_mosaic.version = 14 : i64} {
  func.func @_dist2_body(%arg0: i32, %arg1: i32, %arg2: memref<10000xf32, #tpu.memory_space<hbm>>, %arg3: memref<10000xf32, #tpu.memory_space<hbm>>, %arg4: memref<10000xf32, #tpu.memory_space<hbm>>, %arg5: memref<320000xi32, #tpu.memory_space<hbm>>, %arg6: memref<320000xi32, #tpu.memory_space<hbm>>, %arg7: memref<320000xf32, #tpu.memory_space<hbm>>, %arg8: memref<10000xf32, #tpu.memory_space<vmem>>, %arg9: memref<10000xf32, #tpu.memory_space<vmem>>, %arg10: memref<10000xf32, #tpu.memory_space<vmem>>, %arg11: memref<10000xi32, #tpu.memory_space<vmem>>, %arg12: memref<10000xi32, #tpu.memory_space<vmem>>, %arg13: memref<10000xf32, #tpu.memory_space<vmem>>) attributes {dimension_semantics = [#tpu.dimension_semantics<core_parallel>, #tpu.dimension_semantics<subcore_parallel>], iteration_bounds = array<i64: 2, 16>, scalar_prefetch = 0 : i64, scratch_operands = 6 : i64, tpu.core_type = #tpu.core_type<sc_vector_subcore>, window_params = [{transform_indices = #map}, {transform_indices = #map}, {transform_indices = #map}, {transform_indices = #map}, {transform_indices = #map}, {transform_indices = #map}]} {
    %mul3A = arith.constant 16 : i32
    %mul3A_0 = arith.muli %arg0, %mul3A : i32
    %add3A = arith.addi %mul3A_0, %arg1 : i32
    %mul3A_1 = arith.constant 10000 : i32
    %mul3A_2 = arith.muli %add3A, %mul3A_1 : i32
    "tpu.region"() ({
      %run_scoped3A = tpu.sem_alloc : memref<!tpu.dma_semaphore, #tpu.memory_space<semaphore_mem>>
      tpu.enqueue_dma source(%arg2 : memref<10000xf32, #tpu.memory_space<hbm>>) target(%arg8 : memref<10000xf32, #tpu.memory_space<vmem>>) target_semaphore(%run_scoped3A : memref<!tpu.dma_semaphore, #tpu.memory_space<semaphore_mem>>)
      tpu.wait_dma2 semaphore(%run_scoped3A : memref<!tpu.dma_semaphore, #tpu.memory_space<semaphore_mem>>) src(%arg2 : memref<10000xf32, #tpu.memory_space<hbm>>) dst(%arg8 : memref<10000xf32, #tpu.memory_space<vmem>>)
      tpu.yield
    }) : () -> ()
    "tpu.region"() ({
      %run_scoped3A = tpu.sem_alloc : memref<!tpu.dma_semaphore, #tpu.memory_space<semaphore_mem>>
      tpu.enqueue_dma source(%arg3 : memref<10000xf32, #tpu.memory_space<hbm>>) target(%arg9 : memref<10000xf32, #tpu.memory_space<vmem>>) target_semaphore(%run_scoped3A : memref<!tpu.dma_semaphore, #tpu.memory_space<semaphore_mem>>)
      tpu.wait_dma2 semaphore(%run_scoped3A : memref<!tpu.dma_semaphore, #tpu.memory_space<semaphore_mem>>) src(%arg3 : memref<10000xf32, #tpu.memory_space<hbm>>) dst(%arg9 : memref<10000xf32, #tpu.memory_space<vmem>>)
      tpu.yield
    }) : () -> ()
    "tpu.region"() ({
      %run_scoped3A = tpu.sem_alloc : memref<!tpu.dma_semaphore, #tpu.memory_space<semaphore_mem>>
      tpu.enqueue_dma source(%arg4 : memref<10000xf32, #tpu.memory_space<hbm>>) target(%arg10 : memref<10000xf32, #tpu.memory_space<vmem>>) target_semaphore(%run_scoped3A : memref<!tpu.dma_semaphore, #tpu.memory_space<semaphore_mem>>)
      tpu.wait_dma2 semaphore(%run_scoped3A : memref<!tpu.dma_semaphore, #tpu.memory_space<semaphore_mem>>) src(%arg4 : memref<10000xf32, #tpu.memory_space<hbm>>) dst(%arg10 : memref<10000xf32, #tpu.memory_space<vmem>>)
      tpu.yield
    }) : () -> ()
    "tpu.region"() ({
      %run_scoped3A = tpu.sem_alloc : memref<!tpu.dma_semaphore, #tpu.memory_space<semaphore_mem>>
      %dma_start3A = tpu.memref_slice %arg5[%mul3A_2] : memref<320000xi32, #tpu.memory_space<hbm>> -> memref<10000xi32, #tpu.memory_space<hbm>>
      %dma_start3A_9 = tpu.memref_slice %arg5[%mul3A_2] : memref<320000xi32, #tpu.memory_space<hbm>> -> memref<10000xi32, #tpu.memory_space<hbm>>
      tpu.enqueue_dma source(%dma_start3A_9 : memref<10000xi32, #tpu.memory_space<hbm>>) target(%arg11 : memref<10000xi32, #tpu.memory_space<vmem>>) target_semaphore(%run_scoped3A : memref<!tpu.dma_semaphore, #tpu.memory_space<semaphore_mem>>)
      %dma_wait3A = tpu.memref_slice %arg5[%mul3A_2] : memref<320000xi32, #tpu.memory_space<hbm>> -> memref<10000xi32, #tpu.memory_space<hbm>>
      %dma_wait3A_10 = tpu.memref_slice %arg5[%mul3A_2] : memref<320000xi32, #tpu.memory_space<hbm>> -> memref<10000xi32, #tpu.memory_space<hbm>>
      tpu.wait_dma2 semaphore(%run_scoped3A : memref<!tpu.dma_semaphore, #tpu.memory_space<semaphore_mem>>) src(%dma_wait3A_10 : memref<10000xi32, #tpu.memory_space<hbm>>) dst(%arg11 : memref<10000xi32, #tpu.memory_space<vmem>>)
      tpu.yield
    }) : () -> ()
    "tpu.region"() ({
      %run_scoped3A = tpu.sem_alloc : memref<!tpu.dma_semaphore, #tpu.memory_space<semaphore_mem>>
      %dma_start3A = tpu.memref_slice %arg6[%mul3A_2] : memref<320000xi32, #tpu.memory_space<hbm>> -> memref<10000xi32, #tpu.memory_space<hbm>>
      %dma_start3A_9 = tpu.memref_slice %arg6[%mul3A_2] : memref<320000xi32, #tpu.memory_space<hbm>> -> memref<10000xi32, #tpu.memory_space<hbm>>
      tpu.enqueue_dma source(%dma_start3A_9 : memref<10000xi32, #tpu.memory_space<hbm>>) target(%arg12 : memref<10000xi32, #tpu.memory_space<vmem>>) target_semaphore(%run_scoped3A : memref<!tpu.dma_semaphore, #tpu.memory_space<semaphore_mem>>)
      %dma_wait3A = tpu.memref_slice %arg6[%mul3A_2] : memref<320000xi32, #tpu.memory_space<hbm>> -> memref<10000xi32, #tpu.memory_space<hbm>>
      %dma_wait3A_10 = tpu.memref_slice %arg6[%mul3A_2] : memref<320000xi32, #tpu.memory_space<hbm>> -> memref<10000xi32, #tpu.memory_space<hbm>>
      tpu.wait_dma2 semaphore(%run_scoped3A : memref<!tpu.dma_semaphore, #tpu.memory_space<semaphore_mem>>) src(%dma_wait3A_10 : memref<10000xi32, #tpu.memory_space<hbm>>) dst(%arg12 : memref<10000xi32, #tpu.memory_space<vmem>>)
      tpu.yield
    }) : () -> ()
    %scan3A = arith.constant 0 : i32
    %scan3A_3 = arith.constant 0 : i32
    %scan3A_4 = arith.constant 625 : i32
    %scan3A_5 = arith.addi %scan3A_3, %scan3A_4 : i32
    %scan3A_6 = arith.constant 1 : i32
    %scan3A_7 = scf.for %scan3A_9 = %scan3A_3 to %scan3A_5 step %scan3A_6 iter_args(%scan3A_10 = %scan3A) -> (i32)  : i32 {
      %mul3A_11 = arith.constant 16 : i32
      %mul3A_12 = arith.muli %scan3A_9, %mul3A_11 : i32
      %get3A = arith.index_cast %mul3A_12 : i32 to index
      %get3A_13 = tpu.vector_load %arg11[%get3A] {strides = array<i32>} : memref<10000xi32, #tpu.memory_space<vmem>>, vector<16xi32>,
      %get3A_14 = arith.index_cast %mul3A_12 : i32 to index
      %get3A_15 = tpu.vector_load %arg12[%get3A_14] {strides = array<i32>} : memref<10000xi32, #tpu.memory_space<vmem>>, vector<16xi32>,
      %gather3A = tpu.vector_load_idx %arg8[%get3A_15] : memref<10000xf32, #tpu.memory_space<vmem>>[vector<16xi32>], vector<16xf32>,
      %gather3A_16 = tpu.vector_load_idx %arg8[%get3A_13] : memref<10000xf32, #tpu.memory_space<vmem>>[vector<16xi32>], vector<16xf32>,
      %sub3A = arith.subf %gather3A, %gather3A_16 : vector<16xf32>
      %gather3A_17 = tpu.vector_load_idx %arg9[%get3A_15] : memref<10000xf32, #tpu.memory_space<vmem>>[vector<16xi32>], vector<16xf32>,
      %gather3A_18 = tpu.vector_load_idx %arg9[%get3A_13] : memref<10000xf32, #tpu.memory_space<vmem>>[vector<16xi32>], vector<16xf32>,
      %sub3A_19 = arith.subf %gather3A_17, %gather3A_18 : vector<16xf32>
      %gather3A_20 = tpu.vector_load_idx %arg10[%get3A_15] : memref<10000xf32, #tpu.memory_space<vmem>>[vector<16xi32>], vector<16xf32>,
      %gather3A_21 = tpu.vector_load_idx %arg10[%get3A_13] : memref<10000xf32, #tpu.memory_space<vmem>>[vector<16xi32>], vector<16xf32>,
      %sub3A_22 = arith.subf %gather3A_20, %gather3A_21 : vector<16xf32>
      %mul3A_23 = arith.mulf %sub3A, %sub3A : vector<16xf32>
      %mul3A_24 = arith.mulf %sub3A_19, %sub3A_19 : vector<16xf32>
      %add3A_25 = arith.addf %mul3A_23, %mul3A_24 : vector<16xf32>
      %mul3A_26 = arith.mulf %sub3A_22, %sub3A_22 : vector<16xf32>
      %add3A_27 = arith.addf %add3A_25, %mul3A_26 : vector<16xf32>
      %swap3A = arith.index_cast %mul3A_12 : i32 to index
      %swap3A_28 = tpu.vector_load %arg13[%swap3A] {strides = array<i32>} : memref<10000xf32, #tpu.memory_space<vmem>>, vector<16xf32>,
      tpu.vector_store %arg13[%swap3A], %add3A_27 {strides = array<i32>} : memref<10000xf32, #tpu.memory_space<vmem>>, vector<16xf32>,
      %scan3A_29 = arith.constant 0 : i32
      scf.yield %scan3A_29 : i32
    }
    %scan3A_8 = arith.constant 625 : i32
    "tpu.region"() ({
      %run_scoped3A = tpu.sem_alloc : memref<!tpu.dma_semaphore, #tpu.memory_space<semaphore_mem>>
      %dma_start3A = tpu.memref_slice %arg7[%mul3A_2] : memref<320000xf32, #tpu.memory_space<hbm>> -> memref<10000xf32, #tpu.memory_space<hbm>>
      %dma_start3A_9 = tpu.memref_slice %arg7[%mul3A_2] : memref<320000xf32, #tpu.memory_space<hbm>> -> memref<10000xf32, #tpu.memory_space<hbm>>
      tpu.enqueue_dma source(%arg13 : memref<10000xf32, #tpu.memory_space<vmem>>) target(%dma_start3A_9 : memref<10000xf32, #tpu.memory_space<hbm>>) target_semaphore(%run_scoped3A : memref<!tpu.dma_semaphore, #tpu.memory_space<semaphore_mem>>)
      %dma_wait3A = tpu.memref_slice %arg7[%mul3A_2] : memref<320000xf32, #tpu.memory_space<hbm>> -> memref<10000xf32, #tpu.memory_space<hbm>>
      %dma_wait3A_10 = tpu.memref_slice %arg7[%mul3A_2] : memref<320000xf32, #tpu.memory_space<hbm>> -> memref<10000xf32, #tpu.memory_space<hbm>>
      tpu.wait_dma2 semaphore(%run_scoped3A : memref<!tpu.dma_semaphore, #tpu.memory_space<semaphore_mem>>) src(%arg13 : memref<10000xf32, #tpu.memory_space<vmem>>) dst(%dma_wait3A_10 : memref<10000xf32, #tpu.memory_space<hbm>>)
      tpu.yield
    }) : () -> ()
    return
  }
}

#map = affine_map<(d0, d1) -> (0, 0)>
#map1 = affine_map<(d0, d1) -> (0)>
#map2 = affine_map<(d0, d1) -> (0, 0, 0)>
module attributes {stable_mosaic.version = 14 : i64} {
  func.func @_gms_body(%arg0: i32, %arg1: i32, %arg2: memref<10000x128xf32, #tpu.memory_space<hbm>>, %arg3: memref<327680x128xf32, #tpu.memory_space<hbm>>, %arg4: memref<320000xi32, #tpu.memory_space<hbm>>, %arg5: memref<320000xi32, #tpu.memory_space<hbm>>, %arg6: memref<2x10000x128xf32, #tpu.memory_space<hbm>>, %arg7: memref<2000xi32, #tpu.memory_space<vmem>>, %arg8: memref<80x128xf32, #tpu.memory_space<vmem>>, %arg9: memref<80x128xf32, #tpu.memory_space<vmem>>, %arg10: memref<80x128xf32, #tpu.memory_space<vmem>>, %arg11: memref<80x128xf32, #tpu.memory_space<vmem>>, %arg12: memref<80xi32, #tpu.memory_space<vmem>>, %arg13: memref<80xi32, #tpu.memory_space<vmem>>, %arg14: memref<16x128xf32, #tpu.memory_space<vmem>>, %arg15: memref<10000x128xf32, #tpu.memory_space<vmem_shared>>, %arg16: memref<!tpu.dma_semaphore, #tpu.memory_space<semaphore_mem>>, %arg17: memref<!tpu.dma_semaphore, #tpu.memory_space<semaphore_mem>>, %arg18: memref<!tpu.dma_semaphore, #tpu.memory_space<semaphore_mem>>) attributes {dimension_semantics = [#tpu.dimension_semantics<core_parallel>, #tpu.dimension_semantics<subcore_parallel>], iteration_bounds = array<i64: 2, 16>, scalar_prefetch = 0 : i64, scratch_operands = 12 : i64, tpu.core_type = #tpu.core_type<sc_vector_subcore>, window_params = [{transform_indices = #map}, {transform_indices = #map}, {transform_indices = #map1}, {transform_indices = #map1}, {transform_indices = #map2}]} {
    %mul3A = arith.constant 16 : i32
    %mul3A_0 = arith.muli %arg0, %mul3A : i32
    %add3A = arith.addi %mul3A_0, %arg1 : i32
    %mul3A_1 = arith.constant 10000 : i32
    %mul3A_2 = arith.muli %add3A, %mul3A_1 : i32
    %add3A_3 = arith.constant 0 : i32
    %add3A_4 = arith.addi %mul3A_2, %add3A_3 : i32
    "tpu.region"() ({
      %run_scoped3A = tpu.sem_alloc : memref<!tpu.dma_semaphore, #tpu.memory_space<semaphore_mem>>
      %dma_start3A_806 = tpu.memref_slice %arg4[%add3A_4] : memref<320000xi32, #tpu.memory_space<hbm>> -> memref<2000xi32, #tpu.memory_space<hbm>>
      %dma_start3A_807 = tpu.memref_slice %arg4[%add3A_4] : memref<320000xi32, #tpu.memory_space<hbm>> -> memref<2000xi32, #tpu.memory_space<hbm>>
      tpu.enqueue_dma source(%dma_start3A_807 : memref<2000xi32, #tpu.memory_space<hbm>>) target(%arg7 : memref<2000xi32, #tpu.memory_space<vmem>>) target_semaphore(%run_scoped3A : memref<!tpu.dma_semaphore, #tpu.memory_space<semaphore_mem>>)
      %dma_wait3A_808 = tpu.memref_slice %arg4[%add3A_4] : memref<320000xi32, #tpu.memory_space<hbm>> -> memref<2000xi32, #tpu.memory_space<hbm>>
      %dma_wait3A_809 = tpu.memref_slice %arg4[%add3A_4] : memref<320000xi32, #tpu.memory_space<hbm>> -> memref<2000xi32, #tpu.memory_space<hbm>>
      tpu.wait_dma2 semaphore(%run_scoped3A : memref<!tpu.dma_semaphore, #tpu.memory_space<semaphore_mem>>) src(%dma_wait3A_809 : memref<2000xi32, #tpu.memory_space<hbm>>) dst(%arg7 : memref<2000xi32, #tpu.memory_space<vmem>>)
      tpu.yield
    }) : () -> ()
    %broadcast_in_dim3A = arith.constant 0.000000e+00 : f32
    %broadcast_in_dim3A_5 = vector.broadcast %broadcast_in_dim3A : f32 to vector<16xf32>
    %swap3A = arith.constant 0 : i32
    %swap3A_6 = arith.index_cast %swap3A : i32 to index
    %swap3A_7 = arith.constant 0 : index
    %swap3A_8 = tpu.vector_load %arg14[%swap3A_6, %swap3A_7] {strides = array<i32>} : memref<16x128xf32, #tpu.memory_space<vmem>>, vector<16xf32>,
    tpu.vector_store %arg14[%swap3A_6, %swap3A_7], %broadcast_in_dim3A_5 {strides = array<i32>} : memref<16x128xf32, #tpu.memory_space<vmem>>, vector<16xf32>,
    %broadcast_in_dim3A_9 = arith.constant 0.000000e+00 : f32
    %broadcast_in_dim3A_10 = vector.broadcast %broadcast_in_dim3A_9 : f32 to vector<16xf32>
    %swap3A_11 = arith.constant 0 : i32
    %swap3A_12 = arith.index_cast %swap3A_11 : i32 to index
    %swap3A_13 = arith.constant 16 : index
    %swap3A_14 = tpu.vector_load %arg14[%swap3A_12, %swap3A_13] {strides = array<i32>} : memref<16x128xf32, #tpu.memory_space<vmem>>, vector<16xf32>,
    tpu.vector_store %arg14[%swap3A_12, %swap3A_13], %broadcast_in_dim3A_10 {strides = array<i32>} : memref<16x128xf32, #tpu.memory_space<vmem>>, vector<16xf32>,
    %broadcast_in_dim3A_15 = arith.constant 0.000000e+00 : f32
    %broadcast_in_dim3A_16 = vector.broadcast %broadcast_in_dim3A_15 : f32 to vector<16xf32>
    %swap3A_17 = arith.constant 0 : i32
    %swap3A_18 = arith.index_cast %swap3A_17 : i32 to index
    %swap3A_19 = arith.constant 32 : index
    %swap3A_20 = tpu.vector_load %arg14[%swap3A_18, %swap3A_19] {strides = array<i32>} : memref<16x128xf32, #tpu.memory_space<vmem>>, vector<16xf32>,
    tpu.vector_store %arg14[%swap3A_18, %swap3A_19], %broadcast_in_dim3A_16 {strides = array<i32>} : memref<16x128xf32, #tpu.memory_space<vmem>>, vector<16xf32>,
    %broadcast_in_dim3A_21 = arith.constant 0.000000e+00 : f32
    %broadcast_in_dim3A_22 = vector.broadcast %broadcast_in_dim3A_21 : f32 to vector<16xf32>
    %swap3A_23 = arith.constant 0 : i32
    %swap3A_24 = arith.index_cast %swap3A_23 : i32 to index
    %swap3A_25 = arith.constant 48 : index
    %swap3A_26 = tpu.vector_load %arg14[%swap3A_24, %swap3A_25] {strides = array<i32>} : memref<16x128xf32, #tpu.memory_space<vmem>>, vector<16xf32>,
    tpu.vector_store %arg14[%swap3A_24, %swap3A_25], %broadcast_in_dim3A_22 {strides = array<i32>} : memref<16x128xf32, #tpu.memory_space<vmem>>, vector<16xf32>,
    %broadcast_in_dim3A_27 = arith.constant 0.000000e+00 : f32
    %broadcast_in_dim3A_28 = vector.broadcast %broadcast_in_dim3A_27 : f32 to vector<16xf32>
    %swap3A_29 = arith.constant 0 : i32
    %swap3A_30 = arith.index_cast %swap3A_29 : i32 to index
    %swap3A_31 = arith.constant 64 : index
    %swap3A_32 = tpu.vector_load %arg14[%swap3A_30, %swap3A_31] {strides = array<i32>} : memref<16x128xf32, #tpu.memory_space<vmem>>, vector<16xf32>,
    tpu.vector_store %arg14[%swap3A_30, %swap3A_31], %broadcast_in_dim3A_28 {strides = array<i32>} : memref<16x128xf32, #tpu.memory_space<vmem>>, vector<16xf32>,
    %broadcast_in_dim3A_33 = arith.constant 0.000000e+00 : f32
    %broadcast_in_dim3A_34 = vector.broadcast %broadcast_in_dim3A_33 : f32 to vector<16xf32>
    %swap3A_35 = arith.constant 0 : i32
    %swap3A_36 = arith.index_cast %swap3A_35 : i32 to index
    %swap3A_37 = arith.constant 80 : index
    %swap3A_38 = tpu.vector_load %arg14[%swap3A_36, %swap3A_37] {strides = array<i32>} : memref<16x128xf32, #tpu.memory_space<vmem>>, vector<16xf32>,
    tpu.vector_store %arg14[%swap3A_36, %swap3A_37], %broadcast_in_dim3A_34 {strides = array<i32>} : memref<16x128xf32, #tpu.memory_space<vmem>>, vector<16xf32>,
    %broadcast_in_dim3A_39 = arith.constant 0.000000e+00 : f32
    %broadcast_in_dim3A_40 = vector.broadcast %broadcast_in_dim3A_39 : f32 to vector<16xf32>
    %swap3A_41 = arith.constant 0 : i32
    %swap3A_42 = arith.index_cast %swap3A_41 : i32 to index
    %swap3A_43 = arith.constant 96 : index
    %swap3A_44 = tpu.vector_load %arg14[%swap3A_42, %swap3A_43] {strides = array<i32>} : memref<16x128xf32, #tpu.memory_space<vmem>>, vector<16xf32>,
    tpu.vector_store %arg14[%swap3A_42, %swap3A_43], %broadcast_in_dim3A_40 {strides = array<i32>} : memref<16x128xf32, #tpu.memory_space<vmem>>, vector<16xf32>,
    %broadcast_in_dim3A_45 = arith.constant 0.000000e+00 : f32
    %broadcast_in_dim3A_46 = vector.broadcast %broadcast_in_dim3A_45 : f32 to vector<16xf32>
    %swap3A_47 = arith.constant 0 : i32
    %swap3A_48 = arith.index_cast %swap3A_47 : i32 to index
    %swap3A_49 = arith.constant 112 : index
    %swap3A_50 = tpu.vector_load %arg14[%swap3A_48, %swap3A_49] {strides = array<i32>} : memref<16x128xf32, #tpu.memory_space<vmem>>, vector<16xf32>,
    tpu.vector_store %arg14[%swap3A_48, %swap3A_49], %broadcast_in_dim3A_46 {strides = array<i32>} : memref<16x128xf32, #tpu.memory_space<vmem>>, vector<16xf32>,
    %broadcast_in_dim3A_51 = arith.constant 0.000000e+00 : f32
    %broadcast_in_dim3A_52 = vector.broadcast %broadcast_in_dim3A_51 : f32 to vector<16xf32>
    %swap3A_53 = arith.constant 1 : i32
    %swap3A_54 = arith.index_cast %swap3A_53 : i32 to index
    %swap3A_55 = arith.constant 0 : index
    %swap3A_56 = tpu.vector_load %arg14[%swap3A_54, %swap3A_55] {strides = array<i32>} : memref<16x128xf32, #tpu.memory_space<vmem>>, vector<16xf32>,
    tpu.vector_store %arg14[%swap3A_54, %swap3A_55], %broadcast_in_dim3A_52 {strides = array<i32>} : memref<16x128xf32, #tpu.memory_space<vmem>>, vector<16xf32>,
    %broadcast_in_dim3A_57 = arith.constant 0.000000e+00 : f32
    %broadcast_in_dim3A_58 = vector.broadcast %broadcast_in_dim3A_57 : f32 to vector<16xf32>
    %swap3A_59 = arith.constant 1 : i32
    %swap3A_60 = arith.index_cast %swap3A_59 : i32 to index
    %swap3A_61 = arith.constant 16 : index
    %swap3A_62 = tpu.vector_load %arg14[%swap3A_60, %swap3A_61] {strides = array<i32>} : memref<16x128xf32, #tpu.memory_space<vmem>>, vector<16xf32>,
    tpu.vector_store %arg14[%swap3A_60, %swap3A_61], %broadcast_in_dim3A_58 {strides = array<i32>} : memref<16x128xf32, #tpu.memory_space<vmem>>, vector<16xf32>,
    %broadcast_in_dim3A_63 = arith.constant 0.000000e+00 : f32
    %broadcast_in_dim3A_64 = vector.broadcast %broadcast_in_dim3A_63 : f32 to vector<16xf32>
    %swap3A_65 = arith.constant 1 : i32
    %swap3A_66 = arith.index_cast %swap3A_65 : i32 to index
    %swap3A_67 = arith.constant 32 : index
    %swap3A_68 = tpu.vector_load %arg14[%swap3A_66, %swap3A_67] {strides = array<i32>} : memref<16x128xf32, #tpu.memory_space<vmem>>, vector<16xf32>,
    tpu.vector_store %arg14[%swap3A_66, %swap3A_67], %broadcast_in_dim3A_64 {strides = array<i32>} : memref<16x128xf32, #tpu.memory_space<vmem>>, vector<16xf32>,
    %broadcast_in_dim3A_69 = arith.constant 0.000000e+00 : f32
    %broadcast_in_dim3A_70 = vector.broadcast %broadcast_in_dim3A_69 : f32 to vector<16xf32>
    %swap3A_71 = arith.constant 1 : i32
    %swap3A_72 = arith.index_cast %swap3A_71 : i32 to index
    %swap3A_73 = arith.constant 48 : index
    %swap3A_74 = tpu.vector_load %arg14[%swap3A_72, %swap3A_73] {strides = array<i32>} : memref<16x128xf32, #tpu.memory_space<vmem>>, vector<16xf32>,
    tpu.vector_store %arg14[%swap3A_72, %swap3A_73], %broadcast_in_dim3A_70 {strides = array<i32>} : memref<16x128xf32, #tpu.memory_space<vmem>>, vector<16xf32>,
    %broadcast_in_dim3A_75 = arith.constant 0.000000e+00 : f32
    %broadcast_in_dim3A_76 = vector.broadcast %broadcast_in_dim3A_75 : f32 to vector<16xf32>
    %swap3A_77 = arith.constant 1 : i32
    %swap3A_78 = arith.index_cast %swap3A_77 : i32 to index
    %swap3A_79 = arith.constant 64 : index
    %swap3A_80 = tpu.vector_load %arg14[%swap3A_78, %swap3A_79] {strides = array<i32>} : memref<16x128xf32, #tpu.memory_space<vmem>>, vector<16xf32>,
    tpu.vector_store %arg14[%swap3A_78, %swap3A_79], %broadcast_in_dim3A_76 {strides = array<i32>} : memref<16x128xf32, #tpu.memory_space<vmem>>, vector<16xf32>,
    %broadcast_in_dim3A_81 = arith.constant 0.000000e+00 : f32
    %broadcast_in_dim3A_82 = vector.broadcast %broadcast_in_dim3A_81 : f32 to vector<16xf32>
    %swap3A_83 = arith.constant 1 : i32
    %swap3A_84 = arith.index_cast %swap3A_83 : i32 to index
    %swap3A_85 = arith.constant 80 : index
    %swap3A_86 = tpu.vector_load %arg14[%swap3A_84, %swap3A_85] {strides = array<i32>} : memref<16x128xf32, #tpu.memory_space<vmem>>, vector<16xf32>,
    tpu.vector_store %arg14[%swap3A_84, %swap3A_85], %broadcast_in_dim3A_82 {strides = array<i32>} : memref<16x128xf32, #tpu.memory_space<vmem>>, vector<16xf32>,
    %broadcast_in_dim3A_87 = arith.constant 0.000000e+00 : f32
    %broadcast_in_dim3A_88 = vector.broadcast %broadcast_in_dim3A_87 : f32 to vector<16xf32>
    %swap3A_89 = arith.constant 1 : i32
    %swap3A_90 = arith.index_cast %swap3A_89 : i32 to index
    %swap3A_91 = arith.constant 96 : index
    %swap3A_92 = tpu.vector_load %arg14[%swap3A_90, %swap3A_91] {strides = array<i32>} : memref<16x128xf32, #tpu.memory_space<vmem>>, vector<16xf32>,
    tpu.vector_store %arg14[%swap3A_90, %swap3A_91], %broadcast_in_dim3A_88 {strides = array<i32>} : memref<16x128xf32, #tpu.memory_space<vmem>>, vector<16xf32>,
    %broadcast_in_dim3A_93 = arith.constant 0.000000e+00 : f32
    %broadcast_in_dim3A_94 = vector.broadcast %broadcast_in_dim3A_93 : f32 to vector<16xf32>
    %swap3A_95 = arith.constant 1 : i32
    %swap3A_96 = arith.index_cast %swap3A_95 : i32 to index
    %swap3A_97 = arith.constant 112 : index
    %swap3A_98 = tpu.vector_load %arg14[%swap3A_96, %swap3A_97] {strides = array<i32>} : memref<16x128xf32, #tpu.memory_space<vmem>>, vector<16xf32>,
    tpu.vector_store %arg14[%swap3A_96, %swap3A_97], %broadcast_in_dim3A_94 {strides = array<i32>} : memref<16x128xf32, #tpu.memory_space<vmem>>, vector<16xf32>,
    %broadcast_in_dim3A_99 = arith.constant 0.000000e+00 : f32
    %broadcast_in_dim3A_100 = vector.broadcast %broadcast_in_dim3A_99 : f32 to vector<16xf32>
    %swap3A_101 = arith.constant 2 : i32
    %swap3A_102 = arith.index_cast %swap3A_101 : i32 to index
    %swap3A_103 = arith.constant 0 : index
    %swap3A_104 = tpu.vector_load %arg14[%swap3A_102, %swap3A_103] {strides = array<i32>} : memref<16x128xf32, #tpu.memory_space<vmem>>, vector<16xf32>,
    tpu.vector_store %arg14[%swap3A_102, %swap3A_103], %broadcast_in_dim3A_100 {strides = array<i32>} : memref<16x128xf32, #tpu.memory_space<vmem>>, vector<16xf32>,
    %broadcast_in_dim3A_105 = arith.constant 0.000000e+00 : f32
    %broadcast_in_dim3A_106 = vector.broadcast %broadcast_in_dim3A_105 : f32 to vector<16xf32>
    %swap3A_107 = arith.constant 2 : i32
    %swap3A_108 = arith.index_cast %swap3A_107 : i32 to index
    %swap3A_109 = arith.constant 16 : index
    %swap3A_110 = tpu.vector_load %arg14[%swap3A_108, %swap3A_109] {strides = array<i32>} : memref<16x128xf32, #tpu.memory_space<vmem>>, vector<16xf32>,
    tpu.vector_store %arg14[%swap3A_108, %swap3A_109], %broadcast_in_dim3A_106 {strides = array<i32>} : memref<16x128xf32, #tpu.memory_space<vmem>>, vector<16xf32>,
    %broadcast_in_dim3A_111 = arith.constant 0.000000e+00 : f32
    %broadcast_in_dim3A_112 = vector.broadcast %broadcast_in_dim3A_111 : f32 to vector<16xf32>
    %swap3A_113 = arith.constant 2 : i32
    %swap3A_114 = arith.index_cast %swap3A_113 : i32 to index
    %swap3A_115 = arith.constant 32 : index
    %swap3A_116 = tpu.vector_load %arg14[%swap3A_114, %swap3A_115] {strides = array<i32>} : memref<16x128xf32, #tpu.memory_space<vmem>>, vector<16xf32>,
    tpu.vector_store %arg14[%swap3A_114, %swap3A_115], %broadcast_in_dim3A_112 {strides = array<i32>} : memref<16x128xf32, #tpu.memory_space<vmem>>, vector<16xf32>,
    %broadcast_in_dim3A_117 = arith.constant 0.000000e+00 : f32
    %broadcast_in_dim3A_118 = vector.broadcast %broadcast_in_dim3A_117 : f32 to vector<16xf32>
    %swap3A_119 = arith.constant 2 : i32
    %swap3A_120 = arith.index_cast %swap3A_119 : i32 to index
    %swap3A_121 = arith.constant 48 : index
    %swap3A_122 = tpu.vector_load %arg14[%swap3A_120, %swap3A_121] {strides = array<i32>} : memref<16x128xf32, #tpu.memory_space<vmem>>, vector<16xf32>,
    tpu.vector_store %arg14[%swap3A_120, %swap3A_121], %broadcast_in_dim3A_118 {strides = array<i32>} : memref<16x128xf32, #tpu.memory_space<vmem>>, vector<16xf32>,
    %broadcast_in_dim3A_123 = arith.constant 0.000000e+00 : f32
    %broadcast_in_dim3A_124 = vector.broadcast %broadcast_in_dim3A_123 : f32 to vector<16xf32>
    %swap3A_125 = arith.constant 2 : i32
    %swap3A_126 = arith.index_cast %swap3A_125 : i32 to index
    %swap3A_127 = arith.constant 64 : index
    %swap3A_128 = tpu.vector_load %arg14[%swap3A_126, %swap3A_127] {strides = array<i32>} : memref<16x128xf32, #tpu.memory_space<vmem>>, vector<16xf32>,
    tpu.vector_store %arg14[%swap3A_126, %swap3A_127], %broadcast_in_dim3A_124 {strides = array<i32>} : memref<16x128xf32, #tpu.memory_space<vmem>>, vector<16xf32>,
    %broadcast_in_dim3A_129 = arith.constant 0.000000e+00 : f32
    %broadcast_in_dim3A_130 = vector.broadcast %broadcast_in_dim3A_129 : f32 to vector<16xf32>
    %swap3A_131 = arith.constant 2 : i32
    %swap3A_132 = arith.index_cast %swap3A_131 : i32 to index
    %swap3A_133 = arith.constant 80 : index
    %swap3A_134 = tpu.vector_load %arg14[%swap3A_132, %swap3A_133] {strides = array<i32>} : memref<16x128xf32, #tpu.memory_space<vmem>>, vector<16xf32>,
    tpu.vector_store %arg14[%swap3A_132, %swap3A_133], %broadcast_in_dim3A_130 {strides = array<i32>} : memref<16x128xf32, #tpu.memory_space<vmem>>, vector<16xf32>,
    %broadcast_in_dim3A_135 = arith.constant 0.000000e+00 : f32
    %broadcast_in_dim3A_136 = vector.broadcast %broadcast_in_dim3A_135 : f32 to vector<16xf32>
    %swap3A_137 = arith.constant 2 : i32
    %swap3A_138 = arith.index_cast %swap3A_137 : i32 to index
    %swap3A_139 = arith.constant 96 : index
    %swap3A_140 = tpu.vector_load %arg14[%swap3A_138, %swap3A_139] {strides = array<i32>} : memref<16x128xf32, #tpu.memory_space<vmem>>, vector<16xf32>,
    tpu.vector_store %arg14[%swap3A_138, %swap3A_139], %broadcast_in_dim3A_136 {strides = array<i32>} : memref<16x128xf32, #tpu.memory_space<vmem>>, vector<16xf32>,
    %broadcast_in_dim3A_141 = arith.constant 0.000000e+00 : f32
    %broadcast_in_dim3A_142 = vector.broadcast %broadcast_in_dim3A_141 : f32 to vector<16xf32>
    %swap3A_143 = arith.constant 2 : i32
    %swap3A_144 = arith.index_cast %swap3A_143 : i32 to index
    %swap3A_145 = arith.constant 112 : index
    %swap3A_146 = tpu.vector_load %arg14[%swap3A_144, %swap3A_145] {strides = array<i32>} : memref<16x128xf32, #tpu.memory_space<vmem>>, vector<16xf32>,
    tpu.vector_store %arg14[%swap3A_144, %swap3A_145], %broadcast_in_dim3A_142 {strides = array<i32>} : memref<16x128xf32, #tpu.memory_space<vmem>>, vector<16xf32>,
    %broadcast_in_dim3A_147 = arith.constant 0.000000e+00 : f32
    %broadcast_in_dim3A_148 = vector.broadcast %broadcast_in_dim3A_147 : f32 to vector<16xf32>
    %swap3A_149 = arith.constant 3 : i32
    %swap3A_150 = arith.index_cast %swap3A_149 : i32 to index
    %swap3A_151 = arith.constant 0 : index
    %swap3A_152 = tpu.vector_load %arg14[%swap3A_150, %swap3A_151] {strides = array<i32>} : memref<16x128xf32, #tpu.memory_space<vmem>>, vector<16xf32>,
    tpu.vector_store %arg14[%swap3A_150, %swap3A_151], %broadcast_in_dim3A_148 {strides = array<i32>} : memref<16x128xf32, #tpu.memory_space<vmem>>, vector<16xf32>,
    %broadcast_in_dim3A_153 = arith.constant 0.000000e+00 : f32
    %broadcast_in_dim3A_154 = vector.broadcast %broadcast_in_dim3A_153 : f32 to vector<16xf32>
    %swap3A_155 = arith.constant 3 : i32
    %swap3A_156 = arith.index_cast %swap3A_155 : i32 to index
    %swap3A_157 = arith.constant 16 : index
    %swap3A_158 = tpu.vector_load %arg14[%swap3A_156, %swap3A_157] {strides = array<i32>} : memref<16x128xf32, #tpu.memory_space<vmem>>, vector<16xf32>,
    tpu.vector_store %arg14[%swap3A_156, %swap3A_157], %broadcast_in_dim3A_154 {strides = array<i32>} : memref<16x128xf32, #tpu.memory_space<vmem>>, vector<16xf32>,
    %broadcast_in_dim3A_159 = arith.constant 0.000000e+00 : f32
    %broadcast_in_dim3A_160 = vector.broadcast %broadcast_in_dim3A_159 : f32 to vector<16xf32>
    %swap3A_161 = arith.constant 3 : i32
    %swap3A_162 = arith.index_cast %swap3A_161 : i32 to index
    %swap3A_163 = arith.constant 32 : index
    %swap3A_164 = tpu.vector_load %arg14[%swap3A_162, %swap3A_163] {strides = array<i32>} : memref<16x128xf32, #tpu.memory_space<vmem>>, vector<16xf32>,
    tpu.vector_store %arg14[%swap3A_162, %swap3A_163], %broadcast_in_dim3A_160 {strides = array<i32>} : memref<16x128xf32, #tpu.memory_space<vmem>>, vector<16xf32>,
    %broadcast_in_dim3A_165 = arith.constant 0.000000e+00 : f32
    %broadcast_in_dim3A_166 = vector.broadcast %broadcast_in_dim3A_165 : f32 to vector<16xf32>
    %swap3A_167 = arith.constant 3 : i32
    %swap3A_168 = arith.index_cast %swap3A_167 : i32 to index
    %swap3A_169 = arith.constant 48 : index
    %swap3A_170 = tpu.vector_load %arg14[%swap3A_168, %swap3A_169] {strides = array<i32>} : memref<16x128xf32, #tpu.memory_space<vmem>>, vector<16xf32>,
    tpu.vector_store %arg14[%swap3A_168, %swap3A_169], %broadcast_in_dim3A_166 {strides = array<i32>} : memref<16x128xf32, #tpu.memory_space<vmem>>, vector<16xf32>,
    %broadcast_in_dim3A_171 = arith.constant 0.000000e+00 : f32
    %broadcast_in_dim3A_172 = vector.broadcast %broadcast_in_dim3A_171 : f32 to vector<16xf32>
    %swap3A_173 = arith.constant 3 : i32
    %swap3A_174 = arith.index_cast %swap3A_173 : i32 to index
    %swap3A_175 = arith.constant 64 : index
    %swap3A_176 = tpu.vector_load %arg14[%swap3A_174, %swap3A_175] {strides = array<i32>} : memref<16x128xf32, #tpu.memory_space<vmem>>, vector<16xf32>,
    tpu.vector_store %arg14[%swap3A_174, %swap3A_175], %broadcast_in_dim3A_172 {strides = array<i32>} : memref<16x128xf32, #tpu.memory_space<vmem>>, vector<16xf32>,
    %broadcast_in_dim3A_177 = arith.constant 0.000000e+00 : f32
    %broadcast_in_dim3A_178 = vector.broadcast %broadcast_in_dim3A_177 : f32 to vector<16xf32>
    %swap3A_179 = arith.constant 3 : i32
    %swap3A_180 = arith.index_cast %swap3A_179 : i32 to index
    %swap3A_181 = arith.constant 80 : index
    %swap3A_182 = tpu.vector_load %arg14[%swap3A_180, %swap3A_181] {strides = array<i32>} : memref<16x128xf32, #tpu.memory_space<vmem>>, vector<16xf32>,
    tpu.vector_store %arg14[%swap3A_180, %swap3A_181], %broadcast_in_dim3A_178 {strides = array<i32>} : memref<16x128xf32, #tpu.memory_space<vmem>>, vector<16xf32>,
    %broadcast_in_dim3A_183 = arith.constant 0.000000e+00 : f32
    %broadcast_in_dim3A_184 = vector.broadcast %broadcast_in_dim3A_183 : f32 to vector<16xf32>
    %swap3A_185 = arith.constant 3 : i32
    %swap3A_186 = arith.index_cast %swap3A_185 : i32 to index
    %swap3A_187 = arith.constant 96 : index
    %swap3A_188 = tpu.vector_load %arg14[%swap3A_186, %swap3A_187] {strides = array<i32>} : memref<16x128xf32, #tpu.memory_space<vmem>>, vector<16xf32>,
    tpu.vector_store %arg14[%swap3A_186, %swap3A_187], %broadcast_in_dim3A_184 {strides = array<i32>} : memref<16x128xf32, #tpu.memory_space<vmem>>, vector<16xf32>,
    %broadcast_in_dim3A_189 = arith.constant 0.000000e+00 : f32
    %broadcast_in_dim3A_190 = vector.broadcast %broadcast_in_dim3A_189 : f32 to vector<16xf32>
    %swap3A_191 = arith.constant 3 : i32
    %swap3A_192 = arith.index_cast %swap3A_191 : i32 to index
    %swap3A_193 = arith.constant 112 : index
    %swap3A_194 = tpu.vector_load %arg14[%swap3A_192, %swap3A_193] {strides = array<i32>} : memref<16x128xf32, #tpu.memory_space<vmem>>, vector<16xf32>,
    tpu.vector_store %arg14[%swap3A_192, %swap3A_193], %broadcast_in_dim3A_190 {strides = array<i32>} : memref<16x128xf32, #tpu.memory_space<vmem>>, vector<16xf32>,
    %broadcast_in_dim3A_195 = arith.constant 0.000000e+00 : f32
    %broadcast_in_dim3A_196 = vector.broadcast %broadcast_in_dim3A_195 : f32 to vector<16xf32>
    %swap3A_197 = arith.constant 4 : i32
    %swap3A_198 = arith.index_cast %swap3A_197 : i32 to index
    %swap3A_199 = arith.constant 0 : index
    %swap3A_200 = tpu.vector_load %arg14[%swap3A_198, %swap3A_199] {strides = array<i32>} : memref<16x128xf32, #tpu.memory_space<vmem>>, vector<16xf32>,
    tpu.vector_store %arg14[%swap3A_198, %swap3A_199], %broadcast_in_dim3A_196 {strides = array<i32>} : memref<16x128xf32, #tpu.memory_space<vmem>>, vector<16xf32>,
    %broadcast_in_dim3A_201 = arith.constant 0.000000e+00 : f32
    %broadcast_in_dim3A_202 = vector.broadcast %broadcast_in_dim3A_201 : f32 to vector<16xf32>
    %swap3A_203 = arith.constant 4 : i32
    %swap3A_204 = arith.index_cast %swap3A_203 : i32 to index
    %swap3A_205 = arith.constant 16 : index
    %swap3A_206 = tpu.vector_load %arg14[%swap3A_204, %swap3A_205] {strides = array<i32>} : memref<16x128xf32, #tpu.memory_space<vmem>>, vector<16xf32>,
    tpu.vector_store %arg14[%swap3A_204, %swap3A_205], %broadcast_in_dim3A_202 {strides = array<i32>} : memref<16x128xf32, #tpu.memory_space<vmem>>, vector<16xf32>,
    %broadcast_in_dim3A_207 = arith.constant 0.000000e+00 : f32
    %broadcast_in_dim3A_208 = vector.broadcast %broadcast_in_dim3A_207 : f32 to vector<16xf32>
    %swap3A_209 = arith.constant 4 : i32
    %swap3A_210 = arith.index_cast %swap3A_209 : i32 to index
    %swap3A_211 = arith.constant 32 : index
    %swap3A_212 = tpu.vector_load %arg14[%swap3A_210, %swap3A_211] {strides = array<i32>} : memref<16x128xf32, #tpu.memory_space<vmem>>, vector<16xf32>,
    tpu.vector_store %arg14[%swap3A_210, %swap3A_211], %broadcast_in_dim3A_208 {strides = array<i32>} : memref<16x128xf32, #tpu.memory_space<vmem>>, vector<16xf32>,
    %broadcast_in_dim3A_213 = arith.constant 0.000000e+00 : f32
    %broadcast_in_dim3A_214 = vector.broadcast %broadcast_in_dim3A_213 : f32 to vector<16xf32>
    %swap3A_215 = arith.constant 4 : i32
    %swap3A_216 = arith.index_cast %swap3A_215 : i32 to index
    %swap3A_217 = arith.constant 48 : index
    %swap3A_218 = tpu.vector_load %arg14[%swap3A_216, %swap3A_217] {strides = array<i32>} : memref<16x128xf32, #tpu.memory_space<vmem>>, vector<16xf32>,
    tpu.vector_store %arg14[%swap3A_216, %swap3A_217], %broadcast_in_dim3A_214 {strides = array<i32>} : memref<16x128xf32, #tpu.memory_space<vmem>>, vector<16xf32>,
    %broadcast_in_dim3A_219 = arith.constant 0.000000e+00 : f32
    %broadcast_in_dim3A_220 = vector.broadcast %broadcast_in_dim3A_219 : f32 to vector<16xf32>
    %swap3A_221 = arith.constant 4 : i32
    %swap3A_222 = arith.index_cast %swap3A_221 : i32 to index
    %swap3A_223 = arith.constant 64 : index
    %swap3A_224 = tpu.vector_load %arg14[%swap3A_222, %swap3A_223] {strides = array<i32>} : memref<16x128xf32, #tpu.memory_space<vmem>>, vector<16xf32>,
    tpu.vector_store %arg14[%swap3A_222, %swap3A_223], %broadcast_in_dim3A_220 {strides = array<i32>} : memref<16x128xf32, #tpu.memory_space<vmem>>, vector<16xf32>,
    %broadcast_in_dim3A_225 = arith.constant 0.000000e+00 : f32
    %broadcast_in_dim3A_226 = vector.broadcast %broadcast_in_dim3A_225 : f32 to vector<16xf32>
    %swap3A_227 = arith.constant 4 : i32
    %swap3A_228 = arith.index_cast %swap3A_227 : i32 to index
    %swap3A_229 = arith.constant 80 : index
    %swap3A_230 = tpu.vector_load %arg14[%swap3A_228, %swap3A_229] {strides = array<i32>} : memref<16x128xf32, #tpu.memory_space<vmem>>, vector<16xf32>,
    tpu.vector_store %arg14[%swap3A_228, %swap3A_229], %broadcast_in_dim3A_226 {strides = array<i32>} : memref<16x128xf32, #tpu.memory_space<vmem>>, vector<16xf32>,
    %broadcast_in_dim3A_231 = arith.constant 0.000000e+00 : f32
    %broadcast_in_dim3A_232 = vector.broadcast %broadcast_in_dim3A_231 : f32 to vector<16xf32>
    %swap3A_233 = arith.constant 4 : i32
    %swap3A_234 = arith.index_cast %swap3A_233 : i32 to index
    %swap3A_235 = arith.constant 96 : index
    %swap3A_236 = tpu.vector_load %arg14[%swap3A_234, %swap3A_235] {strides = array<i32>} : memref<16x128xf32, #tpu.memory_space<vmem>>, vector<16xf32>,
    tpu.vector_store %arg14[%swap3A_234, %swap3A_235], %broadcast_in_dim3A_232 {strides = array<i32>} : memref<16x128xf32, #tpu.memory_space<vmem>>, vector<16xf32>,
    %broadcast_in_dim3A_237 = arith.constant 0.000000e+00 : f32
    %broadcast_in_dim3A_238 = vector.broadcast %broadcast_in_dim3A_237 : f32 to vector<16xf32>
    %swap3A_239 = arith.constant 4 : i32
    %swap3A_240 = arith.index_cast %swap3A_239 : i32 to index
    %swap3A_241 = arith.constant 112 : index
    %swap3A_242 = tpu.vector_load %arg14[%swap3A_240, %swap3A_241] {strides = array<i32>} : memref<16x128xf32, #tpu.memory_space<vmem>>, vector<16xf32>,
    tpu.vector_store %arg14[%swap3A_240, %swap3A_241], %broadcast_in_dim3A_238 {strides = array<i32>} : memref<16x128xf32, #tpu.memory_space<vmem>>, vector<16xf32>,
    %broadcast_in_dim3A_243 = arith.constant 0.000000e+00 : f32
    %broadcast_in_dim3A_244 = vector.broadcast %broadcast_in_dim3A_243 : f32 to vector<16xf32>
    %swap3A_245 = arith.constant 5 : i32
    %swap3A_246 = arith.index_cast %swap3A_245 : i32 to index
    %swap3A_247 = arith.constant 0 : index
    %swap3A_248 = tpu.vector_load %arg14[%swap3A_246, %swap3A_247] {strides = array<i32>} : memref<16x128xf32, #tpu.memory_space<vmem>>, vector<16xf32>,
    tpu.vector_store %arg14[%swap3A_246, %swap3A_247], %broadcast_in_dim3A_244 {strides = array<i32>} : memref<16x128xf32, #tpu.memory_space<vmem>>, vector<16xf32>,
    %broadcast_in_dim3A_249 = arith.constant 0.000000e+00 : f32
    %broadcast_in_dim3A_250 = vector.broadcast %broadcast_in_dim3A_249 : f32 to vector<16xf32>
    %swap3A_251 = arith.constant 5 : i32
    %swap3A_252 = arith.index_cast %swap3A_251 : i32 to index
    %swap3A_253 = arith.constant 16 : index
    %swap3A_254 = tpu.vector_load %arg14[%swap3A_252, %swap3A_253] {strides = array<i32>} : memref<16x128xf32, #tpu.memory_space<vmem>>, vector<16xf32>,
    tpu.vector_store %arg14[%swap3A_252, %swap3A_253], %broadcast_in_dim3A_250 {strides = array<i32>} : memref<16x128xf32, #tpu.memory_space<vmem>>, vector<16xf32>,
    %broadcast_in_dim3A_255 = arith.constant 0.000000e+00 : f32
    %broadcast_in_dim3A_256 = vector.broadcast %broadcast_in_dim3A_255 : f32 to vector<16xf32>
    %swap3A_257 = arith.constant 5 : i32
    %swap3A_258 = arith.index_cast %swap3A_257 : i32 to index
    %swap3A_259 = arith.constant 32 : index
    %swap3A_260 = tpu.vector_load %arg14[%swap3A_258, %swap3A_259] {strides = array<i32>} : memref<16x128xf32, #tpu.memory_space<vmem>>, vector<16xf32>,
    tpu.vector_store %arg14[%swap3A_258, %swap3A_259], %broadcast_in_dim3A_256 {strides = array<i32>} : memref<16x128xf32, #tpu.memory_space<vmem>>, vector<16xf32>,
    %broadcast_in_dim3A_261 = arith.constant 0.000000e+00 : f32
    %broadcast_in_dim3A_262 = vector.broadcast %broadcast_in_dim3A_261 : f32 to vector<16xf32>
    %swap3A_263 = arith.constant 5 : i32
    %swap3A_264 = arith.index_cast %swap3A_263 : i32 to index
    %swap3A_265 = arith.constant 48 : index
    %swap3A_266 = tpu.vector_load %arg14[%swap3A_264, %swap3A_265] {strides = array<i32>} : memref<16x128xf32, #tpu.memory_space<vmem>>, vector<16xf32>,
    tpu.vector_store %arg14[%swap3A_264, %swap3A_265], %broadcast_in_dim3A_262 {strides = array<i32>} : memref<16x128xf32, #tpu.memory_space<vmem>>, vector<16xf32>,
    %broadcast_in_dim3A_267 = arith.constant 0.000000e+00 : f32
    %broadcast_in_dim3A_268 = vector.broadcast %broadcast_in_dim3A_267 : f32 to vector<16xf32>
    %swap3A_269 = arith.constant 5 : i32
    %swap3A_270 = arith.index_cast %swap3A_269 : i32 to index
    %swap3A_271 = arith.constant 64 : index
    %swap3A_272 = tpu.vector_load %arg14[%swap3A_270, %swap3A_271] {strides = array<i32>} : memref<16x128xf32, #tpu.memory_space<vmem>>, vector<16xf32>,
    tpu.vector_store %arg14[%swap3A_270, %swap3A_271], %broadcast_in_dim3A_268 {strides = array<i32>} : memref<16x128xf32, #tpu.memory_space<vmem>>, vector<16xf32>,
    %broadcast_in_dim3A_273 = arith.constant 0.000000e+00 : f32
    %broadcast_in_dim3A_274 = vector.broadcast %broadcast_in_dim3A_273 : f32 to vector<16xf32>
    %swap3A_275 = arith.constant 5 : i32
    %swap3A_276 = arith.index_cast %swap3A_275 : i32 to index
    %swap3A_277 = arith.constant 80 : index
    %swap3A_278 = tpu.vector_load %arg14[%swap3A_276, %swap3A_277] {strides = array<i32>} : memref<16x128xf32, #tpu.memory_space<vmem>>, vector<16xf32>,
    tpu.vector_store %arg14[%swap3A_276, %swap3A_277], %broadcast_in_dim3A_274 {strides = array<i32>} : memref<16x128xf32, #tpu.memory_space<vmem>>, vector<16xf32>,
    %broadcast_in_dim3A_279 = arith.constant 0.000000e+00 : f32
    %broadcast_in_dim3A_280 = vector.broadcast %broadcast_in_dim3A_279 : f32 to vector<16xf32>
    %swap3A_281 = arith.constant 5 : i32
    %swap3A_282 = arith.index_cast %swap3A_281 : i32 to index
    %swap3A_283 = arith.constant 96 : index
    %swap3A_284 = tpu.vector_load %arg14[%swap3A_282, %swap3A_283] {strides = array<i32>} : memref<16x128xf32, #tpu.memory_space<vmem>>, vector<16xf32>,
    tpu.vector_store %arg14[%swap3A_282, %swap3A_283], %broadcast_in_dim3A_280 {strides = array<i32>} : memref<16x128xf32, #tpu.memory_space<vmem>>, vector<16xf32>,
    %broadcast_in_dim3A_285 = arith.constant 0.000000e+00 : f32
    %broadcast_in_dim3A_286 = vector.broadcast %broadcast_in_dim3A_285 : f32 to vector<16xf32>
    %swap3A_287 = arith.constant 5 : i32
    %swap3A_288 = arith.index_cast %swap3A_287 : i32 to index
    %swap3A_289 = arith.constant 112 : index
    %swap3A_290 = tpu.vector_load %arg14[%swap3A_288, %swap3A_289] {strides = array<i32>} : memref<16x128xf32, #tpu.memory_space<vmem>>, vector<16xf32>,
    tpu.vector_store %arg14[%swap3A_288, %swap3A_289], %broadcast_in_dim3A_286 {strides = array<i32>} : memref<16x128xf32, #tpu.memory_space<vmem>>, vector<16xf32>,
    %broadcast_in_dim3A_291 = arith.constant 0.000000e+00 : f32
    %broadcast_in_dim3A_292 = vector.broadcast %broadcast_in_dim3A_291 : f32 to vector<16xf32>
    %swap3A_293 = arith.constant 6 : i32
    %swap3A_294 = arith.index_cast %swap3A_293 : i32 to index
    %swap3A_295 = arith.constant 0 : index
    %swap3A_296 = tpu.vector_load %arg14[%swap3A_294, %swap3A_295] {strides = array<i32>} : memref<16x128xf32, #tpu.memory_space<vmem>>, vector<16xf32>,
    tpu.vector_store %arg14[%swap3A_294, %swap3A_295], %broadcast_in_dim3A_292 {strides = array<i32>} : memref<16x128xf32, #tpu.memory_space<vmem>>, vector<16xf32>,
    %broadcast_in_dim3A_297 = arith.constant 0.000000e+00 : f32
    %broadcast_in_dim3A_298 = vector.broadcast %broadcast_in_dim3A_297 : f32 to vector<16xf32>
    %swap3A_299 = arith.constant 6 : i32
    %swap3A_300 = arith.index_cast %swap3A_299 : i32 to index
    %swap3A_301 = arith.constant 16 : index
    %swap3A_302 = tpu.vector_load %arg14[%swap3A_300, %swap3A_301] {strides = array<i32>} : memref<16x128xf32, #tpu.memory_space<vmem>>, vector<16xf32>,
    tpu.vector_store %arg14[%swap3A_300, %swap3A_301], %broadcast_in_dim3A_298 {strides = array<i32>} : memref<16x128xf32, #tpu.memory_space<vmem>>, vector<16xf32>,
    %broadcast_in_dim3A_303 = arith.constant 0.000000e+00 : f32
    %broadcast_in_dim3A_304 = vector.broadcast %broadcast_in_dim3A_303 : f32 to vector<16xf32>
    %swap3A_305 = arith.constant 6 : i32
    %swap3A_306 = arith.index_cast %swap3A_305 : i32 to index
    %swap3A_307 = arith.constant 32 : index
    %swap3A_308 = tpu.vector_load %arg14[%swap3A_306, %swap3A_307] {strides = array<i32>} : memref<16x128xf32, #tpu.memory_space<vmem>>, vector<16xf32>,
    tpu.vector_store %arg14[%swap3A_306, %swap3A_307], %broadcast_in_dim3A_304 {strides = array<i32>} : memref<16x128xf32, #tpu.memory_space<vmem>>, vector<16xf32>,
    %broadcast_in_dim3A_309 = arith.constant 0.000000e+00 : f32
    %broadcast_in_dim3A_310 = vector.broadcast %broadcast_in_dim3A_309 : f32 to vector<16xf32>
    %swap3A_311 = arith.constant 6 : i32
    %swap3A_312 = arith.index_cast %swap3A_311 : i32 to index
    %swap3A_313 = arith.constant 48 : index
    %swap3A_314 = tpu.vector_load %arg14[%swap3A_312, %swap3A_313] {strides = array<i32>} : memref<16x128xf32, #tpu.memory_space<vmem>>, vector<16xf32>,
    tpu.vector_store %arg14[%swap3A_312, %swap3A_313], %broadcast_in_dim3A_310 {strides = array<i32>} : memref<16x128xf32, #tpu.memory_space<vmem>>, vector<16xf32>,
    %broadcast_in_dim3A_315 = arith.constant 0.000000e+00 : f32
    %broadcast_in_dim3A_316 = vector.broadcast %broadcast_in_dim3A_315 : f32 to vector<16xf32>
    %swap3A_317 = arith.constant 6 : i32
    %swap3A_318 = arith.index_cast %swap3A_317 : i32 to index
    %swap3A_319 = arith.constant 64 : index
    %swap3A_320 = tpu.vector_load %arg14[%swap3A_318, %swap3A_319] {strides = array<i32>} : memref<16x128xf32, #tpu.memory_space<vmem>>, vector<16xf32>,
    tpu.vector_store %arg14[%swap3A_318, %swap3A_319], %broadcast_in_dim3A_316 {strides = array<i32>} : memref<16x128xf32, #tpu.memory_space<vmem>>, vector<16xf32>,
    %broadcast_in_dim3A_321 = arith.constant 0.000000e+00 : f32
    %broadcast_in_dim3A_322 = vector.broadcast %broadcast_in_dim3A_321 : f32 to vector<16xf32>
    %swap3A_323 = arith.constant 6 : i32
    %swap3A_324 = arith.index_cast %swap3A_323 : i32 to index
    %swap3A_325 = arith.constant 80 : index
    %swap3A_326 = tpu.vector_load %arg14[%swap3A_324, %swap3A_325] {strides = array<i32>} : memref<16x128xf32, #tpu.memory_space<vmem>>, vector<16xf32>,
    tpu.vector_store %arg14[%swap3A_324, %swap3A_325], %broadcast_in_dim3A_322 {strides = array<i32>} : memref<16x128xf32, #tpu.memory_space<vmem>>, vector<16xf32>,
    %broadcast_in_dim3A_327 = arith.constant 0.000000e+00 : f32
    %broadcast_in_dim3A_328 = vector.broadcast %broadcast_in_dim3A_327 : f32 to vector<16xf32>
    %swap3A_329 = arith.constant 6 : i32
    %swap3A_330 = arith.index_cast %swap3A_329 : i32 to index
    %swap3A_331 = arith.constant 96 : index
    %swap3A_332 = tpu.vector_load %arg14[%swap3A_330, %swap3A_331] {strides = array<i32>} : memref<16x128xf32, #tpu.memory_space<vmem>>, vector<16xf32>,
    tpu.vector_store %arg14[%swap3A_330, %swap3A_331], %broadcast_in_dim3A_328 {strides = array<i32>} : memref<16x128xf32, #tpu.memory_space<vmem>>, vector<16xf32>,
    %broadcast_in_dim3A_333 = arith.constant 0.000000e+00 : f32
    %broadcast_in_dim3A_334 = vector.broadcast %broadcast_in_dim3A_333 : f32 to vector<16xf32>
    %swap3A_335 = arith.constant 6 : i32
    %swap3A_336 = arith.index_cast %swap3A_335 : i32 to index
    %swap3A_337 = arith.constant 112 : index
    %swap3A_338 = tpu.vector_load %arg14[%swap3A_336, %swap3A_337] {strides = array<i32>} : memref<16x128xf32, #tpu.memory_space<vmem>>, vector<16xf32>,
    tpu.vector_store %arg14[%swap3A_336, %swap3A_337], %broadcast_in_dim3A_334 {strides = array<i32>} : memref<16x128xf32, #tpu.memory_space<vmem>>, vector<16xf32>,
    %broadcast_in_dim3A_339 = arith.constant 0.000000e+00 : f32
    %broadcast_in_dim3A_340 = vector.broadcast %broadcast_in_dim3A_339 : f32 to vector<16xf32>
    %swap3A_341 = arith.constant 7 : i32
    %swap3A_342 = arith.index_cast %swap3A_341 : i32 to index
    %swap3A_343 = arith.constant 0 : index
    %swap3A_344 = tpu.vector_load %arg14[%swap3A_342, %swap3A_343] {strides = array<i32>} : memref<16x128xf32, #tpu.memory_space<vmem>>, vector<16xf32>,
    tpu.vector_store %arg14[%swap3A_342, %swap3A_343], %broadcast_in_dim3A_340 {strides = array<i32>} : memref<16x128xf32, #tpu.memory_space<vmem>>, vector<16xf32>,
    %broadcast_in_dim3A_345 = arith.constant 0.000000e+00 : f32
    %broadcast_in_dim3A_346 = vector.broadcast %broadcast_in_dim3A_345 : f32 to vector<16xf32>
    %swap3A_347 = arith.constant 7 : i32
    %swap3A_348 = arith.index_cast %swap3A_347 : i32 to index
    %swap3A_349 = arith.constant 16 : index
    %swap3A_350 = tpu.vector_load %arg14[%swap3A_348, %swap3A_349] {strides = array<i32>} : memref<16x128xf32, #tpu.memory_space<vmem>>, vector<16xf32>,
    tpu.vector_store %arg14[%swap3A_348, %swap3A_349], %broadcast_in_dim3A_346 {strides = array<i32>} : memref<16x128xf32, #tpu.memory_space<vmem>>, vector<16xf32>,
    %broadcast_in_dim3A_351 = arith.constant 0.000000e+00 : f32
    %broadcast_in_dim3A_352 = vector.broadcast %broadcast_in_dim3A_351 : f32 to vector<16xf32>
    %swap3A_353 = arith.constant 7 : i32
    %swap3A_354 = arith.index_cast %swap3A_353 : i32 to index
    %swap3A_355 = arith.constant 32 : index
    %swap3A_356 = tpu.vector_load %arg14[%swap3A_354, %swap3A_355] {strides = array<i32>} : memref<16x128xf32, #tpu.memory_space<vmem>>, vector<16xf32>,
    tpu.vector_store %arg14[%swap3A_354, %swap3A_355], %broadcast_in_dim3A_352 {strides = array<i32>} : memref<16x128xf32, #tpu.memory_space<vmem>>, vector<16xf32>,
    %broadcast_in_dim3A_357 = arith.constant 0.000000e+00 : f32
    %broadcast_in_dim3A_358 = vector.broadcast %broadcast_in_dim3A_357 : f32 to vector<16xf32>
    %swap3A_359 = arith.constant 7 : i32
    %swap3A_360 = arith.index_cast %swap3A_359 : i32 to index
    %swap3A_361 = arith.constant 48 : index
    %swap3A_362 = tpu.vector_load %arg14[%swap3A_360, %swap3A_361] {strides = array<i32>} : memref<16x128xf32, #tpu.memory_space<vmem>>, vector<16xf32>,
    tpu.vector_store %arg14[%swap3A_360, %swap3A_361], %broadcast_in_dim3A_358 {strides = array<i32>} : memref<16x128xf32, #tpu.memory_space<vmem>>, vector<16xf32>,
    %broadcast_in_dim3A_363 = arith.constant 0.000000e+00 : f32
    %broadcast_in_dim3A_364 = vector.broadcast %broadcast_in_dim3A_363 : f32 to vector<16xf32>
    %swap3A_365 = arith.constant 7 : i32
    %swap3A_366 = arith.index_cast %swap3A_365 : i32 to index
    %swap3A_367 = arith.constant 64 : index
    %swap3A_368 = tpu.vector_load %arg14[%swap3A_366, %swap3A_367] {strides = array<i32>} : memref<16x128xf32, #tpu.memory_space<vmem>>, vector<16xf32>,
    tpu.vector_store %arg14[%swap3A_366, %swap3A_367], %broadcast_in_dim3A_364 {strides = array<i32>} : memref<16x128xf32, #tpu.memory_space<vmem>>, vector<16xf32>,
    %broadcast_in_dim3A_369 = arith.constant 0.000000e+00 : f32
    %broadcast_in_dim3A_370 = vector.broadcast %broadcast_in_dim3A_369 : f32 to vector<16xf32>
    %swap3A_371 = arith.constant 7 : i32
    %swap3A_372 = arith.index_cast %swap3A_371 : i32 to index
    %swap3A_373 = arith.constant 80 : index
    %swap3A_374 = tpu.vector_load %arg14[%swap3A_372, %swap3A_373] {strides = array<i32>} : memref<16x128xf32, #tpu.memory_space<vmem>>, vector<16xf32>,
    tpu.vector_store %arg14[%swap3A_372, %swap3A_373], %broadcast_in_dim3A_370 {strides = array<i32>} : memref<16x128xf32, #tpu.memory_space<vmem>>, vector<16xf32>,
    %broadcast_in_dim3A_375 = arith.constant 0.000000e+00 : f32
    %broadcast_in_dim3A_376 = vector.broadcast %broadcast_in_dim3A_375 : f32 to vector<16xf32>
    %swap3A_377 = arith.constant 7 : i32
    %swap3A_378 = arith.index_cast %swap3A_377 : i32 to index
    %swap3A_379 = arith.constant 96 : index
    %swap3A_380 = tpu.vector_load %arg14[%swap3A_378, %swap3A_379] {strides = array<i32>} : memref<16x128xf32, #tpu.memory_space<vmem>>, vector<16xf32>,
    tpu.vector_store %arg14[%swap3A_378, %swap3A_379], %broadcast_in_dim3A_376 {strides = array<i32>} : memref<16x128xf32, #tpu.memory_space<vmem>>, vector<16xf32>,
    %broadcast_in_dim3A_381 = arith.constant 0.000000e+00 : f32
    %broadcast_in_dim3A_382 = vector.broadcast %broadcast_in_dim3A_381 : f32 to vector<16xf32>
    %swap3A_383 = arith.constant 7 : i32
    %swap3A_384 = arith.index_cast %swap3A_383 : i32 to index
    %swap3A_385 = arith.constant 112 : index
    %swap3A_386 = tpu.vector_load %arg14[%swap3A_384, %swap3A_385] {strides = array<i32>} : memref<16x128xf32, #tpu.memory_space<vmem>>, vector<16xf32>,
    tpu.vector_store %arg14[%swap3A_384, %swap3A_385], %broadcast_in_dim3A_382 {strides = array<i32>} : memref<16x128xf32, #tpu.memory_space<vmem>>, vector<16xf32>,
    %broadcast_in_dim3A_387 = arith.constant 0.000000e+00 : f32
    %broadcast_in_dim3A_388 = vector.broadcast %broadcast_in_dim3A_387 : f32 to vector<16xf32>
    %swap3A_389 = arith.constant 8 : i32
    %swap3A_390 = arith.index_cast %swap3A_389 : i32 to index
    %swap3A_391 = arith.constant 0 : index
    %swap3A_392 = tpu.vector_load %arg14[%swap3A_390, %swap3A_391] {strides = array<i32>} : memref<16x128xf32, #tpu.memory_space<vmem>>, vector<16xf32>,
    tpu.vector_store %arg14[%swap3A_390, %swap3A_391], %broadcast_in_dim3A_388 {strides = array<i32>} : memref<16x128xf32, #tpu.memory_space<vmem>>, vector<16xf32>,
    %broadcast_in_dim3A_393 = arith.constant 0.000000e+00 : f32
    %broadcast_in_dim3A_394 = vector.broadcast %broadcast_in_dim3A_393 : f32 to vector<16xf32>
    %swap3A_395 = arith.constant 8 : i32
    %swap3A_396 = arith.index_cast %swap3A_395 : i32 to index
    %swap3A_397 = arith.constant 16 : index
    %swap3A_398 = tpu.vector_load %arg14[%swap3A_396, %swap3A_397] {strides = array<i32>} : memref<16x128xf32, #tpu.memory_space<vmem>>, vector<16xf32>,
    tpu.vector_store %arg14[%swap3A_396, %swap3A_397], %broadcast_in_dim3A_394 {strides = array<i32>} : memref<16x128xf32, #tpu.memory_space<vmem>>, vector<16xf32>,
    %broadcast_in_dim3A_399 = arith.constant 0.000000e+00 : f32
    %broadcast_in_dim3A_400 = vector.broadcast %broadcast_in_dim3A_399 : f32 to vector<16xf32>
    %swap3A_401 = arith.constant 8 : i32
    %swap3A_402 = arith.index_cast %swap3A_401 : i32 to index
    %swap3A_403 = arith.constant 32 : index
    %swap3A_404 = tpu.vector_load %arg14[%swap3A_402, %swap3A_403] {strides = array<i32>} : memref<16x128xf32, #tpu.memory_space<vmem>>, vector<16xf32>,
    tpu.vector_store %arg14[%swap3A_402, %swap3A_403], %broadcast_in_dim3A_400 {strides = array<i32>} : memref<16x128xf32, #tpu.memory_space<vmem>>, vector<16xf32>,
    %broadcast_in_dim3A_405 = arith.constant 0.000000e+00 : f32
    %broadcast_in_dim3A_406 = vector.broadcast %broadcast_in_dim3A_405 : f32 to vector<16xf32>
    %swap3A_407 = arith.constant 8 : i32
    %swap3A_408 = arith.index_cast %swap3A_407 : i32 to index
    %swap3A_409 = arith.constant 48 : index
    %swap3A_410 = tpu.vector_load %arg14[%swap3A_408, %swap3A_409] {strides = array<i32>} : memref<16x128xf32, #tpu.memory_space<vmem>>, vector<16xf32>,
    tpu.vector_store %arg14[%swap3A_408, %swap3A_409], %broadcast_in_dim3A_406 {strides = array<i32>} : memref<16x128xf32, #tpu.memory_space<vmem>>, vector<16xf32>,
    %broadcast_in_dim3A_411 = arith.constant 0.000000e+00 : f32
    %broadcast_in_dim3A_412 = vector.broadcast %broadcast_in_dim3A_411 : f32 to vector<16xf32>
    %swap3A_413 = arith.constant 8 : i32
    %swap3A_414 = arith.index_cast %swap3A_413 : i32 to index
    %swap3A_415 = arith.constant 64 : index
    %swap3A_416 = tpu.vector_load %arg14[%swap3A_414, %swap3A_415] {strides = array<i32>} : memref<16x128xf32, #tpu.memory_space<vmem>>, vector<16xf32>,
    tpu.vector_store %arg14[%swap3A_414, %swap3A_415], %broadcast_in_dim3A_412 {strides = array<i32>} : memref<16x128xf32, #tpu.memory_space<vmem>>, vector<16xf32>,
    %broadcast_in_dim3A_417 = arith.constant 0.000000e+00 : f32
    %broadcast_in_dim3A_418 = vector.broadcast %broadcast_in_dim3A_417 : f32 to vector<16xf32>
    %swap3A_419 = arith.constant 8 : i32
    %swap3A_420 = arith.index_cast %swap3A_419 : i32 to index
    %swap3A_421 = arith.constant 80 : index
    %swap3A_422 = tpu.vector_load %arg14[%swap3A_420, %swap3A_421] {strides = array<i32>} : memref<16x128xf32, #tpu.memory_space<vmem>>, vector<16xf32>,
    tpu.vector_store %arg14[%swap3A_420, %swap3A_421], %broadcast_in_dim3A_418 {strides = array<i32>} : memref<16x128xf32, #tpu.memory_space<vmem>>, vector<16xf32>,
    %broadcast_in_dim3A_423 = arith.constant 0.000000e+00 : f32
    %broadcast_in_dim3A_424 = vector.broadcast %broadcast_in_dim3A_423 : f32 to vector<16xf32>
    %swap3A_425 = arith.constant 8 : i32
    %swap3A_426 = arith.index_cast %swap3A_425 : i32 to index
    %swap3A_427 = arith.constant 96 : index
    %swap3A_428 = tpu.vector_load %arg14[%swap3A_426, %swap3A_427] {strides = array<i32>} : memref<16x128xf32, #tpu.memory_space<vmem>>, vector<16xf32>,
    tpu.vector_store %arg14[%swap3A_426, %swap3A_427], %broadcast_in_dim3A_424 {strides = array<i32>} : memref<16x128xf32, #tpu.memory_space<vmem>>, vector<16xf32>,
    %broadcast_in_dim3A_429 = arith.constant 0.000000e+00 : f32
    %broadcast_in_dim3A_430 = vector.broadcast %broadcast_in_dim3A_429 : f32 to vector<16xf32>
    %swap3A_431 = arith.constant 8 : i32
    %swap3A_432 = arith.index_cast %swap3A_431 : i32 to index
    %swap3A_433 = arith.constant 112 : index
    %swap3A_434 = tpu.vector_load %arg14[%swap3A_432, %swap3A_433] {strides = array<i32>} : memref<16x128xf32, #tpu.memory_space<vmem>>, vector<16xf32>,
    tpu.vector_store %arg14[%swap3A_432, %swap3A_433], %broadcast_in_dim3A_430 {strides = array<i32>} : memref<16x128xf32, #tpu.memory_space<vmem>>, vector<16xf32>,
    %broadcast_in_dim3A_435 = arith.constant 0.000000e+00 : f32
    %broadcast_in_dim3A_436 = vector.broadcast %broadcast_in_dim3A_435 : f32 to vector<16xf32>
    %swap3A_437 = arith.constant 9 : i32
    %swap3A_438 = arith.index_cast %swap3A_437 : i32 to index
    %swap3A_439 = arith.constant 0 : index
    %swap3A_440 = tpu.vector_load %arg14[%swap3A_438, %swap3A_439] {strides = array<i32>} : memref<16x128xf32, #tpu.memory_space<vmem>>, vector<16xf32>,
    tpu.vector_store %arg14[%swap3A_438, %swap3A_439], %broadcast_in_dim3A_436 {strides = array<i32>} : memref<16x128xf32, #tpu.memory_space<vmem>>, vector<16xf32>,
    %broadcast_in_dim3A_441 = arith.constant 0.000000e+00 : f32
    %broadcast_in_dim3A_442 = vector.broadcast %broadcast_in_dim3A_441 : f32 to vector<16xf32>
    %swap3A_443 = arith.constant 9 : i32
    %swap3A_444 = arith.index_cast %swap3A_443 : i32 to index
    %swap3A_445 = arith.constant 16 : index
    %swap3A_446 = tpu.vector_load %arg14[%swap3A_444, %swap3A_445] {strides = array<i32>} : memref<16x128xf32, #tpu.memory_space<vmem>>, vector<16xf32>,
    tpu.vector_store %arg14[%swap3A_444, %swap3A_445], %broadcast_in_dim3A_442 {strides = array<i32>} : memref<16x128xf32, #tpu.memory_space<vmem>>, vector<16xf32>,
    %broadcast_in_dim3A_447 = arith.constant 0.000000e+00 : f32
    %broadcast_in_dim3A_448 = vector.broadcast %broadcast_in_dim3A_447 : f32 to vector<16xf32>
    %swap3A_449 = arith.constant 9 : i32
    %swap3A_450 = arith.index_cast %swap3A_449 : i32 to index
    %swap3A_451 = arith.constant 32 : index
    %swap3A_452 = tpu.vector_load %arg14[%swap3A_450, %swap3A_451] {strides = array<i32>} : memref<16x128xf32, #tpu.memory_space<vmem>>, vector<16xf32>,
    tpu.vector_store %arg14[%swap3A_450, %swap3A_451], %broadcast_in_dim3A_448 {strides = array<i32>} : memref<16x128xf32, #tpu.memory_space<vmem>>, vector<16xf32>,
    %broadcast_in_dim3A_453 = arith.constant 0.000000e+00 : f32
    %broadcast_in_dim3A_454 = vector.broadcast %broadcast_in_dim3A_453 : f32 to vector<16xf32>
    %swap3A_455 = arith.constant 9 : i32
    %swap3A_456 = arith.index_cast %swap3A_455 : i32 to index
    %swap3A_457 = arith.constant 48 : index
    %swap3A_458 = tpu.vector_load %arg14[%swap3A_456, %swap3A_457] {strides = array<i32>} : memref<16x128xf32, #tpu.memory_space<vmem>>, vector<16xf32>,
    tpu.vector_store %arg14[%swap3A_456, %swap3A_457], %broadcast_in_dim3A_454 {strides = array<i32>} : memref<16x128xf32, #tpu.memory_space<vmem>>, vector<16xf32>,
    %broadcast_in_dim3A_459 = arith.constant 0.000000e+00 : f32
    %broadcast_in_dim3A_460 = vector.broadcast %broadcast_in_dim3A_459 : f32 to vector<16xf32>
    %swap3A_461 = arith.constant 9 : i32
    %swap3A_462 = arith.index_cast %swap3A_461 : i32 to index
    %swap3A_463 = arith.constant 64 : index
    %swap3A_464 = tpu.vector_load %arg14[%swap3A_462, %swap3A_463] {strides = array<i32>} : memref<16x128xf32, #tpu.memory_space<vmem>>, vector<16xf32>,
    tpu.vector_store %arg14[%swap3A_462, %swap3A_463], %broadcast_in_dim3A_460 {strides = array<i32>} : memref<16x128xf32, #tpu.memory_space<vmem>>, vector<16xf32>,
    %broadcast_in_dim3A_465 = arith.constant 0.000000e+00 : f32
    %broadcast_in_dim3A_466 = vector.broadcast %broadcast_in_dim3A_465 : f32 to vector<16xf32>
    %swap3A_467 = arith.constant 9 : i32
    %swap3A_468 = arith.index_cast %swap3A_467 : i32 to index
    %swap3A_469 = arith.constant 80 : index
    %swap3A_470 = tpu.vector_load %arg14[%swap3A_468, %swap3A_469] {strides = array<i32>} : memref<16x128xf32, #tpu.memory_space<vmem>>, vector<16xf32>,
    tpu.vector_store %arg14[%swap3A_468, %swap3A_469], %broadcast_in_dim3A_466 {strides = array<i32>} : memref<16x128xf32, #tpu.memory_space<vmem>>, vector<16xf32>,
    %broadcast_in_dim3A_471 = arith.constant 0.000000e+00 : f32
    %broadcast_in_dim3A_472 = vector.broadcast %broadcast_in_dim3A_471 : f32 to vector<16xf32>
    %swap3A_473 = arith.constant 9 : i32
    %swap3A_474 = arith.index_cast %swap3A_473 : i32 to index
    %swap3A_475 = arith.constant 96 : index
    %swap3A_476 = tpu.vector_load %arg14[%swap3A_474, %swap3A_475] {strides = array<i32>} : memref<16x128xf32, #tpu.memory_space<vmem>>, vector<16xf32>,
    tpu.vector_store %arg14[%swap3A_474, %swap3A_475], %broadcast_in_dim3A_472 {strides = array<i32>} : memref<16x128xf32, #tpu.memory_space<vmem>>, vector<16xf32>,
    %broadcast_in_dim3A_477 = arith.constant 0.000000e+00 : f32
    %broadcast_in_dim3A_478 = vector.broadcast %broadcast_in_dim3A_477 : f32 to vector<16xf32>
    %swap3A_479 = arith.constant 9 : i32
    %swap3A_480 = arith.index_cast %swap3A_479 : i32 to index
    %swap3A_481 = arith.constant 112 : index
    %swap3A_482 = tpu.vector_load %arg14[%swap3A_480, %swap3A_481] {strides = array<i32>} : memref<16x128xf32, #tpu.memory_space<vmem>>, vector<16xf32>,
    tpu.vector_store %arg14[%swap3A_480, %swap3A_481], %broadcast_in_dim3A_478 {strides = array<i32>} : memref<16x128xf32, #tpu.memory_space<vmem>>, vector<16xf32>,
    %broadcast_in_dim3A_483 = arith.constant 0.000000e+00 : f32
    %broadcast_in_dim3A_484 = vector.broadcast %broadcast_in_dim3A_483 : f32 to vector<16xf32>
    %swap3A_485 = arith.constant 10 : i32
    %swap3A_486 = arith.index_cast %swap3A_485 : i32 to index
    %swap3A_487 = arith.constant 0 : index
    %swap3A_488 = tpu.vector_load %arg14[%swap3A_486, %swap3A_487] {strides = array<i32>} : memref<16x128xf32, #tpu.memory_space<vmem>>, vector<16xf32>,
    tpu.vector_store %arg14[%swap3A_486, %swap3A_487], %broadcast_in_dim3A_484 {strides = array<i32>} : memref<16x128xf32, #tpu.memory_space<vmem>>, vector<16xf32>,
    %broadcast_in_dim3A_489 = arith.constant 0.000000e+00 : f32
    %broadcast_in_dim3A_490 = vector.broadcast %broadcast_in_dim3A_489 : f32 to vector<16xf32>
    %swap3A_491 = arith.constant 10 : i32
    %swap3A_492 = arith.index_cast %swap3A_491 : i32 to index
    %swap3A_493 = arith.constant 16 : index
    %swap3A_494 = tpu.vector_load %arg14[%swap3A_492, %swap3A_493] {strides = array<i32>} : memref<16x128xf32, #tpu.memory_space<vmem>>, vector<16xf32>,
    tpu.vector_store %arg14[%swap3A_492, %swap3A_493], %broadcast_in_dim3A_490 {strides = array<i32>} : memref<16x128xf32, #tpu.memory_space<vmem>>, vector<16xf32>,
    %broadcast_in_dim3A_495 = arith.constant 0.000000e+00 : f32
    %broadcast_in_dim3A_496 = vector.broadcast %broadcast_in_dim3A_495 : f32 to vector<16xf32>
    %swap3A_497 = arith.constant 10 : i32
    %swap3A_498 = arith.index_cast %swap3A_497 : i32 to index
    %swap3A_499 = arith.constant 32 : index
    %swap3A_500 = tpu.vector_load %arg14[%swap3A_498, %swap3A_499] {strides = array<i32>} : memref<16x128xf32, #tpu.memory_space<vmem>>, vector<16xf32>,
    tpu.vector_store %arg14[%swap3A_498, %swap3A_499], %broadcast_in_dim3A_496 {strides = array<i32>} : memref<16x128xf32, #tpu.memory_space<vmem>>, vector<16xf32>,
    %broadcast_in_dim3A_501 = arith.constant 0.000000e+00 : f32
    %broadcast_in_dim3A_502 = vector.broadcast %broadcast_in_dim3A_501 : f32 to vector<16xf32>
    %swap3A_503 = arith.constant 10 : i32
    %swap3A_504 = arith.index_cast %swap3A_503 : i32 to index
    %swap3A_505 = arith.constant 48 : index
    %swap3A_506 = tpu.vector_load %arg14[%swap3A_504, %swap3A_505] {strides = array<i32>} : memref<16x128xf32, #tpu.memory_space<vmem>>, vector<16xf32>,
    tpu.vector_store %arg14[%swap3A_504, %swap3A_505], %broadcast_in_dim3A_502 {strides = array<i32>} : memref<16x128xf32, #tpu.memory_space<vmem>>, vector<16xf32>,
    %broadcast_in_dim3A_507 = arith.constant 0.000000e+00 : f32
    %broadcast_in_dim3A_508 = vector.broadcast %broadcast_in_dim3A_507 : f32 to vector<16xf32>
    %swap3A_509 = arith.constant 10 : i32
    %swap3A_510 = arith.index_cast %swap3A_509 : i32 to index
    %swap3A_511 = arith.constant 64 : index
    %swap3A_512 = tpu.vector_load %arg14[%swap3A_510, %swap3A_511] {strides = array<i32>} : memref<16x128xf32, #tpu.memory_space<vmem>>, vector<16xf32>,
    tpu.vector_store %arg14[%swap3A_510, %swap3A_511], %broadcast_in_dim3A_508 {strides = array<i32>} : memref<16x128xf32, #tpu.memory_space<vmem>>, vector<16xf32>,
    %broadcast_in_dim3A_513 = arith.constant 0.000000e+00 : f32
    %broadcast_in_dim3A_514 = vector.broadcast %broadcast_in_dim3A_513 : f32 to vector<16xf32>
    %swap3A_515 = arith.constant 10 : i32
    %swap3A_516 = arith.index_cast %swap3A_515 : i32 to index
    %swap3A_517 = arith.constant 80 : index
    %swap3A_518 = tpu.vector_load %arg14[%swap3A_516, %swap3A_517] {strides = array<i32>} : memref<16x128xf32, #tpu.memory_space<vmem>>, vector<16xf32>,
    tpu.vector_store %arg14[%swap3A_516, %swap3A_517], %broadcast_in_dim3A_514 {strides = array<i32>} : memref<16x128xf32, #tpu.memory_space<vmem>>, vector<16xf32>,
    %broadcast_in_dim3A_519 = arith.constant 0.000000e+00 : f32
    %broadcast_in_dim3A_520 = vector.broadcast %broadcast_in_dim3A_519 : f32 to vector<16xf32>
    %swap3A_521 = arith.constant 10 : i32
    %swap3A_522 = arith.index_cast %swap3A_521 : i32 to index
    %swap3A_523 = arith.constant 96 : index
    %swap3A_524 = tpu.vector_load %arg14[%swap3A_522, %swap3A_523] {strides = array<i32>} : memref<16x128xf32, #tpu.memory_space<vmem>>, vector<16xf32>,
    tpu.vector_store %arg14[%swap3A_522, %swap3A_523], %broadcast_in_dim3A_520 {strides = array<i32>} : memref<16x128xf32, #tpu.memory_space<vmem>>, vector<16xf32>,
    %broadcast_in_dim3A_525 = arith.constant 0.000000e+00 : f32
    %broadcast_in_dim3A_526 = vector.broadcast %broadcast_in_dim3A_525 : f32 to vector<16xf32>
    %swap3A_527 = arith.constant 10 : i32
    %swap3A_528 = arith.index_cast %swap3A_527 : i32 to index
    %swap3A_529 = arith.constant 112 : index
    %swap3A_530 = tpu.vector_load %arg14[%swap3A_528, %swap3A_529] {strides = array<i32>} : memref<16x128xf32, #tpu.memory_space<vmem>>, vector<16xf32>,
    tpu.vector_store %arg14[%swap3A_528, %swap3A_529], %broadcast_in_dim3A_526 {strides = array<i32>} : memref<16x128xf32, #tpu.memory_space<vmem>>, vector<16xf32>,
    %broadcast_in_dim3A_531 = arith.constant 0.000000e+00 : f32
    %broadcast_in_dim3A_532 = vector.broadcast %broadcast_in_dim3A_531 : f32 to vector<16xf32>
    %swap3A_533 = arith.constant 11 : i32
    %swap3A_534 = arith.index_cast %swap3A_533 : i32 to index
    %swap3A_535 = arith.constant 0 : index
    %swap3A_536 = tpu.vector_load %arg14[%swap3A_534, %swap3A_535] {strides = array<i32>} : memref<16x128xf32, #tpu.memory_space<vmem>>, vector<16xf32>,
    tpu.vector_store %arg14[%swap3A_534, %swap3A_535], %broadcast_in_dim3A_532 {strides = array<i32>} : memref<16x128xf32, #tpu.memory_space<vmem>>, vector<16xf32>,
    %broadcast_in_dim3A_537 = arith.constant 0.000000e+00 : f32
    %broadcast_in_dim3A_538 = vector.broadcast %broadcast_in_dim3A_537 : f32 to vector<16xf32>
    %swap3A_539 = arith.constant 11 : i32
    %swap3A_540 = arith.index_cast %swap3A_539 : i32 to index
    %swap3A_541 = arith.constant 16 : index
    %swap3A_542 = tpu.vector_load %arg14[%swap3A_540, %swap3A_541] {strides = array<i32>} : memref<16x128xf32, #tpu.memory_space<vmem>>, vector<16xf32>,
    tpu.vector_store %arg14[%swap3A_540, %swap3A_541], %broadcast_in_dim3A_538 {strides = array<i32>} : memref<16x128xf32, #tpu.memory_space<vmem>>, vector<16xf32>,
    %broadcast_in_dim3A_543 = arith.constant 0.000000e+00 : f32
    %broadcast_in_dim3A_544 = vector.broadcast %broadcast_in_dim3A_543 : f32 to vector<16xf32>
    %swap3A_545 = arith.constant 11 : i32
    %swap3A_546 = arith.index_cast %swap3A_545 : i32 to index
    %swap3A_547 = arith.constant 32 : index
    %swap3A_548 = tpu.vector_load %arg14[%swap3A_546, %swap3A_547] {strides = array<i32>} : memref<16x128xf32, #tpu.memory_space<vmem>>, vector<16xf32>,
    tpu.vector_store %arg14[%swap3A_546, %swap3A_547], %broadcast_in_dim3A_544 {strides = array<i32>} : memref<16x128xf32, #tpu.memory_space<vmem>>, vector<16xf32>,
    %broadcast_in_dim3A_549 = arith.constant 0.000000e+00 : f32
    %broadcast_in_dim3A_550 = vector.broadcast %broadcast_in_dim3A_549 : f32 to vector<16xf32>
    %swap3A_551 = arith.constant 11 : i32
    %swap3A_552 = arith.index_cast %swap3A_551 : i32 to index
    %swap3A_553 = arith.constant 48 : index
    %swap3A_554 = tpu.vector_load %arg14[%swap3A_552, %swap3A_553] {strides = array<i32>} : memref<16x128xf32, #tpu.memory_space<vmem>>, vector<16xf32>,
    tpu.vector_store %arg14[%swap3A_552, %swap3A_553], %broadcast_in_dim3A_550 {strides = array<i32>} : memref<16x128xf32, #tpu.memory_space<vmem>>, vector<16xf32>,
    %broadcast_in_dim3A_555 = arith.constant 0.000000e+00 : f32
    %broadcast_in_dim3A_556 = vector.broadcast %broadcast_in_dim3A_555 : f32 to vector<16xf32>
    %swap3A_557 = arith.constant 11 : i32
    %swap3A_558 = arith.index_cast %swap3A_557 : i32 to index
    %swap3A_559 = arith.constant 64 : index
    %swap3A_560 = tpu.vector_load %arg14[%swap3A_558, %swap3A_559] {strides = array<i32>} : memref<16x128xf32, #tpu.memory_space<vmem>>, vector<16xf32>,
    tpu.vector_store %arg14[%swap3A_558, %swap3A_559], %broadcast_in_dim3A_556 {strides = array<i32>} : memref<16x128xf32, #tpu.memory_space<vmem>>, vector<16xf32>,
    %broadcast_in_dim3A_561 = arith.constant 0.000000e+00 : f32
    %broadcast_in_dim3A_562 = vector.broadcast %broadcast_in_dim3A_561 : f32 to vector<16xf32>
    %swap3A_563 = arith.constant 11 : i32
    %swap3A_564 = arith.index_cast %swap3A_563 : i32 to index
    %swap3A_565 = arith.constant 80 : index
    %swap3A_566 = tpu.vector_load %arg14[%swap3A_564, %swap3A_565] {strides = array<i32>} : memref<16x128xf32, #tpu.memory_space<vmem>>, vector<16xf32>,
    tpu.vector_store %arg14[%swap3A_564, %swap3A_565], %broadcast_in_dim3A_562 {strides = array<i32>} : memref<16x128xf32, #tpu.memory_space<vmem>>, vector<16xf32>,
    %broadcast_in_dim3A_567 = arith.constant 0.000000e+00 : f32
    %broadcast_in_dim3A_568 = vector.broadcast %broadcast_in_dim3A_567 : f32 to vector<16xf32>
    %swap3A_569 = arith.constant 11 : i32
    %swap3A_570 = arith.index_cast %swap3A_569 : i32 to index
    %swap3A_571 = arith.constant 96 : index
    %swap3A_572 = tpu.vector_load %arg14[%swap3A_570, %swap3A_571] {strides = array<i32>} : memref<16x128xf32, #tpu.memory_space<vmem>>, vector<16xf32>,
    tpu.vector_store %arg14[%swap3A_570, %swap3A_571], %broadcast_in_dim3A_568 {strides = array<i32>} : memref<16x128xf32, #tpu.memory_space<vmem>>, vector<16xf32>,
    %broadcast_in_dim3A_573 = arith.constant 0.000000e+00 : f32
    %broadcast_in_dim3A_574 = vector.broadcast %broadcast_in_dim3A_573 : f32 to vector<16xf32>
    %swap3A_575 = arith.constant 11 : i32
    %swap3A_576 = arith.index_cast %swap3A_575 : i32 to index
    %swap3A_577 = arith.constant 112 : index
    %swap3A_578 = tpu.vector_load %arg14[%swap3A_576, %swap3A_577] {strides = array<i32>} : memref<16x128xf32, #tpu.memory_space<vmem>>, vector<16xf32>,
    tpu.vector_store %arg14[%swap3A_576, %swap3A_577], %broadcast_in_dim3A_574 {strides = array<i32>} : memref<16x128xf32, #tpu.memory_space<vmem>>, vector<16xf32>,
    %broadcast_in_dim3A_579 = arith.constant 0.000000e+00 : f32
    %broadcast_in_dim3A_580 = vector.broadcast %broadcast_in_dim3A_579 : f32 to vector<16xf32>
    %swap3A_581 = arith.constant 12 : i32
    %swap3A_582 = arith.index_cast %swap3A_581 : i32 to index
    %swap3A_583 = arith.constant 0 : index
    %swap3A_584 = tpu.vector_load %arg14[%swap3A_582, %swap3A_583] {strides = array<i32>} : memref<16x128xf32, #tpu.memory_space<vmem>>, vector<16xf32>,
    tpu.vector_store %arg14[%swap3A_582, %swap3A_583], %broadcast_in_dim3A_580 {strides = array<i32>} : memref<16x128xf32, #tpu.memory_space<vmem>>, vector<16xf32>,
    %broadcast_in_dim3A_585 = arith.constant 0.000000e+00 : f32
    %broadcast_in_dim3A_586 = vector.broadcast %broadcast_in_dim3A_585 : f32 to vector<16xf32>
    %swap3A_587 = arith.constant 12 : i32
    %swap3A_588 = arith.index_cast %swap3A_587 : i32 to index
    %swap3A_589 = arith.constant 16 : index
    %swap3A_590 = tpu.vector_load %arg14[%swap3A_588, %swap3A_589] {strides = array<i32>} : memref<16x128xf32, #tpu.memory_space<vmem>>, vector<16xf32>,
    tpu.vector_store %arg14[%swap3A_588, %swap3A_589], %broadcast_in_dim3A_586 {strides = array<i32>} : memref<16x128xf32, #tpu.memory_space<vmem>>, vector<16xf32>,
    %broadcast_in_dim3A_591 = arith.constant 0.000000e+00 : f32
    %broadcast_in_dim3A_592 = vector.broadcast %broadcast_in_dim3A_591 : f32 to vector<16xf32>
    %swap3A_593 = arith.constant 12 : i32
    %swap3A_594 = arith.index_cast %swap3A_593 : i32 to index
    %swap3A_595 = arith.constant 32 : index
    %swap3A_596 = tpu.vector_load %arg14[%swap3A_594, %swap3A_595] {strides = array<i32>} : memref<16x128xf32, #tpu.memory_space<vmem>>, vector<16xf32>,
    tpu.vector_store %arg14[%swap3A_594, %swap3A_595], %broadcast_in_dim3A_592 {strides = array<i32>} : memref<16x128xf32, #tpu.memory_space<vmem>>, vector<16xf32>,
    %broadcast_in_dim3A_597 = arith.constant 0.000000e+00 : f32
    %broadcast_in_dim3A_598 = vector.broadcast %broadcast_in_dim3A_597 : f32 to vector<16xf32>
    %swap3A_599 = arith.constant 12 : i32
    %swap3A_600 = arith.index_cast %swap3A_599 : i32 to index
    %swap3A_601 = arith.constant 48 : index
    %swap3A_602 = tpu.vector_load %arg14[%swap3A_600, %swap3A_601] {strides = array<i32>} : memref<16x128xf32, #tpu.memory_space<vmem>>, vector<16xf32>,
    tpu.vector_store %arg14[%swap3A_600, %swap3A_601], %broadcast_in_dim3A_598 {strides = array<i32>} : memref<16x128xf32, #tpu.memory_space<vmem>>, vector<16xf32>,
    %broadcast_in_dim3A_603 = arith.constant 0.000000e+00 : f32
    %broadcast_in_dim3A_604 = vector.broadcast %broadcast_in_dim3A_603 : f32 to vector<16xf32>
    %swap3A_605 = arith.constant 12 : i32
    %swap3A_606 = arith.index_cast %swap3A_605 : i32 to index
    %swap3A_607 = arith.constant 64 : index
    %swap3A_608 = tpu.vector_load %arg14[%swap3A_606, %swap3A_607] {strides = array<i32>} : memref<16x128xf32, #tpu.memory_space<vmem>>, vector<16xf32>,
    tpu.vector_store %arg14[%swap3A_606, %swap3A_607], %broadcast_in_dim3A_604 {strides = array<i32>} : memref<16x128xf32, #tpu.memory_space<vmem>>, vector<16xf32>,
    %broadcast_in_dim3A_609 = arith.constant 0.000000e+00 : f32
    %broadcast_in_dim3A_610 = vector.broadcast %broadcast_in_dim3A_609 : f32 to vector<16xf32>
    %swap3A_611 = arith.constant 12 : i32
    %swap3A_612 = arith.index_cast %swap3A_611 : i32 to index
    %swap3A_613 = arith.constant 80 : index
    %swap3A_614 = tpu.vector_load %arg14[%swap3A_612, %swap3A_613] {strides = array<i32>} : memref<16x128xf32, #tpu.memory_space<vmem>>, vector<16xf32>,
    tpu.vector_store %arg14[%swap3A_612, %swap3A_613], %broadcast_in_dim3A_610 {strides = array<i32>} : memref<16x128xf32, #tpu.memory_space<vmem>>, vector<16xf32>,
    %broadcast_in_dim3A_615 = arith.constant 0.000000e+00 : f32
    %broadcast_in_dim3A_616 = vector.broadcast %broadcast_in_dim3A_615 : f32 to vector<16xf32>
    %swap3A_617 = arith.constant 12 : i32
    %swap3A_618 = arith.index_cast %swap3A_617 : i32 to index
    %swap3A_619 = arith.constant 96 : index
    %swap3A_620 = tpu.vector_load %arg14[%swap3A_618, %swap3A_619] {strides = array<i32>} : memref<16x128xf32, #tpu.memory_space<vmem>>, vector<16xf32>,
    tpu.vector_store %arg14[%swap3A_618, %swap3A_619], %broadcast_in_dim3A_616 {strides = array<i32>} : memref<16x128xf32, #tpu.memory_space<vmem>>, vector<16xf32>,
    %broadcast_in_dim3A_621 = arith.constant 0.000000e+00 : f32
    %broadcast_in_dim3A_622 = vector.broadcast %broadcast_in_dim3A_621 : f32 to vector<16xf32>
    %swap3A_623 = arith.constant 12 : i32
    %swap3A_624 = arith.index_cast %swap3A_623 : i32 to index
    %swap3A_625 = arith.constant 112 : index
    %swap3A_626 = tpu.vector_load %arg14[%swap3A_624, %swap3A_625] {strides = array<i32>} : memref<16x128xf32, #tpu.memory_space<vmem>>, vector<16xf32>,
    tpu.vector_store %arg14[%swap3A_624, %swap3A_625], %broadcast_in_dim3A_622 {strides = array<i32>} : memref<16x128xf32, #tpu.memory_space<vmem>>, vector<16xf32>,
    %broadcast_in_dim3A_627 = arith.constant 0.000000e+00 : f32
    %broadcast_in_dim3A_628 = vector.broadcast %broadcast_in_dim3A_627 : f32 to vector<16xf32>
    %swap3A_629 = arith.constant 13 : i32
    %swap3A_630 = arith.index_cast %swap3A_629 : i32 to index
    %swap3A_631 = arith.constant 0 : index
    %swap3A_632 = tpu.vector_load %arg14[%swap3A_630, %swap3A_631] {strides = array<i32>} : memref<16x128xf32, #tpu.memory_space<vmem>>, vector<16xf32>,
    tpu.vector_store %arg14[%swap3A_630, %swap3A_631], %broadcast_in_dim3A_628 {strides = array<i32>} : memref<16x128xf32, #tpu.memory_space<vmem>>, vector<16xf32>,
    %broadcast_in_dim3A_633 = arith.constant 0.000000e+00 : f32
    %broadcast_in_dim3A_634 = vector.broadcast %broadcast_in_dim3A_633 : f32 to vector<16xf32>
    %swap3A_635 = arith.constant 13 : i32
    %swap3A_636 = arith.index_cast %swap3A_635 : i32 to index
    %swap3A_637 = arith.constant 16 : index
    %swap3A_638 = tpu.vector_load %arg14[%swap3A_636, %swap3A_637] {strides = array<i32>} : memref<16x128xf32, #tpu.memory_space<vmem>>, vector<16xf32>,
    tpu.vector_store %arg14[%swap3A_636, %swap3A_637], %broadcast_in_dim3A_634 {strides = array<i32>} : memref<16x128xf32, #tpu.memory_space<vmem>>, vector<16xf32>,
    %broadcast_in_dim3A_639 = arith.constant 0.000000e+00 : f32
    %broadcast_in_dim3A_640 = vector.broadcast %broadcast_in_dim3A_639 : f32 to vector<16xf32>
    %swap3A_641 = arith.constant 13 : i32
    %swap3A_642 = arith.index_cast %swap3A_641 : i32 to index
    %swap3A_643 = arith.constant 32 : index
    %swap3A_644 = tpu.vector_load %arg14[%swap3A_642, %swap3A_643] {strides = array<i32>} : memref<16x128xf32, #tpu.memory_space<vmem>>, vector<16xf32>,
    tpu.vector_store %arg14[%swap3A_642, %swap3A_643], %broadcast_in_dim3A_640 {strides = array<i32>} : memref<16x128xf32, #tpu.memory_space<vmem>>, vector<16xf32>,
    %broadcast_in_dim3A_645 = arith.constant 0.000000e+00 : f32
    %broadcast_in_dim3A_646 = vector.broadcast %broadcast_in_dim3A_645 : f32 to vector<16xf32>
    %swap3A_647 = arith.constant 13 : i32
    %swap3A_648 = arith.index_cast %swap3A_647 : i32 to index
    %swap3A_649 = arith.constant 48 : index
    %swap3A_650 = tpu.vector_load %arg14[%swap3A_648, %swap3A_649] {strides = array<i32>} : memref<16x128xf32, #tpu.memory_space<vmem>>, vector<16xf32>,
    tpu.vector_store %arg14[%swap3A_648, %swap3A_649], %broadcast_in_dim3A_646 {strides = array<i32>} : memref<16x128xf32, #tpu.memory_space<vmem>>, vector<16xf32>,
    %broadcast_in_dim3A_651 = arith.constant 0.000000e+00 : f32
    %broadcast_in_dim3A_652 = vector.broadcast %broadcast_in_dim3A_651 : f32 to vector<16xf32>
    %swap3A_653 = arith.constant 13 : i32
    %swap3A_654 = arith.index_cast %swap3A_653 : i32 to index
    %swap3A_655 = arith.constant 64 : index
    %swap3A_656 = tpu.vector_load %arg14[%swap3A_654, %swap3A_655] {strides = array<i32>} : memref<16x128xf32, #tpu.memory_space<vmem>>, vector<16xf32>,
    tpu.vector_store %arg14[%swap3A_654, %swap3A_655], %broadcast_in_dim3A_652 {strides = array<i32>} : memref<16x128xf32, #tpu.memory_space<vmem>>, vector<16xf32>,
    %broadcast_in_dim3A_657 = arith.constant 0.000000e+00 : f32
    %broadcast_in_dim3A_658 = vector.broadcast %broadcast_in_dim3A_657 : f32 to vector<16xf32>
    %swap3A_659 = arith.constant 13 : i32
    %swap3A_660 = arith.index_cast %swap3A_659 : i32 to index
    %swap3A_661 = arith.constant 80 : index
    %swap3A_662 = tpu.vector_load %arg14[%swap3A_660, %swap3A_661] {strides = array<i32>} : memref<16x128xf32, #tpu.memory_space<vmem>>, vector<16xf32>,
    tpu.vector_store %arg14[%swap3A_660, %swap3A_661], %broadcast_in_dim3A_658 {strides = array<i32>} : memref<16x128xf32, #tpu.memory_space<vmem>>, vector<16xf32>,
    %broadcast_in_dim3A_663 = arith.constant 0.000000e+00 : f32
    %broadcast_in_dim3A_664 = vector.broadcast %broadcast_in_dim3A_663 : f32 to vector<16xf32>
    %swap3A_665 = arith.constant 13 : i32
    %swap3A_666 = arith.index_cast %swap3A_665 : i32 to index
    %swap3A_667 = arith.constant 96 : index
    %swap3A_668 = tpu.vector_load %arg14[%swap3A_666, %swap3A_667] {strides = array<i32>} : memref<16x128xf32, #tpu.memory_space<vmem>>, vector<16xf32>,
    tpu.vector_store %arg14[%swap3A_666, %swap3A_667], %broadcast_in_dim3A_664 {strides = array<i32>} : memref<16x128xf32, #tpu.memory_space<vmem>>, vector<16xf32>,
    %broadcast_in_dim3A_669 = arith.constant 0.000000e+00 : f32
    %broadcast_in_dim3A_670 = vector.broadcast %broadcast_in_dim3A_669 : f32 to vector<16xf32>
    %swap3A_671 = arith.constant 13 : i32
    %swap3A_672 = arith.index_cast %swap3A_671 : i32 to index
    %swap3A_673 = arith.constant 112 : index
    %swap3A_674 = tpu.vector_load %arg14[%swap3A_672, %swap3A_673] {strides = array<i32>} : memref<16x128xf32, #tpu.memory_space<vmem>>, vector<16xf32>,
    tpu.vector_store %arg14[%swap3A_672, %swap3A_673], %broadcast_in_dim3A_670 {strides = array<i32>} : memref<16x128xf32, #tpu.memory_space<vmem>>, vector<16xf32>,
    %broadcast_in_dim3A_675 = arith.constant 0.000000e+00 : f32
    %broadcast_in_dim3A_676 = vector.broadcast %broadcast_in_dim3A_675 : f32 to vector<16xf32>
    %swap3A_677 = arith.constant 14 : i32
    %swap3A_678 = arith.index_cast %swap3A_677 : i32 to index
    %swap3A_679 = arith.constant 0 : index
    %swap3A_680 = tpu.vector_load %arg14[%swap3A_678, %swap3A_679] {strides = array<i32>} : memref<16x128xf32, #tpu.memory_space<vmem>>, vector<16xf32>,
    tpu.vector_store %arg14[%swap3A_678, %swap3A_679], %broadcast_in_dim3A_676 {strides = array<i32>} : memref<16x128xf32, #tpu.memory_space<vmem>>, vector<16xf32>,
    %broadcast_in_dim3A_681 = arith.constant 0.000000e+00 : f32
    %broadcast_in_dim3A_682 = vector.broadcast %broadcast_in_dim3A_681 : f32 to vector<16xf32>
    %swap3A_683 = arith.constant 14 : i32
    %swap3A_684 = arith.index_cast %swap3A_683 : i32 to index
    %swap3A_685 = arith.constant 16 : index
    %swap3A_686 = tpu.vector_load %arg14[%swap3A_684, %swap3A_685] {strides = array<i32>} : memref<16x128xf32, #tpu.memory_space<vmem>>, vector<16xf32>,
    tpu.vector_store %arg14[%swap3A_684, %swap3A_685], %broadcast_in_dim3A_682 {strides = array<i32>} : memref<16x128xf32, #tpu.memory_space<vmem>>, vector<16xf32>,
    %broadcast_in_dim3A_687 = arith.constant 0.000000e+00 : f32
    %broadcast_in_dim3A_688 = vector.broadcast %broadcast_in_dim3A_687 : f32 to vector<16xf32>
    %swap3A_689 = arith.constant 14 : i32
    %swap3A_690 = arith.index_cast %swap3A_689 : i32 to index
    %swap3A_691 = arith.constant 32 : index
    %swap3A_692 = tpu.vector_load %arg14[%swap3A_690, %swap3A_691] {strides = array<i32>} : memref<16x128xf32, #tpu.memory_space<vmem>>, vector<16xf32>,
    tpu.vector_store %arg14[%swap3A_690, %swap3A_691], %broadcast_in_dim3A_688 {strides = array<i32>} : memref<16x128xf32, #tpu.memory_space<vmem>>, vector<16xf32>,
    %broadcast_in_dim3A_693 = arith.constant 0.000000e+00 : f32
    %broadcast_in_dim3A_694 = vector.broadcast %broadcast_in_dim3A_693 : f32 to vector<16xf32>
    %swap3A_695 = arith.constant 14 : i32
    %swap3A_696 = arith.index_cast %swap3A_695 : i32 to index
    %swap3A_697 = arith.constant 48 : index
    %swap3A_698 = tpu.vector_load %arg14[%swap3A_696, %swap3A_697] {strides = array<i32>} : memref<16x128xf32, #tpu.memory_space<vmem>>, vector<16xf32>,
    tpu.vector_store %arg14[%swap3A_696, %swap3A_697], %broadcast_in_dim3A_694 {strides = array<i32>} : memref<16x128xf32, #tpu.memory_space<vmem>>, vector<16xf32>,
    %broadcast_in_dim3A_699 = arith.constant 0.000000e+00 : f32
    %broadcast_in_dim3A_700 = vector.broadcast %broadcast_in_dim3A_699 : f32 to vector<16xf32>
    %swap3A_701 = arith.constant 14 : i32
    %swap3A_702 = arith.index_cast %swap3A_701 : i32 to index
    %swap3A_703 = arith.constant 64 : index
    %swap3A_704 = tpu.vector_load %arg14[%swap3A_702, %swap3A_703] {strides = array<i32>} : memref<16x128xf32, #tpu.memory_space<vmem>>, vector<16xf32>,
    tpu.vector_store %arg14[%swap3A_702, %swap3A_703], %broadcast_in_dim3A_700 {strides = array<i32>} : memref<16x128xf32, #tpu.memory_space<vmem>>, vector<16xf32>,
    %broadcast_in_dim3A_705 = arith.constant 0.000000e+00 : f32
    %broadcast_in_dim3A_706 = vector.broadcast %broadcast_in_dim3A_705 : f32 to vector<16xf32>
    %swap3A_707 = arith.constant 14 : i32
    %swap3A_708 = arith.index_cast %swap3A_707 : i32 to index
    %swap3A_709 = arith.constant 80 : index
    %swap3A_710 = tpu.vector_load %arg14[%swap3A_708, %swap3A_709] {strides = array<i32>} : memref<16x128xf32, #tpu.memory_space<vmem>>, vector<16xf32>,
    tpu.vector_store %arg14[%swap3A_708, %swap3A_709], %broadcast_in_dim3A_706 {strides = array<i32>} : memref<16x128xf32, #tpu.memory_space<vmem>>, vector<16xf32>,
    %broadcast_in_dim3A_711 = arith.constant 0.000000e+00 : f32
    %broadcast_in_dim3A_712 = vector.broadcast %broadcast_in_dim3A_711 : f32 to vector<16xf32>
    %swap3A_713 = arith.constant 14 : i32
    %swap3A_714 = arith.index_cast %swap3A_713 : i32 to index
    %swap3A_715 = arith.constant 96 : index
    %swap3A_716 = tpu.vector_load %arg14[%swap3A_714, %swap3A_715] {strides = array<i32>} : memref<16x128xf32, #tpu.memory_space<vmem>>, vector<16xf32>,
    tpu.vector_store %arg14[%swap3A_714, %swap3A_715], %broadcast_in_dim3A_712 {strides = array<i32>} : memref<16x128xf32, #tpu.memory_space<vmem>>, vector<16xf32>,
    %broadcast_in_dim3A_717 = arith.constant 0.000000e+00 : f32
    %broadcast_in_dim3A_718 = vector.broadcast %broadcast_in_dim3A_717 : f32 to vector<16xf32>
    %swap3A_719 = arith.constant 14 : i32
    %swap3A_720 = arith.index_cast %swap3A_719 : i32 to index
    %swap3A_721 = arith.constant 112 : index
    %swap3A_722 = tpu.vector_load %arg14[%swap3A_720, %swap3A_721] {strides = array<i32>} : memref<16x128xf32, #tpu.memory_space<vmem>>, vector<16xf32>,
    tpu.vector_store %arg14[%swap3A_720, %swap3A_721], %broadcast_in_dim3A_718 {strides = array<i32>} : memref<16x128xf32, #tpu.memory_space<vmem>>, vector<16xf32>,
    %broadcast_in_dim3A_723 = arith.constant 0.000000e+00 : f32
    %broadcast_in_dim3A_724 = vector.broadcast %broadcast_in_dim3A_723 : f32 to vector<16xf32>
    %swap3A_725 = arith.constant 15 : i32
    %swap3A_726 = arith.index_cast %swap3A_725 : i32 to index
    %swap3A_727 = arith.constant 0 : index
    %swap3A_728 = tpu.vector_load %arg14[%swap3A_726, %swap3A_727] {strides = array<i32>} : memref<16x128xf32, #tpu.memory_space<vmem>>, vector<16xf32>,
    tpu.vector_store %arg14[%swap3A_726, %swap3A_727], %broadcast_in_dim3A_724 {strides = array<i32>} : memref<16x128xf32, #tpu.memory_space<vmem>>, vector<16xf32>,
    %broadcast_in_dim3A_729 = arith.constant 0.000000e+00 : f32
    %broadcast_in_dim3A_730 = vector.broadcast %broadcast_in_dim3A_729 : f32 to vector<16xf32>
    %swap3A_731 = arith.constant 15 : i32
    %swap3A_732 = arith.index_cast %swap3A_731 : i32 to index
    %swap3A_733 = arith.constant 16 : index
    %swap3A_734 = tpu.vector_load %arg14[%swap3A_732, %swap3A_733] {strides = array<i32>} : memref<16x128xf32, #tpu.memory_space<vmem>>, vector<16xf32>,
    tpu.vector_store %arg14[%swap3A_732, %swap3A_733], %broadcast_in_dim3A_730 {strides = array<i32>} : memref<16x128xf32, #tpu.memory_space<vmem>>, vector<16xf32>,
    %broadcast_in_dim3A_735 = arith.constant 0.000000e+00 : f32
    %broadcast_in_dim3A_736 = vector.broadcast %broadcast_in_dim3A_735 : f32 to vector<16xf32>
    %swap3A_737 = arith.constant 15 : i32
    %swap3A_738 = arith.index_cast %swap3A_737 : i32 to index
    %swap3A_739 = arith.constant 32 : index
    %swap3A_740 = tpu.vector_load %arg14[%swap3A_738, %swap3A_739] {strides = array<i32>} : memref<16x128xf32, #tpu.memory_space<vmem>>, vector<16xf32>,
    tpu.vector_store %arg14[%swap3A_738, %swap3A_739], %broadcast_in_dim3A_736 {strides = array<i32>} : memref<16x128xf32, #tpu.memory_space<vmem>>, vector<16xf32>,
    %broadcast_in_dim3A_741 = arith.constant 0.000000e+00 : f32
    %broadcast_in_dim3A_742 = vector.broadcast %broadcast_in_dim3A_741 : f32 to vector<16xf32>
    %swap3A_743 = arith.constant 15 : i32
    %swap3A_744 = arith.index_cast %swap3A_743 : i32 to index
    %swap3A_745 = arith.constant 48 : index
    %swap3A_746 = tpu.vector_load %arg14[%swap3A_744, %swap3A_745] {strides = array<i32>} : memref<16x128xf32, #tpu.memory_space<vmem>>, vector<16xf32>,
    tpu.vector_store %arg14[%swap3A_744, %swap3A_745], %broadcast_in_dim3A_742 {strides = array<i32>} : memref<16x128xf32, #tpu.memory_space<vmem>>, vector<16xf32>,
    %broadcast_in_dim3A_747 = arith.constant 0.000000e+00 : f32
    %broadcast_in_dim3A_748 = vector.broadcast %broadcast_in_dim3A_747 : f32 to vector<16xf32>
    %swap3A_749 = arith.constant 15 : i32
    %swap3A_750 = arith.index_cast %swap3A_749 : i32 to index
    %swap3A_751 = arith.constant 64 : index
    %swap3A_752 = tpu.vector_load %arg14[%swap3A_750, %swap3A_751] {strides = array<i32>} : memref<16x128xf32, #tpu.memory_space<vmem>>, vector<16xf32>,
    tpu.vector_store %arg14[%swap3A_750, %swap3A_751], %broadcast_in_dim3A_748 {strides = array<i32>} : memref<16x128xf32, #tpu.memory_space<vmem>>, vector<16xf32>,
    %broadcast_in_dim3A_753 = arith.constant 0.000000e+00 : f32
    %broadcast_in_dim3A_754 = vector.broadcast %broadcast_in_dim3A_753 : f32 to vector<16xf32>
    %swap3A_755 = arith.constant 15 : i32
    %swap3A_756 = arith.index_cast %swap3A_755 : i32 to index
    %swap3A_757 = arith.constant 80 : index
    %swap3A_758 = tpu.vector_load %arg14[%swap3A_756, %swap3A_757] {strides = array<i32>} : memref<16x128xf32, #tpu.memory_space<vmem>>, vector<16xf32>,
    tpu.vector_store %arg14[%swap3A_756, %swap3A_757], %broadcast_in_dim3A_754 {strides = array<i32>} : memref<16x128xf32, #tpu.memory_space<vmem>>, vector<16xf32>,
    %broadcast_in_dim3A_759 = arith.constant 0.000000e+00 : f32
    %broadcast_in_dim3A_760 = vector.broadcast %broadcast_in_dim3A_759 : f32 to vector<16xf32>
    %swap3A_761 = arith.constant 15 : i32
    %swap3A_762 = arith.index_cast %swap3A_761 : i32 to index
    %swap3A_763 = arith.constant 96 : index
    %swap3A_764 = tpu.vector_load %arg14[%swap3A_762, %swap3A_763] {strides = array<i32>} : memref<16x128xf32, #tpu.memory_space<vmem>>, vector<16xf32>,
    tpu.vector_store %arg14[%swap3A_762, %swap3A_763], %broadcast_in_dim3A_760 {strides = array<i32>} : memref<16x128xf32, #tpu.memory_space<vmem>>, vector<16xf32>,
    %broadcast_in_dim3A_765 = arith.constant 0.000000e+00 : f32
    %broadcast_in_dim3A_766 = vector.broadcast %broadcast_in_dim3A_765 : f32 to vector<16xf32>
    %swap3A_767 = arith.constant 15 : i32
    %swap3A_768 = arith.index_cast %swap3A_767 : i32 to index
    %swap3A_769 = arith.constant 112 : index
    %swap3A_770 = tpu.vector_load %arg14[%swap3A_768, %swap3A_769] {strides = array<i32>} : memref<16x128xf32, #tpu.memory_space<vmem>>, vector<16xf32>,
    tpu.vector_store %arg14[%swap3A_768, %swap3A_769], %broadcast_in_dim3A_766 {strides = array<i32>} : memref<16x128xf32, #tpu.memory_space<vmem>>, vector<16xf32>,
    %scan3A = arith.constant 0 : i32
    %scan3A_771 = arith.constant 0 : i32
    %scan3A_772 = arith.constant 40 : i32
    %scan3A_773 = arith.addi %scan3A_771, %scan3A_772 : i32
    %scan3A_774 = arith.constant 1 : i32
    %scan3A_775 = scf.for %scan3A_806 = %scan3A_771 to %scan3A_773 step %scan3A_774 iter_args(%scan3A_807 = %scan3A) -> (i32)  : i32 {
      %mul3A_808 = arith.constant 16 : i32
      %mul3A_809 = arith.muli %scan3A_806, %mul3A_808 : i32
      %add3A_810 = arith.addi %arg1, %mul3A_809 : i32
      %lt3A = arith.constant 625 : i32
      %lt3A_811 = arith.cmpi slt, %add3A_810, %lt3A : i32
      %convert_element_type3A = arith.extui %lt3A_811 : i1 to i32
      %cond3A = arith.constant 0 : i32
      %cond3A_812 = arith.cmpi ne, %convert_element_type3A, %cond3A : i32
      scf.if %cond3A_812 {
        %mul3A_814 = arith.constant 16 : i32
        %mul3A_815 = arith.muli %add3A_810, %mul3A_814 : i32
        "tpu.region"() ({
          %run_scoped3A = tpu.sem_alloc : memref<!tpu.dma_semaphore, #tpu.memory_space<semaphore_mem>>
          %dma_start3A_816 = arith.constant 0 : i32
          %dma_start3A_817 = tpu.memref_slice %arg15[%mul3A_815, %dma_start3A_816] : memref<10000x128xf32, #tpu.memory_space<vmem_shared>> -> memref<16x128xf32, #tpu.memory_space<vmem_shared>>
          %dma_start3A_818 = arith.constant 0 : i32
          %dma_start3A_819 = tpu.memref_slice %arg15[%mul3A_815, %dma_start3A_818] : memref<10000x128xf32, #tpu.memory_space<vmem_shared>> -> memref<16x128xf32, #tpu.memory_space<vmem_shared>>
          tpu.enqueue_dma source(%arg14 : memref<16x128xf32, #tpu.memory_space<vmem>>) target(%dma_start3A_819 : memref<16x128xf32, #tpu.memory_space<vmem_shared>>) target_semaphore(%run_scoped3A : memref<!tpu.dma_semaphore, #tpu.memory_space<semaphore_mem>>)
          %dma_wait3A_820 = arith.constant 0 : i32
          %dma_wait3A_821 = tpu.memref_slice %arg15[%mul3A_815, %dma_wait3A_820] : memref<10000x128xf32, #tpu.memory_space<vmem_shared>> -> memref<16x128xf32, #tpu.memory_space<vmem_shared>>
          %dma_wait3A_822 = arith.constant 0 : i32
          %dma_wait3A_823 = tpu.memref_slice %arg15[%mul3A_815, %dma_wait3A_822] : memref<10000x128xf32, #tpu.memory_space<vmem_shared>> -> memref<16x128xf32, #tpu.memory_space<vmem_shared>>
          tpu.wait_dma2 semaphore(%run_scoped3A : memref<!tpu.dma_semaphore, #tpu.memory_space<semaphore_mem>>) src(%arg14 : memref<16x128xf32, #tpu.memory_space<vmem>>) dst(%dma_wait3A_823 : memref<16x128xf32, #tpu.memory_space<vmem_shared>>)
          tpu.yield
        }) : () -> ()
      } else {
      }
      %scan3A_813 = arith.constant 0 : i32
      scf.yield %scan3A_813 : i32
    }
    %scan3A_776 = arith.constant 40 : i32
    %barrier3A = arith.constant 0 : index
    tpu.barrier barrier_id(%barrier3A)
    %add3A_777 = arith.constant 0 : i32
    %add3A_778 = arith.addi %mul3A_2, %add3A_777 : i32
    %dma_start3A = tpu.memref_slice %arg5[%add3A_778] : memref<320000xi32, #tpu.memory_space<hbm>> -> memref<80xi32, #tpu.memory_space<hbm>>
    %dma_start3A_779 = tpu.memref_slice %arg5[%add3A_778] : memref<320000xi32, #tpu.memory_space<hbm>> -> memref<80xi32, #tpu.memory_space<hbm>>
    tpu.enqueue_dma source(%dma_start3A_779 : memref<80xi32, #tpu.memory_space<hbm>>) target(%arg12 : memref<80xi32, #tpu.memory_space<vmem>>) target_semaphore(%arg16 : memref<!tpu.dma_semaphore, #tpu.memory_space<semaphore_mem>>)
    %dma_start3A_780 = arith.constant 0 : i32
    %dma_start3A_781 = tpu.memref_slice %arg3[%add3A_778, %dma_start3A_780] : memref<327680x128xf32, #tpu.memory_space<hbm>> -> memref<80x128xf32, #tpu.memory_space<hbm>>
    %dma_start3A_782 = arith.constant 0 : i32
    %dma_start3A_783 = tpu.memref_slice %arg3[%add3A_778, %dma_start3A_782] : memref<327680x128xf32, #tpu.memory_space<hbm>> -> memref<80x128xf32, #tpu.memory_space<hbm>>
    tpu.enqueue_dma source(%dma_start3A_783 : memref<80x128xf32, #tpu.memory_space<hbm>>) target(%arg10 : memref<80x128xf32, #tpu.memory_space<vmem>>) target_semaphore(%arg16 : memref<!tpu.dma_semaphore, #tpu.memory_space<semaphore_mem>>)
    %dma_start3A_784 = arith.constant 0 : i32
    %dma_start3A_785 = tpu.memref_slice %arg7[%dma_start3A_784] : memref<2000xi32, #tpu.memory_space<vmem>> -> memref<80xi32, #tpu.memory_space<vmem>>
    %dma_start3A_786 = arith.constant 0 : i32
    %dma_start3A_787 = arith.constant 0 : i32
    %dma_start3A_788 = tpu.memref_slice %arg2[%dma_start3A_786, %dma_start3A_787] : memref<10000x128xf32, #tpu.memory_space<hbm>> -> memref<10000x128xf32, #tpu.memory_space<hbm>>
    tpu.enqueue_indirect_dma source(%dma_start3A_788 : memref<10000x128xf32, #tpu.memory_space<hbm>>) target(%arg8 : memref<80x128xf32, #tpu.memory_space<vmem>>) offsets(%dma_start3A_785 : memref<80xi32, #tpu.memory_space<vmem>>) semaphore(%arg16 : memref<!tpu.dma_semaphore, #tpu.memory_space<semaphore_mem>>)
    %scan3A_789 = arith.constant 0 : i32
    %scan3A_790 = arith.constant 0 : i32
    %scan3A_791 = arith.constant 125 : i32
    %scan3A_792 = arith.addi %scan3A_790, %scan3A_791 : i32
    %scan3A_793 = arith.constant 1 : i32
    %scan3A_794 = scf.for %scan3A_806 = %scan3A_790 to %scan3A_792 step %scan3A_793 iter_args(%scan3A_807 = %scan3A_789) -> (i32)  : i32 {
      %jit3A = arith.constant 2 : i32
      %eq3A = arith.constant 0 : i32
      %eq3A_808 = arith.cmpi eq, %jit3A, %eq3A : i32
      %jit3A_809 = arith.constant 1 : i32
      %select_n3A = arith.select %eq3A_808, %jit3A_809, %jit3A : i32
      %rem3A = arith.remsi %scan3A_806, %select_n3A : i32
      %ne3A = arith.constant 0 : i32
      %ne3A_810 = arith.cmpi ne, %rem3A, %ne3A : i32
      %lt3A = arith.constant 0 : i32
      %lt3A_811 = arith.cmpi slt, %rem3A, %lt3A : i32
      %lt3A_812 = arith.constant 0 : i32
      %lt3A_813 = arith.cmpi slt, %select_n3A, %lt3A_812 : i32
      %ne3A_814 = arith.xori %lt3A_811, %lt3A_813 : i1
      %and3A = arith.andi %ne3A_814, %ne3A_810 : i1
      %add3A_815 = arith.addi %rem3A, %select_n3A : i32
      %select_n3A_816 = arith.select %and3A, %add3A_815, %rem3A : i32
      %eq3A_817 = arith.constant 0 : i32
      %eq3A_818 = arith.cmpi eq, %select_n3A_816, %eq3A_817 : i32
      %convert_element_type3A = arith.extui %eq3A_818 : i1 to i32
      %cond3A = arith.constant 0 : i32
      %cond3A_819 = arith.cmpi ne, %convert_element_type3A, %cond3A : i32
      scf.if %cond3A_819 {
        %dma_wait3A_842 = arith.constant 0 : i32
        %dma_wait3A_843 = tpu.memref_slice %arg5[%dma_wait3A_842] : memref<320000xi32, #tpu.memory_space<hbm>> -> memref<80xi32, #tpu.memory_space<hbm>>
        %dma_wait3A_844 = arith.constant 0 : i32
        %dma_wait3A_845 = tpu.memref_slice %arg5[%dma_wait3A_844] : memref<320000xi32, #tpu.memory_space<hbm>> -> memref<80xi32, #tpu.memory_space<hbm>>
        tpu.wait_dma2 semaphore(%arg16 : memref<!tpu.dma_semaphore, #tpu.memory_space<semaphore_mem>>) src(%dma_wait3A_845 : memref<80xi32, #tpu.memory_space<hbm>>) dst(%arg12 : memref<80xi32, #tpu.memory_space<vmem>>)
        %dma_wait3A_846 = arith.constant 0 : i32
        %dma_wait3A_847 = arith.constant 0 : i32
        %dma_wait3A_848 = tpu.memref_slice %arg3[%dma_wait3A_846, %dma_wait3A_847] : memref<327680x128xf32, #tpu.memory_space<hbm>> -> memref<80x128xf32, #tpu.memory_space<hbm>>
        %dma_wait3A_849 = arith.constant 0 : i32
        %dma_wait3A_850 = arith.constant 0 : i32
        %dma_wait3A_851 = tpu.memref_slice %arg3[%dma_wait3A_849, %dma_wait3A_850] : memref<327680x128xf32, #tpu.memory_space<hbm>> -> memref<80x128xf32, #tpu.memory_space<hbm>>
        tpu.wait_dma2 semaphore(%arg16 : memref<!tpu.dma_semaphore, #tpu.memory_space<semaphore_mem>>) src(%dma_wait3A_851 : memref<80x128xf32, #tpu.memory_space<hbm>>) dst(%arg10 : memref<80x128xf32, #tpu.memory_space<vmem>>)
        %dma_wait3A_852 = arith.constant 0 : i32
        %dma_wait3A_853 = tpu.memref_slice %arg7[%dma_wait3A_852] : memref<2000xi32, #tpu.memory_space<vmem>> -> memref<80xi32, #tpu.memory_space<vmem>>
        %dma_wait3A_854 = arith.constant 0 : i32
        %dma_wait3A_855 = arith.constant 0 : i32
        %dma_wait3A_856 = tpu.memref_slice %arg2[%dma_wait3A_854, %dma_wait3A_855] : memref<10000x128xf32, #tpu.memory_space<hbm>> -> memref<10000x128xf32, #tpu.memory_space<hbm>>
        tpu.wait_indirect_dma semaphore(%arg16 : memref<!tpu.dma_semaphore, #tpu.memory_space<semaphore_mem>>) src(%dma_wait3A_856 : memref<10000x128xf32, #tpu.memory_space<hbm>>) dst(%arg8 : memref<80x128xf32, #tpu.memory_space<vmem>>)
        %gt3A = arith.constant 0 : i32
        %gt3A_857 = arith.cmpi sgt, %scan3A_806, %gt3A : i32
        %convert_element_type3A_858 = arith.extui %gt3A_857 : i1 to i32
        %cond3A_859 = arith.constant 0 : i32
        %cond3A_860 = arith.cmpi ne, %convert_element_type3A_858, %cond3A_859 : i32
        scf.if %cond3A_860 {
          %dma_wait3A_901 = arith.constant 0 : i32
          %dma_wait3A_902 = arith.constant 0 : i32
          %dma_wait3A_903 = tpu.memref_slice %arg15[%dma_wait3A_901, %dma_wait3A_902] : memref<10000x128xf32, #tpu.memory_space<vmem_shared>> -> memref<10000x128xf32, #tpu.memory_space<vmem_shared>>
          tpu.wait_indirect_dma semaphore(%arg18 : memref<!tpu.dma_semaphore, #tpu.memory_space<semaphore_mem>>) src(%arg8 : memref<80x128xf32, #tpu.memory_space<vmem>>) dst(%dma_wait3A_903 : memref<10000x128xf32, #tpu.memory_space<vmem_shared>>)
        } else {
        }
        %add3A_861 = arith.constant 1 : i32
        %add3A_862 = arith.addi %scan3A_806, %add3A_861 : i32
        %jit3A_863 = arith.constant 25 : i32
        %eq3A_864 = arith.constant 0 : i32
        %eq3A_865 = arith.cmpi eq, %jit3A_863, %eq3A_864 : i32
        %jit3A_866 = arith.constant 1 : i32
        %select_n3A_867 = arith.select %eq3A_865, %jit3A_866, %jit3A_863 : i32
        %rem3A_868 = arith.remsi %add3A_862, %select_n3A_867 : i32
        %ne3A_869 = arith.constant 0 : i32
        %ne3A_870 = arith.cmpi ne, %rem3A_868, %ne3A_869 : i32
        %lt3A_871 = arith.constant 0 : i32
        %lt3A_872 = arith.cmpi slt, %rem3A_868, %lt3A_871 : i32
        %lt3A_873 = arith.constant 0 : i32
        %lt3A_874 = arith.cmpi slt, %select_n3A_867, %lt3A_873 : i32
        %ne3A_875 = arith.xori %lt3A_872, %lt3A_874 : i1
        %and3A_876 = arith.andi %ne3A_875, %ne3A_870 : i1
        %add3A_877 = arith.addi %rem3A_868, %select_n3A_867 : i32
        %select_n3A_878 = arith.select %and3A_876, %add3A_877, %rem3A_868 : i32
        %eq3A_879 = arith.constant 0 : i32
        %eq3A_880 = arith.cmpi eq, %select_n3A_878, %eq3A_879 : i32
        %convert_element_type3A_881 = arith.extui %eq3A_880 : i1 to i32
        %cond3A_882 = arith.constant 0 : i32
        %cond3A_883 = arith.cmpi ne, %convert_element_type3A_881, %cond3A_882 : i32
        scf.if %cond3A_883 {
          %add3A_901 = arith.constant 1 : i32
          %add3A_902 = arith.addi %scan3A_806, %add3A_901 : i32
          %jit3A_903 = arith.constant 25 : i32
          %div3A = arith.divsi %add3A_902, %jit3A_903 : i32
          %sign3A = arith.constant 0 : i32
          %sign3A_904 = arith.cmpi sgt, %add3A_902, %sign3A : i32
          %sign3A_905 = arith.extui %sign3A_904 : i1 to i32
          %sign3A_906 = arith.constant 0 : i32
          %sign3A_907 = arith.cmpi slt, %add3A_902, %sign3A_906 : i32
          %sign3A_908 = arith.extui %sign3A_907 : i1 to i32
          %sign3A_909 = arith.subi %sign3A_905, %sign3A_908 : i32
          %sign3A_910 = arith.constant 0 : i32
          %sign3A_911 = arith.cmpi sgt, %jit3A_903, %sign3A_910 : i32
          %sign3A_912 = arith.extui %sign3A_911 : i1 to i32
          %sign3A_913 = arith.constant 0 : i32
          %sign3A_914 = arith.cmpi slt, %jit3A_903, %sign3A_913 : i32
          %sign3A_915 = arith.extui %sign3A_914 : i1 to i32
          %sign3A_916 = arith.subi %sign3A_912, %sign3A_915 : i32
          %ne3A_917 = arith.cmpi ne, %sign3A_909, %sign3A_916 : i32
          %rem3A_918 = arith.remsi %add3A_902, %jit3A_903 : i32
          %ne3A_919 = arith.constant 0 : i32
          %ne3A_920 = arith.cmpi ne, %rem3A_918, %ne3A_919 : i32
          %and3A_921 = arith.andi %ne3A_917, %ne3A_920 : i1
          %sub3A = arith.constant 1 : i32
          %sub3A_922 = arith.subi %div3A, %sub3A : i32
          %select_n3A_923 = arith.select %and3A_921, %sub3A_922, %div3A : i32
          %mul3A_924 = arith.constant 2000 : i32
          %mul3A_925 = arith.muli %select_n3A_923, %mul3A_924 : i32
          %add3A_926 = arith.addi %mul3A_2, %mul3A_925 : i32
          "tpu.region"() ({
            %run_scoped3A = tpu.sem_alloc : memref<!tpu.dma_semaphore, #tpu.memory_space<semaphore_mem>>
            %dma_start3A_927 = tpu.memref_slice %arg4[%add3A_926] : memref<320000xi32, #tpu.memory_space<hbm>> -> memref<2000xi32, #tpu.memory_space<hbm>>
            %dma_start3A_928 = tpu.memref_slice %arg4[%add3A_926] : memref<320000xi32, #tpu.memory_space<hbm>> -> memref<2000xi32, #tpu.memory_space<hbm>>
            tpu.enqueue_dma source(%dma_start3A_928 : memref<2000xi32, #tpu.memory_space<hbm>>) target(%arg7 : memref<2000xi32, #tpu.memory_space<vmem>>) target_semaphore(%run_scoped3A : memref<!tpu.dma_semaphore, #tpu.memory_space<semaphore_mem>>)
            %dma_wait3A_929 = tpu.memref_slice %arg4[%add3A_926] : memref<320000xi32, #tpu.memory_space<hbm>> -> memref<2000xi32, #tpu.memory_space<hbm>>
            %dma_wait3A_930 = tpu.memref_slice %arg4[%add3A_926] : memref<320000xi32, #tpu.memory_space<hbm>> -> memref<2000xi32, #tpu.memory_space<hbm>>
            tpu.wait_dma2 semaphore(%run_scoped3A : memref<!tpu.dma_semaphore, #tpu.memory_space<semaphore_mem>>) src(%dma_wait3A_930 : memref<2000xi32, #tpu.memory_space<hbm>>) dst(%arg7 : memref<2000xi32, #tpu.memory_space<vmem>>)
            tpu.yield
          }) : () -> ()
        } else {
        }
        %add3A_884 = arith.constant 1 : i32
        %add3A_885 = arith.addi %scan3A_806, %add3A_884 : i32
        %lt3A_886 = arith.constant 125 : i32
        %lt3A_887 = arith.cmpi slt, %add3A_885, %lt3A_886 : i32
        %convert_element_type3A_888 = arith.extui %lt3A_887 : i1 to i32
        %cond3A_889 = arith.constant 0 : i32
        %cond3A_890 = arith.cmpi ne, %convert_element_type3A_888, %cond3A_889 : i32
        scf.if %cond3A_890 {
          %add3A_901 = arith.constant 1 : i32
          %add3A_902 = arith.addi %scan3A_806, %add3A_901 : i32
          %mul3A_903 = arith.constant 80 : i32
          %mul3A_904 = arith.muli %add3A_902, %mul3A_903 : i32
          %add3A_905 = arith.addi %mul3A_2, %mul3A_904 : i32
          %dma_start3A_906 = tpu.memref_slice %arg5[%add3A_905] : memref<320000xi32, #tpu.memory_space<hbm>> -> memref<80xi32, #tpu.memory_space<hbm>>
          %dma_start3A_907 = tpu.memref_slice %arg5[%add3A_905] : memref<320000xi32, #tpu.memory_space<hbm>> -> memref<80xi32, #tpu.memory_space<hbm>>
          tpu.enqueue_dma source(%dma_start3A_907 : memref<80xi32, #tpu.memory_space<hbm>>) target(%arg13 : memref<80xi32, #tpu.memory_space<vmem>>) target_semaphore(%arg17 : memref<!tpu.dma_semaphore, #tpu.memory_space<semaphore_mem>>)
          %dma_start3A_908 = arith.constant 0 : i32
          %dma_start3A_909 = tpu.memref_slice %arg3[%add3A_905, %dma_start3A_908] : memref<327680x128xf32, #tpu.memory_space<hbm>> -> memref<80x128xf32, #tpu.memory_space<hbm>>
          %dma_start3A_910 = arith.constant 0 : i32
          %dma_start3A_911 = tpu.memref_slice %arg3[%add3A_905, %dma_start3A_910] : memref<327680x128xf32, #tpu.memory_space<hbm>> -> memref<80x128xf32, #tpu.memory_space<hbm>>
          tpu.enqueue_dma source(%dma_start3A_911 : memref<80x128xf32, #tpu.memory_space<hbm>>) target(%arg11 : memref<80x128xf32, #tpu.memory_space<vmem>>) target_semaphore(%arg17 : memref<!tpu.dma_semaphore, #tpu.memory_space<semaphore_mem>>)
          %jit3A_912 = arith.constant 25 : i32
          %eq3A_913 = arith.constant 0 : i32
          %eq3A_914 = arith.cmpi eq, %jit3A_912, %eq3A_913 : i32
          %jit3A_915 = arith.constant 1 : i32
          %select_n3A_916 = arith.select %eq3A_914, %jit3A_915, %jit3A_912 : i32
          %rem3A_917 = arith.remsi %add3A_902, %select_n3A_916 : i32
          %ne3A_918 = arith.constant 0 : i32
          %ne3A_919 = arith.cmpi ne, %rem3A_917, %ne3A_918 : i32
          %lt3A_920 = arith.constant 0 : i32
          %lt3A_921 = arith.cmpi slt, %rem3A_917, %lt3A_920 : i32
          %lt3A_922 = arith.constant 0 : i32
          %lt3A_923 = arith.cmpi slt, %select_n3A_916, %lt3A_922 : i32
          %ne3A_924 = arith.xori %lt3A_921, %lt3A_923 : i1
          %and3A_925 = arith.andi %ne3A_924, %ne3A_919 : i1
          %add3A_926 = arith.addi %rem3A_917, %select_n3A_916 : i32
          %select_n3A_927 = arith.select %and3A_925, %add3A_926, %rem3A_917 : i32
          %mul3A_928 = arith.constant 80 : i32
          %mul3A_929 = arith.muli %select_n3A_927, %mul3A_928 : i32
          %dma_start3A_930 = tpu.memref_slice %arg7[%mul3A_929] : memref<2000xi32, #tpu.memory_space<vmem>> -> memref<80xi32, #tpu.memory_space<vmem>>
          %dma_start3A_931 = arith.constant 0 : i32
          %dma_start3A_932 = arith.constant 0 : i32
          %dma_start3A_933 = tpu.memref_slice %arg2[%dma_start3A_931, %dma_start3A_932] : memref<10000x128xf32, #tpu.memory_space<hbm>> -> memref<10000x128xf32, #tpu.memory_space<hbm>>
          tpu.enqueue_indirect_dma source(%dma_start3A_933 : memref<10000x128xf32, #tpu.memory_space<hbm>>) target(%arg9 : memref<80x128xf32, #tpu.memory_space<vmem>>) offsets(%dma_start3A_930 : memref<80xi32, #tpu.memory_space<vmem>>) semaphore(%arg17 : memref<!tpu.dma_semaphore, #tpu.memory_space<semaphore_mem>>)
        } else {
        }
        %scan3A_891 = arith.constant 0 : i32
        %scan3A_892 = arith.constant 0 : i32
        %scan3A_893 = arith.constant 80 : i32
        %scan3A_894 = arith.addi %scan3A_892, %scan3A_893 : i32
        %scan3A_895 = arith.constant 1 : i32
        %scan3A_896 = scf.for %scan3A_901 = %scan3A_892 to %scan3A_894 step %scan3A_895 iter_args(%scan3A_902 = %scan3A_891) -> (i32)  : i32 {
          %get3A = arith.index_cast %scan3A_901 : i32 to index
          %get3A_903 = arith.constant 0 : index
          %get3A_904 = tpu.vector_load %arg8[%get3A, %get3A_903] {strides = array<i32>} : memref<80x128xf32, #tpu.memory_space<vmem>>, vector<16xf32>,
          %get3A_905 = arith.index_cast %scan3A_901 : i32 to index
          %get3A_906 = arith.constant 0 : index
          %get3A_907 = tpu.vector_load %arg10[%get3A_905, %get3A_906] {strides = array<i32>} : memref<80x128xf32, #tpu.memory_space<vmem>>, vector<16xf32>,
          %mul3A_908 = arith.mulf %get3A_904, %get3A_907 : vector<16xf32>
          %swap3A_909 = arith.index_cast %scan3A_901 : i32 to index
          %swap3A_910 = arith.constant 0 : index
          %swap3A_911 = tpu.vector_load %arg8[%swap3A_909, %swap3A_910] {strides = array<i32>} : memref<80x128xf32, #tpu.memory_space<vmem>>, vector<16xf32>,
          tpu.vector_store %arg8[%swap3A_909, %swap3A_910], %mul3A_908 {strides = array<i32>} : memref<80x128xf32, #tpu.memory_space<vmem>>, vector<16xf32>,
          %get3A_912 = arith.index_cast %scan3A_901 : i32 to index
          %get3A_913 = arith.constant 16 : index
          %get3A_914 = tpu.vector_load %arg8[%get3A_912, %get3A_913] {strides = array<i32>} : memref<80x128xf32, #tpu.memory_space<vmem>>, vector<16xf32>,
          %get3A_915 = arith.index_cast %scan3A_901 : i32 to index
          %get3A_916 = arith.constant 16 : index
          %get3A_917 = tpu.vector_load %arg10[%get3A_915, %get3A_916] {strides = array<i32>} : memref<80x128xf32, #tpu.memory_space<vmem>>, vector<16xf32>,
          %mul3A_918 = arith.mulf %get3A_914, %get3A_917 : vector<16xf32>
          %swap3A_919 = arith.index_cast %scan3A_901 : i32 to index
          %swap3A_920 = arith.constant 16 : index
          %swap3A_921 = tpu.vector_load %arg8[%swap3A_919, %swap3A_920] {strides = array<i32>} : memref<80x128xf32, #tpu.memory_space<vmem>>, vector<16xf32>,
          tpu.vector_store %arg8[%swap3A_919, %swap3A_920], %mul3A_918 {strides = array<i32>} : memref<80x128xf32, #tpu.memory_space<vmem>>, vector<16xf32>,
          %get3A_922 = arith.index_cast %scan3A_901 : i32 to index
          %get3A_923 = arith.constant 32 : index
          %get3A_924 = tpu.vector_load %arg8[%get3A_922, %get3A_923] {strides = array<i32>} : memref<80x128xf32, #tpu.memory_space<vmem>>, vector<16xf32>,
          %get3A_925 = arith.index_cast %scan3A_901 : i32 to index
          %get3A_926 = arith.constant 32 : index
          %get3A_927 = tpu.vector_load %arg10[%get3A_925, %get3A_926] {strides = array<i32>} : memref<80x128xf32, #tpu.memory_space<vmem>>, vector<16xf32>,
          %mul3A_928 = arith.mulf %get3A_924, %get3A_927 : vector<16xf32>
          %swap3A_929 = arith.index_cast %scan3A_901 : i32 to index
          %swap3A_930 = arith.constant 32 : index
          %swap3A_931 = tpu.vector_load %arg8[%swap3A_929, %swap3A_930] {strides = array<i32>} : memref<80x128xf32, #tpu.memory_space<vmem>>, vector<16xf32>,
          tpu.vector_store %arg8[%swap3A_929, %swap3A_930], %mul3A_928 {strides = array<i32>} : memref<80x128xf32, #tpu.memory_space<vmem>>, vector<16xf32>,
          %get3A_932 = arith.index_cast %scan3A_901 : i32 to index
          %get3A_933 = arith.constant 48 : index
          %get3A_934 = tpu.vector_load %arg8[%get3A_932, %get3A_933] {strides = array<i32>} : memref<80x128xf32, #tpu.memory_space<vmem>>, vector<16xf32>,
          %get3A_935 = arith.index_cast %scan3A_901 : i32 to index
          %get3A_936 = arith.constant 48 : index
          %get3A_937 = tpu.vector_load %arg10[%get3A_935, %get3A_936] {strides = array<i32>} : memref<80x128xf32, #tpu.memory_space<vmem>>, vector<16xf32>,
          %mul3A_938 = arith.mulf %get3A_934, %get3A_937 : vector<16xf32>
          %swap3A_939 = arith.index_cast %scan3A_901 : i32 to index
          %swap3A_940 = arith.constant 48 : index
          %swap3A_941 = tpu.vector_load %arg8[%swap3A_939, %swap3A_940] {strides = array<i32>} : memref<80x128xf32, #tpu.memory_space<vmem>>, vector<16xf32>,
          tpu.vector_store %arg8[%swap3A_939, %swap3A_940], %mul3A_938 {strides = array<i32>} : memref<80x128xf32, #tpu.memory_space<vmem>>, vector<16xf32>,
          %get3A_942 = arith.index_cast %scan3A_901 : i32 to index
          %get3A_943 = arith.constant 64 : index
          %get3A_944 = tpu.vector_load %arg8[%get3A_942, %get3A_943] {strides = array<i32>} : memref<80x128xf32, #tpu.memory_space<vmem>>, vector<16xf32>,
          %get3A_945 = arith.index_cast %scan3A_901 : i32 to index
          %get3A_946 = arith.constant 64 : index
          %get3A_947 = tpu.vector_load %arg10[%get3A_945, %get3A_946] {strides = array<i32>} : memref<80x128xf32, #tpu.memory_space<vmem>>, vector<16xf32>,
          %mul3A_948 = arith.mulf %get3A_944, %get3A_947 : vector<16xf32>
          %swap3A_949 = arith.index_cast %scan3A_901 : i32 to index
          %swap3A_950 = arith.constant 64 : index
          %swap3A_951 = tpu.vector_load %arg8[%swap3A_949, %swap3A_950] {strides = array<i32>} : memref<80x128xf32, #tpu.memory_space<vmem>>, vector<16xf32>,
          tpu.vector_store %arg8[%swap3A_949, %swap3A_950], %mul3A_948 {strides = array<i32>} : memref<80x128xf32, #tpu.memory_space<vmem>>, vector<16xf32>,
          %get3A_952 = arith.index_cast %scan3A_901 : i32 to index
          %get3A_953 = arith.constant 80 : index
          %get3A_954 = tpu.vector_load %arg8[%get3A_952, %get3A_953] {strides = array<i32>} : memref<80x128xf32, #tpu.memory_space<vmem>>, vector<16xf32>,
          %get3A_955 = arith.index_cast %scan3A_901 : i32 to index
          %get3A_956 = arith.constant 80 : index
          %get3A_957 = tpu.vector_load %arg10[%get3A_955, %get3A_956] {strides = array<i32>} : memref<80x128xf32, #tpu.memory_space<vmem>>, vector<16xf32>,
          %mul3A_958 = arith.mulf %get3A_954, %get3A_957 : vector<16xf32>
          %swap3A_959 = arith.index_cast %scan3A_901 : i32 to index
          %swap3A_960 = arith.constant 80 : index
          %swap3A_961 = tpu.vector_load %arg8[%swap3A_959, %swap3A_960] {strides = array<i32>} : memref<80x128xf32, #tpu.memory_space<vmem>>, vector<16xf32>,
          tpu.vector_store %arg8[%swap3A_959, %swap3A_960], %mul3A_958 {strides = array<i32>} : memref<80x128xf32, #tpu.memory_space<vmem>>, vector<16xf32>,
          %get3A_962 = arith.index_cast %scan3A_901 : i32 to index
          %get3A_963 = arith.constant 96 : index
          %get3A_964 = tpu.vector_load %arg8[%get3A_962, %get3A_963] {strides = array<i32>} : memref<80x128xf32, #tpu.memory_space<vmem>>, vector<16xf32>,
          %get3A_965 = arith.index_cast %scan3A_901 : i32 to index
          %get3A_966 = arith.constant 96 : index
          %get3A_967 = tpu.vector_load %arg10[%get3A_965, %get3A_966] {strides = array<i32>} : memref<80x128xf32, #tpu.memory_space<vmem>>, vector<16xf32>,
          %mul3A_968 = arith.mulf %get3A_964, %get3A_967 : vector<16xf32>
          %swap3A_969 = arith.index_cast %scan3A_901 : i32 to index
          %swap3A_970 = arith.constant 96 : index
          %swap3A_971 = tpu.vector_load %arg8[%swap3A_969, %swap3A_970] {strides = array<i32>} : memref<80x128xf32, #tpu.memory_space<vmem>>, vector<16xf32>,
          tpu.vector_store %arg8[%swap3A_969, %swap3A_970], %mul3A_968 {strides = array<i32>} : memref<80x128xf32, #tpu.memory_space<vmem>>, vector<16xf32>,
          %get3A_972 = arith.index_cast %scan3A_901 : i32 to index
          %get3A_973 = arith.constant 112 : index
          %get3A_974 = tpu.vector_load %arg8[%get3A_972, %get3A_973] {strides = array<i32>} : memref<80x128xf32, #tpu.memory_space<vmem>>, vector<16xf32>,
          %get3A_975 = arith.index_cast %scan3A_901 : i32 to index
          %get3A_976 = arith.constant 112 : index
          %get3A_977 = tpu.vector_load %arg10[%get3A_975, %get3A_976] {strides = array<i32>} : memref<80x128xf32, #tpu.memory_space<vmem>>, vector<16xf32>,
          %mul3A_978 = arith.mulf %get3A_974, %get3A_977 : vector<16xf32>
          %swap3A_979 = arith.index_cast %scan3A_901 : i32 to index
          %swap3A_980 = arith.constant 112 : index
          %swap3A_981 = tpu.vector_load %arg8[%swap3A_979, %swap3A_980] {strides = array<i32>} : memref<80x128xf32, #tpu.memory_space<vmem>>, vector<16xf32>,
          tpu.vector_store %arg8[%swap3A_979, %swap3A_980], %mul3A_978 {strides = array<i32>} : memref<80x128xf32, #tpu.memory_space<vmem>>, vector<16xf32>,
          %scan3A_982 = arith.constant 0 : i32
          scf.yield %scan3A_982 : i32
        }
        %scan3A_897 = arith.constant 80 : i32
        %dma_start3A_898 = arith.constant 0 : i32
        %dma_start3A_899 = arith.constant 0 : i32
        %dma_start3A_900 = tpu.memref_slice %arg15[%dma_start3A_898, %dma_start3A_899] : memref<10000x128xf32, #tpu.memory_space<vmem_shared>> -> memref<10000x128xf32, #tpu.memory_space<vmem_shared>>
        tpu.enqueue_indirect_dma source(%arg8 : memref<80x128xf32, #tpu.memory_space<vmem>>) target(%dma_start3A_900 : memref<10000x128xf32, #tpu.memory_space<vmem_shared>>) offsets(%arg12 : memref<80xi32, #tpu.memory_space<vmem>>) semaphore(%arg18 : memref<!tpu.dma_semaphore, #tpu.memory_space<semaphore_mem>>) {add = true}
      } else {
      }
      %jit3A_820 = arith.constant 2 : i32
      %eq3A_821 = arith.constant 0 : i32
      %eq3A_822 = arith.cmpi eq, %jit3A_820, %eq3A_821 : i32
      %jit3A_823 = arith.constant 1 : i32
      %select_n3A_824 = arith.select %eq3A_822, %jit3A_823, %jit3A_820 : i32
      %rem3A_825 = arith.remsi %scan3A_806, %select_n3A_824 : i32
      %ne3A_826 = arith.constant 0 : i32
      %ne3A_827 = arith.cmpi ne, %rem3A_825, %ne3A_826 : i32
      %lt3A_828 = arith.constant 0 : i32
      %lt3A_829 = arith.cmpi slt, %rem3A_825, %lt3A_828 : i32
      %lt3A_830 = arith.constant 0 : i32
      %lt3A_831 = arith.cmpi slt, %select_n3A_824, %lt3A_830 : i32
      %ne3A_832 = arith.xori %lt3A_829, %lt3A_831 : i1
      %and3A_833 = arith.andi %ne3A_832, %ne3A_827 : i1
      %add3A_834 = arith.addi %rem3A_825, %select_n3A_824 : i32
      %select_n3A_835 = arith.select %and3A_833, %add3A_834, %rem3A_825 : i32
      %eq3A_836 = arith.constant 1 : i32
      %eq3A_837 = arith.cmpi eq, %select_n3A_835, %eq3A_836 : i32
      %convert_element_type3A_838 = arith.extui %eq3A_837 : i1 to i32
      %cond3A_839 = arith.constant 0 : i32
      %cond3A_840 = arith.cmpi ne, %convert_element_type3A_838, %cond3A_839 : i32
      scf.if %cond3A_840 {
        %dma_wait3A_842 = arith.constant 0 : i32
        %dma_wait3A_843 = tpu.memref_slice %arg5[%dma_wait3A_842] : memref<320000xi32, #tpu.memory_space<hbm>> -> memref<80xi32, #tpu.memory_space<hbm>>
        %dma_wait3A_844 = arith.constant 0 : i32
        %dma_wait3A_845 = tpu.memref_slice %arg5[%dma_wait3A_844] : memref<320000xi32, #tpu.memory_space<hbm>> -> memref<80xi32, #tpu.memory_space<hbm>>
        tpu.wait_dma2 semaphore(%arg17 : memref<!tpu.dma_semaphore, #tpu.memory_space<semaphore_mem>>) src(%dma_wait3A_845 : memref<80xi32, #tpu.memory_space<hbm>>) dst(%arg13 : memref<80xi32, #tpu.memory_space<vmem>>)
        %dma_wait3A_846 = arith.constant 0 : i32
        %dma_wait3A_847 = arith.constant 0 : i32
        %dma_wait3A_848 = tpu.memref_slice %arg3[%dma_wait3A_846, %dma_wait3A_847] : memref<327680x128xf32, #tpu.memory_space<hbm>> -> memref<80x128xf32, #tpu.memory_space<hbm>>
        %dma_wait3A_849 = arith.constant 0 : i32
        %dma_wait3A_850 = arith.constant 0 : i32
        %dma_wait3A_851 = tpu.memref_slice %arg3[%dma_wait3A_849, %dma_wait3A_850] : memref<327680x128xf32, #tpu.memory_space<hbm>> -> memref<80x128xf32, #tpu.memory_space<hbm>>
        tpu.wait_dma2 semaphore(%arg17 : memref<!tpu.dma_semaphore, #tpu.memory_space<semaphore_mem>>) src(%dma_wait3A_851 : memref<80x128xf32, #tpu.memory_space<hbm>>) dst(%arg11 : memref<80x128xf32, #tpu.memory_space<vmem>>)
        %dma_wait3A_852 = arith.constant 0 : i32
        %dma_wait3A_853 = tpu.memref_slice %arg7[%dma_wait3A_852] : memref<2000xi32, #tpu.memory_space<vmem>> -> memref<80xi32, #tpu.memory_space<vmem>>
        %dma_wait3A_854 = arith.constant 0 : i32
        %dma_wait3A_855 = arith.constant 0 : i32
        %dma_wait3A_856 = tpu.memref_slice %arg2[%dma_wait3A_854, %dma_wait3A_855] : memref<10000x128xf32, #tpu.memory_space<hbm>> -> memref<10000x128xf32, #tpu.memory_space<hbm>>
        tpu.wait_indirect_dma semaphore(%arg17 : memref<!tpu.dma_semaphore, #tpu.memory_space<semaphore_mem>>) src(%dma_wait3A_856 : memref<10000x128xf32, #tpu.memory_space<hbm>>) dst(%arg9 : memref<80x128xf32, #tpu.memory_space<vmem>>)
        %gt3A = arith.constant 0 : i32
        %gt3A_857 = arith.cmpi sgt, %scan3A_806, %gt3A : i32
        %convert_element_type3A_858 = arith.extui %gt3A_857 : i1 to i32
        %cond3A_859 = arith.constant 0 : i32
        %cond3A_860 = arith.cmpi ne, %convert_element_type3A_858, %cond3A_859 : i32
        scf.if %cond3A_860 {
          %dma_wait3A_901 = arith.constant 0 : i32
          %dma_wait3A_902 = arith.constant 0 : i32
          %dma_wait3A_903 = tpu.memref_slice %arg15[%dma_wait3A_901, %dma_wait3A_902] : memref<10000x128xf32, #tpu.memory_space<vmem_shared>> -> memref<10000x128xf32, #tpu.memory_space<vmem_shared>>
          tpu.wait_indirect_dma semaphore(%arg18 : memref<!tpu.dma_semaphore, #tpu.memory_space<semaphore_mem>>) src(%arg8 : memref<80x128xf32, #tpu.memory_space<vmem>>) dst(%dma_wait3A_903 : memref<10000x128xf32, #tpu.memory_space<vmem_shared>>)
        } else {
        }
        %add3A_861 = arith.constant 1 : i32
        %add3A_862 = arith.addi %scan3A_806, %add3A_861 : i32
        %jit3A_863 = arith.constant 25 : i32
        %eq3A_864 = arith.constant 0 : i32
        %eq3A_865 = arith.cmpi eq, %jit3A_863, %eq3A_864 : i32
        %jit3A_866 = arith.constant 1 : i32
        %select_n3A_867 = arith.select %eq3A_865, %jit3A_866, %jit3A_863 : i32
        %rem3A_868 = arith.remsi %add3A_862, %select_n3A_867 : i32
        %ne3A_869 = arith.constant 0 : i32
        %ne3A_870 = arith.cmpi ne, %rem3A_868, %ne3A_869 : i32
        %lt3A_871 = arith.constant 0 : i32
        %lt3A_872 = arith.cmpi slt, %rem3A_868, %lt3A_871 : i32
        %lt3A_873 = arith.constant 0 : i32
        %lt3A_874 = arith.cmpi slt, %select_n3A_867, %lt3A_873 : i32
        %ne3A_875 = arith.xori %lt3A_872, %lt3A_874 : i1
        %and3A_876 = arith.andi %ne3A_875, %ne3A_870 : i1
        %add3A_877 = arith.addi %rem3A_868, %select_n3A_867 : i32
        %select_n3A_878 = arith.select %and3A_876, %add3A_877, %rem3A_868 : i32
        %eq3A_879 = arith.constant 0 : i32
        %eq3A_880 = arith.cmpi eq, %select_n3A_878, %eq3A_879 : i32
        %convert_element_type3A_881 = arith.extui %eq3A_880 : i1 to i32
        %cond3A_882 = arith.constant 0 : i32
        %cond3A_883 = arith.cmpi ne, %convert_element_type3A_881, %cond3A_882 : i32
        scf.if %cond3A_883 {
          %add3A_901 = arith.constant 1 : i32
          %add3A_902 = arith.addi %scan3A_806, %add3A_901 : i32
          %jit3A_903 = arith.constant 25 : i32
          %div3A = arith.divsi %add3A_902, %jit3A_903 : i32
          %sign3A = arith.constant 0 : i32
          %sign3A_904 = arith.cmpi sgt, %add3A_902, %sign3A : i32
          %sign3A_905 = arith.extui %sign3A_904 : i1 to i32
          %sign3A_906 = arith.constant 0 : i32
          %sign3A_907 = arith.cmpi slt, %add3A_902, %sign3A_906 : i32
          %sign3A_908 = arith.extui %sign3A_907 : i1 to i32
          %sign3A_909 = arith.subi %sign3A_905, %sign3A_908 : i32
          %sign3A_910 = arith.constant 0 : i32
          %sign3A_911 = arith.cmpi sgt, %jit3A_903, %sign3A_910 : i32
          %sign3A_912 = arith.extui %sign3A_911 : i1 to i32
          %sign3A_913 = arith.constant 0 : i32
          %sign3A_914 = arith.cmpi slt, %jit3A_903, %sign3A_913 : i32
          %sign3A_915 = arith.extui %sign3A_914 : i1 to i32
          %sign3A_916 = arith.subi %sign3A_912, %sign3A_915 : i32
          %ne3A_917 = arith.cmpi ne, %sign3A_909, %sign3A_916 : i32
          %rem3A_918 = arith.remsi %add3A_902, %jit3A_903 : i32
          %ne3A_919 = arith.constant 0 : i32
          %ne3A_920 = arith.cmpi ne, %rem3A_918, %ne3A_919 : i32
          %and3A_921 = arith.andi %ne3A_917, %ne3A_920 : i1
          %sub3A = arith.constant 1 : i32
          %sub3A_922 = arith.subi %div3A, %sub3A : i32
          %select_n3A_923 = arith.select %and3A_921, %sub3A_922, %div3A : i32
          %mul3A_924 = arith.constant 2000 : i32
          %mul3A_925 = arith.muli %select_n3A_923, %mul3A_924 : i32
          %add3A_926 = arith.addi %mul3A_2, %mul3A_925 : i32
          "tpu.region"() ({
            %run_scoped3A = tpu.sem_alloc : memref<!tpu.dma_semaphore, #tpu.memory_space<semaphore_mem>>
            %dma_start3A_927 = tpu.memref_slice %arg4[%add3A_926] : memref<320000xi32, #tpu.memory_space<hbm>> -> memref<2000xi32, #tpu.memory_space<hbm>>
            %dma_start3A_928 = tpu.memref_slice %arg4[%add3A_926] : memref<320000xi32, #tpu.memory_space<hbm>> -> memref<2000xi32, #tpu.memory_space<hbm>>
            tpu.enqueue_dma source(%dma_start3A_928 : memref<2000xi32, #tpu.memory_space<hbm>>) target(%arg7 : memref<2000xi32, #tpu.memory_space<vmem>>) target_semaphore(%run_scoped3A : memref<!tpu.dma_semaphore, #tpu.memory_space<semaphore_mem>>)
            %dma_wait3A_929 = tpu.memref_slice %arg4[%add3A_926] : memref<320000xi32, #tpu.memory_space<hbm>> -> memref<2000xi32, #tpu.memory_space<hbm>>
            %dma_wait3A_930 = tpu.memref_slice %arg4[%add3A_926] : memref<320000xi32, #tpu.memory_space<hbm>> -> memref<2000xi32, #tpu.memory_space<hbm>>
            tpu.wait_dma2 semaphore(%run_scoped3A : memref<!tpu.dma_semaphore, #tpu.memory_space<semaphore_mem>>) src(%dma_wait3A_930 : memref<2000xi32, #tpu.memory_space<hbm>>) dst(%arg7 : memref<2000xi32, #tpu.memory_space<vmem>>)
            tpu.yield
          }) : () -> ()
        } else {
        }
        %add3A_884 = arith.constant 1 : i32
        %add3A_885 = arith.addi %scan3A_806, %add3A_884 : i32
        %lt3A_886 = arith.constant 125 : i32
        %lt3A_887 = arith.cmpi slt, %add3A_885, %lt3A_886 : i32
        %convert_element_type3A_888 = arith.extui %lt3A_887 : i1 to i32
        %cond3A_889 = arith.constant 0 : i32
        %cond3A_890 = arith.cmpi ne, %convert_element_type3A_888, %cond3A_889 : i32
        scf.if %cond3A_890 {
          %add3A_901 = arith.constant 1 : i32
          %add3A_902 = arith.addi %scan3A_806, %add3A_901 : i32
          %mul3A_903 = arith.constant 80 : i32
          %mul3A_904 = arith.muli %add3A_902, %mul3A_903 : i32
          %add3A_905 = arith.addi %mul3A_2, %mul3A_904 : i32
          %dma_start3A_906 = tpu.memref_slice %arg5[%add3A_905] : memref<320000xi32, #tpu.memory_space<hbm>> -> memref<80xi32, #tpu.memory_space<hbm>>
          %dma_start3A_907 = tpu.memref_slice %arg5[%add3A_905] : memref<320000xi32, #tpu.memory_space<hbm>> -> memref<80xi32, #tpu.memory_space<hbm>>
          tpu.enqueue_dma source(%dma_start3A_907 : memref<80xi32, #tpu.memory_space<hbm>>) target(%arg12 : memref<80xi32, #tpu.memory_space<vmem>>) target_semaphore(%arg16 : memref<!tpu.dma_semaphore, #tpu.memory_space<semaphore_mem>>)
          %dma_start3A_908 = arith.constant 0 : i32
          %dma_start3A_909 = tpu.memref_slice %arg3[%add3A_905, %dma_start3A_908] : memref<327680x128xf32, #tpu.memory_space<hbm>> -> memref<80x128xf32, #tpu.memory_space<hbm>>
          %dma_start3A_910 = arith.constant 0 : i32
          %dma_start3A_911 = tpu.memref_slice %arg3[%add3A_905, %dma_start3A_910] : memref<327680x128xf32, #tpu.memory_space<hbm>> -> memref<80x128xf32, #tpu.memory_space<hbm>>
          tpu.enqueue_dma source(%dma_start3A_911 : memref<80x128xf32, #tpu.memory_space<hbm>>) target(%arg10 : memref<80x128xf32, #tpu.memory_space<vmem>>) target_semaphore(%arg16 : memref<!tpu.dma_semaphore, #tpu.memory_space<semaphore_mem>>)
          %jit3A_912 = arith.constant 25 : i32
          %eq3A_913 = arith.constant 0 : i32
          %eq3A_914 = arith.cmpi eq, %jit3A_912, %eq3A_913 : i32
          %jit3A_915 = arith.constant 1 : i32
          %select_n3A_916 = arith.select %eq3A_914, %jit3A_915, %jit3A_912 : i32
          %rem3A_917 = arith.remsi %add3A_902, %select_n3A_916 : i32
          %ne3A_918 = arith.constant 0 : i32
          %ne3A_919 = arith.cmpi ne, %rem3A_917, %ne3A_918 : i32
          %lt3A_920 = arith.constant 0 : i32
          %lt3A_921 = arith.cmpi slt, %rem3A_917, %lt3A_920 : i32
          %lt3A_922 = arith.constant 0 : i32
          %lt3A_923 = arith.cmpi slt, %select_n3A_916, %lt3A_922 : i32
          %ne3A_924 = arith.xori %lt3A_921, %lt3A_923 : i1
          %and3A_925 = arith.andi %ne3A_924, %ne3A_919 : i1
          %add3A_926 = arith.addi %rem3A_917, %select_n3A_916 : i32
          %select_n3A_927 = arith.select %and3A_925, %add3A_926, %rem3A_917 : i32
          %mul3A_928 = arith.constant 80 : i32
          %mul3A_929 = arith.muli %select_n3A_927, %mul3A_928 : i32
          %dma_start3A_930 = tpu.memref_slice %arg7[%mul3A_929] : memref<2000xi32, #tpu.memory_space<vmem>> -> memref<80xi32, #tpu.memory_space<vmem>>
          %dma_start3A_931 = arith.constant 0 : i32
          %dma_start3A_932 = arith.constant 0 : i32
          %dma_start3A_933 = tpu.memref_slice %arg2[%dma_start3A_931, %dma_start3A_932] : memref<10000x128xf32, #tpu.memory_space<hbm>> -> memref<10000x128xf32, #tpu.memory_space<hbm>>
          tpu.enqueue_indirect_dma source(%dma_start3A_933 : memref<10000x128xf32, #tpu.memory_space<hbm>>) target(%arg8 : memref<80x128xf32, #tpu.memory_space<vmem>>) offsets(%dma_start3A_930 : memref<80xi32, #tpu.memory_space<vmem>>) semaphore(%arg16 : memref<!tpu.dma_semaphore, #tpu.memory_space<semaphore_mem>>)
        } else {
        }
        %scan3A_891 = arith.constant 0 : i32
        %scan3A_892 = arith.constant 0 : i32
        %scan3A_893 = arith.constant 80 : i32
        %scan3A_894 = arith.addi %scan3A_892, %scan3A_893 : i32
        %scan3A_895 = arith.constant 1 : i32
        %scan3A_896 = scf.for %scan3A_901 = %scan3A_892 to %scan3A_894 step %scan3A_895 iter_args(%scan3A_902 = %scan3A_891) -> (i32)  : i32 {
          %get3A = arith.index_cast %scan3A_901 : i32 to index
          %get3A_903 = arith.constant 0 : index
          %get3A_904 = tpu.vector_load %arg9[%get3A, %get3A_903] {strides = array<i32>} : memref<80x128xf32, #tpu.memory_space<vmem>>, vector<16xf32>,
          %get3A_905 = arith.index_cast %scan3A_901 : i32 to index
          %get3A_906 = arith.constant 0 : index
          %get3A_907 = tpu.vector_load %arg11[%get3A_905, %get3A_906] {strides = array<i32>} : memref<80x128xf32, #tpu.memory_space<vmem>>, vector<16xf32>,
          %mul3A_908 = arith.mulf %get3A_904, %get3A_907 : vector<16xf32>
          %swap3A_909 = arith.index_cast %scan3A_901 : i32 to index
          %swap3A_910 = arith.constant 0 : index
          %swap3A_911 = tpu.vector_load %arg9[%swap3A_909, %swap3A_910] {strides = array<i32>} : memref<80x128xf32, #tpu.memory_space<vmem>>, vector<16xf32>,
          tpu.vector_store %arg9[%swap3A_909, %swap3A_910], %mul3A_908 {strides = array<i32>} : memref<80x128xf32, #tpu.memory_space<vmem>>, vector<16xf32>,
          %get3A_912 = arith.index_cast %scan3A_901 : i32 to index
          %get3A_913 = arith.constant 16 : index
          %get3A_914 = tpu.vector_load %arg9[%get3A_912, %get3A_913] {strides = array<i32>} : memref<80x128xf32, #tpu.memory_space<vmem>>, vector<16xf32>,
          %get3A_915 = arith.index_cast %scan3A_901 : i32 to index
          %get3A_916 = arith.constant 16 : index
          %get3A_917 = tpu.vector_load %arg11[%get3A_915, %get3A_916] {strides = array<i32>} : memref<80x128xf32, #tpu.memory_space<vmem>>, vector<16xf32>,
          %mul3A_918 = arith.mulf %get3A_914, %get3A_917 : vector<16xf32>
          %swap3A_919 = arith.index_cast %scan3A_901 : i32 to index
          %swap3A_920 = arith.constant 16 : index
          %swap3A_921 = tpu.vector_load %arg9[%swap3A_919, %swap3A_920] {strides = array<i32>} : memref<80x128xf32, #tpu.memory_space<vmem>>, vector<16xf32>,
          tpu.vector_store %arg9[%swap3A_919, %swap3A_920], %mul3A_918 {strides = array<i32>} : memref<80x128xf32, #tpu.memory_space<vmem>>, vector<16xf32>,
          %get3A_922 = arith.index_cast %scan3A_901 : i32 to index
          %get3A_923 = arith.constant 32 : index
          %get3A_924 = tpu.vector_load %arg9[%get3A_922, %get3A_923] {strides = array<i32>} : memref<80x128xf32, #tpu.memory_space<vmem>>, vector<16xf32>,
          %get3A_925 = arith.index_cast %scan3A_901 : i32 to index
          %get3A_926 = arith.constant 32 : index
          %get3A_927 = tpu.vector_load %arg11[%get3A_925, %get3A_926] {strides = array<i32>} : memref<80x128xf32, #tpu.memory_space<vmem>>, vector<16xf32>,
          %mul3A_928 = arith.mulf %get3A_924, %get3A_927 : vector<16xf32>
          %swap3A_929 = arith.index_cast %scan3A_901 : i32 to index
          %swap3A_930 = arith.constant 32 : index
          %swap3A_931 = tpu.vector_load %arg9[%swap3A_929, %swap3A_930] {strides = array<i32>} : memref<80x128xf32, #tpu.memory_space<vmem>>, vector<16xf32>,
          tpu.vector_store %arg9[%swap3A_929, %swap3A_930], %mul3A_928 {strides = array<i32>} : memref<80x128xf32, #tpu.memory_space<vmem>>, vector<16xf32>,
          %get3A_932 = arith.index_cast %scan3A_901 : i32 to index
          %get3A_933 = arith.constant 48 : index
          %get3A_934 = tpu.vector_load %arg9[%get3A_932, %get3A_933] {strides = array<i32>} : memref<80x128xf32, #tpu.memory_space<vmem>>, vector<16xf32>,
          %get3A_935 = arith.index_cast %scan3A_901 : i32 to index
          %get3A_936 = arith.constant 48 : index
          %get3A_937 = tpu.vector_load %arg11[%get3A_935, %get3A_936] {strides = array<i32>} : memref<80x128xf32, #tpu.memory_space<vmem>>, vector<16xf32>,
          %mul3A_938 = arith.mulf %get3A_934, %get3A_937 : vector<16xf32>
          %swap3A_939 = arith.index_cast %scan3A_901 : i32 to index
          %swap3A_940 = arith.constant 48 : index
          %swap3A_941 = tpu.vector_load %arg9[%swap3A_939, %swap3A_940] {strides = array<i32>} : memref<80x128xf32, #tpu.memory_space<vmem>>, vector<16xf32>,
          tpu.vector_store %arg9[%swap3A_939, %swap3A_940], %mul3A_938 {strides = array<i32>} : memref<80x128xf32, #tpu.memory_space<vmem>>, vector<16xf32>,
          %get3A_942 = arith.index_cast %scan3A_901 : i32 to index
          %get3A_943 = arith.constant 64 : index
          %get3A_944 = tpu.vector_load %arg9[%get3A_942, %get3A_943] {strides = array<i32>} : memref<80x128xf32, #tpu.memory_space<vmem>>, vector<16xf32>,
          %get3A_945 = arith.index_cast %scan3A_901 : i32 to index
          %get3A_946 = arith.constant 64 : index
          %get3A_947 = tpu.vector_load %arg11[%get3A_945, %get3A_946] {strides = array<i32>} : memref<80x128xf32, #tpu.memory_space<vmem>>, vector<16xf32>,
          %mul3A_948 = arith.mulf %get3A_944, %get3A_947 : vector<16xf32>
          %swap3A_949 = arith.index_cast %scan3A_901 : i32 to index
          %swap3A_950 = arith.constant 64 : index
          %swap3A_951 = tpu.vector_load %arg9[%swap3A_949, %swap3A_950] {strides = array<i32>} : memref<80x128xf32, #tpu.memory_space<vmem>>, vector<16xf32>,
          tpu.vector_store %arg9[%swap3A_949, %swap3A_950], %mul3A_948 {strides = array<i32>} : memref<80x128xf32, #tpu.memory_space<vmem>>, vector<16xf32>,
          %get3A_952 = arith.index_cast %scan3A_901 : i32 to index
          %get3A_953 = arith.constant 80 : index
          %get3A_954 = tpu.vector_load %arg9[%get3A_952, %get3A_953] {strides = array<i32>} : memref<80x128xf32, #tpu.memory_space<vmem>>, vector<16xf32>,
          %get3A_955 = arith.index_cast %scan3A_901 : i32 to index
          %get3A_956 = arith.constant 80 : index
          %get3A_957 = tpu.vector_load %arg11[%get3A_955, %get3A_956] {strides = array<i32>} : memref<80x128xf32, #tpu.memory_space<vmem>>, vector<16xf32>,
          %mul3A_958 = arith.mulf %get3A_954, %get3A_957 : vector<16xf32>
          %swap3A_959 = arith.index_cast %scan3A_901 : i32 to index
          %swap3A_960 = arith.constant 80 : index
          %swap3A_961 = tpu.vector_load %arg9[%swap3A_959, %swap3A_960] {strides = array<i32>} : memref<80x128xf32, #tpu.memory_space<vmem>>, vector<16xf32>,
          tpu.vector_store %arg9[%swap3A_959, %swap3A_960], %mul3A_958 {strides = array<i32>} : memref<80x128xf32, #tpu.memory_space<vmem>>, vector<16xf32>,
          %get3A_962 = arith.index_cast %scan3A_901 : i32 to index
          %get3A_963 = arith.constant 96 : index
          %get3A_964 = tpu.vector_load %arg9[%get3A_962, %get3A_963] {strides = array<i32>} : memref<80x128xf32, #tpu.memory_space<vmem>>, vector<16xf32>,
          %get3A_965 = arith.index_cast %scan3A_901 : i32 to index
          %get3A_966 = arith.constant 96 : index
          %get3A_967 = tpu.vector_load %arg11[%get3A_965, %get3A_966] {strides = array<i32>} : memref<80x128xf32, #tpu.memory_space<vmem>>, vector<16xf32>,
          %mul3A_968 = arith.mulf %get3A_964, %get3A_967 : vector<16xf32>
          %swap3A_969 = arith.index_cast %scan3A_901 : i32 to index
          %swap3A_970 = arith.constant 96 : index
          %swap3A_971 = tpu.vector_load %arg9[%swap3A_969, %swap3A_970] {strides = array<i32>} : memref<80x128xf32, #tpu.memory_space<vmem>>, vector<16xf32>,
          tpu.vector_store %arg9[%swap3A_969, %swap3A_970], %mul3A_968 {strides = array<i32>} : memref<80x128xf32, #tpu.memory_space<vmem>>, vector<16xf32>,
          %get3A_972 = arith.index_cast %scan3A_901 : i32 to index
          %get3A_973 = arith.constant 112 : index
          %get3A_974 = tpu.vector_load %arg9[%get3A_972, %get3A_973] {strides = array<i32>} : memref<80x128xf32, #tpu.memory_space<vmem>>, vector<16xf32>,
          %get3A_975 = arith.index_cast %scan3A_901 : i32 to index
          %get3A_976 = arith.constant 112 : index
          %get3A_977 = tpu.vector_load %arg11[%get3A_975, %get3A_976] {strides = array<i32>} : memref<80x128xf32, #tpu.memory_space<vmem>>, vector<16xf32>,
          %mul3A_978 = arith.mulf %get3A_974, %get3A_977 : vector<16xf32>
          %swap3A_979 = arith.index_cast %scan3A_901 : i32 to index
          %swap3A_980 = arith.constant 112 : index
          %swap3A_981 = tpu.vector_load %arg9[%swap3A_979, %swap3A_980] {strides = array<i32>} : memref<80x128xf32, #tpu.memory_space<vmem>>, vector<16xf32>,
          tpu.vector_store %arg9[%swap3A_979, %swap3A_980], %mul3A_978 {strides = array<i32>} : memref<80x128xf32, #tpu.memory_space<vmem>>, vector<16xf32>,
          %scan3A_982 = arith.constant 0 : i32
          scf.yield %scan3A_982 : i32
        }
        %scan3A_897 = arith.constant 80 : i32
        %dma_start3A_898 = arith.constant 0 : i32
        %dma_start3A_899 = arith.constant 0 : i32
        %dma_start3A_900 = tpu.memref_slice %arg15[%dma_start3A_898, %dma_start3A_899] : memref<10000x128xf32, #tpu.memory_space<vmem_shared>> -> memref<10000x128xf32, #tpu.memory_space<vmem_shared>>
        tpu.enqueue_indirect_dma source(%arg9 : memref<80x128xf32, #tpu.memory_space<vmem>>) target(%dma_start3A_900 : memref<10000x128xf32, #tpu.memory_space<vmem_shared>>) offsets(%arg13 : memref<80xi32, #tpu.memory_space<vmem>>) semaphore(%arg18 : memref<!tpu.dma_semaphore, #tpu.memory_space<semaphore_mem>>) {add = true}
      } else {
      }
      %scan3A_841 = arith.constant 0 : i32
      scf.yield %scan3A_841 : i32
    }
    %scan3A_795 = arith.constant 125 : i32
    %dma_wait3A = arith.constant 0 : i32
    %dma_wait3A_796 = arith.constant 0 : i32
    %dma_wait3A_797 = tpu.memref_slice %arg15[%dma_wait3A, %dma_wait3A_796] : memref<10000x128xf32, #tpu.memory_space<vmem_shared>> -> memref<10000x128xf32, #tpu.memory_space<vmem_shared>>
    tpu.wait_indirect_dma semaphore(%arg18 : memref<!tpu.dma_semaphore, #tpu.memory_space<semaphore_mem>>) src(%arg8 : memref<80x128xf32, #tpu.memory_space<vmem>>) dst(%dma_wait3A_797 : memref<10000x128xf32, #tpu.memory_space<vmem_shared>>)
    %barrier3A_798 = arith.constant 0 : index
    tpu.barrier barrier_id(%barrier3A_798)
    %scan3A_799 = arith.constant 0 : i32
    %scan3A_800 = arith.constant 0 : i32
    %scan3A_801 = arith.constant 4 : i32
    %scan3A_802 = arith.addi %scan3A_800, %scan3A_801 : i32
    %scan3A_803 = arith.constant 1 : i32
    %scan3A_804 = scf.for %scan3A_806 = %scan3A_800 to %scan3A_802 step %scan3A_803 iter_args(%scan3A_807 = %scan3A_799) -> (i32)  : i32 {
      %mul3A_808 = arith.constant 16 : i32
      %mul3A_809 = arith.muli %scan3A_806, %mul3A_808 : i32
      %add3A_810 = arith.addi %arg1, %mul3A_809 : i32
      %lt3A = arith.constant 50 : i32
      %lt3A_811 = arith.cmpi slt, %add3A_810, %lt3A : i32
      %convert_element_type3A = arith.extui %lt3A_811 : i1 to i32
      %cond3A = arith.constant 0 : i32
      %cond3A_812 = arith.cmpi ne, %convert_element_type3A, %cond3A : i32
      scf.if %cond3A_812 {
        %mul3A_814 = arith.constant 200 : i32
        %mul3A_815 = arith.muli %add3A_810, %mul3A_814 : i32
        %mul3A_816 = arith.constant 200 : i32
        %mul3A_817 = arith.muli %add3A_810, %mul3A_816 : i32
        "tpu.region"() ({
          %run_scoped3A = tpu.sem_alloc : memref<!tpu.dma_semaphore, #tpu.memory_space<semaphore_mem>>
          %dma_start3A_818 = arith.constant 0 : i32
          %dma_start3A_819 = tpu.memref_slice %arg6[%arg0, %mul3A_817, %dma_start3A_818] : memref<2x10000x128xf32, #tpu.memory_space<hbm>> -> memref<1x200x128xf32, #tpu.memory_space<hbm>>
          %dma_start3A_820 = tpu.memref_squeeze %dma_start3A_819 : memref<1x200x128xf32, #tpu.memory_space<hbm>> -> memref<200x128xf32, #tpu.memory_space<hbm>>
          %dma_start3A_821 = arith.constant 0 : i32
          %dma_start3A_822 = tpu.memref_slice %arg15[%mul3A_815, %dma_start3A_821] : memref<10000x128xf32, #tpu.memory_space<vmem_shared>> -> memref<200x128xf32, #tpu.memory_space<vmem_shared>>
          tpu.enqueue_dma source(%dma_start3A_822 : memref<200x128xf32, #tpu.memory_space<vmem_shared>>) target(%dma_start3A_820 : memref<200x128xf32, #tpu.memory_space<hbm>>) target_semaphore(%run_scoped3A : memref<!tpu.dma_semaphore, #tpu.memory_space<semaphore_mem>>)
          %dma_wait3A_823 = arith.constant 0 : i32
          %dma_wait3A_824 = tpu.memref_slice %arg6[%arg0, %mul3A_817, %dma_wait3A_823] : memref<2x10000x128xf32, #tpu.memory_space<hbm>> -> memref<1x200x128xf32, #tpu.memory_space<hbm>>
          %dma_wait3A_825 = tpu.memref_squeeze %dma_wait3A_824 : memref<1x200x128xf32, #tpu.memory_space<hbm>> -> memref<200x128xf32, #tpu.memory_space<hbm>>
          %dma_wait3A_826 = arith.constant 0 : i32
          %dma_wait3A_827 = tpu.memref_slice %arg15[%mul3A_815, %dma_wait3A_826] : memref<10000x128xf32, #tpu.memory_space<vmem_shared>> -> memref<200x128xf32, #tpu.memory_space<vmem_shared>>
          tpu.wait_dma2 semaphore(%run_scoped3A : memref<!tpu.dma_semaphore, #tpu.memory_space<semaphore_mem>>) src(%dma_wait3A_827 : memref<200x128xf32, #tpu.memory_space<vmem_shared>>) dst(%dma_wait3A_825 : memref<200x128xf32, #tpu.memory_space<hbm>>)
          tpu.yield
        }) : () -> ()
      } else {
      }
      %scan3A_813 = arith.constant 0 : i32
      scf.yield %scan3A_813 : i32
    }
    %scan3A_805 = arith.constant 4 : i32
    return
  }
}

#map = affine_map<(d0, d1) -> (0, 0)>
#map1 = affine_map<(d0, d1) -> (0)>
#map2 = affine_map<(d0, d1) -> (0, 0, 0)>
module attributes {stable_mosaic.version = 14 : i64} {
  func.func @_gms_body(%arg0: i32, %arg1: i32, %arg2: memref<10000x128xf32, #tpu.memory_space<hbm>>, %arg3: memref<327680x128xf32, #tpu.memory_space<hbm>>, %arg4: memref<320000xi32, #tpu.memory_space<hbm>>, %arg5: memref<320000xi32, #tpu.memory_space<hbm>>, %arg6: memref<2x10000x128xf32, #tpu.memory_space<hbm>>, %arg7: memref<2000xi32, #tpu.memory_space<vmem>>, %arg8: memref<80x128xf32, #tpu.memory_space<vmem>>, %arg9: memref<80x128xf32, #tpu.memory_space<vmem>>, %arg10: memref<80x128xf32, #tpu.memory_space<vmem>>, %arg11: memref<80x128xf32, #tpu.memory_space<vmem>>, %arg12: memref<80xi32, #tpu.memory_space<vmem>>, %arg13: memref<80xi32, #tpu.memory_space<vmem>>, %arg14: memref<16x128xf32, #tpu.memory_space<vmem>>, %arg15: memref<10000x128xf32, #tpu.memory_space<vmem_shared>>, %arg16: memref<!tpu.dma_semaphore, #tpu.memory_space<semaphore_mem>>, %arg17: memref<!tpu.dma_semaphore, #tpu.memory_space<semaphore_mem>>, %arg18: memref<!tpu.dma_semaphore, #tpu.memory_space<semaphore_mem>>) attributes {dimension_semantics = [#tpu.dimension_semantics<core_parallel>, #tpu.dimension_semantics<subcore_parallel>], iteration_bounds = array<i64: 2, 16>, scalar_prefetch = 0 : i64, scratch_operands = 12 : i64, tpu.core_type = #tpu.core_type<sc_vector_subcore>, window_params = [{transform_indices = #map}, {transform_indices = #map}, {transform_indices = #map1}, {transform_indices = #map1}, {transform_indices = #map2}]} {
    %mul3A = arith.constant 16 : i32
    %mul3A_0 = arith.muli %arg0, %mul3A : i32
    %add3A = arith.addi %mul3A_0, %arg1 : i32
    %mul3A_1 = arith.constant 10000 : i32
    %mul3A_2 = arith.muli %add3A, %mul3A_1 : i32
    %add3A_3 = arith.constant 0 : i32
    %add3A_4 = arith.addi %mul3A_2, %add3A_3 : i32
    "tpu.region"() ({
      %run_scoped3A = tpu.sem_alloc : memref<!tpu.dma_semaphore, #tpu.memory_space<semaphore_mem>>
      %dma_start3A_806 = tpu.memref_slice %arg4[%add3A_4] : memref<320000xi32, #tpu.memory_space<hbm>> -> memref<2000xi32, #tpu.memory_space<hbm>>
      %dma_start3A_807 = tpu.memref_slice %arg4[%add3A_4] : memref<320000xi32, #tpu.memory_space<hbm>> -> memref<2000xi32, #tpu.memory_space<hbm>>
      tpu.enqueue_dma source(%dma_start3A_807 : memref<2000xi32, #tpu.memory_space<hbm>>) target(%arg7 : memref<2000xi32, #tpu.memory_space<vmem>>) target_semaphore(%run_scoped3A : memref<!tpu.dma_semaphore, #tpu.memory_space<semaphore_mem>>)
      %dma_wait3A_808 = tpu.memref_slice %arg4[%add3A_4] : memref<320000xi32, #tpu.memory_space<hbm>> -> memref<2000xi32, #tpu.memory_space<hbm>>
      %dma_wait3A_809 = tpu.memref_slice %arg4[%add3A_4] : memref<320000xi32, #tpu.memory_space<hbm>> -> memref<2000xi32, #tpu.memory_space<hbm>>
      tpu.wait_dma2 semaphore(%run_scoped3A : memref<!tpu.dma_semaphore, #tpu.memory_space<semaphore_mem>>) src(%dma_wait3A_809 : memref<2000xi32, #tpu.memory_space<hbm>>) dst(%arg7 : memref<2000xi32, #tpu.memory_space<vmem>>)
      tpu.yield
    }) : () -> ()
    %broadcast_in_dim3A = arith.constant 0.000000e+00 : f32
    %broadcast_in_dim3A_5 = vector.broadcast %broadcast_in_dim3A : f32 to vector<16xf32>
    %swap3A = arith.constant 0 : i32
    %swap3A_6 = arith.index_cast %swap3A : i32 to index
    %swap3A_7 = arith.constant 0 : index
    %swap3A_8 = tpu.vector_load %arg14[%swap3A_6, %swap3A_7] {strides = array<i32>} : memref<16x128xf32, #tpu.memory_space<vmem>>, vector<16xf32>,
    tpu.vector_store %arg14[%swap3A_6, %swap3A_7], %broadcast_in_dim3A_5 {strides = array<i32>} : memref<16x128xf32, #tpu.memory_space<vmem>>, vector<16xf32>,
    %broadcast_in_dim3A_9 = arith.constant 0.000000e+00 : f32
    %broadcast_in_dim3A_10 = vector.broadcast %broadcast_in_dim3A_9 : f32 to vector<16xf32>
    %swap3A_11 = arith.constant 0 : i32
    %swap3A_12 = arith.index_cast %swap3A_11 : i32 to index
    %swap3A_13 = arith.constant 16 : index
    %swap3A_14 = tpu.vector_load %arg14[%swap3A_12, %swap3A_13] {strides = array<i32>} : memref<16x128xf32, #tpu.memory_space<vmem>>, vector<16xf32>,
    tpu.vector_store %arg14[%swap3A_12, %swap3A_13], %broadcast_in_dim3A_10 {strides = array<i32>} : memref<16x128xf32, #tpu.memory_space<vmem>>, vector<16xf32>,
    %broadcast_in_dim3A_15 = arith.constant 0.000000e+00 : f32
    %broadcast_in_dim3A_16 = vector.broadcast %broadcast_in_dim3A_15 : f32 to vector<16xf32>
    %swap3A_17 = arith.constant 0 : i32
    %swap3A_18 = arith.index_cast %swap3A_17 : i32 to index
    %swap3A_19 = arith.constant 32 : index
    %swap3A_20 = tpu.vector_load %arg14[%swap3A_18, %swap3A_19] {strides = array<i32>} : memref<16x128xf32, #tpu.memory_space<vmem>>, vector<16xf32>,
    tpu.vector_store %arg14[%swap3A_18, %swap3A_19], %broadcast_in_dim3A_16 {strides = array<i32>} : memref<16x128xf32, #tpu.memory_space<vmem>>, vector<16xf32>,
    %broadcast_in_dim3A_21 = arith.constant 0.000000e+00 : f32
    %broadcast_in_dim3A_22 = vector.broadcast %broadcast_in_dim3A_21 : f32 to vector<16xf32>
    %swap3A_23 = arith.constant 0 : i32
    %swap3A_24 = arith.index_cast %swap3A_23 : i32 to index
    %swap3A_25 = arith.constant 48 : index
    %swap3A_26 = tpu.vector_load %arg14[%swap3A_24, %swap3A_25] {strides = array<i32>} : memref<16x128xf32, #tpu.memory_space<vmem>>, vector<16xf32>,
    tpu.vector_store %arg14[%swap3A_24, %swap3A_25], %broadcast_in_dim3A_22 {strides = array<i32>} : memref<16x128xf32, #tpu.memory_space<vmem>>, vector<16xf32>,
    %broadcast_in_dim3A_27 = arith.constant 0.000000e+00 : f32
    %broadcast_in_dim3A_28 = vector.broadcast %broadcast_in_dim3A_27 : f32 to vector<16xf32>
    %swap3A_29 = arith.constant 0 : i32
    %swap3A_30 = arith.index_cast %swap3A_29 : i32 to index
    %swap3A_31 = arith.constant 64 : index
    %swap3A_32 = tpu.vector_load %arg14[%swap3A_30, %swap3A_31] {strides = array<i32>} : memref<16x128xf32, #tpu.memory_space<vmem>>, vector<16xf32>,
    tpu.vector_store %arg14[%swap3A_30, %swap3A_31], %broadcast_in_dim3A_28 {strides = array<i32>} : memref<16x128xf32, #tpu.memory_space<vmem>>, vector<16xf32>,
    %broadcast_in_dim3A_33 = arith.constant 0.000000e+00 : f32
    %broadcast_in_dim3A_34 = vector.broadcast %broadcast_in_dim3A_33 : f32 to vector<16xf32>
    %swap3A_35 = arith.constant 0 : i32
    %swap3A_36 = arith.index_cast %swap3A_35 : i32 to index
    %swap3A_37 = arith.constant 80 : index
    %swap3A_38 = tpu.vector_load %arg14[%swap3A_36, %swap3A_37] {strides = array<i32>} : memref<16x128xf32, #tpu.memory_space<vmem>>, vector<16xf32>,
    tpu.vector_store %arg14[%swap3A_36, %swap3A_37], %broadcast_in_dim3A_34 {strides = array<i32>} : memref<16x128xf32, #tpu.memory_space<vmem>>, vector<16xf32>,
    %broadcast_in_dim3A_39 = arith.constant 0.000000e+00 : f32
    %broadcast_in_dim3A_40 = vector.broadcast %broadcast_in_dim3A_39 : f32 to vector<16xf32>
    %swap3A_41 = arith.constant 0 : i32
    %swap3A_42 = arith.index_cast %swap3A_41 : i32 to index
    %swap3A_43 = arith.constant 96 : index
    %swap3A_44 = tpu.vector_load %arg14[%swap3A_42, %swap3A_43] {strides = array<i32>} : memref<16x128xf32, #tpu.memory_space<vmem>>, vector<16xf32>,
    tpu.vector_store %arg14[%swap3A_42, %swap3A_43], %broadcast_in_dim3A_40 {strides = array<i32>} : memref<16x128xf32, #tpu.memory_space<vmem>>, vector<16xf32>,
    %broadcast_in_dim3A_45 = arith.constant 0.000000e+00 : f32
    %broadcast_in_dim3A_46 = vector.broadcast %broadcast_in_dim3A_45 : f32 to vector<16xf32>
    %swap3A_47 = arith.constant 0 : i32
    %swap3A_48 = arith.index_cast %swap3A_47 : i32 to index
    %swap3A_49 = arith.constant 112 : index
    %swap3A_50 = tpu.vector_load %arg14[%swap3A_48, %swap3A_49] {strides = array<i32>} : memref<16x128xf32, #tpu.memory_space<vmem>>, vector<16xf32>,
    tpu.vector_store %arg14[%swap3A_48, %swap3A_49], %broadcast_in_dim3A_46 {strides = array<i32>} : memref<16x128xf32, #tpu.memory_space<vmem>>, vector<16xf32>,
    %broadcast_in_dim3A_51 = arith.constant 0.000000e+00 : f32
    %broadcast_in_dim3A_52 = vector.broadcast %broadcast_in_dim3A_51 : f32 to vector<16xf32>
    %swap3A_53 = arith.constant 1 : i32
    %swap3A_54 = arith.index_cast %swap3A_53 : i32 to index
    %swap3A_55 = arith.constant 0 : index
    %swap3A_56 = tpu.vector_load %arg14[%swap3A_54, %swap3A_55] {strides = array<i32>} : memref<16x128xf32, #tpu.memory_space<vmem>>, vector<16xf32>,
    tpu.vector_store %arg14[%swap3A_54, %swap3A_55], %broadcast_in_dim3A_52 {strides = array<i32>} : memref<16x128xf32, #tpu.memory_space<vmem>>, vector<16xf32>,
    %broadcast_in_dim3A_57 = arith.constant 0.000000e+00 : f32
    %broadcast_in_dim3A_58 = vector.broadcast %broadcast_in_dim3A_57 : f32 to vector<16xf32>
    %swap3A_59 = arith.constant 1 : i32
    %swap3A_60 = arith.index_cast %swap3A_59 : i32 to index
    %swap3A_61 = arith.constant 16 : index
    %swap3A_62 = tpu.vector_load %arg14[%swap3A_60, %swap3A_61] {strides = array<i32>} : memref<16x128xf32, #tpu.memory_space<vmem>>, vector<16xf32>,
    tpu.vector_store %arg14[%swap3A_60, %swap3A_61], %broadcast_in_dim3A_58 {strides = array<i32>} : memref<16x128xf32, #tpu.memory_space<vmem>>, vector<16xf32>,
    %broadcast_in_dim3A_63 = arith.constant 0.000000e+00 : f32
    %broadcast_in_dim3A_64 = vector.broadcast %broadcast_in_dim3A_63 : f32 to vector<16xf32>
    %swap3A_65 = arith.constant 1 : i32
    %swap3A_66 = arith.index_cast %swap3A_65 : i32 to index
    %swap3A_67 = arith.constant 32 : index
    %swap3A_68 = tpu.vector_load %arg14[%swap3A_66, %swap3A_67] {strides = array<i32>} : memref<16x128xf32, #tpu.memory_space<vmem>>, vector<16xf32>,
    tpu.vector_store %arg14[%swap3A_66, %swap3A_67], %broadcast_in_dim3A_64 {strides = array<i32>} : memref<16x128xf32, #tpu.memory_space<vmem>>, vector<16xf32>,
    %broadcast_in_dim3A_69 = arith.constant 0.000000e+00 : f32
    %broadcast_in_dim3A_70 = vector.broadcast %broadcast_in_dim3A_69 : f32 to vector<16xf32>
    %swap3A_71 = arith.constant 1 : i32
    %swap3A_72 = arith.index_cast %swap3A_71 : i32 to index
    %swap3A_73 = arith.constant 48 : index
    %swap3A_74 = tpu.vector_load %arg14[%swap3A_72, %swap3A_73] {strides = array<i32>} : memref<16x128xf32, #tpu.memory_space<vmem>>, vector<16xf32>,
    tpu.vector_store %arg14[%swap3A_72, %swap3A_73], %broadcast_in_dim3A_70 {strides = array<i32>} : memref<16x128xf32, #tpu.memory_space<vmem>>, vector<16xf32>,
    %broadcast_in_dim3A_75 = arith.constant 0.000000e+00 : f32
    %broadcast_in_dim3A_76 = vector.broadcast %broadcast_in_dim3A_75 : f32 to vector<16xf32>
    %swap3A_77 = arith.constant 1 : i32
    %swap3A_78 = arith.index_cast %swap3A_77 : i32 to index
    %swap3A_79 = arith.constant 64 : index
    %swap3A_80 = tpu.vector_load %arg14[%swap3A_78, %swap3A_79] {strides = array<i32>} : memref<16x128xf32, #tpu.memory_space<vmem>>, vector<16xf32>,
    tpu.vector_store %arg14[%swap3A_78, %swap3A_79], %broadcast_in_dim3A_76 {strides = array<i32>} : memref<16x128xf32, #tpu.memory_space<vmem>>, vector<16xf32>,
    %broadcast_in_dim3A_81 = arith.constant 0.000000e+00 : f32
    %broadcast_in_dim3A_82 = vector.broadcast %broadcast_in_dim3A_81 : f32 to vector<16xf32>
    %swap3A_83 = arith.constant 1 : i32
    %swap3A_84 = arith.index_cast %swap3A_83 : i32 to index
    %swap3A_85 = arith.constant 80 : index
    %swap3A_86 = tpu.vector_load %arg14[%swap3A_84, %swap3A_85] {strides = array<i32>} : memref<16x128xf32, #tpu.memory_space<vmem>>, vector<16xf32>,
    tpu.vector_store %arg14[%swap3A_84, %swap3A_85], %broadcast_in_dim3A_82 {strides = array<i32>} : memref<16x128xf32, #tpu.memory_space<vmem>>, vector<16xf32>,
    %broadcast_in_dim3A_87 = arith.constant 0.000000e+00 : f32
    %broadcast_in_dim3A_88 = vector.broadcast %broadcast_in_dim3A_87 : f32 to vector<16xf32>
    %swap3A_89 = arith.constant 1 : i32
    %swap3A_90 = arith.index_cast %swap3A_89 : i32 to index
    %swap3A_91 = arith.constant 96 : index
    %swap3A_92 = tpu.vector_load %arg14[%swap3A_90, %swap3A_91] {strides = array<i32>} : memref<16x128xf32, #tpu.memory_space<vmem>>, vector<16xf32>,
    tpu.vector_store %arg14[%swap3A_90, %swap3A_91], %broadcast_in_dim3A_88 {strides = array<i32>} : memref<16x128xf32, #tpu.memory_space<vmem>>, vector<16xf32>,
    %broadcast_in_dim3A_93 = arith.constant 0.000000e+00 : f32
    %broadcast_in_dim3A_94 = vector.broadcast %broadcast_in_dim3A_93 : f32 to vector<16xf32>
    %swap3A_95 = arith.constant 1 : i32
    %swap3A_96 = arith.index_cast %swap3A_95 : i32 to index
    %swap3A_97 = arith.constant 112 : index
    %swap3A_98 = tpu.vector_load %arg14[%swap3A_96, %swap3A_97] {strides = array<i32>} : memref<16x128xf32, #tpu.memory_space<vmem>>, vector<16xf32>,
    tpu.vector_store %arg14[%swap3A_96, %swap3A_97], %broadcast_in_dim3A_94 {strides = array<i32>} : memref<16x128xf32, #tpu.memory_space<vmem>>, vector<16xf32>,
    %broadcast_in_dim3A_99 = arith.constant 0.000000e+00 : f32
    %broadcast_in_dim3A_100 = vector.broadcast %broadcast_in_dim3A_99 : f32 to vector<16xf32>
    %swap3A_101 = arith.constant 2 : i32
    %swap3A_102 = arith.index_cast %swap3A_101 : i32 to index
    %swap3A_103 = arith.constant 0 : index
    %swap3A_104 = tpu.vector_load %arg14[%swap3A_102, %swap3A_103] {strides = array<i32>} : memref<16x128xf32, #tpu.memory_space<vmem>>, vector<16xf32>,
    tpu.vector_store %arg14[%swap3A_102, %swap3A_103], %broadcast_in_dim3A_100 {strides = array<i32>} : memref<16x128xf32, #tpu.memory_space<vmem>>, vector<16xf32>,
    %broadcast_in_dim3A_105 = arith.constant 0.000000e+00 : f32
    %broadcast_in_dim3A_106 = vector.broadcast %broadcast_in_dim3A_105 : f32 to vector<16xf32>
    %swap3A_107 = arith.constant 2 : i32
    %swap3A_108 = arith.index_cast %swap3A_107 : i32 to index
    %swap3A_109 = arith.constant 16 : index
    %swap3A_110 = tpu.vector_load %arg14[%swap3A_108, %swap3A_109] {strides = array<i32>} : memref<16x128xf32, #tpu.memory_space<vmem>>, vector<16xf32>,
    tpu.vector_store %arg14[%swap3A_108, %swap3A_109], %broadcast_in_dim3A_106 {strides = array<i32>} : memref<16x128xf32, #tpu.memory_space<vmem>>, vector<16xf32>,
    %broadcast_in_dim3A_111 = arith.constant 0.000000e+00 : f32
    %broadcast_in_dim3A_112 = vector.broadcast %broadcast_in_dim3A_111 : f32 to vector<16xf32>
    %swap3A_113 = arith.constant 2 : i32
    %swap3A_114 = arith.index_cast %swap3A_113 : i32 to index
    %swap3A_115 = arith.constant 32 : index
    %swap3A_116 = tpu.vector_load %arg14[%swap3A_114, %swap3A_115] {strides = array<i32>} : memref<16x128xf32, #tpu.memory_space<vmem>>, vector<16xf32>,
    tpu.vector_store %arg14[%swap3A_114, %swap3A_115], %broadcast_in_dim3A_112 {strides = array<i32>} : memref<16x128xf32, #tpu.memory_space<vmem>>, vector<16xf32>,
    %broadcast_in_dim3A_117 = arith.constant 0.000000e+00 : f32
    %broadcast_in_dim3A_118 = vector.broadcast %broadcast_in_dim3A_117 : f32 to vector<16xf32>
    %swap3A_119 = arith.constant 2 : i32
    %swap3A_120 = arith.index_cast %swap3A_119 : i32 to index
    %swap3A_121 = arith.constant 48 : index
    %swap3A_122 = tpu.vector_load %arg14[%swap3A_120, %swap3A_121] {strides = array<i32>} : memref<16x128xf32, #tpu.memory_space<vmem>>, vector<16xf32>,
    tpu.vector_store %arg14[%swap3A_120, %swap3A_121], %broadcast_in_dim3A_118 {strides = array<i32>} : memref<16x128xf32, #tpu.memory_space<vmem>>, vector<16xf32>,
    %broadcast_in_dim3A_123 = arith.constant 0.000000e+00 : f32
    %broadcast_in_dim3A_124 = vector.broadcast %broadcast_in_dim3A_123 : f32 to vector<16xf32>
    %swap3A_125 = arith.constant 2 : i32
    %swap3A_126 = arith.index_cast %swap3A_125 : i32 to index
    %swap3A_127 = arith.constant 64 : index
    %swap3A_128 = tpu.vector_load %arg14[%swap3A_126, %swap3A_127] {strides = array<i32>} : memref<16x128xf32, #tpu.memory_space<vmem>>, vector<16xf32>,
    tpu.vector_store %arg14[%swap3A_126, %swap3A_127], %broadcast_in_dim3A_124 {strides = array<i32>} : memref<16x128xf32, #tpu.memory_space<vmem>>, vector<16xf32>,
    %broadcast_in_dim3A_129 = arith.constant 0.000000e+00 : f32
    %broadcast_in_dim3A_130 = vector.broadcast %broadcast_in_dim3A_129 : f32 to vector<16xf32>
    %swap3A_131 = arith.constant 2 : i32
    %swap3A_132 = arith.index_cast %swap3A_131 : i32 to index
    %swap3A_133 = arith.constant 80 : index
    %swap3A_134 = tpu.vector_load %arg14[%swap3A_132, %swap3A_133] {strides = array<i32>} : memref<16x128xf32, #tpu.memory_space<vmem>>, vector<16xf32>,
    tpu.vector_store %arg14[%swap3A_132, %swap3A_133], %broadcast_in_dim3A_130 {strides = array<i32>} : memref<16x128xf32, #tpu.memory_space<vmem>>, vector<16xf32>,
    %broadcast_in_dim3A_135 = arith.constant 0.000000e+00 : f32
    %broadcast_in_dim3A_136 = vector.broadcast %broadcast_in_dim3A_135 : f32 to vector<16xf32>
    %swap3A_137 = arith.constant 2 : i32
    %swap3A_138 = arith.index_cast %swap3A_137 : i32 to index
    %swap3A_139 = arith.constant 96 : index
    %swap3A_140 = tpu.vector_load %arg14[%swap3A_138, %swap3A_139] {strides = array<i32>} : memref<16x128xf32, #tpu.memory_space<vmem>>, vector<16xf32>,
    tpu.vector_store %arg14[%swap3A_138, %swap3A_139], %broadcast_in_dim3A_136 {strides = array<i32>} : memref<16x128xf32, #tpu.memory_space<vmem>>, vector<16xf32>,
    %broadcast_in_dim3A_141 = arith.constant 0.000000e+00 : f32
    %broadcast_in_dim3A_142 = vector.broadcast %broadcast_in_dim3A_141 : f32 to vector<16xf32>
    %swap3A_143 = arith.constant 2 : i32
    %swap3A_144 = arith.index_cast %swap3A_143 : i32 to index
    %swap3A_145 = arith.constant 112 : index
    %swap3A_146 = tpu.vector_load %arg14[%swap3A_144, %swap3A_145] {strides = array<i32>} : memref<16x128xf32, #tpu.memory_space<vmem>>, vector<16xf32>,
    tpu.vector_store %arg14[%swap3A_144, %swap3A_145], %broadcast_in_dim3A_142 {strides = array<i32>} : memref<16x128xf32, #tpu.memory_space<vmem>>, vector<16xf32>,
    %broadcast_in_dim3A_147 = arith.constant 0.000000e+00 : f32
    %broadcast_in_dim3A_148 = vector.broadcast %broadcast_in_dim3A_147 : f32 to vector<16xf32>
    %swap3A_149 = arith.constant 3 : i32
    %swap3A_150 = arith.index_cast %swap3A_149 : i32 to index
    %swap3A_151 = arith.constant 0 : index
    %swap3A_152 = tpu.vector_load %arg14[%swap3A_150, %swap3A_151] {strides = array<i32>} : memref<16x128xf32, #tpu.memory_space<vmem>>, vector<16xf32>,
    tpu.vector_store %arg14[%swap3A_150, %swap3A_151], %broadcast_in_dim3A_148 {strides = array<i32>} : memref<16x128xf32, #tpu.memory_space<vmem>>, vector<16xf32>,
    %broadcast_in_dim3A_153 = arith.constant 0.000000e+00 : f32
    %broadcast_in_dim3A_154 = vector.broadcast %broadcast_in_dim3A_153 : f32 to vector<16xf32>
    %swap3A_155 = arith.constant 3 : i32
    %swap3A_156 = arith.index_cast %swap3A_155 : i32 to index
    %swap3A_157 = arith.constant 16 : index
    %swap3A_158 = tpu.vector_load %arg14[%swap3A_156, %swap3A_157] {strides = array<i32>} : memref<16x128xf32, #tpu.memory_space<vmem>>, vector<16xf32>,
    tpu.vector_store %arg14[%swap3A_156, %swap3A_157], %broadcast_in_dim3A_154 {strides = array<i32>} : memref<16x128xf32, #tpu.memory_space<vmem>>, vector<16xf32>,
    %broadcast_in_dim3A_159 = arith.constant 0.000000e+00 : f32
    %broadcast_in_dim3A_160 = vector.broadcast %broadcast_in_dim3A_159 : f32 to vector<16xf32>
    %swap3A_161 = arith.constant 3 : i32
    %swap3A_162 = arith.index_cast %swap3A_161 : i32 to index
    %swap3A_163 = arith.constant 32 : index
    %swap3A_164 = tpu.vector_load %arg14[%swap3A_162, %swap3A_163] {strides = array<i32>} : memref<16x128xf32, #tpu.memory_space<vmem>>, vector<16xf32>,
    tpu.vector_store %arg14[%swap3A_162, %swap3A_163], %broadcast_in_dim3A_160 {strides = array<i32>} : memref<16x128xf32, #tpu.memory_space<vmem>>, vector<16xf32>,
    %broadcast_in_dim3A_165 = arith.constant 0.000000e+00 : f32
    %broadcast_in_dim3A_166 = vector.broadcast %broadcast_in_dim3A_165 : f32 to vector<16xf32>
    %swap3A_167 = arith.constant 3 : i32
    %swap3A_168 = arith.index_cast %swap3A_167 : i32 to index
    %swap3A_169 = arith.constant 48 : index
    %swap3A_170 = tpu.vector_load %arg14[%swap3A_168, %swap3A_169] {strides = array<i32>} : memref<16x128xf32, #tpu.memory_space<vmem>>, vector<16xf32>,
    tpu.vector_store %arg14[%swap3A_168, %swap3A_169], %broadcast_in_dim3A_166 {strides = array<i32>} : memref<16x128xf32, #tpu.memory_space<vmem>>, vector<16xf32>,
    %broadcast_in_dim3A_171 = arith.constant 0.000000e+00 : f32
    %broadcast_in_dim3A_172 = vector.broadcast %broadcast_in_dim3A_171 : f32 to vector<16xf32>
    %swap3A_173 = arith.constant 3 : i32
    %swap3A_174 = arith.index_cast %swap3A_173 : i32 to index
    %swap3A_175 = arith.constant 64 : index
    %swap3A_176 = tpu.vector_load %arg14[%swap3A_174, %swap3A_175] {strides = array<i32>} : memref<16x128xf32, #tpu.memory_space<vmem>>, vector<16xf32>,
    tpu.vector_store %arg14[%swap3A_174, %swap3A_175], %broadcast_in_dim3A_172 {strides = array<i32>} : memref<16x128xf32, #tpu.memory_space<vmem>>, vector<16xf32>,
    %broadcast_in_dim3A_177 = arith.constant 0.000000e+00 : f32
    %broadcast_in_dim3A_178 = vector.broadcast %broadcast_in_dim3A_177 : f32 to vector<16xf32>
    %swap3A_179 = arith.constant 3 : i32
    %swap3A_180 = arith.index_cast %swap3A_179 : i32 to index
    %swap3A_181 = arith.constant 80 : index
    %swap3A_182 = tpu.vector_load %arg14[%swap3A_180, %swap3A_181] {strides = array<i32>} : memref<16x128xf32, #tpu.memory_space<vmem>>, vector<16xf32>,
    tpu.vector_store %arg14[%swap3A_180, %swap3A_181], %broadcast_in_dim3A_178 {strides = array<i32>} : memref<16x128xf32, #tpu.memory_space<vmem>>, vector<16xf32>,
    %broadcast_in_dim3A_183 = arith.constant 0.000000e+00 : f32
    %broadcast_in_dim3A_184 = vector.broadcast %broadcast_in_dim3A_183 : f32 to vector<16xf32>
    %swap3A_185 = arith.constant 3 : i32
    %swap3A_186 = arith.index_cast %swap3A_185 : i32 to index
    %swap3A_187 = arith.constant 96 : index
    %swap3A_188 = tpu.vector_load %arg14[%swap3A_186, %swap3A_187] {strides = array<i32>} : memref<16x128xf32, #tpu.memory_space<vmem>>, vector<16xf32>,
    tpu.vector_store %arg14[%swap3A_186, %swap3A_187], %broadcast_in_dim3A_184 {strides = array<i32>} : memref<16x128xf32, #tpu.memory_space<vmem>>, vector<16xf32>,
    %broadcast_in_dim3A_189 = arith.constant 0.000000e+00 : f32
    %broadcast_in_dim3A_190 = vector.broadcast %broadcast_in_dim3A_189 : f32 to vector<16xf32>
    %swap3A_191 = arith.constant 3 : i32
    %swap3A_192 = arith.index_cast %swap3A_191 : i32 to index
    %swap3A_193 = arith.constant 112 : index
    %swap3A_194 = tpu.vector_load %arg14[%swap3A_192, %swap3A_193] {strides = array<i32>} : memref<16x128xf32, #tpu.memory_space<vmem>>, vector<16xf32>,
    tpu.vector_store %arg14[%swap3A_192, %swap3A_193], %broadcast_in_dim3A_190 {strides = array<i32>} : memref<16x128xf32, #tpu.memory_space<vmem>>, vector<16xf32>,
    %broadcast_in_dim3A_195 = arith.constant 0.000000e+00 : f32
    %broadcast_in_dim3A_196 = vector.broadcast %broadcast_in_dim3A_195 : f32 to vector<16xf32>
    %swap3A_197 = arith.constant 4 : i32
    %swap3A_198 = arith.index_cast %swap3A_197 : i32 to index
    %swap3A_199 = arith.constant 0 : index
    %swap3A_200 = tpu.vector_load %arg14[%swap3A_198, %swap3A_199] {strides = array<i32>} : memref<16x128xf32, #tpu.memory_space<vmem>>, vector<16xf32>,
    tpu.vector_store %arg14[%swap3A_198, %swap3A_199], %broadcast_in_dim3A_196 {strides = array<i32>} : memref<16x128xf32, #tpu.memory_space<vmem>>, vector<16xf32>,
    %broadcast_in_dim3A_201 = arith.constant 0.000000e+00 : f32
    %broadcast_in_dim3A_202 = vector.broadcast %broadcast_in_dim3A_201 : f32 to vector<16xf32>
    %swap3A_203 = arith.constant 4 : i32
    %swap3A_204 = arith.index_cast %swap3A_203 : i32 to index
    %swap3A_205 = arith.constant 16 : index
    %swap3A_206 = tpu.vector_load %arg14[%swap3A_204, %swap3A_205] {strides = array<i32>} : memref<16x128xf32, #tpu.memory_space<vmem>>, vector<16xf32>,
    tpu.vector_store %arg14[%swap3A_204, %swap3A_205], %broadcast_in_dim3A_202 {strides = array<i32>} : memref<16x128xf32, #tpu.memory_space<vmem>>, vector<16xf32>,
    %broadcast_in_dim3A_207 = arith.constant 0.000000e+00 : f32
    %broadcast_in_dim3A_208 = vector.broadcast %broadcast_in_dim3A_207 : f32 to vector<16xf32>
    %swap3A_209 = arith.constant 4 : i32
    %swap3A_210 = arith.index_cast %swap3A_209 : i32 to index
    %swap3A_211 = arith.constant 32 : index
    %swap3A_212 = tpu.vector_load %arg14[%swap3A_210, %swap3A_211] {strides = array<i32>} : memref<16x128xf32, #tpu.memory_space<vmem>>, vector<16xf32>,
    tpu.vector_store %arg14[%swap3A_210, %swap3A_211], %broadcast_in_dim3A_208 {strides = array<i32>} : memref<16x128xf32, #tpu.memory_space<vmem>>, vector<16xf32>,
    %broadcast_in_dim3A_213 = arith.constant 0.000000e+00 : f32
    %broadcast_in_dim3A_214 = vector.broadcast %broadcast_in_dim3A_213 : f32 to vector<16xf32>
    %swap3A_215 = arith.constant 4 : i32
    %swap3A_216 = arith.index_cast %swap3A_215 : i32 to index
    %swap3A_217 = arith.constant 48 : index
    %swap3A_218 = tpu.vector_load %arg14[%swap3A_216, %swap3A_217] {strides = array<i32>} : memref<16x128xf32, #tpu.memory_space<vmem>>, vector<16xf32>,
    tpu.vector_store %arg14[%swap3A_216, %swap3A_217], %broadcast_in_dim3A_214 {strides = array<i32>} : memref<16x128xf32, #tpu.memory_space<vmem>>, vector<16xf32>,
    %broadcast_in_dim3A_219 = arith.constant 0.000000e+00 : f32
    %broadcast_in_dim3A_220 = vector.broadcast %broadcast_in_dim3A_219 : f32 to vector<16xf32>
    %swap3A_221 = arith.constant 4 : i32
    %swap3A_222 = arith.index_cast %swap3A_221 : i32 to index
    %swap3A_223 = arith.constant 64 : index
    %swap3A_224 = tpu.vector_load %arg14[%swap3A_222, %swap3A_223] {strides = array<i32>} : memref<16x128xf32, #tpu.memory_space<vmem>>, vector<16xf32>,
    tpu.vector_store %arg14[%swap3A_222, %swap3A_223], %broadcast_in_dim3A_220 {strides = array<i32>} : memref<16x128xf32, #tpu.memory_space<vmem>>, vector<16xf32>,
    %broadcast_in_dim3A_225 = arith.constant 0.000000e+00 : f32
    %broadcast_in_dim3A_226 = vector.broadcast %broadcast_in_dim3A_225 : f32 to vector<16xf32>
    %swap3A_227 = arith.constant 4 : i32
    %swap3A_228 = arith.index_cast %swap3A_227 : i32 to index
    %swap3A_229 = arith.constant 80 : index
    %swap3A_230 = tpu.vector_load %arg14[%swap3A_228, %swap3A_229] {strides = array<i32>} : memref<16x128xf32, #tpu.memory_space<vmem>>, vector<16xf32>,
    tpu.vector_store %arg14[%swap3A_228, %swap3A_229], %broadcast_in_dim3A_226 {strides = array<i32>} : memref<16x128xf32, #tpu.memory_space<vmem>>, vector<16xf32>,
    %broadcast_in_dim3A_231 = arith.constant 0.000000e+00 : f32
    %broadcast_in_dim3A_232 = vector.broadcast %broadcast_in_dim3A_231 : f32 to vector<16xf32>
    %swap3A_233 = arith.constant 4 : i32
    %swap3A_234 = arith.index_cast %swap3A_233 : i32 to index
    %swap3A_235 = arith.constant 96 : index
    %swap3A_236 = tpu.vector_load %arg14[%swap3A_234, %swap3A_235] {strides = array<i32>} : memref<16x128xf32, #tpu.memory_space<vmem>>, vector<16xf32>,
    tpu.vector_store %arg14[%swap3A_234, %swap3A_235], %broadcast_in_dim3A_232 {strides = array<i32>} : memref<16x128xf32, #tpu.memory_space<vmem>>, vector<16xf32>,
    %broadcast_in_dim3A_237 = arith.constant 0.000000e+00 : f32
    %broadcast_in_dim3A_238 = vector.broadcast %broadcast_in_dim3A_237 : f32 to vector<16xf32>
    %swap3A_239 = arith.constant 4 : i32
    %swap3A_240 = arith.index_cast %swap3A_239 : i32 to index
    %swap3A_241 = arith.constant 112 : index
    %swap3A_242 = tpu.vector_load %arg14[%swap3A_240, %swap3A_241] {strides = array<i32>} : memref<16x128xf32, #tpu.memory_space<vmem>>, vector<16xf32>,
    tpu.vector_store %arg14[%swap3A_240, %swap3A_241], %broadcast_in_dim3A_238 {strides = array<i32>} : memref<16x128xf32, #tpu.memory_space<vmem>>, vector<16xf32>,
    %broadcast_in_dim3A_243 = arith.constant 0.000000e+00 : f32
    %broadcast_in_dim3A_244 = vector.broadcast %broadcast_in_dim3A_243 : f32 to vector<16xf32>
    %swap3A_245 = arith.constant 5 : i32
    %swap3A_246 = arith.index_cast %swap3A_245 : i32 to index
    %swap3A_247 = arith.constant 0 : index
    %swap3A_248 = tpu.vector_load %arg14[%swap3A_246, %swap3A_247] {strides = array<i32>} : memref<16x128xf32, #tpu.memory_space<vmem>>, vector<16xf32>,
    tpu.vector_store %arg14[%swap3A_246, %swap3A_247], %broadcast_in_dim3A_244 {strides = array<i32>} : memref<16x128xf32, #tpu.memory_space<vmem>>, vector<16xf32>,
    %broadcast_in_dim3A_249 = arith.constant 0.000000e+00 : f32
    %broadcast_in_dim3A_250 = vector.broadcast %broadcast_in_dim3A_249 : f32 to vector<16xf32>
    %swap3A_251 = arith.constant 5 : i32
    %swap3A_252 = arith.index_cast %swap3A_251 : i32 to index
    %swap3A_253 = arith.constant 16 : index
    %swap3A_254 = tpu.vector_load %arg14[%swap3A_252, %swap3A_253] {strides = array<i32>} : memref<16x128xf32, #tpu.memory_space<vmem>>, vector<16xf32>,
    tpu.vector_store %arg14[%swap3A_252, %swap3A_253], %broadcast_in_dim3A_250 {strides = array<i32>} : memref<16x128xf32, #tpu.memory_space<vmem>>, vector<16xf32>,
    %broadcast_in_dim3A_255 = arith.constant 0.000000e+00 : f32
    %broadcast_in_dim3A_256 = vector.broadcast %broadcast_in_dim3A_255 : f32 to vector<16xf32>
    %swap3A_257 = arith.constant 5 : i32
    %swap3A_258 = arith.index_cast %swap3A_257 : i32 to index
    %swap3A_259 = arith.constant 32 : index
    %swap3A_260 = tpu.vector_load %arg14[%swap3A_258, %swap3A_259] {strides = array<i32>} : memref<16x128xf32, #tpu.memory_space<vmem>>, vector<16xf32>,
    tpu.vector_store %arg14[%swap3A_258, %swap3A_259], %broadcast_in_dim3A_256 {strides = array<i32>} : memref<16x128xf32, #tpu.memory_space<vmem>>, vector<16xf32>,
    %broadcast_in_dim3A_261 = arith.constant 0.000000e+00 : f32
    %broadcast_in_dim3A_262 = vector.broadcast %broadcast_in_dim3A_261 : f32 to vector<16xf32>
    %swap3A_263 = arith.constant 5 : i32
    %swap3A_264 = arith.index_cast %swap3A_263 : i32 to index
    %swap3A_265 = arith.constant 48 : index
    %swap3A_266 = tpu.vector_load %arg14[%swap3A_264, %swap3A_265] {strides = array<i32>} : memref<16x128xf32, #tpu.memory_space<vmem>>, vector<16xf32>,
    tpu.vector_store %arg14[%swap3A_264, %swap3A_265], %broadcast_in_dim3A_262 {strides = array<i32>} : memref<16x128xf32, #tpu.memory_space<vmem>>, vector<16xf32>,
    %broadcast_in_dim3A_267 = arith.constant 0.000000e+00 : f32
    %broadcast_in_dim3A_268 = vector.broadcast %broadcast_in_dim3A_267 : f32 to vector<16xf32>
    %swap3A_269 = arith.constant 5 : i32
    %swap3A_270 = arith.index_cast %swap3A_269 : i32 to index
    %swap3A_271 = arith.constant 64 : index
    %swap3A_272 = tpu.vector_load %arg14[%swap3A_270, %swap3A_271] {strides = array<i32>} : memref<16x128xf32, #tpu.memory_space<vmem>>, vector<16xf32>,
    tpu.vector_store %arg14[%swap3A_270, %swap3A_271], %broadcast_in_dim3A_268 {strides = array<i32>} : memref<16x128xf32, #tpu.memory_space<vmem>>, vector<16xf32>,
    %broadcast_in_dim3A_273 = arith.constant 0.000000e+00 : f32
    %broadcast_in_dim3A_274 = vector.broadcast %broadcast_in_dim3A_273 : f32 to vector<16xf32>
    %swap3A_275 = arith.constant 5 : i32
    %swap3A_276 = arith.index_cast %swap3A_275 : i32 to index
    %swap3A_277 = arith.constant 80 : index
    %swap3A_278 = tpu.vector_load %arg14[%swap3A_276, %swap3A_277] {strides = array<i32>} : memref<16x128xf32, #tpu.memory_space<vmem>>, vector<16xf32>,
    tpu.vector_store %arg14[%swap3A_276, %swap3A_277], %broadcast_in_dim3A_274 {strides = array<i32>} : memref<16x128xf32, #tpu.memory_space<vmem>>, vector<16xf32>,
    %broadcast_in_dim3A_279 = arith.constant 0.000000e+00 : f32
    %broadcast_in_dim3A_280 = vector.broadcast %broadcast_in_dim3A_279 : f32 to vector<16xf32>
    %swap3A_281 = arith.constant 5 : i32
    %swap3A_282 = arith.index_cast %swap3A_281 : i32 to index
    %swap3A_283 = arith.constant 96 : index
    %swap3A_284 = tpu.vector_load %arg14[%swap3A_282, %swap3A_283] {strides = array<i32>} : memref<16x128xf32, #tpu.memory_space<vmem>>, vector<16xf32>,
    tpu.vector_store %arg14[%swap3A_282, %swap3A_283], %broadcast_in_dim3A_280 {strides = array<i32>} : memref<16x128xf32, #tpu.memory_space<vmem>>, vector<16xf32>,
    %broadcast_in_dim3A_285 = arith.constant 0.000000e+00 : f32
    %broadcast_in_dim3A_286 = vector.broadcast %broadcast_in_dim3A_285 : f32 to vector<16xf32>
    %swap3A_287 = arith.constant 5 : i32
    %swap3A_288 = arith.index_cast %swap3A_287 : i32 to index
    %swap3A_289 = arith.constant 112 : index
    %swap3A_290 = tpu.vector_load %arg14[%swap3A_288, %swap3A_289] {strides = array<i32>} : memref<16x128xf32, #tpu.memory_space<vmem>>, vector<16xf32>,
    tpu.vector_store %arg14[%swap3A_288, %swap3A_289], %broadcast_in_dim3A_286 {strides = array<i32>} : memref<16x128xf32, #tpu.memory_space<vmem>>, vector<16xf32>,
    %broadcast_in_dim3A_291 = arith.constant 0.000000e+00 : f32
    %broadcast_in_dim3A_292 = vector.broadcast %broadcast_in_dim3A_291 : f32 to vector<16xf32>
    %swap3A_293 = arith.constant 6 : i32
    %swap3A_294 = arith.index_cast %swap3A_293 : i32 to index
    %swap3A_295 = arith.constant 0 : index
    %swap3A_296 = tpu.vector_load %arg14[%swap3A_294, %swap3A_295] {strides = array<i32>} : memref<16x128xf32, #tpu.memory_space<vmem>>, vector<16xf32>,
    tpu.vector_store %arg14[%swap3A_294, %swap3A_295], %broadcast_in_dim3A_292 {strides = array<i32>} : memref<16x128xf32, #tpu.memory_space<vmem>>, vector<16xf32>,
    %broadcast_in_dim3A_297 = arith.constant 0.000000e+00 : f32
    %broadcast_in_dim3A_298 = vector.broadcast %broadcast_in_dim3A_297 : f32 to vector<16xf32>
    %swap3A_299 = arith.constant 6 : i32
    %swap3A_300 = arith.index_cast %swap3A_299 : i32 to index
    %swap3A_301 = arith.constant 16 : index
    %swap3A_302 = tpu.vector_load %arg14[%swap3A_300, %swap3A_301] {strides = array<i32>} : memref<16x128xf32, #tpu.memory_space<vmem>>, vector<16xf32>,
    tpu.vector_store %arg14[%swap3A_300, %swap3A_301], %broadcast_in_dim3A_298 {strides = array<i32>} : memref<16x128xf32, #tpu.memory_space<vmem>>, vector<16xf32>,
    %broadcast_in_dim3A_303 = arith.constant 0.000000e+00 : f32
    %broadcast_in_dim3A_304 = vector.broadcast %broadcast_in_dim3A_303 : f32 to vector<16xf32>
    %swap3A_305 = arith.constant 6 : i32
    %swap3A_306 = arith.index_cast %swap3A_305 : i32 to index
    %swap3A_307 = arith.constant 32 : index
    %swap3A_308 = tpu.vector_load %arg14[%swap3A_306, %swap3A_307] {strides = array<i32>} : memref<16x128xf32, #tpu.memory_space<vmem>>, vector<16xf32>,
    tpu.vector_store %arg14[%swap3A_306, %swap3A_307], %broadcast_in_dim3A_304 {strides = array<i32>} : memref<16x128xf32, #tpu.memory_space<vmem>>, vector<16xf32>,
    %broadcast_in_dim3A_309 = arith.constant 0.000000e+00 : f32
    %broadcast_in_dim3A_310 = vector.broadcast %broadcast_in_dim3A_309 : f32 to vector<16xf32>
    %swap3A_311 = arith.constant 6 : i32
    %swap3A_312 = arith.index_cast %swap3A_311 : i32 to index
    %swap3A_313 = arith.constant 48 : index
    %swap3A_314 = tpu.vector_load %arg14[%swap3A_312, %swap3A_313] {strides = array<i32>} : memref<16x128xf32, #tpu.memory_space<vmem>>, vector<16xf32>,
    tpu.vector_store %arg14[%swap3A_312, %swap3A_313], %broadcast_in_dim3A_310 {strides = array<i32>} : memref<16x128xf32, #tpu.memory_space<vmem>>, vector<16xf32>,
    %broadcast_in_dim3A_315 = arith.constant 0.000000e+00 : f32
    %broadcast_in_dim3A_316 = vector.broadcast %broadcast_in_dim3A_315 : f32 to vector<16xf32>
    %swap3A_317 = arith.constant 6 : i32
    %swap3A_318 = arith.index_cast %swap3A_317 : i32 to index
    %swap3A_319 = arith.constant 64 : index
    %swap3A_320 = tpu.vector_load %arg14[%swap3A_318, %swap3A_319] {strides = array<i32>} : memref<16x128xf32, #tpu.memory_space<vmem>>, vector<16xf32>,
    tpu.vector_store %arg14[%swap3A_318, %swap3A_319], %broadcast_in_dim3A_316 {strides = array<i32>} : memref<16x128xf32, #tpu.memory_space<vmem>>, vector<16xf32>,
    %broadcast_in_dim3A_321 = arith.constant 0.000000e+00 : f32
    %broadcast_in_dim3A_322 = vector.broadcast %broadcast_in_dim3A_321 : f32 to vector<16xf32>
    %swap3A_323 = arith.constant 6 : i32
    %swap3A_324 = arith.index_cast %swap3A_323 : i32 to index
    %swap3A_325 = arith.constant 80 : index
    %swap3A_326 = tpu.vector_load %arg14[%swap3A_324, %swap3A_325] {strides = array<i32>} : memref<16x128xf32, #tpu.memory_space<vmem>>, vector<16xf32>,
    tpu.vector_store %arg14[%swap3A_324, %swap3A_325], %broadcast_in_dim3A_322 {strides = array<i32>} : memref<16x128xf32, #tpu.memory_space<vmem>>, vector<16xf32>,
    %broadcast_in_dim3A_327 = arith.constant 0.000000e+00 : f32
    %broadcast_in_dim3A_328 = vector.broadcast %broadcast_in_dim3A_327 : f32 to vector<16xf32>
    %swap3A_329 = arith.constant 6 : i32
    %swap3A_330 = arith.index_cast %swap3A_329 : i32 to index
    %swap3A_331 = arith.constant 96 : index
    %swap3A_332 = tpu.vector_load %arg14[%swap3A_330, %swap3A_331] {strides = array<i32>} : memref<16x128xf32, #tpu.memory_space<vmem>>, vector<16xf32>,
    tpu.vector_store %arg14[%swap3A_330, %swap3A_331], %broadcast_in_dim3A_328 {strides = array<i32>} : memref<16x128xf32, #tpu.memory_space<vmem>>, vector<16xf32>,
    %broadcast_in_dim3A_333 = arith.constant 0.000000e+00 : f32
    %broadcast_in_dim3A_334 = vector.broadcast %broadcast_in_dim3A_333 : f32 to vector<16xf32>
    %swap3A_335 = arith.constant 6 : i32
    %swap3A_336 = arith.index_cast %swap3A_335 : i32 to index
    %swap3A_337 = arith.constant 112 : index
    %swap3A_338 = tpu.vector_load %arg14[%swap3A_336, %swap3A_337] {strides = array<i32>} : memref<16x128xf32, #tpu.memory_space<vmem>>, vector<16xf32>,
    tpu.vector_store %arg14[%swap3A_336, %swap3A_337], %broadcast_in_dim3A_334 {strides = array<i32>} : memref<16x128xf32, #tpu.memory_space<vmem>>, vector<16xf32>,
    %broadcast_in_dim3A_339 = arith.constant 0.000000e+00 : f32
    %broadcast_in_dim3A_340 = vector.broadcast %broadcast_in_dim3A_339 : f32 to vector<16xf32>
    %swap3A_341 = arith.constant 7 : i32
    %swap3A_342 = arith.index_cast %swap3A_341 : i32 to index
    %swap3A_343 = arith.constant 0 : index
    %swap3A_344 = tpu.vector_load %arg14[%swap3A_342, %swap3A_343] {strides = array<i32>} : memref<16x128xf32, #tpu.memory_space<vmem>>, vector<16xf32>,
    tpu.vector_store %arg14[%swap3A_342, %swap3A_343], %broadcast_in_dim3A_340 {strides = array<i32>} : memref<16x128xf32, #tpu.memory_space<vmem>>, vector<16xf32>,
    %broadcast_in_dim3A_345 = arith.constant 0.000000e+00 : f32
    %broadcast_in_dim3A_346 = vector.broadcast %broadcast_in_dim3A_345 : f32 to vector<16xf32>
    %swap3A_347 = arith.constant 7 : i32
    %swap3A_348 = arith.index_cast %swap3A_347 : i32 to index
    %swap3A_349 = arith.constant 16 : index
    %swap3A_350 = tpu.vector_load %arg14[%swap3A_348, %swap3A_349] {strides = array<i32>} : memref<16x128xf32, #tpu.memory_space<vmem>>, vector<16xf32>,
    tpu.vector_store %arg14[%swap3A_348, %swap3A_349], %broadcast_in_dim3A_346 {strides = array<i32>} : memref<16x128xf32, #tpu.memory_space<vmem>>, vector<16xf32>,
    %broadcast_in_dim3A_351 = arith.constant 0.000000e+00 : f32
    %broadcast_in_dim3A_352 = vector.broadcast %broadcast_in_dim3A_351 : f32 to vector<16xf32>
    %swap3A_353 = arith.constant 7 : i32
    %swap3A_354 = arith.index_cast %swap3A_353 : i32 to index
    %swap3A_355 = arith.constant 32 : index
    %swap3A_356 = tpu.vector_load %arg14[%swap3A_354, %swap3A_355] {strides = array<i32>} : memref<16x128xf32, #tpu.memory_space<vmem>>, vector<16xf32>,
    tpu.vector_store %arg14[%swap3A_354, %swap3A_355], %broadcast_in_dim3A_352 {strides = array<i32>} : memref<16x128xf32, #tpu.memory_space<vmem>>, vector<16xf32>,
    %broadcast_in_dim3A_357 = arith.constant 0.000000e+00 : f32
    %broadcast_in_dim3A_358 = vector.broadcast %broadcast_in_dim3A_357 : f32 to vector<16xf32>
    %swap3A_359 = arith.constant 7 : i32
    %swap3A_360 = arith.index_cast %swap3A_359 : i32 to index
    %swap3A_361 = arith.constant 48 : index
    %swap3A_362 = tpu.vector_load %arg14[%swap3A_360, %swap3A_361] {strides = array<i32>} : memref<16x128xf32, #tpu.memory_space<vmem>>, vector<16xf32>,
    tpu.vector_store %arg14[%swap3A_360, %swap3A_361], %broadcast_in_dim3A_358 {strides = array<i32>} : memref<16x128xf32, #tpu.memory_space<vmem>>, vector<16xf32>,
    %broadcast_in_dim3A_363 = arith.constant 0.000000e+00 : f32
    %broadcast_in_dim3A_364 = vector.broadcast %broadcast_in_dim3A_363 : f32 to vector<16xf32>
    %swap3A_365 = arith.constant 7 : i32
    %swap3A_366 = arith.index_cast %swap3A_365 : i32 to index
    %swap3A_367 = arith.constant 64 : index
    %swap3A_368 = tpu.vector_load %arg14[%swap3A_366, %swap3A_367] {strides = array<i32>} : memref<16x128xf32, #tpu.memory_space<vmem>>, vector<16xf32>,
    tpu.vector_store %arg14[%swap3A_366, %swap3A_367], %broadcast_in_dim3A_364 {strides = array<i32>} : memref<16x128xf32, #tpu.memory_space<vmem>>, vector<16xf32>,
    %broadcast_in_dim3A_369 = arith.constant 0.000000e+00 : f32
    %broadcast_in_dim3A_370 = vector.broadcast %broadcast_in_dim3A_369 : f32 to vector<16xf32>
    %swap3A_371 = arith.constant 7 : i32
    %swap3A_372 = arith.index_cast %swap3A_371 : i32 to index
    %swap3A_373 = arith.constant 80 : index
    %swap3A_374 = tpu.vector_load %arg14[%swap3A_372, %swap3A_373] {strides = array<i32>} : memref<16x128xf32, #tpu.memory_space<vmem>>, vector<16xf32>,
    tpu.vector_store %arg14[%swap3A_372, %swap3A_373], %broadcast_in_dim3A_370 {strides = array<i32>} : memref<16x128xf32, #tpu.memory_space<vmem>>, vector<16xf32>,
    %broadcast_in_dim3A_375 = arith.constant 0.000000e+00 : f32
    %broadcast_in_dim3A_376 = vector.broadcast %broadcast_in_dim3A_375 : f32 to vector<16xf32>
    %swap3A_377 = arith.constant 7 : i32
    %swap3A_378 = arith.index_cast %swap3A_377 : i32 to index
    %swap3A_379 = arith.constant 96 : index
    %swap3A_380 = tpu.vector_load %arg14[%swap3A_378, %swap3A_379] {strides = array<i32>} : memref<16x128xf32, #tpu.memory_space<vmem>>, vector<16xf32>,
    tpu.vector_store %arg14[%swap3A_378, %swap3A_379], %broadcast_in_dim3A_376 {strides = array<i32>} : memref<16x128xf32, #tpu.memory_space<vmem>>, vector<16xf32>,
    %broadcast_in_dim3A_381 = arith.constant 0.000000e+00 : f32
    %broadcast_in_dim3A_382 = vector.broadcast %broadcast_in_dim3A_381 : f32 to vector<16xf32>
    %swap3A_383 = arith.constant 7 : i32
    %swap3A_384 = arith.index_cast %swap3A_383 : i32 to index
    %swap3A_385 = arith.constant 112 : index
    %swap3A_386 = tpu.vector_load %arg14[%swap3A_384, %swap3A_385] {strides = array<i32>} : memref<16x128xf32, #tpu.memory_space<vmem>>, vector<16xf32>,
    tpu.vector_store %arg14[%swap3A_384, %swap3A_385], %broadcast_in_dim3A_382 {strides = array<i32>} : memref<16x128xf32, #tpu.memory_space<vmem>>, vector<16xf32>,
    %broadcast_in_dim3A_387 = arith.constant 0.000000e+00 : f32
    %broadcast_in_dim3A_388 = vector.broadcast %broadcast_in_dim3A_387 : f32 to vector<16xf32>
    %swap3A_389 = arith.constant 8 : i32
    %swap3A_390 = arith.index_cast %swap3A_389 : i32 to index
    %swap3A_391 = arith.constant 0 : index
    %swap3A_392 = tpu.vector_load %arg14[%swap3A_390, %swap3A_391] {strides = array<i32>} : memref<16x128xf32, #tpu.memory_space<vmem>>, vector<16xf32>,
    tpu.vector_store %arg14[%swap3A_390, %swap3A_391], %broadcast_in_dim3A_388 {strides = array<i32>} : memref<16x128xf32, #tpu.memory_space<vmem>>, vector<16xf32>,
    %broadcast_in_dim3A_393 = arith.constant 0.000000e+00 : f32
    %broadcast_in_dim3A_394 = vector.broadcast %broadcast_in_dim3A_393 : f32 to vector<16xf32>
    %swap3A_395 = arith.constant 8 : i32
    %swap3A_396 = arith.index_cast %swap3A_395 : i32 to index
    %swap3A_397 = arith.constant 16 : index
    %swap3A_398 = tpu.vector_load %arg14[%swap3A_396, %swap3A_397] {strides = array<i32>} : memref<16x128xf32, #tpu.memory_space<vmem>>, vector<16xf32>,
    tpu.vector_store %arg14[%swap3A_396, %swap3A_397], %broadcast_in_dim3A_394 {strides = array<i32>} : memref<16x128xf32, #tpu.memory_space<vmem>>, vector<16xf32>,
    %broadcast_in_dim3A_399 = arith.constant 0.000000e+00 : f32
    %broadcast_in_dim3A_400 = vector.broadcast %broadcast_in_dim3A_399 : f32 to vector<16xf32>
    %swap3A_401 = arith.constant 8 : i32
    %swap3A_402 = arith.index_cast %swap3A_401 : i32 to index
    %swap3A_403 = arith.constant 32 : index
    %swap3A_404 = tpu.vector_load %arg14[%swap3A_402, %swap3A_403] {strides = array<i32>} : memref<16x128xf32, #tpu.memory_space<vmem>>, vector<16xf32>,
    tpu.vector_store %arg14[%swap3A_402, %swap3A_403], %broadcast_in_dim3A_400 {strides = array<i32>} : memref<16x128xf32, #tpu.memory_space<vmem>>, vector<16xf32>,
    %broadcast_in_dim3A_405 = arith.constant 0.000000e+00 : f32
    %broadcast_in_dim3A_406 = vector.broadcast %broadcast_in_dim3A_405 : f32 to vector<16xf32>
    %swap3A_407 = arith.constant 8 : i32
    %swap3A_408 = arith.index_cast %swap3A_407 : i32 to index
    %swap3A_409 = arith.constant 48 : index
    %swap3A_410 = tpu.vector_load %arg14[%swap3A_408, %swap3A_409] {strides = array<i32>} : memref<16x128xf32, #tpu.memory_space<vmem>>, vector<16xf32>,
    tpu.vector_store %arg14[%swap3A_408, %swap3A_409], %broadcast_in_dim3A_406 {strides = array<i32>} : memref<16x128xf32, #tpu.memory_space<vmem>>, vector<16xf32>,
    %broadcast_in_dim3A_411 = arith.constant 0.000000e+00 : f32
    %broadcast_in_dim3A_412 = vector.broadcast %broadcast_in_dim3A_411 : f32 to vector<16xf32>
    %swap3A_413 = arith.constant 8 : i32
    %swap3A_414 = arith.index_cast %swap3A_413 : i32 to index
    %swap3A_415 = arith.constant 64 : index
    %swap3A_416 = tpu.vector_load %arg14[%swap3A_414, %swap3A_415] {strides = array<i32>} : memref<16x128xf32, #tpu.memory_space<vmem>>, vector<16xf32>,
    tpu.vector_store %arg14[%swap3A_414, %swap3A_415], %broadcast_in_dim3A_412 {strides = array<i32>} : memref<16x128xf32, #tpu.memory_space<vmem>>, vector<16xf32>,
    %broadcast_in_dim3A_417 = arith.constant 0.000000e+00 : f32
    %broadcast_in_dim3A_418 = vector.broadcast %broadcast_in_dim3A_417 : f32 to vector<16xf32>
    %swap3A_419 = arith.constant 8 : i32
    %swap3A_420 = arith.index_cast %swap3A_419 : i32 to index
    %swap3A_421 = arith.constant 80 : index
    %swap3A_422 = tpu.vector_load %arg14[%swap3A_420, %swap3A_421] {strides = array<i32>} : memref<16x128xf32, #tpu.memory_space<vmem>>, vector<16xf32>,
    tpu.vector_store %arg14[%swap3A_420, %swap3A_421], %broadcast_in_dim3A_418 {strides = array<i32>} : memref<16x128xf32, #tpu.memory_space<vmem>>, vector<16xf32>,
    %broadcast_in_dim3A_423 = arith.constant 0.000000e+00 : f32
    %broadcast_in_dim3A_424 = vector.broadcast %broadcast_in_dim3A_423 : f32 to vector<16xf32>
    %swap3A_425 = arith.constant 8 : i32
    %swap3A_426 = arith.index_cast %swap3A_425 : i32 to index
    %swap3A_427 = arith.constant 96 : index
    %swap3A_428 = tpu.vector_load %arg14[%swap3A_426, %swap3A_427] {strides = array<i32>} : memref<16x128xf32, #tpu.memory_space<vmem>>, vector<16xf32>,
    tpu.vector_store %arg14[%swap3A_426, %swap3A_427], %broadcast_in_dim3A_424 {strides = array<i32>} : memref<16x128xf32, #tpu.memory_space<vmem>>, vector<16xf32>,
    %broadcast_in_dim3A_429 = arith.constant 0.000000e+00 : f32
    %broadcast_in_dim3A_430 = vector.broadcast %broadcast_in_dim3A_429 : f32 to vector<16xf32>
    %swap3A_431 = arith.constant 8 : i32
    %swap3A_432 = arith.index_cast %swap3A_431 : i32 to index
    %swap3A_433 = arith.constant 112 : index
    %swap3A_434 = tpu.vector_load %arg14[%swap3A_432, %swap3A_433] {strides = array<i32>} : memref<16x128xf32, #tpu.memory_space<vmem>>, vector<16xf32>,
    tpu.vector_store %arg14[%swap3A_432, %swap3A_433], %broadcast_in_dim3A_430 {strides = array<i32>} : memref<16x128xf32, #tpu.memory_space<vmem>>, vector<16xf32>,
    %broadcast_in_dim3A_435 = arith.constant 0.000000e+00 : f32
    %broadcast_in_dim3A_436 = vector.broadcast %broadcast_in_dim3A_435 : f32 to vector<16xf32>
    %swap3A_437 = arith.constant 9 : i32
    %swap3A_438 = arith.index_cast %swap3A_437 : i32 to index
    %swap3A_439 = arith.constant 0 : index
    %swap3A_440 = tpu.vector_load %arg14[%swap3A_438, %swap3A_439] {strides = array<i32>} : memref<16x128xf32, #tpu.memory_space<vmem>>, vector<16xf32>,
    tpu.vector_store %arg14[%swap3A_438, %swap3A_439], %broadcast_in_dim3A_436 {strides = array<i32>} : memref<16x128xf32, #tpu.memory_space<vmem>>, vector<16xf32>,
    %broadcast_in_dim3A_441 = arith.constant 0.000000e+00 : f32
    %broadcast_in_dim3A_442 = vector.broadcast %broadcast_in_dim3A_441 : f32 to vector<16xf32>
    %swap3A_443 = arith.constant 9 : i32
    %swap3A_444 = arith.index_cast %swap3A_443 : i32 to index
    %swap3A_445 = arith.constant 16 : index
    %swap3A_446 = tpu.vector_load %arg14[%swap3A_444, %swap3A_445] {strides = array<i32>} : memref<16x128xf32, #tpu.memory_space<vmem>>, vector<16xf32>,
    tpu.vector_store %arg14[%swap3A_444, %swap3A_445], %broadcast_in_dim3A_442 {strides = array<i32>} : memref<16x128xf32, #tpu.memory_space<vmem>>, vector<16xf32>,
    %broadcast_in_dim3A_447 = arith.constant 0.000000e+00 : f32
    %broadcast_in_dim3A_448 = vector.broadcast %broadcast_in_dim3A_447 : f32 to vector<16xf32>
    %swap3A_449 = arith.constant 9 : i32
    %swap3A_450 = arith.index_cast %swap3A_449 : i32 to index
    %swap3A_451 = arith.constant 32 : index
    %swap3A_452 = tpu.vector_load %arg14[%swap3A_450, %swap3A_451] {strides = array<i32>} : memref<16x128xf32, #tpu.memory_space<vmem>>, vector<16xf32>,
    tpu.vector_store %arg14[%swap3A_450, %swap3A_451], %broadcast_in_dim3A_448 {strides = array<i32>} : memref<16x128xf32, #tpu.memory_space<vmem>>, vector<16xf32>,
    %broadcast_in_dim3A_453 = arith.constant 0.000000e+00 : f32
    %broadcast_in_dim3A_454 = vector.broadcast %broadcast_in_dim3A_453 : f32 to vector<16xf32>
    %swap3A_455 = arith.constant 9 : i32
    %swap3A_456 = arith.index_cast %swap3A_455 : i32 to index
    %swap3A_457 = arith.constant 48 : index
    %swap3A_458 = tpu.vector_load %arg14[%swap3A_456, %swap3A_457] {strides = array<i32>} : memref<16x128xf32, #tpu.memory_space<vmem>>, vector<16xf32>,
    tpu.vector_store %arg14[%swap3A_456, %swap3A_457], %broadcast_in_dim3A_454 {strides = array<i32>} : memref<16x128xf32, #tpu.memory_space<vmem>>, vector<16xf32>,
    %broadcast_in_dim3A_459 = arith.constant 0.000000e+00 : f32
    %broadcast_in_dim3A_460 = vector.broadcast %broadcast_in_dim3A_459 : f32 to vector<16xf32>
    %swap3A_461 = arith.constant 9 : i32
    %swap3A_462 = arith.index_cast %swap3A_461 : i32 to index
    %swap3A_463 = arith.constant 64 : index
    %swap3A_464 = tpu.vector_load %arg14[%swap3A_462, %swap3A_463] {strides = array<i32>} : memref<16x128xf32, #tpu.memory_space<vmem>>, vector<16xf32>,
    tpu.vector_store %arg14[%swap3A_462, %swap3A_463], %broadcast_in_dim3A_460 {strides = array<i32>} : memref<16x128xf32, #tpu.memory_space<vmem>>, vector<16xf32>,
    %broadcast_in_dim3A_465 = arith.constant 0.000000e+00 : f32
    %broadcast_in_dim3A_466 = vector.broadcast %broadcast_in_dim3A_465 : f32 to vector<16xf32>
    %swap3A_467 = arith.constant 9 : i32
    %swap3A_468 = arith.index_cast %swap3A_467 : i32 to index
    %swap3A_469 = arith.constant 80 : index
    %swap3A_470 = tpu.vector_load %arg14[%swap3A_468, %swap3A_469] {strides = array<i32>} : memref<16x128xf32, #tpu.memory_space<vmem>>, vector<16xf32>,
    tpu.vector_store %arg14[%swap3A_468, %swap3A_469], %broadcast_in_dim3A_466 {strides = array<i32>} : memref<16x128xf32, #tpu.memory_space<vmem>>, vector<16xf32>,
    %broadcast_in_dim3A_471 = arith.constant 0.000000e+00 : f32
    %broadcast_in_dim3A_472 = vector.broadcast %broadcast_in_dim3A_471 : f32 to vector<16xf32>
    %swap3A_473 = arith.constant 9 : i32
    %swap3A_474 = arith.index_cast %swap3A_473 : i32 to index
    %swap3A_475 = arith.constant 96 : index
    %swap3A_476 = tpu.vector_load %arg14[%swap3A_474, %swap3A_475] {strides = array<i32>} : memref<16x128xf32, #tpu.memory_space<vmem>>, vector<16xf32>,
    tpu.vector_store %arg14[%swap3A_474, %swap3A_475], %broadcast_in_dim3A_472 {strides = array<i32>} : memref<16x128xf32, #tpu.memory_space<vmem>>, vector<16xf32>,
    %broadcast_in_dim3A_477 = arith.constant 0.000000e+00 : f32
    %broadcast_in_dim3A_478 = vector.broadcast %broadcast_in_dim3A_477 : f32 to vector<16xf32>
    %swap3A_479 = arith.constant 9 : i32
    %swap3A_480 = arith.index_cast %swap3A_479 : i32 to index
    %swap3A_481 = arith.constant 112 : index
    %swap3A_482 = tpu.vector_load %arg14[%swap3A_480, %swap3A_481] {strides = array<i32>} : memref<16x128xf32, #tpu.memory_space<vmem>>, vector<16xf32>,
    tpu.vector_store %arg14[%swap3A_480, %swap3A_481], %broadcast_in_dim3A_478 {strides = array<i32>} : memref<16x128xf32, #tpu.memory_space<vmem>>, vector<16xf32>,
    %broadcast_in_dim3A_483 = arith.constant 0.000000e+00 : f32
    %broadcast_in_dim3A_484 = vector.broadcast %broadcast_in_dim3A_483 : f32 to vector<16xf32>
    %swap3A_485 = arith.constant 10 : i32
    %swap3A_486 = arith.index_cast %swap3A_485 : i32 to index
    %swap3A_487 = arith.constant 0 : index
    %swap3A_488 = tpu.vector_load %arg14[%swap3A_486, %swap3A_487] {strides = array<i32>} : memref<16x128xf32, #tpu.memory_space<vmem>>, vector<16xf32>,
    tpu.vector_store %arg14[%swap3A_486, %swap3A_487], %broadcast_in_dim3A_484 {strides = array<i32>} : memref<16x128xf32, #tpu.memory_space<vmem>>, vector<16xf32>,
    %broadcast_in_dim3A_489 = arith.constant 0.000000e+00 : f32
    %broadcast_in_dim3A_490 = vector.broadcast %broadcast_in_dim3A_489 : f32 to vector<16xf32>
    %swap3A_491 = arith.constant 10 : i32
    %swap3A_492 = arith.index_cast %swap3A_491 : i32 to index
    %swap3A_493 = arith.constant 16 : index
    %swap3A_494 = tpu.vector_load %arg14[%swap3A_492, %swap3A_493] {strides = array<i32>} : memref<16x128xf32, #tpu.memory_space<vmem>>, vector<16xf32>,
    tpu.vector_store %arg14[%swap3A_492, %swap3A_493], %broadcast_in_dim3A_490 {strides = array<i32>} : memref<16x128xf32, #tpu.memory_space<vmem>>, vector<16xf32>,
    %broadcast_in_dim3A_495 = arith.constant 0.000000e+00 : f32
    %broadcast_in_dim3A_496 = vector.broadcast %broadcast_in_dim3A_495 : f32 to vector<16xf32>
    %swap3A_497 = arith.constant 10 : i32
    %swap3A_498 = arith.index_cast %swap3A_497 : i32 to index
    %swap3A_499 = arith.constant 32 : index
    %swap3A_500 = tpu.vector_load %arg14[%swap3A_498, %swap3A_499] {strides = array<i32>} : memref<16x128xf32, #tpu.memory_space<vmem>>, vector<16xf32>,
    tpu.vector_store %arg14[%swap3A_498, %swap3A_499], %broadcast_in_dim3A_496 {strides = array<i32>} : memref<16x128xf32, #tpu.memory_space<vmem>>, vector<16xf32>,
    %broadcast_in_dim3A_501 = arith.constant 0.000000e+00 : f32
    %broadcast_in_dim3A_502 = vector.broadcast %broadcast_in_dim3A_501 : f32 to vector<16xf32>
    %swap3A_503 = arith.constant 10 : i32
    %swap3A_504 = arith.index_cast %swap3A_503 : i32 to index
    %swap3A_505 = arith.constant 48 : index
    %swap3A_506 = tpu.vector_load %arg14[%swap3A_504, %swap3A_505] {strides = array<i32>} : memref<16x128xf32, #tpu.memory_space<vmem>>, vector<16xf32>,
    tpu.vector_store %arg14[%swap3A_504, %swap3A_505], %broadcast_in_dim3A_502 {strides = array<i32>} : memref<16x128xf32, #tpu.memory_space<vmem>>, vector<16xf32>,
    %broadcast_in_dim3A_507 = arith.constant 0.000000e+00 : f32
    %broadcast_in_dim3A_508 = vector.broadcast %broadcast_in_dim3A_507 : f32 to vector<16xf32>
    %swap3A_509 = arith.constant 10 : i32
    %swap3A_510 = arith.index_cast %swap3A_509 : i32 to index
    %swap3A_511 = arith.constant 64 : index
    %swap3A_512 = tpu.vector_load %arg14[%swap3A_510, %swap3A_511] {strides = array<i32>} : memref<16x128xf32, #tpu.memory_space<vmem>>, vector<16xf32>,
    tpu.vector_store %arg14[%swap3A_510, %swap3A_511], %broadcast_in_dim3A_508 {strides = array<i32>} : memref<16x128xf32, #tpu.memory_space<vmem>>, vector<16xf32>,
    %broadcast_in_dim3A_513 = arith.constant 0.000000e+00 : f32
    %broadcast_in_dim3A_514 = vector.broadcast %broadcast_in_dim3A_513 : f32 to vector<16xf32>
    %swap3A_515 = arith.constant 10 : i32
    %swap3A_516 = arith.index_cast %swap3A_515 : i32 to index
    %swap3A_517 = arith.constant 80 : index
    %swap3A_518 = tpu.vector_load %arg14[%swap3A_516, %swap3A_517] {strides = array<i32>} : memref<16x128xf32, #tpu.memory_space<vmem>>, vector<16xf32>,
    tpu.vector_store %arg14[%swap3A_516, %swap3A_517], %broadcast_in_dim3A_514 {strides = array<i32>} : memref<16x128xf32, #tpu.memory_space<vmem>>, vector<16xf32>,
    %broadcast_in_dim3A_519 = arith.constant 0.000000e+00 : f32
    %broadcast_in_dim3A_520 = vector.broadcast %broadcast_in_dim3A_519 : f32 to vector<16xf32>
    %swap3A_521 = arith.constant 10 : i32
    %swap3A_522 = arith.index_cast %swap3A_521 : i32 to index
    %swap3A_523 = arith.constant 96 : index
    %swap3A_524 = tpu.vector_load %arg14[%swap3A_522, %swap3A_523] {strides = array<i32>} : memref<16x128xf32, #tpu.memory_space<vmem>>, vector<16xf32>,
    tpu.vector_store %arg14[%swap3A_522, %swap3A_523], %broadcast_in_dim3A_520 {strides = array<i32>} : memref<16x128xf32, #tpu.memory_space<vmem>>, vector<16xf32>,
    %broadcast_in_dim3A_525 = arith.constant 0.000000e+00 : f32
    %broadcast_in_dim3A_526 = vector.broadcast %broadcast_in_dim3A_525 : f32 to vector<16xf32>
    %swap3A_527 = arith.constant 10 : i32
    %swap3A_528 = arith.index_cast %swap3A_527 : i32 to index
    %swap3A_529 = arith.constant 112 : index
    %swap3A_530 = tpu.vector_load %arg14[%swap3A_528, %swap3A_529] {strides = array<i32>} : memref<16x128xf32, #tpu.memory_space<vmem>>, vector<16xf32>,
    tpu.vector_store %arg14[%swap3A_528, %swap3A_529], %broadcast_in_dim3A_526 {strides = array<i32>} : memref<16x128xf32, #tpu.memory_space<vmem>>, vector<16xf32>,
    %broadcast_in_dim3A_531 = arith.constant 0.000000e+00 : f32
    %broadcast_in_dim3A_532 = vector.broadcast %broadcast_in_dim3A_531 : f32 to vector<16xf32>
    %swap3A_533 = arith.constant 11 : i32
    %swap3A_534 = arith.index_cast %swap3A_533 : i32 to index
    %swap3A_535 = arith.constant 0 : index
    %swap3A_536 = tpu.vector_load %arg14[%swap3A_534, %swap3A_535] {strides = array<i32>} : memref<16x128xf32, #tpu.memory_space<vmem>>, vector<16xf32>,
    tpu.vector_store %arg14[%swap3A_534, %swap3A_535], %broadcast_in_dim3A_532 {strides = array<i32>} : memref<16x128xf32, #tpu.memory_space<vmem>>, vector<16xf32>,
    %broadcast_in_dim3A_537 = arith.constant 0.000000e+00 : f32
    %broadcast_in_dim3A_538 = vector.broadcast %broadcast_in_dim3A_537 : f32 to vector<16xf32>
    %swap3A_539 = arith.constant 11 : i32
    %swap3A_540 = arith.index_cast %swap3A_539 : i32 to index
    %swap3A_541 = arith.constant 16 : index
    %swap3A_542 = tpu.vector_load %arg14[%swap3A_540, %swap3A_541] {strides = array<i32>} : memref<16x128xf32, #tpu.memory_space<vmem>>, vector<16xf32>,
    tpu.vector_store %arg14[%swap3A_540, %swap3A_541], %broadcast_in_dim3A_538 {strides = array<i32>} : memref<16x128xf32, #tpu.memory_space<vmem>>, vector<16xf32>,
    %broadcast_in_dim3A_543 = arith.constant 0.000000e+00 : f32
    %broadcast_in_dim3A_544 = vector.broadcast %broadcast_in_dim3A_543 : f32 to vector<16xf32>
    %swap3A_545 = arith.constant 11 : i32
    %swap3A_546 = arith.index_cast %swap3A_545 : i32 to index
    %swap3A_547 = arith.constant 32 : index
    %swap3A_548 = tpu.vector_load %arg14[%swap3A_546, %swap3A_547] {strides = array<i32>} : memref<16x128xf32, #tpu.memory_space<vmem>>, vector<16xf32>,
    tpu.vector_store %arg14[%swap3A_546, %swap3A_547], %broadcast_in_dim3A_544 {strides = array<i32>} : memref<16x128xf32, #tpu.memory_space<vmem>>, vector<16xf32>,
    %broadcast_in_dim3A_549 = arith.constant 0.000000e+00 : f32
    %broadcast_in_dim3A_550 = vector.broadcast %broadcast_in_dim3A_549 : f32 to vector<16xf32>
    %swap3A_551 = arith.constant 11 : i32
    %swap3A_552 = arith.index_cast %swap3A_551 : i32 to index
    %swap3A_553 = arith.constant 48 : index
    %swap3A_554 = tpu.vector_load %arg14[%swap3A_552, %swap3A_553] {strides = array<i32>} : memref<16x128xf32, #tpu.memory_space<vmem>>, vector<16xf32>,
    tpu.vector_store %arg14[%swap3A_552, %swap3A_553], %broadcast_in_dim3A_550 {strides = array<i32>} : memref<16x128xf32, #tpu.memory_space<vmem>>, vector<16xf32>,
    %broadcast_in_dim3A_555 = arith.constant 0.000000e+00 : f32
    %broadcast_in_dim3A_556 = vector.broadcast %broadcast_in_dim3A_555 : f32 to vector<16xf32>
    %swap3A_557 = arith.constant 11 : i32
    %swap3A_558 = arith.index_cast %swap3A_557 : i32 to index
    %swap3A_559 = arith.constant 64 : index
    %swap3A_560 = tpu.vector_load %arg14[%swap3A_558, %swap3A_559] {strides = array<i32>} : memref<16x128xf32, #tpu.memory_space<vmem>>, vector<16xf32>,
    tpu.vector_store %arg14[%swap3A_558, %swap3A_559], %broadcast_in_dim3A_556 {strides = array<i32>} : memref<16x128xf32, #tpu.memory_space<vmem>>, vector<16xf32>,
    %broadcast_in_dim3A_561 = arith.constant 0.000000e+00 : f32
    %broadcast_in_dim3A_562 = vector.broadcast %broadcast_in_dim3A_561 : f32 to vector<16xf32>
    %swap3A_563 = arith.constant 11 : i32
    %swap3A_564 = arith.index_cast %swap3A_563 : i32 to index
    %swap3A_565 = arith.constant 80 : index
    %swap3A_566 = tpu.vector_load %arg14[%swap3A_564, %swap3A_565] {strides = array<i32>} : memref<16x128xf32, #tpu.memory_space<vmem>>, vector<16xf32>,
    tpu.vector_store %arg14[%swap3A_564, %swap3A_565], %broadcast_in_dim3A_562 {strides = array<i32>} : memref<16x128xf32, #tpu.memory_space<vmem>>, vector<16xf32>,
    %broadcast_in_dim3A_567 = arith.constant 0.000000e+00 : f32
    %broadcast_in_dim3A_568 = vector.broadcast %broadcast_in_dim3A_567 : f32 to vector<16xf32>
    %swap3A_569 = arith.constant 11 : i32
    %swap3A_570 = arith.index_cast %swap3A_569 : i32 to index
    %swap3A_571 = arith.constant 96 : index
    %swap3A_572 = tpu.vector_load %arg14[%swap3A_570, %swap3A_571] {strides = array<i32>} : memref<16x128xf32, #tpu.memory_space<vmem>>, vector<16xf32>,
    tpu.vector_store %arg14[%swap3A_570, %swap3A_571], %broadcast_in_dim3A_568 {strides = array<i32>} : memref<16x128xf32, #tpu.memory_space<vmem>>, vector<16xf32>,
    %broadcast_in_dim3A_573 = arith.constant 0.000000e+00 : f32
    %broadcast_in_dim3A_574 = vector.broadcast %broadcast_in_dim3A_573 : f32 to vector<16xf32>
    %swap3A_575 = arith.constant 11 : i32
    %swap3A_576 = arith.index_cast %swap3A_575 : i32 to index
    %swap3A_577 = arith.constant 112 : index
    %swap3A_578 = tpu.vector_load %arg14[%swap3A_576, %swap3A_577] {strides = array<i32>} : memref<16x128xf32, #tpu.memory_space<vmem>>, vector<16xf32>,
    tpu.vector_store %arg14[%swap3A_576, %swap3A_577], %broadcast_in_dim3A_574 {strides = array<i32>} : memref<16x128xf32, #tpu.memory_space<vmem>>, vector<16xf32>,
    %broadcast_in_dim3A_579 = arith.constant 0.000000e+00 : f32
    %broadcast_in_dim3A_580 = vector.broadcast %broadcast_in_dim3A_579 : f32 to vector<16xf32>
    %swap3A_581 = arith.constant 12 : i32
    %swap3A_582 = arith.index_cast %swap3A_581 : i32 to index
    %swap3A_583 = arith.constant 0 : index
    %swap3A_584 = tpu.vector_load %arg14[%swap3A_582, %swap3A_583] {strides = array<i32>} : memref<16x128xf32, #tpu.memory_space<vmem>>, vector<16xf32>,
    tpu.vector_store %arg14[%swap3A_582, %swap3A_583], %broadcast_in_dim3A_580 {strides = array<i32>} : memref<16x128xf32, #tpu.memory_space<vmem>>, vector<16xf32>,
    %broadcast_in_dim3A_585 = arith.constant 0.000000e+00 : f32
    %broadcast_in_dim3A_586 = vector.broadcast %broadcast_in_dim3A_585 : f32 to vector<16xf32>
    %swap3A_587 = arith.constant 12 : i32
    %swap3A_588 = arith.index_cast %swap3A_587 : i32 to index
    %swap3A_589 = arith.constant 16 : index
    %swap3A_590 = tpu.vector_load %arg14[%swap3A_588, %swap3A_589] {strides = array<i32>} : memref<16x128xf32, #tpu.memory_space<vmem>>, vector<16xf32>,
    tpu.vector_store %arg14[%swap3A_588, %swap3A_589], %broadcast_in_dim3A_586 {strides = array<i32>} : memref<16x128xf32, #tpu.memory_space<vmem>>, vector<16xf32>,
    %broadcast_in_dim3A_591 = arith.constant 0.000000e+00 : f32
    %broadcast_in_dim3A_592 = vector.broadcast %broadcast_in_dim3A_591 : f32 to vector<16xf32>
    %swap3A_593 = arith.constant 12 : i32
    %swap3A_594 = arith.index_cast %swap3A_593 : i32 to index
    %swap3A_595 = arith.constant 32 : index
    %swap3A_596 = tpu.vector_load %arg14[%swap3A_594, %swap3A_595] {strides = array<i32>} : memref<16x128xf32, #tpu.memory_space<vmem>>, vector<16xf32>,
    tpu.vector_store %arg14[%swap3A_594, %swap3A_595], %broadcast_in_dim3A_592 {strides = array<i32>} : memref<16x128xf32, #tpu.memory_space<vmem>>, vector<16xf32>,
    %broadcast_in_dim3A_597 = arith.constant 0.000000e+00 : f32
    %broadcast_in_dim3A_598 = vector.broadcast %broadcast_in_dim3A_597 : f32 to vector<16xf32>
    %swap3A_599 = arith.constant 12 : i32
    %swap3A_600 = arith.index_cast %swap3A_599 : i32 to index
    %swap3A_601 = arith.constant 48 : index
    %swap3A_602 = tpu.vector_load %arg14[%swap3A_600, %swap3A_601] {strides = array<i32>} : memref<16x128xf32, #tpu.memory_space<vmem>>, vector<16xf32>,
    tpu.vector_store %arg14[%swap3A_600, %swap3A_601], %broadcast_in_dim3A_598 {strides = array<i32>} : memref<16x128xf32, #tpu.memory_space<vmem>>, vector<16xf32>,
    %broadcast_in_dim3A_603 = arith.constant 0.000000e+00 : f32
    %broadcast_in_dim3A_604 = vector.broadcast %broadcast_in_dim3A_603 : f32 to vector<16xf32>
    %swap3A_605 = arith.constant 12 : i32
    %swap3A_606 = arith.index_cast %swap3A_605 : i32 to index
    %swap3A_607 = arith.constant 64 : index
    %swap3A_608 = tpu.vector_load %arg14[%swap3A_606, %swap3A_607] {strides = array<i32>} : memref<16x128xf32, #tpu.memory_space<vmem>>, vector<16xf32>,
    tpu.vector_store %arg14[%swap3A_606, %swap3A_607], %broadcast_in_dim3A_604 {strides = array<i32>} : memref<16x128xf32, #tpu.memory_space<vmem>>, vector<16xf32>,
    %broadcast_in_dim3A_609 = arith.constant 0.000000e+00 : f32
    %broadcast_in_dim3A_610 = vector.broadcast %broadcast_in_dim3A_609 : f32 to vector<16xf32>
    %swap3A_611 = arith.constant 12 : i32
    %swap3A_612 = arith.index_cast %swap3A_611 : i32 to index
    %swap3A_613 = arith.constant 80 : index
    %swap3A_614 = tpu.vector_load %arg14[%swap3A_612, %swap3A_613] {strides = array<i32>} : memref<16x128xf32, #tpu.memory_space<vmem>>, vector<16xf32>,
    tpu.vector_store %arg14[%swap3A_612, %swap3A_613], %broadcast_in_dim3A_610 {strides = array<i32>} : memref<16x128xf32, #tpu.memory_space<vmem>>, vector<16xf32>,
    %broadcast_in_dim3A_615 = arith.constant 0.000000e+00 : f32
    %broadcast_in_dim3A_616 = vector.broadcast %broadcast_in_dim3A_615 : f32 to vector<16xf32>
    %swap3A_617 = arith.constant 12 : i32
    %swap3A_618 = arith.index_cast %swap3A_617 : i32 to index
    %swap3A_619 = arith.constant 96 : index
    %swap3A_620 = tpu.vector_load %arg14[%swap3A_618, %swap3A_619] {strides = array<i32>} : memref<16x128xf32, #tpu.memory_space<vmem>>, vector<16xf32>,
    tpu.vector_store %arg14[%swap3A_618, %swap3A_619], %broadcast_in_dim3A_616 {strides = array<i32>} : memref<16x128xf32, #tpu.memory_space<vmem>>, vector<16xf32>,
    %broadcast_in_dim3A_621 = arith.constant 0.000000e+00 : f32
    %broadcast_in_dim3A_622 = vector.broadcast %broadcast_in_dim3A_621 : f32 to vector<16xf32>
    %swap3A_623 = arith.constant 12 : i32
    %swap3A_624 = arith.index_cast %swap3A_623 : i32 to index
    %swap3A_625 = arith.constant 112 : index
    %swap3A_626 = tpu.vector_load %arg14[%swap3A_624, %swap3A_625] {strides = array<i32>} : memref<16x128xf32, #tpu.memory_space<vmem>>, vector<16xf32>,
    tpu.vector_store %arg14[%swap3A_624, %swap3A_625], %broadcast_in_dim3A_622 {strides = array<i32>} : memref<16x128xf32, #tpu.memory_space<vmem>>, vector<16xf32>,
    %broadcast_in_dim3A_627 = arith.constant 0.000000e+00 : f32
    %broadcast_in_dim3A_628 = vector.broadcast %broadcast_in_dim3A_627 : f32 to vector<16xf32>
    %swap3A_629 = arith.constant 13 : i32
    %swap3A_630 = arith.index_cast %swap3A_629 : i32 to index
    %swap3A_631 = arith.constant 0 : index
    %swap3A_632 = tpu.vector_load %arg14[%swap3A_630, %swap3A_631] {strides = array<i32>} : memref<16x128xf32, #tpu.memory_space<vmem>>, vector<16xf32>,
    tpu.vector_store %arg14[%swap3A_630, %swap3A_631], %broadcast_in_dim3A_628 {strides = array<i32>} : memref<16x128xf32, #tpu.memory_space<vmem>>, vector<16xf32>,
    %broadcast_in_dim3A_633 = arith.constant 0.000000e+00 : f32
    %broadcast_in_dim3A_634 = vector.broadcast %broadcast_in_dim3A_633 : f32 to vector<16xf32>
    %swap3A_635 = arith.constant 13 : i32
    %swap3A_636 = arith.index_cast %swap3A_635 : i32 to index
    %swap3A_637 = arith.constant 16 : index
    %swap3A_638 = tpu.vector_load %arg14[%swap3A_636, %swap3A_637] {strides = array<i32>} : memref<16x128xf32, #tpu.memory_space<vmem>>, vector<16xf32>,
    tpu.vector_store %arg14[%swap3A_636, %swap3A_637], %broadcast_in_dim3A_634 {strides = array<i32>} : memref<16x128xf32, #tpu.memory_space<vmem>>, vector<16xf32>,
    %broadcast_in_dim3A_639 = arith.constant 0.000000e+00 : f32
    %broadcast_in_dim3A_640 = vector.broadcast %broadcast_in_dim3A_639 : f32 to vector<16xf32>
    %swap3A_641 = arith.constant 13 : i32
    %swap3A_642 = arith.index_cast %swap3A_641 : i32 to index
    %swap3A_643 = arith.constant 32 : index
    %swap3A_644 = tpu.vector_load %arg14[%swap3A_642, %swap3A_643] {strides = array<i32>} : memref<16x128xf32, #tpu.memory_space<vmem>>, vector<16xf32>,
    tpu.vector_store %arg14[%swap3A_642, %swap3A_643], %broadcast_in_dim3A_640 {strides = array<i32>} : memref<16x128xf32, #tpu.memory_space<vmem>>, vector<16xf32>,
    %broadcast_in_dim3A_645 = arith.constant 0.000000e+00 : f32
    %broadcast_in_dim3A_646 = vector.broadcast %broadcast_in_dim3A_645 : f32 to vector<16xf32>
    %swap3A_647 = arith.constant 13 : i32
    %swap3A_648 = arith.index_cast %swap3A_647 : i32 to index
    %swap3A_649 = arith.constant 48 : index
    %swap3A_650 = tpu.vector_load %arg14[%swap3A_648, %swap3A_649] {strides = array<i32>} : memref<16x128xf32, #tpu.memory_space<vmem>>, vector<16xf32>,
    tpu.vector_store %arg14[%swap3A_648, %swap3A_649], %broadcast_in_dim3A_646 {strides = array<i32>} : memref<16x128xf32, #tpu.memory_space<vmem>>, vector<16xf32>,
    %broadcast_in_dim3A_651 = arith.constant 0.000000e+00 : f32
    %broadcast_in_dim3A_652 = vector.broadcast %broadcast_in_dim3A_651 : f32 to vector<16xf32>
    %swap3A_653 = arith.constant 13 : i32
    %swap3A_654 = arith.index_cast %swap3A_653 : i32 to index
    %swap3A_655 = arith.constant 64 : index
    %swap3A_656 = tpu.vector_load %arg14[%swap3A_654, %swap3A_655] {strides = array<i32>} : memref<16x128xf32, #tpu.memory_space<vmem>>, vector<16xf32>,
    tpu.vector_store %arg14[%swap3A_654, %swap3A_655], %broadcast_in_dim3A_652 {strides = array<i32>} : memref<16x128xf32, #tpu.memory_space<vmem>>, vector<16xf32>,
    %broadcast_in_dim3A_657 = arith.constant 0.000000e+00 : f32
    %broadcast_in_dim3A_658 = vector.broadcast %broadcast_in_dim3A_657 : f32 to vector<16xf32>
    %swap3A_659 = arith.constant 13 : i32
    %swap3A_660 = arith.index_cast %swap3A_659 : i32 to index
    %swap3A_661 = arith.constant 80 : index
    %swap3A_662 = tpu.vector_load %arg14[%swap3A_660, %swap3A_661] {strides = array<i32>} : memref<16x128xf32, #tpu.memory_space<vmem>>, vector<16xf32>,
    tpu.vector_store %arg14[%swap3A_660, %swap3A_661], %broadcast_in_dim3A_658 {strides = array<i32>} : memref<16x128xf32, #tpu.memory_space<vmem>>, vector<16xf32>,
    %broadcast_in_dim3A_663 = arith.constant 0.000000e+00 : f32
    %broadcast_in_dim3A_664 = vector.broadcast %broadcast_in_dim3A_663 : f32 to vector<16xf32>
    %swap3A_665 = arith.constant 13 : i32
    %swap3A_666 = arith.index_cast %swap3A_665 : i32 to index
    %swap3A_667 = arith.constant 96 : index
    %swap3A_668 = tpu.vector_load %arg14[%swap3A_666, %swap3A_667] {strides = array<i32>} : memref<16x128xf32, #tpu.memory_space<vmem>>, vector<16xf32>,
    tpu.vector_store %arg14[%swap3A_666, %swap3A_667], %broadcast_in_dim3A_664 {strides = array<i32>} : memref<16x128xf32, #tpu.memory_space<vmem>>, vector<16xf32>,
    %broadcast_in_dim3A_669 = arith.constant 0.000000e+00 : f32
    %broadcast_in_dim3A_670 = vector.broadcast %broadcast_in_dim3A_669 : f32 to vector<16xf32>
    %swap3A_671 = arith.constant 13 : i32
    %swap3A_672 = arith.index_cast %swap3A_671 : i32 to index
    %swap3A_673 = arith.constant 112 : index
    %swap3A_674 = tpu.vector_load %arg14[%swap3A_672, %swap3A_673] {strides = array<i32>} : memref<16x128xf32, #tpu.memory_space<vmem>>, vector<16xf32>,
    tpu.vector_store %arg14[%swap3A_672, %swap3A_673], %broadcast_in_dim3A_670 {strides = array<i32>} : memref<16x128xf32, #tpu.memory_space<vmem>>, vector<16xf32>,
    %broadcast_in_dim3A_675 = arith.constant 0.000000e+00 : f32
    %broadcast_in_dim3A_676 = vector.broadcast %broadcast_in_dim3A_675 : f32 to vector<16xf32>
    %swap3A_677 = arith.constant 14 : i32
    %swap3A_678 = arith.index_cast %swap3A_677 : i32 to index
    %swap3A_679 = arith.constant 0 : index
    %swap3A_680 = tpu.vector_load %arg14[%swap3A_678, %swap3A_679] {strides = array<i32>} : memref<16x128xf32, #tpu.memory_space<vmem>>, vector<16xf32>,
    tpu.vector_store %arg14[%swap3A_678, %swap3A_679], %broadcast_in_dim3A_676 {strides = array<i32>} : memref<16x128xf32, #tpu.memory_space<vmem>>, vector<16xf32>,
    %broadcast_in_dim3A_681 = arith.constant 0.000000e+00 : f32
    %broadcast_in_dim3A_682 = vector.broadcast %broadcast_in_dim3A_681 : f32 to vector<16xf32>
    %swap3A_683 = arith.constant 14 : i32
    %swap3A_684 = arith.index_cast %swap3A_683 : i32 to index
    %swap3A_685 = arith.constant 16 : index
    %swap3A_686 = tpu.vector_load %arg14[%swap3A_684, %swap3A_685] {strides = array<i32>} : memref<16x128xf32, #tpu.memory_space<vmem>>, vector<16xf32>,
    tpu.vector_store %arg14[%swap3A_684, %swap3A_685], %broadcast_in_dim3A_682 {strides = array<i32>} : memref<16x128xf32, #tpu.memory_space<vmem>>, vector<16xf32>,
    %broadcast_in_dim3A_687 = arith.constant 0.000000e+00 : f32
    %broadcast_in_dim3A_688 = vector.broadcast %broadcast_in_dim3A_687 : f32 to vector<16xf32>
    %swap3A_689 = arith.constant 14 : i32
    %swap3A_690 = arith.index_cast %swap3A_689 : i32 to index
    %swap3A_691 = arith.constant 32 : index
    %swap3A_692 = tpu.vector_load %arg14[%swap3A_690, %swap3A_691] {strides = array<i32>} : memref<16x128xf32, #tpu.memory_space<vmem>>, vector<16xf32>,
    tpu.vector_store %arg14[%swap3A_690, %swap3A_691], %broadcast_in_dim3A_688 {strides = array<i32>} : memref<16x128xf32, #tpu.memory_space<vmem>>, vector<16xf32>,
    %broadcast_in_dim3A_693 = arith.constant 0.000000e+00 : f32
    %broadcast_in_dim3A_694 = vector.broadcast %broadcast_in_dim3A_693 : f32 to vector<16xf32>
    %swap3A_695 = arith.constant 14 : i32
    %swap3A_696 = arith.index_cast %swap3A_695 : i32 to index
    %swap3A_697 = arith.constant 48 : index
    %swap3A_698 = tpu.vector_load %arg14[%swap3A_696, %swap3A_697] {strides = array<i32>} : memref<16x128xf32, #tpu.memory_space<vmem>>, vector<16xf32>,
    tpu.vector_store %arg14[%swap3A_696, %swap3A_697], %broadcast_in_dim3A_694 {strides = array<i32>} : memref<16x128xf32, #tpu.memory_space<vmem>>, vector<16xf32>,
    %broadcast_in_dim3A_699 = arith.constant 0.000000e+00 : f32
    %broadcast_in_dim3A_700 = vector.broadcast %broadcast_in_dim3A_699 : f32 to vector<16xf32>
    %swap3A_701 = arith.constant 14 : i32
    %swap3A_702 = arith.index_cast %swap3A_701 : i32 to index
    %swap3A_703 = arith.constant 64 : index
    %swap3A_704 = tpu.vector_load %arg14[%swap3A_702, %swap3A_703] {strides = array<i32>} : memref<16x128xf32, #tpu.memory_space<vmem>>, vector<16xf32>,
    tpu.vector_store %arg14[%swap3A_702, %swap3A_703], %broadcast_in_dim3A_700 {strides = array<i32>} : memref<16x128xf32, #tpu.memory_space<vmem>>, vector<16xf32>,
    %broadcast_in_dim3A_705 = arith.constant 0.000000e+00 : f32
    %broadcast_in_dim3A_706 = vector.broadcast %broadcast_in_dim3A_705 : f32 to vector<16xf32>
    %swap3A_707 = arith.constant 14 : i32
    %swap3A_708 = arith.index_cast %swap3A_707 : i32 to index
    %swap3A_709 = arith.constant 80 : index
    %swap3A_710 = tpu.vector_load %arg14[%swap3A_708, %swap3A_709] {strides = array<i32>} : memref<16x128xf32, #tpu.memory_space<vmem>>, vector<16xf32>,
    tpu.vector_store %arg14[%swap3A_708, %swap3A_709], %broadcast_in_dim3A_706 {strides = array<i32>} : memref<16x128xf32, #tpu.memory_space<vmem>>, vector<16xf32>,
    %broadcast_in_dim3A_711 = arith.constant 0.000000e+00 : f32
    %broadcast_in_dim3A_712 = vector.broadcast %broadcast_in_dim3A_711 : f32 to vector<16xf32>
    %swap3A_713 = arith.constant 14 : i32
    %swap3A_714 = arith.index_cast %swap3A_713 : i32 to index
    %swap3A_715 = arith.constant 96 : index
    %swap3A_716 = tpu.vector_load %arg14[%swap3A_714, %swap3A_715] {strides = array<i32>} : memref<16x128xf32, #tpu.memory_space<vmem>>, vector<16xf32>,
    tpu.vector_store %arg14[%swap3A_714, %swap3A_715], %broadcast_in_dim3A_712 {strides = array<i32>} : memref<16x128xf32, #tpu.memory_space<vmem>>, vector<16xf32>,
    %broadcast_in_dim3A_717 = arith.constant 0.000000e+00 : f32
    %broadcast_in_dim3A_718 = vector.broadcast %broadcast_in_dim3A_717 : f32 to vector<16xf32>
    %swap3A_719 = arith.constant 14 : i32
    %swap3A_720 = arith.index_cast %swap3A_719 : i32 to index
    %swap3A_721 = arith.constant 112 : index
    %swap3A_722 = tpu.vector_load %arg14[%swap3A_720, %swap3A_721] {strides = array<i32>} : memref<16x128xf32, #tpu.memory_space<vmem>>, vector<16xf32>,
    tpu.vector_store %arg14[%swap3A_720, %swap3A_721], %broadcast_in_dim3A_718 {strides = array<i32>} : memref<16x128xf32, #tpu.memory_space<vmem>>, vector<16xf32>,
    %broadcast_in_dim3A_723 = arith.constant 0.000000e+00 : f32
    %broadcast_in_dim3A_724 = vector.broadcast %broadcast_in_dim3A_723 : f32 to vector<16xf32>
    %swap3A_725 = arith.constant 15 : i32
    %swap3A_726 = arith.index_cast %swap3A_725 : i32 to index
    %swap3A_727 = arith.constant 0 : index
    %swap3A_728 = tpu.vector_load %arg14[%swap3A_726, %swap3A_727] {strides = array<i32>} : memref<16x128xf32, #tpu.memory_space<vmem>>, vector<16xf32>,
    tpu.vector_store %arg14[%swap3A_726, %swap3A_727], %broadcast_in_dim3A_724 {strides = array<i32>} : memref<16x128xf32, #tpu.memory_space<vmem>>, vector<16xf32>,
    %broadcast_in_dim3A_729 = arith.constant 0.000000e+00 : f32
    %broadcast_in_dim3A_730 = vector.broadcast %broadcast_in_dim3A_729 : f32 to vector<16xf32>
    %swap3A_731 = arith.constant 15 : i32
    %swap3A_732 = arith.index_cast %swap3A_731 : i32 to index
    %swap3A_733 = arith.constant 16 : index
    %swap3A_734 = tpu.vector_load %arg14[%swap3A_732, %swap3A_733] {strides = array<i32>} : memref<16x128xf32, #tpu.memory_space<vmem>>, vector<16xf32>,
    tpu.vector_store %arg14[%swap3A_732, %swap3A_733], %broadcast_in_dim3A_730 {strides = array<i32>} : memref<16x128xf32, #tpu.memory_space<vmem>>, vector<16xf32>,
    %broadcast_in_dim3A_735 = arith.constant 0.000000e+00 : f32
    %broadcast_in_dim3A_736 = vector.broadcast %broadcast_in_dim3A_735 : f32 to vector<16xf32>
    %swap3A_737 = arith.constant 15 : i32
    %swap3A_738 = arith.index_cast %swap3A_737 : i32 to index
    %swap3A_739 = arith.constant 32 : index
    %swap3A_740 = tpu.vector_load %arg14[%swap3A_738, %swap3A_739] {strides = array<i32>} : memref<16x128xf32, #tpu.memory_space<vmem>>, vector<16xf32>,
    tpu.vector_store %arg14[%swap3A_738, %swap3A_739], %broadcast_in_dim3A_736 {strides = array<i32>} : memref<16x128xf32, #tpu.memory_space<vmem>>, vector<16xf32>,
    %broadcast_in_dim3A_741 = arith.constant 0.000000e+00 : f32
    %broadcast_in_dim3A_742 = vector.broadcast %broadcast_in_dim3A_741 : f32 to vector<16xf32>
    %swap3A_743 = arith.constant 15 : i32
    %swap3A_744 = arith.index_cast %swap3A_743 : i32 to index
    %swap3A_745 = arith.constant 48 : index
    %swap3A_746 = tpu.vector_load %arg14[%swap3A_744, %swap3A_745] {strides = array<i32>} : memref<16x128xf32, #tpu.memory_space<vmem>>, vector<16xf32>,
    tpu.vector_store %arg14[%swap3A_744, %swap3A_745], %broadcast_in_dim3A_742 {strides = array<i32>} : memref<16x128xf32, #tpu.memory_space<vmem>>, vector<16xf32>,
    %broadcast_in_dim3A_747 = arith.constant 0.000000e+00 : f32
    %broadcast_in_dim3A_748 = vector.broadcast %broadcast_in_dim3A_747 : f32 to vector<16xf32>
    %swap3A_749 = arith.constant 15 : i32
    %swap3A_750 = arith.index_cast %swap3A_749 : i32 to index
    %swap3A_751 = arith.constant 64 : index
    %swap3A_752 = tpu.vector_load %arg14[%swap3A_750, %swap3A_751] {strides = array<i32>} : memref<16x128xf32, #tpu.memory_space<vmem>>, vector<16xf32>,
    tpu.vector_store %arg14[%swap3A_750, %swap3A_751], %broadcast_in_dim3A_748 {strides = array<i32>} : memref<16x128xf32, #tpu.memory_space<vmem>>, vector<16xf32>,
    %broadcast_in_dim3A_753 = arith.constant 0.000000e+00 : f32
    %broadcast_in_dim3A_754 = vector.broadcast %broadcast_in_dim3A_753 : f32 to vector<16xf32>
    %swap3A_755 = arith.constant 15 : i32
    %swap3A_756 = arith.index_cast %swap3A_755 : i32 to index
    %swap3A_757 = arith.constant 80 : index
    %swap3A_758 = tpu.vector_load %arg14[%swap3A_756, %swap3A_757] {strides = array<i32>} : memref<16x128xf32, #tpu.memory_space<vmem>>, vector<16xf32>,
    tpu.vector_store %arg14[%swap3A_756, %swap3A_757], %broadcast_in_dim3A_754 {strides = array<i32>} : memref<16x128xf32, #tpu.memory_space<vmem>>, vector<16xf32>,
    %broadcast_in_dim3A_759 = arith.constant 0.000000e+00 : f32
    %broadcast_in_dim3A_760 = vector.broadcast %broadcast_in_dim3A_759 : f32 to vector<16xf32>
    %swap3A_761 = arith.constant 15 : i32
    %swap3A_762 = arith.index_cast %swap3A_761 : i32 to index
    %swap3A_763 = arith.constant 96 : index
    %swap3A_764 = tpu.vector_load %arg14[%swap3A_762, %swap3A_763] {strides = array<i32>} : memref<16x128xf32, #tpu.memory_space<vmem>>, vector<16xf32>,
    tpu.vector_store %arg14[%swap3A_762, %swap3A_763], %broadcast_in_dim3A_760 {strides = array<i32>} : memref<16x128xf32, #tpu.memory_space<vmem>>, vector<16xf32>,
    %broadcast_in_dim3A_765 = arith.constant 0.000000e+00 : f32
    %broadcast_in_dim3A_766 = vector.broadcast %broadcast_in_dim3A_765 : f32 to vector<16xf32>
    %swap3A_767 = arith.constant 15 : i32
    %swap3A_768 = arith.index_cast %swap3A_767 : i32 to index
    %swap3A_769 = arith.constant 112 : index
    %swap3A_770 = tpu.vector_load %arg14[%swap3A_768, %swap3A_769] {strides = array<i32>} : memref<16x128xf32, #tpu.memory_space<vmem>>, vector<16xf32>,
    tpu.vector_store %arg14[%swap3A_768, %swap3A_769], %broadcast_in_dim3A_766 {strides = array<i32>} : memref<16x128xf32, #tpu.memory_space<vmem>>, vector<16xf32>,
    %scan3A = arith.constant 0 : i32
    %scan3A_771 = arith.constant 0 : i32
    %scan3A_772 = arith.constant 40 : i32
    %scan3A_773 = arith.addi %scan3A_771, %scan3A_772 : i32
    %scan3A_774 = arith.constant 1 : i32
    %scan3A_775 = scf.for %scan3A_806 = %scan3A_771 to %scan3A_773 step %scan3A_774 iter_args(%scan3A_807 = %scan3A) -> (i32)  : i32 {
      %mul3A_808 = arith.constant 16 : i32
      %mul3A_809 = arith.muli %scan3A_806, %mul3A_808 : i32
      %add3A_810 = arith.addi %arg1, %mul3A_809 : i32
      %lt3A = arith.constant 625 : i32
      %lt3A_811 = arith.cmpi slt, %add3A_810, %lt3A : i32
      %convert_element_type3A = arith.extui %lt3A_811 : i1 to i32
      %cond3A = arith.constant 0 : i32
      %cond3A_812 = arith.cmpi ne, %convert_element_type3A, %cond3A : i32
      scf.if %cond3A_812 {
        %mul3A_814 = arith.constant 16 : i32
        %mul3A_815 = arith.muli %add3A_810, %mul3A_814 : i32
        "tpu.region"() ({
          %run_scoped3A = tpu.sem_alloc : memref<!tpu.dma_semaphore, #tpu.memory_space<semaphore_mem>>
          %dma_start3A_816 = arith.constant 0 : i32
          %dma_start3A_817 = tpu.memref_slice %arg15[%mul3A_815, %dma_start3A_816] : memref<10000x128xf32, #tpu.memory_space<vmem_shared>> -> memref<16x128xf32, #tpu.memory_space<vmem_shared>>
          %dma_start3A_818 = arith.constant 0 : i32
          %dma_start3A_819 = tpu.memref_slice %arg15[%mul3A_815, %dma_start3A_818] : memref<10000x128xf32, #tpu.memory_space<vmem_shared>> -> memref<16x128xf32, #tpu.memory_space<vmem_shared>>
          tpu.enqueue_dma source(%arg14 : memref<16x128xf32, #tpu.memory_space<vmem>>) target(%dma_start3A_819 : memref<16x128xf32, #tpu.memory_space<vmem_shared>>) target_semaphore(%run_scoped3A : memref<!tpu.dma_semaphore, #tpu.memory_space<semaphore_mem>>)
          %dma_wait3A_820 = arith.constant 0 : i32
          %dma_wait3A_821 = tpu.memref_slice %arg15[%mul3A_815, %dma_wait3A_820] : memref<10000x128xf32, #tpu.memory_space<vmem_shared>> -> memref<16x128xf32, #tpu.memory_space<vmem_shared>>
          %dma_wait3A_822 = arith.constant 0 : i32
          %dma_wait3A_823 = tpu.memref_slice %arg15[%mul3A_815, %dma_wait3A_822] : memref<10000x128xf32, #tpu.memory_space<vmem_shared>> -> memref<16x128xf32, #tpu.memory_space<vmem_shared>>
          tpu.wait_dma2 semaphore(%run_scoped3A : memref<!tpu.dma_semaphore, #tpu.memory_space<semaphore_mem>>) src(%arg14 : memref<16x128xf32, #tpu.memory_space<vmem>>) dst(%dma_wait3A_823 : memref<16x128xf32, #tpu.memory_space<vmem_shared>>)
          tpu.yield
        }) : () -> ()
      } else {
      }
      %scan3A_813 = arith.constant 0 : i32
      scf.yield %scan3A_813 : i32
    }
    %scan3A_776 = arith.constant 40 : i32
    %barrier3A = arith.constant 0 : index
    tpu.barrier barrier_id(%barrier3A)
    %add3A_777 = arith.constant 0 : i32
    %add3A_778 = arith.addi %mul3A_2, %add3A_777 : i32
    %dma_start3A = tpu.memref_slice %arg5[%add3A_778] : memref<320000xi32, #tpu.memory_space<hbm>> -> memref<80xi32, #tpu.memory_space<hbm>>
    %dma_start3A_779 = tpu.memref_slice %arg5[%add3A_778] : memref<320000xi32, #tpu.memory_space<hbm>> -> memref<80xi32, #tpu.memory_space<hbm>>
    tpu.enqueue_dma source(%dma_start3A_779 : memref<80xi32, #tpu.memory_space<hbm>>) target(%arg12 : memref<80xi32, #tpu.memory_space<vmem>>) target_semaphore(%arg16 : memref<!tpu.dma_semaphore, #tpu.memory_space<semaphore_mem>>)
    %dma_start3A_780 = arith.constant 0 : i32
    %dma_start3A_781 = tpu.memref_slice %arg3[%add3A_778, %dma_start3A_780] : memref<327680x128xf32, #tpu.memory_space<hbm>> -> memref<80x128xf32, #tpu.memory_space<hbm>>
    %dma_start3A_782 = arith.constant 0 : i32
    %dma_start3A_783 = tpu.memref_slice %arg3[%add3A_778, %dma_start3A_782] : memref<327680x128xf32, #tpu.memory_space<hbm>> -> memref<80x128xf32, #tpu.memory_space<hbm>>
    tpu.enqueue_dma source(%dma_start3A_783 : memref<80x128xf32, #tpu.memory_space<hbm>>) target(%arg10 : memref<80x128xf32, #tpu.memory_space<vmem>>) target_semaphore(%arg16 : memref<!tpu.dma_semaphore, #tpu.memory_space<semaphore_mem>>)
    %dma_start3A_784 = arith.constant 0 : i32
    %dma_start3A_785 = tpu.memref_slice %arg7[%dma_start3A_784] : memref<2000xi32, #tpu.memory_space<vmem>> -> memref<80xi32, #tpu.memory_space<vmem>>
    %dma_start3A_786 = arith.constant 0 : i32
    %dma_start3A_787 = arith.constant 0 : i32
    %dma_start3A_788 = tpu.memref_slice %arg2[%dma_start3A_786, %dma_start3A_787] : memref<10000x128xf32, #tpu.memory_space<hbm>> -> memref<10000x128xf32, #tpu.memory_space<hbm>>
    tpu.enqueue_indirect_dma source(%dma_start3A_788 : memref<10000x128xf32, #tpu.memory_space<hbm>>) target(%arg8 : memref<80x128xf32, #tpu.memory_space<vmem>>) offsets(%dma_start3A_785 : memref<80xi32, #tpu.memory_space<vmem>>) semaphore(%arg16 : memref<!tpu.dma_semaphore, #tpu.memory_space<semaphore_mem>>)
    %scan3A_789 = arith.constant 0 : i32
    %scan3A_790 = arith.constant 0 : i32
    %scan3A_791 = arith.constant 125 : i32
    %scan3A_792 = arith.addi %scan3A_790, %scan3A_791 : i32
    %scan3A_793 = arith.constant 1 : i32
    %scan3A_794 = scf.for %scan3A_806 = %scan3A_790 to %scan3A_792 step %scan3A_793 iter_args(%scan3A_807 = %scan3A_789) -> (i32)  : i32 {
      %jit3A = arith.constant 2 : i32
      %eq3A = arith.constant 0 : i32
      %eq3A_808 = arith.cmpi eq, %jit3A, %eq3A : i32
      %jit3A_809 = arith.constant 1 : i32
      %select_n3A = arith.select %eq3A_808, %jit3A_809, %jit3A : i32
      %rem3A = arith.remsi %scan3A_806, %select_n3A : i32
      %ne3A = arith.constant 0 : i32
      %ne3A_810 = arith.cmpi ne, %rem3A, %ne3A : i32
      %lt3A = arith.constant 0 : i32
      %lt3A_811 = arith.cmpi slt, %rem3A, %lt3A : i32
      %lt3A_812 = arith.constant 0 : i32
      %lt3A_813 = arith.cmpi slt, %select_n3A, %lt3A_812 : i32
      %ne3A_814 = arith.xori %lt3A_811, %lt3A_813 : i1
      %and3A = arith.andi %ne3A_814, %ne3A_810 : i1
      %add3A_815 = arith.addi %rem3A, %select_n3A : i32
      %select_n3A_816 = arith.select %and3A, %add3A_815, %rem3A : i32
      %eq3A_817 = arith.constant 0 : i32
      %eq3A_818 = arith.cmpi eq, %select_n3A_816, %eq3A_817 : i32
      %convert_element_type3A = arith.extui %eq3A_818 : i1 to i32
      %cond3A = arith.constant 0 : i32
      %cond3A_819 = arith.cmpi ne, %convert_element_type3A, %cond3A : i32
      scf.if %cond3A_819 {
        %dma_wait3A_842 = arith.constant 0 : i32
        %dma_wait3A_843 = tpu.memref_slice %arg5[%dma_wait3A_842] : memref<320000xi32, #tpu.memory_space<hbm>> -> memref<80xi32, #tpu.memory_space<hbm>>
        %dma_wait3A_844 = arith.constant 0 : i32
        %dma_wait3A_845 = tpu.memref_slice %arg5[%dma_wait3A_844] : memref<320000xi32, #tpu.memory_space<hbm>> -> memref<80xi32, #tpu.memory_space<hbm>>
        tpu.wait_dma2 semaphore(%arg16 : memref<!tpu.dma_semaphore, #tpu.memory_space<semaphore_mem>>) src(%dma_wait3A_845 : memref<80xi32, #tpu.memory_space<hbm>>) dst(%arg12 : memref<80xi32, #tpu.memory_space<vmem>>)
        %dma_wait3A_846 = arith.constant 0 : i32
        %dma_wait3A_847 = arith.constant 0 : i32
        %dma_wait3A_848 = tpu.memref_slice %arg3[%dma_wait3A_846, %dma_wait3A_847] : memref<327680x128xf32, #tpu.memory_space<hbm>> -> memref<80x128xf32, #tpu.memory_space<hbm>>
        %dma_wait3A_849 = arith.constant 0 : i32
        %dma_wait3A_850 = arith.constant 0 : i32
        %dma_wait3A_851 = tpu.memref_slice %arg3[%dma_wait3A_849, %dma_wait3A_850] : memref<327680x128xf32, #tpu.memory_space<hbm>> -> memref<80x128xf32, #tpu.memory_space<hbm>>
        tpu.wait_dma2 semaphore(%arg16 : memref<!tpu.dma_semaphore, #tpu.memory_space<semaphore_mem>>) src(%dma_wait3A_851 : memref<80x128xf32, #tpu.memory_space<hbm>>) dst(%arg10 : memref<80x128xf32, #tpu.memory_space<vmem>>)
        %dma_wait3A_852 = arith.constant 0 : i32
        %dma_wait3A_853 = tpu.memref_slice %arg7[%dma_wait3A_852] : memref<2000xi32, #tpu.memory_space<vmem>> -> memref<80xi32, #tpu.memory_space<vmem>>
        %dma_wait3A_854 = arith.constant 0 : i32
        %dma_wait3A_855 = arith.constant 0 : i32
        %dma_wait3A_856 = tpu.memref_slice %arg2[%dma_wait3A_854, %dma_wait3A_855] : memref<10000x128xf32, #tpu.memory_space<hbm>> -> memref<10000x128xf32, #tpu.memory_space<hbm>>
        tpu.wait_indirect_dma semaphore(%arg16 : memref<!tpu.dma_semaphore, #tpu.memory_space<semaphore_mem>>) src(%dma_wait3A_856 : memref<10000x128xf32, #tpu.memory_space<hbm>>) dst(%arg8 : memref<80x128xf32, #tpu.memory_space<vmem>>)
        %gt3A = arith.constant 0 : i32
        %gt3A_857 = arith.cmpi sgt, %scan3A_806, %gt3A : i32
        %convert_element_type3A_858 = arith.extui %gt3A_857 : i1 to i32
        %cond3A_859 = arith.constant 0 : i32
        %cond3A_860 = arith.cmpi ne, %convert_element_type3A_858, %cond3A_859 : i32
        scf.if %cond3A_860 {
          %dma_wait3A_901 = arith.constant 0 : i32
          %dma_wait3A_902 = arith.constant 0 : i32
          %dma_wait3A_903 = tpu.memref_slice %arg15[%dma_wait3A_901, %dma_wait3A_902] : memref<10000x128xf32, #tpu.memory_space<vmem_shared>> -> memref<10000x128xf32, #tpu.memory_space<vmem_shared>>
          tpu.wait_indirect_dma semaphore(%arg18 : memref<!tpu.dma_semaphore, #tpu.memory_space<semaphore_mem>>) src(%arg8 : memref<80x128xf32, #tpu.memory_space<vmem>>) dst(%dma_wait3A_903 : memref<10000x128xf32, #tpu.memory_space<vmem_shared>>)
        } else {
        }
        %add3A_861 = arith.constant 1 : i32
        %add3A_862 = arith.addi %scan3A_806, %add3A_861 : i32
        %jit3A_863 = arith.constant 25 : i32
        %eq3A_864 = arith.constant 0 : i32
        %eq3A_865 = arith.cmpi eq, %jit3A_863, %eq3A_864 : i32
        %jit3A_866 = arith.constant 1 : i32
        %select_n3A_867 = arith.select %eq3A_865, %jit3A_866, %jit3A_863 : i32
        %rem3A_868 = arith.remsi %add3A_862, %select_n3A_867 : i32
        %ne3A_869 = arith.constant 0 : i32
        %ne3A_870 = arith.cmpi ne, %rem3A_868, %ne3A_869 : i32
        %lt3A_871 = arith.constant 0 : i32
        %lt3A_872 = arith.cmpi slt, %rem3A_868, %lt3A_871 : i32
        %lt3A_873 = arith.constant 0 : i32
        %lt3A_874 = arith.cmpi slt, %select_n3A_867, %lt3A_873 : i32
        %ne3A_875 = arith.xori %lt3A_872, %lt3A_874 : i1
        %and3A_876 = arith.andi %ne3A_875, %ne3A_870 : i1
        %add3A_877 = arith.addi %rem3A_868, %select_n3A_867 : i32
        %select_n3A_878 = arith.select %and3A_876, %add3A_877, %rem3A_868 : i32
        %eq3A_879 = arith.constant 0 : i32
        %eq3A_880 = arith.cmpi eq, %select_n3A_878, %eq3A_879 : i32
        %convert_element_type3A_881 = arith.extui %eq3A_880 : i1 to i32
        %cond3A_882 = arith.constant 0 : i32
        %cond3A_883 = arith.cmpi ne, %convert_element_type3A_881, %cond3A_882 : i32
        scf.if %cond3A_883 {
          %add3A_901 = arith.constant 1 : i32
          %add3A_902 = arith.addi %scan3A_806, %add3A_901 : i32
          %jit3A_903 = arith.constant 25 : i32
          %div3A = arith.divsi %add3A_902, %jit3A_903 : i32
          %sign3A = arith.constant 0 : i32
          %sign3A_904 = arith.cmpi sgt, %add3A_902, %sign3A : i32
          %sign3A_905 = arith.extui %sign3A_904 : i1 to i32
          %sign3A_906 = arith.constant 0 : i32
          %sign3A_907 = arith.cmpi slt, %add3A_902, %sign3A_906 : i32
          %sign3A_908 = arith.extui %sign3A_907 : i1 to i32
          %sign3A_909 = arith.subi %sign3A_905, %sign3A_908 : i32
          %sign3A_910 = arith.constant 0 : i32
          %sign3A_911 = arith.cmpi sgt, %jit3A_903, %sign3A_910 : i32
          %sign3A_912 = arith.extui %sign3A_911 : i1 to i32
          %sign3A_913 = arith.constant 0 : i32
          %sign3A_914 = arith.cmpi slt, %jit3A_903, %sign3A_913 : i32
          %sign3A_915 = arith.extui %sign3A_914 : i1 to i32
          %sign3A_916 = arith.subi %sign3A_912, %sign3A_915 : i32
          %ne3A_917 = arith.cmpi ne, %sign3A_909, %sign3A_916 : i32
          %rem3A_918 = arith.remsi %add3A_902, %jit3A_903 : i32
          %ne3A_919 = arith.constant 0 : i32
          %ne3A_920 = arith.cmpi ne, %rem3A_918, %ne3A_919 : i32
          %and3A_921 = arith.andi %ne3A_917, %ne3A_920 : i1
          %sub3A = arith.constant 1 : i32
          %sub3A_922 = arith.subi %div3A, %sub3A : i32
          %select_n3A_923 = arith.select %and3A_921, %sub3A_922, %div3A : i32
          %mul3A_924 = arith.constant 2000 : i32
          %mul3A_925 = arith.muli %select_n3A_923, %mul3A_924 : i32
          %add3A_926 = arith.addi %mul3A_2, %mul3A_925 : i32
          "tpu.region"() ({
            %run_scoped3A = tpu.sem_alloc : memref<!tpu.dma_semaphore, #tpu.memory_space<semaphore_mem>>
            %dma_start3A_927 = tpu.memref_slice %arg4[%add3A_926] : memref<320000xi32, #tpu.memory_space<hbm>> -> memref<2000xi32, #tpu.memory_space<hbm>>
            %dma_start3A_928 = tpu.memref_slice %arg4[%add3A_926] : memref<320000xi32, #tpu.memory_space<hbm>> -> memref<2000xi32, #tpu.memory_space<hbm>>
            tpu.enqueue_dma source(%dma_start3A_928 : memref<2000xi32, #tpu.memory_space<hbm>>) target(%arg7 : memref<2000xi32, #tpu.memory_space<vmem>>) target_semaphore(%run_scoped3A : memref<!tpu.dma_semaphore, #tpu.memory_space<semaphore_mem>>)
            %dma_wait3A_929 = tpu.memref_slice %arg4[%add3A_926] : memref<320000xi32, #tpu.memory_space<hbm>> -> memref<2000xi32, #tpu.memory_space<hbm>>
            %dma_wait3A_930 = tpu.memref_slice %arg4[%add3A_926] : memref<320000xi32, #tpu.memory_space<hbm>> -> memref<2000xi32, #tpu.memory_space<hbm>>
            tpu.wait_dma2 semaphore(%run_scoped3A : memref<!tpu.dma_semaphore, #tpu.memory_space<semaphore_mem>>) src(%dma_wait3A_930 : memref<2000xi32, #tpu.memory_space<hbm>>) dst(%arg7 : memref<2000xi32, #tpu.memory_space<vmem>>)
            tpu.yield
          }) : () -> ()
        } else {
        }
        %add3A_884 = arith.constant 1 : i32
        %add3A_885 = arith.addi %scan3A_806, %add3A_884 : i32
        %lt3A_886 = arith.constant 125 : i32
        %lt3A_887 = arith.cmpi slt, %add3A_885, %lt3A_886 : i32
        %convert_element_type3A_888 = arith.extui %lt3A_887 : i1 to i32
        %cond3A_889 = arith.constant 0 : i32
        %cond3A_890 = arith.cmpi ne, %convert_element_type3A_888, %cond3A_889 : i32
        scf.if %cond3A_890 {
          %add3A_901 = arith.constant 1 : i32
          %add3A_902 = arith.addi %scan3A_806, %add3A_901 : i32
          %mul3A_903 = arith.constant 80 : i32
          %mul3A_904 = arith.muli %add3A_902, %mul3A_903 : i32
          %add3A_905 = arith.addi %mul3A_2, %mul3A_904 : i32
          %dma_start3A_906 = tpu.memref_slice %arg5[%add3A_905] : memref<320000xi32, #tpu.memory_space<hbm>> -> memref<80xi32, #tpu.memory_space<hbm>>
          %dma_start3A_907 = tpu.memref_slice %arg5[%add3A_905] : memref<320000xi32, #tpu.memory_space<hbm>> -> memref<80xi32, #tpu.memory_space<hbm>>
          tpu.enqueue_dma source(%dma_start3A_907 : memref<80xi32, #tpu.memory_space<hbm>>) target(%arg13 : memref<80xi32, #tpu.memory_space<vmem>>) target_semaphore(%arg17 : memref<!tpu.dma_semaphore, #tpu.memory_space<semaphore_mem>>)
          %dma_start3A_908 = arith.constant 0 : i32
          %dma_start3A_909 = tpu.memref_slice %arg3[%add3A_905, %dma_start3A_908] : memref<327680x128xf32, #tpu.memory_space<hbm>> -> memref<80x128xf32, #tpu.memory_space<hbm>>
          %dma_start3A_910 = arith.constant 0 : i32
          %dma_start3A_911 = tpu.memref_slice %arg3[%add3A_905, %dma_start3A_910] : memref<327680x128xf32, #tpu.memory_space<hbm>> -> memref<80x128xf32, #tpu.memory_space<hbm>>
          tpu.enqueue_dma source(%dma_start3A_911 : memref<80x128xf32, #tpu.memory_space<hbm>>) target(%arg11 : memref<80x128xf32, #tpu.memory_space<vmem>>) target_semaphore(%arg17 : memref<!tpu.dma_semaphore, #tpu.memory_space<semaphore_mem>>)
          %jit3A_912 = arith.constant 25 : i32
          %eq3A_913 = arith.constant 0 : i32
          %eq3A_914 = arith.cmpi eq, %jit3A_912, %eq3A_913 : i32
          %jit3A_915 = arith.constant 1 : i32
          %select_n3A_916 = arith.select %eq3A_914, %jit3A_915, %jit3A_912 : i32
          %rem3A_917 = arith.remsi %add3A_902, %select_n3A_916 : i32
          %ne3A_918 = arith.constant 0 : i32
          %ne3A_919 = arith.cmpi ne, %rem3A_917, %ne3A_918 : i32
          %lt3A_920 = arith.constant 0 : i32
          %lt3A_921 = arith.cmpi slt, %rem3A_917, %lt3A_920 : i32
          %lt3A_922 = arith.constant 0 : i32
          %lt3A_923 = arith.cmpi slt, %select_n3A_916, %lt3A_922 : i32
          %ne3A_924 = arith.xori %lt3A_921, %lt3A_923 : i1
          %and3A_925 = arith.andi %ne3A_924, %ne3A_919 : i1
          %add3A_926 = arith.addi %rem3A_917, %select_n3A_916 : i32
          %select_n3A_927 = arith.select %and3A_925, %add3A_926, %rem3A_917 : i32
          %mul3A_928 = arith.constant 80 : i32
          %mul3A_929 = arith.muli %select_n3A_927, %mul3A_928 : i32
          %dma_start3A_930 = tpu.memref_slice %arg7[%mul3A_929] : memref<2000xi32, #tpu.memory_space<vmem>> -> memref<80xi32, #tpu.memory_space<vmem>>
          %dma_start3A_931 = arith.constant 0 : i32
          %dma_start3A_932 = arith.constant 0 : i32
          %dma_start3A_933 = tpu.memref_slice %arg2[%dma_start3A_931, %dma_start3A_932] : memref<10000x128xf32, #tpu.memory_space<hbm>> -> memref<10000x128xf32, #tpu.memory_space<hbm>>
          tpu.enqueue_indirect_dma source(%dma_start3A_933 : memref<10000x128xf32, #tpu.memory_space<hbm>>) target(%arg9 : memref<80x128xf32, #tpu.memory_space<vmem>>) offsets(%dma_start3A_930 : memref<80xi32, #tpu.memory_space<vmem>>) semaphore(%arg17 : memref<!tpu.dma_semaphore, #tpu.memory_space<semaphore_mem>>)
        } else {
        }
        %scan3A_891 = arith.constant 0 : i32
        %scan3A_892 = arith.constant 0 : i32
        %scan3A_893 = arith.constant 80 : i32
        %scan3A_894 = arith.addi %scan3A_892, %scan3A_893 : i32
        %scan3A_895 = arith.constant 1 : i32
        %scan3A_896 = scf.for %scan3A_901 = %scan3A_892 to %scan3A_894 step %scan3A_895 iter_args(%scan3A_902 = %scan3A_891) -> (i32)  : i32 {
          %get3A = arith.index_cast %scan3A_901 : i32 to index
          %get3A_903 = arith.constant 0 : index
          %get3A_904 = tpu.vector_load %arg8[%get3A, %get3A_903] {strides = array<i32>} : memref<80x128xf32, #tpu.memory_space<vmem>>, vector<16xf32>,
          %get3A_905 = arith.index_cast %scan3A_901 : i32 to index
          %get3A_906 = arith.constant 0 : index
          %get3A_907 = tpu.vector_load %arg10[%get3A_905, %get3A_906] {strides = array<i32>} : memref<80x128xf32, #tpu.memory_space<vmem>>, vector<16xf32>,
          %mul3A_908 = arith.mulf %get3A_904, %get3A_907 : vector<16xf32>
          %swap3A_909 = arith.index_cast %scan3A_901 : i32 to index
          %swap3A_910 = arith.constant 0 : index
          %swap3A_911 = tpu.vector_load %arg8[%swap3A_909, %swap3A_910] {strides = array<i32>} : memref<80x128xf32, #tpu.memory_space<vmem>>, vector<16xf32>,
          tpu.vector_store %arg8[%swap3A_909, %swap3A_910], %mul3A_908 {strides = array<i32>} : memref<80x128xf32, #tpu.memory_space<vmem>>, vector<16xf32>,
          %get3A_912 = arith.index_cast %scan3A_901 : i32 to index
          %get3A_913 = arith.constant 16 : index
          %get3A_914 = tpu.vector_load %arg8[%get3A_912, %get3A_913] {strides = array<i32>} : memref<80x128xf32, #tpu.memory_space<vmem>>, vector<16xf32>,
          %get3A_915 = arith.index_cast %scan3A_901 : i32 to index
          %get3A_916 = arith.constant 16 : index
          %get3A_917 = tpu.vector_load %arg10[%get3A_915, %get3A_916] {strides = array<i32>} : memref<80x128xf32, #tpu.memory_space<vmem>>, vector<16xf32>,
          %mul3A_918 = arith.mulf %get3A_914, %get3A_917 : vector<16xf32>
          %swap3A_919 = arith.index_cast %scan3A_901 : i32 to index
          %swap3A_920 = arith.constant 16 : index
          %swap3A_921 = tpu.vector_load %arg8[%swap3A_919, %swap3A_920] {strides = array<i32>} : memref<80x128xf32, #tpu.memory_space<vmem>>, vector<16xf32>,
          tpu.vector_store %arg8[%swap3A_919, %swap3A_920], %mul3A_918 {strides = array<i32>} : memref<80x128xf32, #tpu.memory_space<vmem>>, vector<16xf32>,
          %get3A_922 = arith.index_cast %scan3A_901 : i32 to index
          %get3A_923 = arith.constant 32 : index
          %get3A_924 = tpu.vector_load %arg8[%get3A_922, %get3A_923] {strides = array<i32>} : memref<80x128xf32, #tpu.memory_space<vmem>>, vector<16xf32>,
          %get3A_925 = arith.index_cast %scan3A_901 : i32 to index
          %get3A_926 = arith.constant 32 : index
          %get3A_927 = tpu.vector_load %arg10[%get3A_925, %get3A_926] {strides = array<i32>} : memref<80x128xf32, #tpu.memory_space<vmem>>, vector<16xf32>,
          %mul3A_928 = arith.mulf %get3A_924, %get3A_927 : vector<16xf32>
          %swap3A_929 = arith.index_cast %scan3A_901 : i32 to index
          %swap3A_930 = arith.constant 32 : index
          %swap3A_931 = tpu.vector_load %arg8[%swap3A_929, %swap3A_930] {strides = array<i32>} : memref<80x128xf32, #tpu.memory_space<vmem>>, vector<16xf32>,
          tpu.vector_store %arg8[%swap3A_929, %swap3A_930], %mul3A_928 {strides = array<i32>} : memref<80x128xf32, #tpu.memory_space<vmem>>, vector<16xf32>,
          %get3A_932 = arith.index_cast %scan3A_901 : i32 to index
          %get3A_933 = arith.constant 48 : index
          %get3A_934 = tpu.vector_load %arg8[%get3A_932, %get3A_933] {strides = array<i32>} : memref<80x128xf32, #tpu.memory_space<vmem>>, vector<16xf32>,
          %get3A_935 = arith.index_cast %scan3A_901 : i32 to index
          %get3A_936 = arith.constant 48 : index
          %get3A_937 = tpu.vector_load %arg10[%get3A_935, %get3A_936] {strides = array<i32>} : memref<80x128xf32, #tpu.memory_space<vmem>>, vector<16xf32>,
          %mul3A_938 = arith.mulf %get3A_934, %get3A_937 : vector<16xf32>
          %swap3A_939 = arith.index_cast %scan3A_901 : i32 to index
          %swap3A_940 = arith.constant 48 : index
          %swap3A_941 = tpu.vector_load %arg8[%swap3A_939, %swap3A_940] {strides = array<i32>} : memref<80x128xf32, #tpu.memory_space<vmem>>, vector<16xf32>,
          tpu.vector_store %arg8[%swap3A_939, %swap3A_940], %mul3A_938 {strides = array<i32>} : memref<80x128xf32, #tpu.memory_space<vmem>>, vector<16xf32>,
          %get3A_942 = arith.index_cast %scan3A_901 : i32 to index
          %get3A_943 = arith.constant 64 : index
          %get3A_944 = tpu.vector_load %arg8[%get3A_942, %get3A_943] {strides = array<i32>} : memref<80x128xf32, #tpu.memory_space<vmem>>, vector<16xf32>,
          %get3A_945 = arith.index_cast %scan3A_901 : i32 to index
          %get3A_946 = arith.constant 64 : index
          %get3A_947 = tpu.vector_load %arg10[%get3A_945, %get3A_946] {strides = array<i32>} : memref<80x128xf32, #tpu.memory_space<vmem>>, vector<16xf32>,
          %mul3A_948 = arith.mulf %get3A_944, %get3A_947 : vector<16xf32>
          %swap3A_949 = arith.index_cast %scan3A_901 : i32 to index
          %swap3A_950 = arith.constant 64 : index
          %swap3A_951 = tpu.vector_load %arg8[%swap3A_949, %swap3A_950] {strides = array<i32>} : memref<80x128xf32, #tpu.memory_space<vmem>>, vector<16xf32>,
          tpu.vector_store %arg8[%swap3A_949, %swap3A_950], %mul3A_948 {strides = array<i32>} : memref<80x128xf32, #tpu.memory_space<vmem>>, vector<16xf32>,
          %get3A_952 = arith.index_cast %scan3A_901 : i32 to index
          %get3A_953 = arith.constant 80 : index
          %get3A_954 = tpu.vector_load %arg8[%get3A_952, %get3A_953] {strides = array<i32>} : memref<80x128xf32, #tpu.memory_space<vmem>>, vector<16xf32>,
          %get3A_955 = arith.index_cast %scan3A_901 : i32 to index
          %get3A_956 = arith.constant 80 : index
          %get3A_957 = tpu.vector_load %arg10[%get3A_955, %get3A_956] {strides = array<i32>} : memref<80x128xf32, #tpu.memory_space<vmem>>, vector<16xf32>,
          %mul3A_958 = arith.mulf %get3A_954, %get3A_957 : vector<16xf32>
          %swap3A_959 = arith.index_cast %scan3A_901 : i32 to index
          %swap3A_960 = arith.constant 80 : index
          %swap3A_961 = tpu.vector_load %arg8[%swap3A_959, %swap3A_960] {strides = array<i32>} : memref<80x128xf32, #tpu.memory_space<vmem>>, vector<16xf32>,
          tpu.vector_store %arg8[%swap3A_959, %swap3A_960], %mul3A_958 {strides = array<i32>} : memref<80x128xf32, #tpu.memory_space<vmem>>, vector<16xf32>,
          %get3A_962 = arith.index_cast %scan3A_901 : i32 to index
          %get3A_963 = arith.constant 96 : index
          %get3A_964 = tpu.vector_load %arg8[%get3A_962, %get3A_963] {strides = array<i32>} : memref<80x128xf32, #tpu.memory_space<vmem>>, vector<16xf32>,
          %get3A_965 = arith.index_cast %scan3A_901 : i32 to index
          %get3A_966 = arith.constant 96 : index
          %get3A_967 = tpu.vector_load %arg10[%get3A_965, %get3A_966] {strides = array<i32>} : memref<80x128xf32, #tpu.memory_space<vmem>>, vector<16xf32>,
          %mul3A_968 = arith.mulf %get3A_964, %get3A_967 : vector<16xf32>
          %swap3A_969 = arith.index_cast %scan3A_901 : i32 to index
          %swap3A_970 = arith.constant 96 : index
          %swap3A_971 = tpu.vector_load %arg8[%swap3A_969, %swap3A_970] {strides = array<i32>} : memref<80x128xf32, #tpu.memory_space<vmem>>, vector<16xf32>,
          tpu.vector_store %arg8[%swap3A_969, %swap3A_970], %mul3A_968 {strides = array<i32>} : memref<80x128xf32, #tpu.memory_space<vmem>>, vector<16xf32>,
          %get3A_972 = arith.index_cast %scan3A_901 : i32 to index
          %get3A_973 = arith.constant 112 : index
          %get3A_974 = tpu.vector_load %arg8[%get3A_972, %get3A_973] {strides = array<i32>} : memref<80x128xf32, #tpu.memory_space<vmem>>, vector<16xf32>,
          %get3A_975 = arith.index_cast %scan3A_901 : i32 to index
          %get3A_976 = arith.constant 112 : index
          %get3A_977 = tpu.vector_load %arg10[%get3A_975, %get3A_976] {strides = array<i32>} : memref<80x128xf32, #tpu.memory_space<vmem>>, vector<16xf32>,
          %mul3A_978 = arith.mulf %get3A_974, %get3A_977 : vector<16xf32>
          %swap3A_979 = arith.index_cast %scan3A_901 : i32 to index
          %swap3A_980 = arith.constant 112 : index
          %swap3A_981 = tpu.vector_load %arg8[%swap3A_979, %swap3A_980] {strides = array<i32>} : memref<80x128xf32, #tpu.memory_space<vmem>>, vector<16xf32>,
          tpu.vector_store %arg8[%swap3A_979, %swap3A_980], %mul3A_978 {strides = array<i32>} : memref<80x128xf32, #tpu.memory_space<vmem>>, vector<16xf32>,
          %scan3A_982 = arith.constant 0 : i32
          scf.yield %scan3A_982 : i32
        }
        %scan3A_897 = arith.constant 80 : i32
        %dma_start3A_898 = arith.constant 0 : i32
        %dma_start3A_899 = arith.constant 0 : i32
        %dma_start3A_900 = tpu.memref_slice %arg15[%dma_start3A_898, %dma_start3A_899] : memref<10000x128xf32, #tpu.memory_space<vmem_shared>> -> memref<10000x128xf32, #tpu.memory_space<vmem_shared>>
        tpu.enqueue_indirect_dma source(%arg8 : memref<80x128xf32, #tpu.memory_space<vmem>>) target(%dma_start3A_900 : memref<10000x128xf32, #tpu.memory_space<vmem_shared>>) offsets(%arg12 : memref<80xi32, #tpu.memory_space<vmem>>) semaphore(%arg18 : memref<!tpu.dma_semaphore, #tpu.memory_space<semaphore_mem>>) {add = true}
      } else {
      }
      %jit3A_820 = arith.constant 2 : i32
      %eq3A_821 = arith.constant 0 : i32
      %eq3A_822 = arith.cmpi eq, %jit3A_820, %eq3A_821 : i32
      %jit3A_823 = arith.constant 1 : i32
      %select_n3A_824 = arith.select %eq3A_822, %jit3A_823, %jit3A_820 : i32
      %rem3A_825 = arith.remsi %scan3A_806, %select_n3A_824 : i32
      %ne3A_826 = arith.constant 0 : i32
      %ne3A_827 = arith.cmpi ne, %rem3A_825, %ne3A_826 : i32
      %lt3A_828 = arith.constant 0 : i32
      %lt3A_829 = arith.cmpi slt, %rem3A_825, %lt3A_828 : i32
      %lt3A_830 = arith.constant 0 : i32
      %lt3A_831 = arith.cmpi slt, %select_n3A_824, %lt3A_830 : i32
      %ne3A_832 = arith.xori %lt3A_829, %lt3A_831 : i1
      %and3A_833 = arith.andi %ne3A_832, %ne3A_827 : i1
      %add3A_834 = arith.addi %rem3A_825, %select_n3A_824 : i32
      %select_n3A_835 = arith.select %and3A_833, %add3A_834, %rem3A_825 : i32
      %eq3A_836 = arith.constant 1 : i32
      %eq3A_837 = arith.cmpi eq, %select_n3A_835, %eq3A_836 : i32
      %convert_element_type3A_838 = arith.extui %eq3A_837 : i1 to i32
      %cond3A_839 = arith.constant 0 : i32
      %cond3A_840 = arith.cmpi ne, %convert_element_type3A_838, %cond3A_839 : i32
      scf.if %cond3A_840 {
        %dma_wait3A_842 = arith.constant 0 : i32
        %dma_wait3A_843 = tpu.memref_slice %arg5[%dma_wait3A_842] : memref<320000xi32, #tpu.memory_space<hbm>> -> memref<80xi32, #tpu.memory_space<hbm>>
        %dma_wait3A_844 = arith.constant 0 : i32
        %dma_wait3A_845 = tpu.memref_slice %arg5[%dma_wait3A_844] : memref<320000xi32, #tpu.memory_space<hbm>> -> memref<80xi32, #tpu.memory_space<hbm>>
        tpu.wait_dma2 semaphore(%arg17 : memref<!tpu.dma_semaphore, #tpu.memory_space<semaphore_mem>>) src(%dma_wait3A_845 : memref<80xi32, #tpu.memory_space<hbm>>) dst(%arg13 : memref<80xi32, #tpu.memory_space<vmem>>)
        %dma_wait3A_846 = arith.constant 0 : i32
        %dma_wait3A_847 = arith.constant 0 : i32
        %dma_wait3A_848 = tpu.memref_slice %arg3[%dma_wait3A_846, %dma_wait3A_847] : memref<327680x128xf32, #tpu.memory_space<hbm>> -> memref<80x128xf32, #tpu.memory_space<hbm>>
        %dma_wait3A_849 = arith.constant 0 : i32
        %dma_wait3A_850 = arith.constant 0 : i32
        %dma_wait3A_851 = tpu.memref_slice %arg3[%dma_wait3A_849, %dma_wait3A_850] : memref<327680x128xf32, #tpu.memory_space<hbm>> -> memref<80x128xf32, #tpu.memory_space<hbm>>
        tpu.wait_dma2 semaphore(%arg17 : memref<!tpu.dma_semaphore, #tpu.memory_space<semaphore_mem>>) src(%dma_wait3A_851 : memref<80x128xf32, #tpu.memory_space<hbm>>) dst(%arg11 : memref<80x128xf32, #tpu.memory_space<vmem>>)
        %dma_wait3A_852 = arith.constant 0 : i32
        %dma_wait3A_853 = tpu.memref_slice %arg7[%dma_wait3A_852] : memref<2000xi32, #tpu.memory_space<vmem>> -> memref<80xi32, #tpu.memory_space<vmem>>
        %dma_wait3A_854 = arith.constant 0 : i32
        %dma_wait3A_855 = arith.constant 0 : i32
        %dma_wait3A_856 = tpu.memref_slice %arg2[%dma_wait3A_854, %dma_wait3A_855] : memref<10000x128xf32, #tpu.memory_space<hbm>> -> memref<10000x128xf32, #tpu.memory_space<hbm>>
        tpu.wait_indirect_dma semaphore(%arg17 : memref<!tpu.dma_semaphore, #tpu.memory_space<semaphore_mem>>) src(%dma_wait3A_856 : memref<10000x128xf32, #tpu.memory_space<hbm>>) dst(%arg9 : memref<80x128xf32, #tpu.memory_space<vmem>>)
        %gt3A = arith.constant 0 : i32
        %gt3A_857 = arith.cmpi sgt, %scan3A_806, %gt3A : i32
        %convert_element_type3A_858 = arith.extui %gt3A_857 : i1 to i32
        %cond3A_859 = arith.constant 0 : i32
        %cond3A_860 = arith.cmpi ne, %convert_element_type3A_858, %cond3A_859 : i32
        scf.if %cond3A_860 {
          %dma_wait3A_901 = arith.constant 0 : i32
          %dma_wait3A_902 = arith.constant 0 : i32
          %dma_wait3A_903 = tpu.memref_slice %arg15[%dma_wait3A_901, %dma_wait3A_902] : memref<10000x128xf32, #tpu.memory_space<vmem_shared>> -> memref<10000x128xf32, #tpu.memory_space<vmem_shared>>
          tpu.wait_indirect_dma semaphore(%arg18 : memref<!tpu.dma_semaphore, #tpu.memory_space<semaphore_mem>>) src(%arg8 : memref<80x128xf32, #tpu.memory_space<vmem>>) dst(%dma_wait3A_903 : memref<10000x128xf32, #tpu.memory_space<vmem_shared>>)
        } else {
        }
        %add3A_861 = arith.constant 1 : i32
        %add3A_862 = arith.addi %scan3A_806, %add3A_861 : i32
        %jit3A_863 = arith.constant 25 : i32
        %eq3A_864 = arith.constant 0 : i32
        %eq3A_865 = arith.cmpi eq, %jit3A_863, %eq3A_864 : i32
        %jit3A_866 = arith.constant 1 : i32
        %select_n3A_867 = arith.select %eq3A_865, %jit3A_866, %jit3A_863 : i32
        %rem3A_868 = arith.remsi %add3A_862, %select_n3A_867 : i32
        %ne3A_869 = arith.constant 0 : i32
        %ne3A_870 = arith.cmpi ne, %rem3A_868, %ne3A_869 : i32
        %lt3A_871 = arith.constant 0 : i32
        %lt3A_872 = arith.cmpi slt, %rem3A_868, %lt3A_871 : i32
        %lt3A_873 = arith.constant 0 : i32
        %lt3A_874 = arith.cmpi slt, %select_n3A_867, %lt3A_873 : i32
        %ne3A_875 = arith.xori %lt3A_872, %lt3A_874 : i1
        %and3A_876 = arith.andi %ne3A_875, %ne3A_870 : i1
        %add3A_877 = arith.addi %rem3A_868, %select_n3A_867 : i32
        %select_n3A_878 = arith.select %and3A_876, %add3A_877, %rem3A_868 : i32
        %eq3A_879 = arith.constant 0 : i32
        %eq3A_880 = arith.cmpi eq, %select_n3A_878, %eq3A_879 : i32
        %convert_element_type3A_881 = arith.extui %eq3A_880 : i1 to i32
        %cond3A_882 = arith.constant 0 : i32
        %cond3A_883 = arith.cmpi ne, %convert_element_type3A_881, %cond3A_882 : i32
        scf.if %cond3A_883 {
          %add3A_901 = arith.constant 1 : i32
          %add3A_902 = arith.addi %scan3A_806, %add3A_901 : i32
          %jit3A_903 = arith.constant 25 : i32
          %div3A = arith.divsi %add3A_902, %jit3A_903 : i32
          %sign3A = arith.constant 0 : i32
          %sign3A_904 = arith.cmpi sgt, %add3A_902, %sign3A : i32
          %sign3A_905 = arith.extui %sign3A_904 : i1 to i32
          %sign3A_906 = arith.constant 0 : i32
          %sign3A_907 = arith.cmpi slt, %add3A_902, %sign3A_906 : i32
          %sign3A_908 = arith.extui %sign3A_907 : i1 to i32
          %sign3A_909 = arith.subi %sign3A_905, %sign3A_908 : i32
          %sign3A_910 = arith.constant 0 : i32
          %sign3A_911 = arith.cmpi sgt, %jit3A_903, %sign3A_910 : i32
          %sign3A_912 = arith.extui %sign3A_911 : i1 to i32
          %sign3A_913 = arith.constant 0 : i32
          %sign3A_914 = arith.cmpi slt, %jit3A_903, %sign3A_913 : i32
          %sign3A_915 = arith.extui %sign3A_914 : i1 to i32
          %sign3A_916 = arith.subi %sign3A_912, %sign3A_915 : i32
          %ne3A_917 = arith.cmpi ne, %sign3A_909, %sign3A_916 : i32
          %rem3A_918 = arith.remsi %add3A_902, %jit3A_903 : i32
          %ne3A_919 = arith.constant 0 : i32
          %ne3A_920 = arith.cmpi ne, %rem3A_918, %ne3A_919 : i32
          %and3A_921 = arith.andi %ne3A_917, %ne3A_920 : i1
          %sub3A = arith.constant 1 : i32
          %sub3A_922 = arith.subi %div3A, %sub3A : i32
          %select_n3A_923 = arith.select %and3A_921, %sub3A_922, %div3A : i32
          %mul3A_924 = arith.constant 2000 : i32
          %mul3A_925 = arith.muli %select_n3A_923, %mul3A_924 : i32
          %add3A_926 = arith.addi %mul3A_2, %mul3A_925 : i32
          "tpu.region"() ({
            %run_scoped3A = tpu.sem_alloc : memref<!tpu.dma_semaphore, #tpu.memory_space<semaphore_mem>>
            %dma_start3A_927 = tpu.memref_slice %arg4[%add3A_926] : memref<320000xi32, #tpu.memory_space<hbm>> -> memref<2000xi32, #tpu.memory_space<hbm>>
            %dma_start3A_928 = tpu.memref_slice %arg4[%add3A_926] : memref<320000xi32, #tpu.memory_space<hbm>> -> memref<2000xi32, #tpu.memory_space<hbm>>
            tpu.enqueue_dma source(%dma_start3A_928 : memref<2000xi32, #tpu.memory_space<hbm>>) target(%arg7 : memref<2000xi32, #tpu.memory_space<vmem>>) target_semaphore(%run_scoped3A : memref<!tpu.dma_semaphore, #tpu.memory_space<semaphore_mem>>)
            %dma_wait3A_929 = tpu.memref_slice %arg4[%add3A_926] : memref<320000xi32, #tpu.memory_space<hbm>> -> memref<2000xi32, #tpu.memory_space<hbm>>
            %dma_wait3A_930 = tpu.memref_slice %arg4[%add3A_926] : memref<320000xi32, #tpu.memory_space<hbm>> -> memref<2000xi32, #tpu.memory_space<hbm>>
            tpu.wait_dma2 semaphore(%run_scoped3A : memref<!tpu.dma_semaphore, #tpu.memory_space<semaphore_mem>>) src(%dma_wait3A_930 : memref<2000xi32, #tpu.memory_space<hbm>>) dst(%arg7 : memref<2000xi32, #tpu.memory_space<vmem>>)
            tpu.yield
          }) : () -> ()
        } else {
        }
        %add3A_884 = arith.constant 1 : i32
        %add3A_885 = arith.addi %scan3A_806, %add3A_884 : i32
        %lt3A_886 = arith.constant 125 : i32
        %lt3A_887 = arith.cmpi slt, %add3A_885, %lt3A_886 : i32
        %convert_element_type3A_888 = arith.extui %lt3A_887 : i1 to i32
        %cond3A_889 = arith.constant 0 : i32
        %cond3A_890 = arith.cmpi ne, %convert_element_type3A_888, %cond3A_889 : i32
        scf.if %cond3A_890 {
          %add3A_901 = arith.constant 1 : i32
          %add3A_902 = arith.addi %scan3A_806, %add3A_901 : i32
          %mul3A_903 = arith.constant 80 : i32
          %mul3A_904 = arith.muli %add3A_902, %mul3A_903 : i32
          %add3A_905 = arith.addi %mul3A_2, %mul3A_904 : i32
          %dma_start3A_906 = tpu.memref_slice %arg5[%add3A_905] : memref<320000xi32, #tpu.memory_space<hbm>> -> memref<80xi32, #tpu.memory_space<hbm>>
          %dma_start3A_907 = tpu.memref_slice %arg5[%add3A_905] : memref<320000xi32, #tpu.memory_space<hbm>> -> memref<80xi32, #tpu.memory_space<hbm>>
          tpu.enqueue_dma source(%dma_start3A_907 : memref<80xi32, #tpu.memory_space<hbm>>) target(%arg12 : memref<80xi32, #tpu.memory_space<vmem>>) target_semaphore(%arg16 : memref<!tpu.dma_semaphore, #tpu.memory_space<semaphore_mem>>)
          %dma_start3A_908 = arith.constant 0 : i32
          %dma_start3A_909 = tpu.memref_slice %arg3[%add3A_905, %dma_start3A_908] : memref<327680x128xf32, #tpu.memory_space<hbm>> -> memref<80x128xf32, #tpu.memory_space<hbm>>
          %dma_start3A_910 = arith.constant 0 : i32
          %dma_start3A_911 = tpu.memref_slice %arg3[%add3A_905, %dma_start3A_910] : memref<327680x128xf32, #tpu.memory_space<hbm>> -> memref<80x128xf32, #tpu.memory_space<hbm>>
          tpu.enqueue_dma source(%dma_start3A_911 : memref<80x128xf32, #tpu.memory_space<hbm>>) target(%arg10 : memref<80x128xf32, #tpu.memory_space<vmem>>) target_semaphore(%arg16 : memref<!tpu.dma_semaphore, #tpu.memory_space<semaphore_mem>>)
          %jit3A_912 = arith.constant 25 : i32
          %eq3A_913 = arith.constant 0 : i32
          %eq3A_914 = arith.cmpi eq, %jit3A_912, %eq3A_913 : i32
          %jit3A_915 = arith.constant 1 : i32
          %select_n3A_916 = arith.select %eq3A_914, %jit3A_915, %jit3A_912 : i32
          %rem3A_917 = arith.remsi %add3A_902, %select_n3A_916 : i32
          %ne3A_918 = arith.constant 0 : i32
          %ne3A_919 = arith.cmpi ne, %rem3A_917, %ne3A_918 : i32
          %lt3A_920 = arith.constant 0 : i32
          %lt3A_921 = arith.cmpi slt, %rem3A_917, %lt3A_920 : i32
          %lt3A_922 = arith.constant 0 : i32
          %lt3A_923 = arith.cmpi slt, %select_n3A_916, %lt3A_922 : i32
          %ne3A_924 = arith.xori %lt3A_921, %lt3A_923 : i1
          %and3A_925 = arith.andi %ne3A_924, %ne3A_919 : i1
          %add3A_926 = arith.addi %rem3A_917, %select_n3A_916 : i32
          %select_n3A_927 = arith.select %and3A_925, %add3A_926, %rem3A_917 : i32
          %mul3A_928 = arith.constant 80 : i32
          %mul3A_929 = arith.muli %select_n3A_927, %mul3A_928 : i32
          %dma_start3A_930 = tpu.memref_slice %arg7[%mul3A_929] : memref<2000xi32, #tpu.memory_space<vmem>> -> memref<80xi32, #tpu.memory_space<vmem>>
          %dma_start3A_931 = arith.constant 0 : i32
          %dma_start3A_932 = arith.constant 0 : i32
          %dma_start3A_933 = tpu.memref_slice %arg2[%dma_start3A_931, %dma_start3A_932] : memref<10000x128xf32, #tpu.memory_space<hbm>> -> memref<10000x128xf32, #tpu.memory_space<hbm>>
          tpu.enqueue_indirect_dma source(%dma_start3A_933 : memref<10000x128xf32, #tpu.memory_space<hbm>>) target(%arg8 : memref<80x128xf32, #tpu.memory_space<vmem>>) offsets(%dma_start3A_930 : memref<80xi32, #tpu.memory_space<vmem>>) semaphore(%arg16 : memref<!tpu.dma_semaphore, #tpu.memory_space<semaphore_mem>>)
        } else {
        }
        %scan3A_891 = arith.constant 0 : i32
        %scan3A_892 = arith.constant 0 : i32
        %scan3A_893 = arith.constant 80 : i32
        %scan3A_894 = arith.addi %scan3A_892, %scan3A_893 : i32
        %scan3A_895 = arith.constant 1 : i32
        %scan3A_896 = scf.for %scan3A_901 = %scan3A_892 to %scan3A_894 step %scan3A_895 iter_args(%scan3A_902 = %scan3A_891) -> (i32)  : i32 {
          %get3A = arith.index_cast %scan3A_901 : i32 to index
          %get3A_903 = arith.constant 0 : index
          %get3A_904 = tpu.vector_load %arg9[%get3A, %get3A_903] {strides = array<i32>} : memref<80x128xf32, #tpu.memory_space<vmem>>, vector<16xf32>,
          %get3A_905 = arith.index_cast %scan3A_901 : i32 to index
          %get3A_906 = arith.constant 0 : index
          %get3A_907 = tpu.vector_load %arg11[%get3A_905, %get3A_906] {strides = array<i32>} : memref<80x128xf32, #tpu.memory_space<vmem>>, vector<16xf32>,
          %mul3A_908 = arith.mulf %get3A_904, %get3A_907 : vector<16xf32>
          %swap3A_909 = arith.index_cast %scan3A_901 : i32 to index
          %swap3A_910 = arith.constant 0 : index
          %swap3A_911 = tpu.vector_load %arg9[%swap3A_909, %swap3A_910] {strides = array<i32>} : memref<80x128xf32, #tpu.memory_space<vmem>>, vector<16xf32>,
          tpu.vector_store %arg9[%swap3A_909, %swap3A_910], %mul3A_908 {strides = array<i32>} : memref<80x128xf32, #tpu.memory_space<vmem>>, vector<16xf32>,
          %get3A_912 = arith.index_cast %scan3A_901 : i32 to index
          %get3A_913 = arith.constant 16 : index
          %get3A_914 = tpu.vector_load %arg9[%get3A_912, %get3A_913] {strides = array<i32>} : memref<80x128xf32, #tpu.memory_space<vmem>>, vector<16xf32>,
          %get3A_915 = arith.index_cast %scan3A_901 : i32 to index
          %get3A_916 = arith.constant 16 : index
          %get3A_917 = tpu.vector_load %arg11[%get3A_915, %get3A_916] {strides = array<i32>} : memref<80x128xf32, #tpu.memory_space<vmem>>, vector<16xf32>,
          %mul3A_918 = arith.mulf %get3A_914, %get3A_917 : vector<16xf32>
          %swap3A_919 = arith.index_cast %scan3A_901 : i32 to index
          %swap3A_920 = arith.constant 16 : index
          %swap3A_921 = tpu.vector_load %arg9[%swap3A_919, %swap3A_920] {strides = array<i32>} : memref<80x128xf32, #tpu.memory_space<vmem>>, vector<16xf32>,
          tpu.vector_store %arg9[%swap3A_919, %swap3A_920], %mul3A_918 {strides = array<i32>} : memref<80x128xf32, #tpu.memory_space<vmem>>, vector<16xf32>,
          %get3A_922 = arith.index_cast %scan3A_901 : i32 to index
          %get3A_923 = arith.constant 32 : index
          %get3A_924 = tpu.vector_load %arg9[%get3A_922, %get3A_923] {strides = array<i32>} : memref<80x128xf32, #tpu.memory_space<vmem>>, vector<16xf32>,
          %get3A_925 = arith.index_cast %scan3A_901 : i32 to index
          %get3A_926 = arith.constant 32 : index
          %get3A_927 = tpu.vector_load %arg11[%get3A_925, %get3A_926] {strides = array<i32>} : memref<80x128xf32, #tpu.memory_space<vmem>>, vector<16xf32>,
          %mul3A_928 = arith.mulf %get3A_924, %get3A_927 : vector<16xf32>
          %swap3A_929 = arith.index_cast %scan3A_901 : i32 to index
          %swap3A_930 = arith.constant 32 : index
          %swap3A_931 = tpu.vector_load %arg9[%swap3A_929, %swap3A_930] {strides = array<i32>} : memref<80x128xf32, #tpu.memory_space<vmem>>, vector<16xf32>,
          tpu.vector_store %arg9[%swap3A_929, %swap3A_930], %mul3A_928 {strides = array<i32>} : memref<80x128xf32, #tpu.memory_space<vmem>>, vector<16xf32>,
          %get3A_932 = arith.index_cast %scan3A_901 : i32 to index
          %get3A_933 = arith.constant 48 : index
          %get3A_934 = tpu.vector_load %arg9[%get3A_932, %get3A_933] {strides = array<i32>} : memref<80x128xf32, #tpu.memory_space<vmem>>, vector<16xf32>,
          %get3A_935 = arith.index_cast %scan3A_901 : i32 to index
          %get3A_936 = arith.constant 48 : index
          %get3A_937 = tpu.vector_load %arg11[%get3A_935, %get3A_936] {strides = array<i32>} : memref<80x128xf32, #tpu.memory_space<vmem>>, vector<16xf32>,
          %mul3A_938 = arith.mulf %get3A_934, %get3A_937 : vector<16xf32>
          %swap3A_939 = arith.index_cast %scan3A_901 : i32 to index
          %swap3A_940 = arith.constant 48 : index
          %swap3A_941 = tpu.vector_load %arg9[%swap3A_939, %swap3A_940] {strides = array<i32>} : memref<80x128xf32, #tpu.memory_space<vmem>>, vector<16xf32>,
          tpu.vector_store %arg9[%swap3A_939, %swap3A_940], %mul3A_938 {strides = array<i32>} : memref<80x128xf32, #tpu.memory_space<vmem>>, vector<16xf32>,
          %get3A_942 = arith.index_cast %scan3A_901 : i32 to index
          %get3A_943 = arith.constant 64 : index
          %get3A_944 = tpu.vector_load %arg9[%get3A_942, %get3A_943] {strides = array<i32>} : memref<80x128xf32, #tpu.memory_space<vmem>>, vector<16xf32>,
          %get3A_945 = arith.index_cast %scan3A_901 : i32 to index
          %get3A_946 = arith.constant 64 : index
          %get3A_947 = tpu.vector_load %arg11[%get3A_945, %get3A_946] {strides = array<i32>} : memref<80x128xf32, #tpu.memory_space<vmem>>, vector<16xf32>,
          %mul3A_948 = arith.mulf %get3A_944, %get3A_947 : vector<16xf32>
          %swap3A_949 = arith.index_cast %scan3A_901 : i32 to index
          %swap3A_950 = arith.constant 64 : index
          %swap3A_951 = tpu.vector_load %arg9[%swap3A_949, %swap3A_950] {strides = array<i32>} : memref<80x128xf32, #tpu.memory_space<vmem>>, vector<16xf32>,
          tpu.vector_store %arg9[%swap3A_949, %swap3A_950], %mul3A_948 {strides = array<i32>} : memref<80x128xf32, #tpu.memory_space<vmem>>, vector<16xf32>,
          %get3A_952 = arith.index_cast %scan3A_901 : i32 to index
          %get3A_953 = arith.constant 80 : index
          %get3A_954 = tpu.vector_load %arg9[%get3A_952, %get3A_953] {strides = array<i32>} : memref<80x128xf32, #tpu.memory_space<vmem>>, vector<16xf32>,
          %get3A_955 = arith.index_cast %scan3A_901 : i32 to index
          %get3A_956 = arith.constant 80 : index
          %get3A_957 = tpu.vector_load %arg11[%get3A_955, %get3A_956] {strides = array<i32>} : memref<80x128xf32, #tpu.memory_space<vmem>>, vector<16xf32>,
          %mul3A_958 = arith.mulf %get3A_954, %get3A_957 : vector<16xf32>
          %swap3A_959 = arith.index_cast %scan3A_901 : i32 to index
          %swap3A_960 = arith.constant 80 : index
          %swap3A_961 = tpu.vector_load %arg9[%swap3A_959, %swap3A_960] {strides = array<i32>} : memref<80x128xf32, #tpu.memory_space<vmem>>, vector<16xf32>,
          tpu.vector_store %arg9[%swap3A_959, %swap3A_960], %mul3A_958 {strides = array<i32>} : memref<80x128xf32, #tpu.memory_space<vmem>>, vector<16xf32>,
          %get3A_962 = arith.index_cast %scan3A_901 : i32 to index
          %get3A_963 = arith.constant 96 : index
          %get3A_964 = tpu.vector_load %arg9[%get3A_962, %get3A_963] {strides = array<i32>} : memref<80x128xf32, #tpu.memory_space<vmem>>, vector<16xf32>,
          %get3A_965 = arith.index_cast %scan3A_901 : i32 to index
          %get3A_966 = arith.constant 96 : index
          %get3A_967 = tpu.vector_load %arg11[%get3A_965, %get3A_966] {strides = array<i32>} : memref<80x128xf32, #tpu.memory_space<vmem>>, vector<16xf32>,
          %mul3A_968 = arith.mulf %get3A_964, %get3A_967 : vector<16xf32>
          %swap3A_969 = arith.index_cast %scan3A_901 : i32 to index
          %swap3A_970 = arith.constant 96 : index
          %swap3A_971 = tpu.vector_load %arg9[%swap3A_969, %swap3A_970] {strides = array<i32>} : memref<80x128xf32, #tpu.memory_space<vmem>>, vector<16xf32>,
          tpu.vector_store %arg9[%swap3A_969, %swap3A_970], %mul3A_968 {strides = array<i32>} : memref<80x128xf32, #tpu.memory_space<vmem>>, vector<16xf32>,
          %get3A_972 = arith.index_cast %scan3A_901 : i32 to index
          %get3A_973 = arith.constant 112 : index
          %get3A_974 = tpu.vector_load %arg9[%get3A_972, %get3A_973] {strides = array<i32>} : memref<80x128xf32, #tpu.memory_space<vmem>>, vector<16xf32>,
          %get3A_975 = arith.index_cast %scan3A_901 : i32 to index
          %get3A_976 = arith.constant 112 : index
          %get3A_977 = tpu.vector_load %arg11[%get3A_975, %get3A_976] {strides = array<i32>} : memref<80x128xf32, #tpu.memory_space<vmem>>, vector<16xf32>,
          %mul3A_978 = arith.mulf %get3A_974, %get3A_977 : vector<16xf32>
          %swap3A_979 = arith.index_cast %scan3A_901 : i32 to index
          %swap3A_980 = arith.constant 112 : index
          %swap3A_981 = tpu.vector_load %arg9[%swap3A_979, %swap3A_980] {strides = array<i32>} : memref<80x128xf32, #tpu.memory_space<vmem>>, vector<16xf32>,
          tpu.vector_store %arg9[%swap3A_979, %swap3A_980], %mul3A_978 {strides = array<i32>} : memref<80x128xf32, #tpu.memory_space<vmem>>, vector<16xf32>,
          %scan3A_982 = arith.constant 0 : i32
          scf.yield %scan3A_982 : i32
        }
        %scan3A_897 = arith.constant 80 : i32
        %dma_start3A_898 = arith.constant 0 : i32
        %dma_start3A_899 = arith.constant 0 : i32
        %dma_start3A_900 = tpu.memref_slice %arg15[%dma_start3A_898, %dma_start3A_899] : memref<10000x128xf32, #tpu.memory_space<vmem_shared>> -> memref<10000x128xf32, #tpu.memory_space<vmem_shared>>
        tpu.enqueue_indirect_dma source(%arg9 : memref<80x128xf32, #tpu.memory_space<vmem>>) target(%dma_start3A_900 : memref<10000x128xf32, #tpu.memory_space<vmem_shared>>) offsets(%arg13 : memref<80xi32, #tpu.memory_space<vmem>>) semaphore(%arg18 : memref<!tpu.dma_semaphore, #tpu.memory_space<semaphore_mem>>) {add = true}
      } else {
      }
      %scan3A_841 = arith.constant 0 : i32
      scf.yield %scan3A_841 : i32
    }
    %scan3A_795 = arith.constant 125 : i32
    %dma_wait3A = arith.constant 0 : i32
    %dma_wait3A_796 = arith.constant 0 : i32
    %dma_wait3A_797 = tpu.memref_slice %arg15[%dma_wait3A, %dma_wait3A_796] : memref<10000x128xf32, #tpu.memory_space<vmem_shared>> -> memref<10000x128xf32, #tpu.memory_space<vmem_shared>>
    tpu.wait_indirect_dma semaphore(%arg18 : memref<!tpu.dma_semaphore, #tpu.memory_space<semaphore_mem>>) src(%arg8 : memref<80x128xf32, #tpu.memory_space<vmem>>) dst(%dma_wait3A_797 : memref<10000x128xf32, #tpu.memory_space<vmem_shared>>)
    %barrier3A_798 = arith.constant 0 : index
    tpu.barrier barrier_id(%barrier3A_798)
    %scan3A_799 = arith.constant 0 : i32
    %scan3A_800 = arith.constant 0 : i32
    %scan3A_801 = arith.constant 4 : i32
    %scan3A_802 = arith.addi %scan3A_800, %scan3A_801 : i32
    %scan3A_803 = arith.constant 1 : i32
    %scan3A_804 = scf.for %scan3A_806 = %scan3A_800 to %scan3A_802 step %scan3A_803 iter_args(%scan3A_807 = %scan3A_799) -> (i32)  : i32 {
      %mul3A_808 = arith.constant 16 : i32
      %mul3A_809 = arith.muli %scan3A_806, %mul3A_808 : i32
      %add3A_810 = arith.addi %arg1, %mul3A_809 : i32
      %lt3A = arith.constant 50 : i32
      %lt3A_811 = arith.cmpi slt, %add3A_810, %lt3A : i32
      %convert_element_type3A = arith.extui %lt3A_811 : i1 to i32
      %cond3A = arith.constant 0 : i32
      %cond3A_812 = arith.cmpi ne, %convert_element_type3A, %cond3A : i32
      scf.if %cond3A_812 {
        %mul3A_814 = arith.constant 200 : i32
        %mul3A_815 = arith.muli %add3A_810, %mul3A_814 : i32
        %mul3A_816 = arith.constant 200 : i32
        %mul3A_817 = arith.muli %add3A_810, %mul3A_816 : i32
        "tpu.region"() ({
          %run_scoped3A = tpu.sem_alloc : memref<!tpu.dma_semaphore, #tpu.memory_space<semaphore_mem>>
          %dma_start3A_818 = arith.constant 0 : i32
          %dma_start3A_819 = tpu.memref_slice %arg6[%arg0, %mul3A_817, %dma_start3A_818] : memref<2x10000x128xf32, #tpu.memory_space<hbm>> -> memref<1x200x128xf32, #tpu.memory_space<hbm>>
          %dma_start3A_820 = tpu.memref_squeeze %dma_start3A_819 : memref<1x200x128xf32, #tpu.memory_space<hbm>> -> memref<200x128xf32, #tpu.memory_space<hbm>>
          %dma_start3A_821 = arith.constant 0 : i32
          %dma_start3A_822 = tpu.memref_slice %arg15[%mul3A_815, %dma_start3A_821] : memref<10000x128xf32, #tpu.memory_space<vmem_shared>> -> memref<200x128xf32, #tpu.memory_space<vmem_shared>>
          tpu.enqueue_dma source(%dma_start3A_822 : memref<200x128xf32, #tpu.memory_space<vmem_shared>>) target(%dma_start3A_820 : memref<200x128xf32, #tpu.memory_space<hbm>>) target_semaphore(%run_scoped3A : memref<!tpu.dma_semaphore, #tpu.memory_space<semaphore_mem>>)
          %dma_wait3A_823 = arith.constant 0 : i32
          %dma_wait3A_824 = tpu.memref_slice %arg6[%arg0, %mul3A_817, %dma_wait3A_823] : memref<2x10000x128xf32, #tpu.memory_space<hbm>> -> memref<1x200x128xf32, #tpu.memory_space<hbm>>
          %dma_wait3A_825 = tpu.memref_squeeze %dma_wait3A_824 : memref<1x200x128xf32, #tpu.memory_space<hbm>> -> memref<200x128xf32, #tpu.memory_space<hbm>>
          %dma_wait3A_826 = arith.constant 0 : i32
          %dma_wait3A_827 = tpu.memref_slice %arg15[%mul3A_815, %dma_wait3A_826] : memref<10000x128xf32, #tpu.memory_space<vmem_shared>> -> memref<200x128xf32, #tpu.memory_space<vmem_shared>>
          tpu.wait_dma2 semaphore(%run_scoped3A : memref<!tpu.dma_semaphore, #tpu.memory_space<semaphore_mem>>) src(%dma_wait3A_827 : memref<200x128xf32, #tpu.memory_space<vmem_shared>>) dst(%dma_wait3A_825 : memref<200x128xf32, #tpu.memory_space<hbm>>)
          tpu.yield
        }) : () -> ()
      } else {
      }
      %scan3A_813 = arith.constant 0 : i32
      scf.yield %scan3A_813 : i32
    }
    %scan3A_805 = arith.constant 4 : i32
    return
  }
}

module attributes {stable_mosaic.version = 14 : i64} {
  func.func @_init_tc_body(%arg0: i32, %arg1: memref<2000x3xf32, #tpu.memory_space<vmem>>, %arg2: memref<3x128xf32, #tpu.memory_space<vmem>>, %arg3: memref<2000x128xf32, #tpu.memory_space<vmem>>) attributes {dimension_semantics = [#tpu.dimension_semantics<arbitrary>], iteration_bounds = array<i64: 5>, scalar_prefetch = 0 : i64, scratch_operands = 0 : i64, tpu.core_type = #tpu.core_type<tc>, window_params = [{transform_indices = @transform_0, window_bounds = array<i64: 2000, 3>}, {pipeline_mode = #tpu.pipeline_mode<synchronous>, transform_indices = @transform_1, window_bounds = array<i64: 3, 128>}, {transform_indices = @transform_2, window_bounds = array<i64: 2000, 128>}]} {
    %get3A = arith.constant 0 : index
    %get3A_0 = arith.constant 0 : index
    %get3A_1 = vector.load %arg1[%get3A, %get3A_0] : memref<2000x3xf32, #tpu.memory_space<vmem>>, vector<2000x3xf32>
    %get3A_2 = arith.constant 0 : index
    %get3A_3 = arith.constant 0 : index
    %get3A_4 = vector.load %arg2[%get3A_2, %get3A_3] : memref<3x128xf32, #tpu.memory_space<vmem>>, vector<3x128xf32>
    %slice3A = vector.extract_strided_slice %get3A_1 {offsets = [0, 0], sizes = [2000, 1], strides = [1, 1]} : vector<2000x3xf32> to vector<2000x1xf32>
    %slice3A_5 = vector.extract_strided_slice %get3A_4 {offsets = [0, 0], sizes = [1, 128], strides = [1, 1]} : vector<3x128xf32> to vector<1x128xf32>
    %mul3A = vector.broadcast %slice3A : vector<2000x1xf32> to vector<2000x128xf32>
    %mul3A_6 = vector.broadcast %slice3A_5 : vector<1x128xf32> to vector<2000x128xf32>
    %mul3A_7 = arith.mulf %mul3A, %mul3A_6 : vector<2000x128xf32>
    %slice3A_8 = vector.extract_strided_slice %get3A_1 {offsets = [0, 1], sizes = [2000, 1], strides = [1, 1]} : vector<2000x3xf32> to vector<2000x1xf32>
    %slice3A_9 = vector.extract_strided_slice %get3A_4 {offsets = [1, 0], sizes = [1, 128], strides = [1, 1]} : vector<3x128xf32> to vector<1x128xf32>
    %mul3A_10 = vector.broadcast %slice3A_8 : vector<2000x1xf32> to vector<2000x128xf32>
    %mul3A_11 = vector.broadcast %slice3A_9 : vector<1x128xf32> to vector<2000x128xf32>
    %mul3A_12 = arith.mulf %mul3A_10, %mul3A_11 : vector<2000x128xf32>
    %add3A = arith.addf %mul3A_7, %mul3A_12 : vector<2000x128xf32>
    %slice3A_13 = vector.extract_strided_slice %get3A_1 {offsets = [0, 2], sizes = [2000, 1], strides = [1, 1]} : vector<2000x3xf32> to vector<2000x1xf32>
    %slice3A_14 = vector.extract_strided_slice %get3A_4 {offsets = [2, 0], sizes = [1, 128], strides = [1, 1]} : vector<3x128xf32> to vector<1x128xf32>
    %mul3A_15 = vector.broadcast %slice3A_13 : vector<2000x1xf32> to vector<2000x128xf32>
    %mul3A_16 = vector.broadcast %slice3A_14 : vector<1x128xf32> to vector<2000x128xf32>
    %mul3A_17 = arith.mulf %mul3A_15, %mul3A_16 : vector<2000x128xf32>
    %add3A_18 = arith.addf %add3A, %mul3A_17 : vector<2000x128xf32>
    %max3A = arith.constant 0.000000e+00 : f32
    %max3A_19 = vector.broadcast %max3A : f32 to vector<2000x128xf32>
    %max3A_20 = arith.maximumf %add3A_18, %max3A_19 : vector<2000x128xf32>
    %swap3A = arith.constant 0 : index
    %swap3A_21 = arith.constant 0 : index
    %swap3A_22 = vector.load %arg3[%swap3A, %swap3A_21] : memref<2000x128xf32, #tpu.memory_space<vmem>>, vector<2000x128xf32>
    tpu.vector_store %arg3[%swap3A, %swap3A_21], %max3A_20 {strides = array<i32>} : memref<2000x128xf32, #tpu.memory_space<vmem>>, vector<2000x128xf32>,
    return
  }
  func.func @transform_0(%arg0: i32) -> (i32, i32) {
    %c0_i32 = arith.constant 0 : i32
    %c0_i32_0 = arith.constant 0 : i32
    return %arg0, %c0_i32 : i32, i32
  }
  func.func @transform_1(%arg0: i32) -> (i32, i32) {
    %c0_i32 = arith.constant 0 : i32
    %c0_i32_0 = arith.constant 0 : i32
    %c0_i32_1 = arith.constant 0 : i32
    return %c0_i32, %c0_i32_0 : i32, i32
  }
  func.func @transform_2(%arg0: i32) -> (i32, i32) {
    %c0_i32 = arith.constant 0 : i32
    %c0_i32_0 = arith.constant 0 : i32
    return %arg0, %c0_i32 : i32, i32
  }
}

module attributes {stable_mosaic.version = 14 : i64} {
  func.func @_upd_tc_body(%arg0: i32, %arg1: memref<2000x128xf32, #tpu.memory_space<vmem>>, %arg2: memref<2x2000x128xf32, #tpu.memory_space<vmem>>, %arg3: memref<128x128xf32, #tpu.memory_space<vmem>>, %arg4: memref<128x128xf32, #tpu.memory_space<vmem>>, %arg5: memref<2000x128xf32, #tpu.memory_space<vmem>>) attributes {dimension_semantics = [#tpu.dimension_semantics<arbitrary>], iteration_bounds = array<i64: 5>, scalar_prefetch = 0 : i64, scratch_operands = 0 : i64, tpu.core_type = #tpu.core_type<tc>, window_params = [{transform_indices = @transform_0, window_bounds = array<i64: 2000, 128>}, {transform_indices = @transform_1, window_bounds = array<i64: 2, 2000, 128>}, {pipeline_mode = #tpu.pipeline_mode<synchronous>, transform_indices = @transform_2, window_bounds = array<i64: 128, 128>}, {pipeline_mode = #tpu.pipeline_mode<synchronous>, transform_indices = @transform_3, window_bounds = array<i64: 128, 128>}, {transform_indices = @transform_4, window_bounds = array<i64: 2000, 128>}]} {
    %get3A = arith.constant 0 : index
    %get3A_0 = arith.constant 0 : index
    %get3A_1 = arith.constant 0 : index
    %get3A_2 = vector.load %arg2[%get3A, %get3A_0, %get3A_1] : memref<2x2000x128xf32, #tpu.memory_space<vmem>>, vector<1x2000x128xf32>
    %get3A_3 = vector.shape_cast %get3A_2 : vector<1x2000x128xf32> to vector<2000x128xf32>
    %get3A_4 = arith.constant 1 : index
    %get3A_5 = arith.constant 0 : index
    %get3A_6 = arith.constant 0 : index
    %get3A_7 = vector.load %arg2[%get3A_4, %get3A_5, %get3A_6] : memref<2x2000x128xf32, #tpu.memory_space<vmem>>, vector<1x2000x128xf32>
    %get3A_8 = vector.shape_cast %get3A_7 : vector<1x2000x128xf32> to vector<2000x128xf32>
    %add3A = arith.addf %get3A_3, %get3A_8 : vector<2000x128xf32>
    %get3A_9 = arith.constant 0 : index
    %get3A_10 = arith.constant 0 : index
    %get3A_11 = vector.load %arg3[%get3A_9, %get3A_10] : memref<128x128xf32, #tpu.memory_space<vmem>>, vector<128x128xf32>
    %dot_general3A = arith.constant dense<0.000000e+00> : vector<2000x128xf32>
    %dot_general3A_12 = tpu.matmul %add3A, %get3A_11, %dot_general3A {dimension_numbers = #tpu.dot_dimension_numbers<[1], [0], [0], [1], [0, 0, 1, 1], [], []>, transpose_lhs_hint = false} : vector<2000x128xf32>, vector<128x128xf32>, vector<2000x128xf32> -> vector<2000x128xf32>
    %get3A_13 = arith.constant 0 : index
    %get3A_14 = arith.constant 0 : index
    %get3A_15 = vector.load %arg4[%get3A_13, %get3A_14] : memref<128x128xf32, #tpu.memory_space<vmem>>, vector<128x128xf32>
    %dot_general3A_16 = arith.constant dense<0.000000e+00> : vector<2000x128xf32>
    %dot_general3A_17 = tpu.matmul %dot_general3A_12, %get3A_15, %dot_general3A_16 {dimension_numbers = #tpu.dot_dimension_numbers<[1], [0], [0], [1], [0, 0, 1, 1], [], []>, transpose_lhs_hint = false} : vector<2000x128xf32>, vector<128x128xf32>, vector<2000x128xf32> -> vector<2000x128xf32>
    %get3A_18 = arith.constant 0 : index
    %get3A_19 = arith.constant 0 : index
    %get3A_20 = vector.load %arg1[%get3A_18, %get3A_19] : memref<2000x128xf32, #tpu.memory_space<vmem>>, vector<2000x128xf32>
    %add3A_21 = arith.addf %get3A_20, %dot_general3A_17 : vector<2000x128xf32>
    %max3A = arith.constant 0.000000e+00 : f32
    %max3A_22 = vector.broadcast %max3A : f32 to vector<2000x128xf32>
    %max3A_23 = arith.maximumf %add3A_21, %max3A_22 : vector<2000x128xf32>
    %swap3A = arith.constant 0 : index
    %swap3A_24 = arith.constant 0 : index
    %swap3A_25 = vector.load %arg5[%swap3A, %swap3A_24] : memref<2000x128xf32, #tpu.memory_space<vmem>>, vector<2000x128xf32>
    tpu.vector_store %arg5[%swap3A, %swap3A_24], %max3A_23 {strides = array<i32>} : memref<2000x128xf32, #tpu.memory_space<vmem>>, vector<2000x128xf32>,
    return
  }
  func.func @transform_0(%arg0: i32) -> (i32, i32) {
    %c0_i32 = arith.constant 0 : i32
    %c0_i32_0 = arith.constant 0 : i32
    return %arg0, %c0_i32 : i32, i32
  }
  func.func @transform_1(%arg0: i32) -> (i32, i32, i32) {
    %c0_i32 = arith.constant 0 : i32
    %c0_i32_0 = arith.constant 0 : i32
    %c0_i32_1 = arith.constant 0 : i32
    return %c0_i32, %arg0, %c0_i32_0 : i32, i32, i32
  }
  func.func @transform_2(%arg0: i32) -> (i32, i32) {
    %c0_i32 = arith.constant 0 : i32
    %c0_i32_0 = arith.constant 0 : i32
    %c0_i32_1 = arith.constant 0 : i32
    return %c0_i32, %c0_i32_0 : i32, i32
  }
  func.func @transform_3(%arg0: i32) -> (i32, i32) {
    %c0_i32 = arith.constant 0 : i32
    %c0_i32_0 = arith.constant 0 : i32
    %c0_i32_1 = arith.constant 0 : i32
    return %c0_i32, %c0_i32_0 : i32, i32
  }
  func.func @transform_4(%arg0: i32) -> (i32, i32) {
    %c0_i32 = arith.constant 0 : i32
    %c0_i32_0 = arith.constant 0 : i32
    return %arg0, %c0_i32 : i32, i32
  }
}

module attributes {stable_mosaic.version = 14 : i64} {
  func.func @_ew_tc_body(%arg0: i32, %arg1: memref<16x128xf32, #tpu.memory_space<vmem>>, %arg2: memref<1x16xf32, #tpu.memory_space<vmem>>, %arg3: memref<16x128xf32, #tpu.memory_space<vmem>>, %arg4: memref<2048x128xf32, #tpu.memory_space<vmem>>) attributes {dimension_semantics = [#tpu.dimension_semantics<arbitrary>], iteration_bounds = array<i64: 160>, scalar_prefetch = 0 : i64, scratch_operands = 0 : i64, tpu.core_type = #tpu.core_type<tc>, window_params = [{transform_indices = @transform_0, window_bounds = array<i64: 16, 128>}, {pipeline_mode = #tpu.pipeline_mode<synchronous>, transform_indices = @transform_1, window_bounds = array<i64: 1, 16>}, {pipeline_mode = #tpu.pipeline_mode<synchronous>, transform_indices = @transform_2, window_bounds = array<i64: 16, 128>}, {transform_indices = @transform_3, window_bounds = array<i64: 2048, 128>}]} {
    %get3A = arith.constant 0 : index
    %get3A_0 = arith.constant 0 : index
    %get3A_1 = vector.load %arg1[%get3A, %get3A_0] : memref<16x128xf32, #tpu.memory_space<vmem>>, vector<16x128xf32>
    %transpose3A = tpu.transpose %get3A_1, [1, 0] : vector<16x128xf32> -> vector<128x16xf32>
    %get3A_2 = arith.constant 0 : index
    %get3A_3 = arith.constant 0 : index
    %get3A_4 = vector.load %arg2[%get3A_2, %get3A_3] : memref<1x16xf32, #tpu.memory_space<vmem>>, vector<1x16xf32>
    %mul3A = arith.constant 0.318309873 : f32
    %mul3A_5 = vector.broadcast %mul3A : f32 to vector<1x16xf32>
    %mul3A_6 = arith.mulf %get3A_4, %mul3A_5 : vector<1x16xf32>
    %get3A_7 = arith.constant 0 : index
    %get3A_8 = arith.constant 0 : index
    %get3A_9 = vector.load %arg3[%get3A_7, %get3A_8] : memref<16x128xf32, #tpu.memory_space<vmem>>, vector<16x128xf32>
    %slice3A = vector.extract_strided_slice %transpose3A {offsets = [0, 0], sizes = [128, 1], strides = [1, 1]} : vector<128x16xf32> to vector<128x1xf32>
    %add3A = arith.constant 9.99999996E-13 : f32
    %add3A_10 = vector.broadcast %add3A : f32 to vector<128x1xf32>
    %add3A_11 = arith.addf %slice3A, %add3A_10 : vector<128x1xf32>
    %sqrt3A = math.sqrt %add3A_11 : vector<128x1xf32>
    %mul3A_12 = arith.constant 1.000000e-01 : f32
    %mul3A_13 = vector.broadcast %mul3A_12 : f32 to vector<128x1xf32>
    %mul3A_14 = arith.mulf %sqrt3A, %mul3A_13 : vector<128x1xf32>
    %max3A = arith.constant 9.99999997E-7 : f32
    %max3A_15 = vector.broadcast %max3A : f32 to vector<128x1xf32>
    %max3A_16 = arith.maximumf %mul3A_14, %max3A_15 : vector<128x1xf32>
    %mul3A_17 = arith.mulf %max3A_16, %max3A_16 : vector<128x1xf32>
    %mul3A_18 = arith.mulf %max3A_16, %max3A_16 : vector<128x1xf32>
    %mul3A_19 = arith.mulf %mul3A_17, %mul3A_18 : vector<128x1xf32>
    %mul3A_20 = arith.mulf %mul3A_19, %max3A_16 : vector<128x1xf32>
    %div3A = arith.constant 1.000000e+00 : f32
    %div3A_21 = vector.broadcast %div3A : f32 to vector<128x1xf32>
    %div3A_22 = arith.divf %div3A_21, %max3A_16 : vector<128x1xf32>
    %mul3A_23 = arith.constant -2.800000e+01 : f32
    %mul3A_24 = vector.broadcast %mul3A_23 : f32 to vector<128x1xf32>
    %mul3A_25 = arith.mulf %mul3A_24, %mul3A_20 : vector<128x1xf32>
    %add3A_26 = arith.addf %div3A_22, %mul3A_25 : vector<128x1xf32>
    %mul3A_27 = arith.constant 4.800000e+01 : f32
    %mul3A_28 = vector.broadcast %mul3A_27 : f32 to vector<128x1xf32>
    %mul3A_29 = arith.mulf %mul3A_28, %mul3A_20 : vector<128x1xf32>
    %mul3A_30 = arith.mulf %mul3A_29, %max3A_16 : vector<128x1xf32>
    %add3A_31 = arith.addf %add3A_26, %mul3A_30 : vector<128x1xf32>
    %mul3A_32 = arith.constant -2.100000e+01 : f32
    %mul3A_33 = vector.broadcast %mul3A_32 : f32 to vector<128x1xf32>
    %mul3A_34 = arith.mulf %mul3A_33, %mul3A_20 : vector<128x1xf32>
    %mul3A_35 = arith.mulf %mul3A_34, %max3A_16 : vector<128x1xf32>
    %mul3A_36 = arith.mulf %mul3A_35, %max3A_16 : vector<128x1xf32>
    %add3A_37 = arith.addf %add3A_31, %mul3A_36 : vector<128x1xf32>
    %lt3A = arith.constant 1.000000e+00 : f32
    %lt3A_38 = vector.broadcast %lt3A : f32 to vector<128x1xf32>
    %lt3A_39 = arith.cmpf olt, %mul3A_14, %lt3A_38 : vector<128x1xf32>
    %jit3A = arith.constant 0.000000e+00 : f32
    %broadcast_in_dim3A = vector.broadcast %jit3A : f32 to vector<128x1xf32>
    %select_n3A = arith.select %lt3A_39, %add3A_37, %broadcast_in_dim3A : vector<128x1xi1>, vector<128x1xf32>
    %mul3A_40 = vector.broadcast %mul3A_14 : vector<128x1xf32> to vector<128x16xf32>
    %mul3A_41 = vector.broadcast %mul3A_6 : vector<1x16xf32> to vector<128x16xf32>
    %mul3A_42 = arith.mulf %mul3A_40, %mul3A_41 : vector<128x16xf32>
    %round3A = math.roundeven %mul3A_42 : vector<128x16xf32>
    %sub3A = arith.subf %mul3A_42, %round3A : vector<128x16xf32>
    %mul3A_43 = arith.constant 3.14159274 : f32
    %mul3A_44 = vector.broadcast %mul3A_43 : f32 to vector<128x16xf32>
    %mul3A_45 = arith.mulf %mul3A_44, %sub3A : vector<128x16xf32>
    %mul3A_46 = arith.mulf %mul3A_45, %mul3A_45 : vector<128x16xf32>
    %mul3A_47 = arith.constant 2.75573188E-6 : f32
    %mul3A_48 = vector.broadcast %mul3A_47 : f32 to vector<128x16xf32>
    %mul3A_49 = arith.mulf %mul3A_46, %mul3A_48 : vector<128x16xf32>
    %add3A_50 = arith.constant -1.98412701E-4 : f32
    %add3A_51 = vector.broadcast %add3A_50 : f32 to vector<128x16xf32>
    %add3A_52 = arith.addf %add3A_51, %mul3A_49 : vector<128x16xf32>
    %mul3A_53 = arith.mulf %mul3A_46, %add3A_52 : vector<128x16xf32>
    %add3A_54 = arith.constant 0.00833333377 : f32
    %add3A_55 = vector.broadcast %add3A_54 : f32 to vector<128x16xf32>
    %add3A_56 = arith.addf %add3A_55, %mul3A_53 : vector<128x16xf32>
    %mul3A_57 = arith.mulf %mul3A_46, %add3A_56 : vector<128x16xf32>
    %add3A_58 = arith.constant -0.166666672 : f32
    %add3A_59 = vector.broadcast %add3A_58 : f32 to vector<128x16xf32>
    %add3A_60 = arith.addf %add3A_59, %mul3A_57 : vector<128x16xf32>
    %mul3A_61 = arith.mulf %mul3A_46, %add3A_60 : vector<128x16xf32>
    %add3A_62 = arith.constant 1.000000e+00 : f32
    %add3A_63 = vector.broadcast %add3A_62 : f32 to vector<128x16xf32>
    %add3A_64 = arith.addf %add3A_63, %mul3A_61 : vector<128x16xf32>
    %mul3A_65 = arith.mulf %mul3A_45, %add3A_64 : vector<128x16xf32>
    %convert_element_type3A = arith.fptosi %round3A : vector<128x16xf32> to vector<128x16xi32>
    %and3A = arith.constant 1 : i32
    %and3A_66 = vector.broadcast %and3A : i32 to vector<128x16xi32>
    %and3A_67 = arith.andi %convert_element_type3A, %and3A_66 : vector<128x16xi32>
    %eq3A = arith.constant 0 : i32
    %eq3A_68 = vector.broadcast %eq3A : i32 to vector<128x16xi32>
    %eq3A_69 = arith.cmpi eq, %and3A_67, %eq3A_68 : vector<128x16xi32>
    %neg3A = arith.constant 0.000000e+00 : f32
    %neg3A_70 = vector.broadcast %neg3A : f32 to vector<128x16xf32>
    %neg3A_71 = arith.subf %neg3A_70, %mul3A_65 : vector<128x16xf32>
    %select_n3A_72 = arith.select %eq3A_69, %mul3A_65, %neg3A_71 : vector<128x16xi1>, vector<128x16xf32>
    %mul3A_73 = vector.broadcast %select_n3A : vector<128x1xf32> to vector<128x16xf32>
    %mul3A_74 = arith.mulf %mul3A_73, %select_n3A_72 : vector<128x16xf32>
    %dot_general3A = arith.constant dense<0.000000e+00> : vector<128x128xf32>
    %dot_general3A_75 = tpu.matmul %mul3A_74, %get3A_9, %dot_general3A {dimension_numbers = #tpu.dot_dimension_numbers<[1], [0], [0], [1], [0, 0, 1, 1], [], []>, transpose_lhs_hint = false} : vector<128x16xf32>, vector<16x128xf32>, vector<128x128xf32> -> vector<128x128xf32>
    %max3A_76 = arith.constant 0.000000e+00 : f32
    %max3A_77 = vector.broadcast %max3A_76 : f32 to vector<128x128xf32>
    %max3A_78 = arith.maximumf %dot_general3A_75, %max3A_77 : vector<128x128xf32>
    %swap3A = arith.constant 0 : index
    %swap3A_79 = arith.constant 0 : index
    %swap3A_80 = vector.load %arg4[%swap3A, %swap3A_79] : memref<2048x128xf32, #tpu.memory_space<vmem>>, vector<128x128xf32>
    tpu.vector_store %arg4[%swap3A, %swap3A_79], %max3A_78 {strides = array<i32>} : memref<2048x128xf32, #tpu.memory_space<vmem>>, vector<128x128xf32>,
    %slice3A_81 = vector.extract_strided_slice %transpose3A {offsets = [0, 1], sizes = [128, 1], strides = [1, 1]} : vector<128x16xf32> to vector<128x1xf32>
    %add3A_82 = arith.constant 9.99999996E-13 : f32
    %add3A_83 = vector.broadcast %add3A_82 : f32 to vector<128x1xf32>
    %add3A_84 = arith.addf %slice3A_81, %add3A_83 : vector<128x1xf32>
    %sqrt3A_85 = math.sqrt %add3A_84 : vector<128x1xf32>
    %mul3A_86 = arith.constant 1.000000e-01 : f32
    %mul3A_87 = vector.broadcast %mul3A_86 : f32 to vector<128x1xf32>
    %mul3A_88 = arith.mulf %sqrt3A_85, %mul3A_87 : vector<128x1xf32>
    %max3A_89 = arith.constant 9.99999997E-7 : f32
    %max3A_90 = vector.broadcast %max3A_89 : f32 to vector<128x1xf32>
    %max3A_91 = arith.maximumf %mul3A_88, %max3A_90 : vector<128x1xf32>
    %mul3A_92 = arith.mulf %max3A_91, %max3A_91 : vector<128x1xf32>
    %mul3A_93 = arith.mulf %max3A_91, %max3A_91 : vector<128x1xf32>
    %mul3A_94 = arith.mulf %mul3A_92, %mul3A_93 : vector<128x1xf32>
    %mul3A_95 = arith.mulf %mul3A_94, %max3A_91 : vector<128x1xf32>
    %div3A_96 = arith.constant 1.000000e+00 : f32
    %div3A_97 = vector.broadcast %div3A_96 : f32 to vector<128x1xf32>
    %div3A_98 = arith.divf %div3A_97, %max3A_91 : vector<128x1xf32>
    %mul3A_99 = arith.constant -2.800000e+01 : f32
    %mul3A_100 = vector.broadcast %mul3A_99 : f32 to vector<128x1xf32>
    %mul3A_101 = arith.mulf %mul3A_100, %mul3A_95 : vector<128x1xf32>
    %add3A_102 = arith.addf %div3A_98, %mul3A_101 : vector<128x1xf32>
    %mul3A_103 = arith.constant 4.800000e+01 : f32
    %mul3A_104 = vector.broadcast %mul3A_103 : f32 to vector<128x1xf32>
    %mul3A_105 = arith.mulf %mul3A_104, %mul3A_95 : vector<128x1xf32>
    %mul3A_106 = arith.mulf %mul3A_105, %max3A_91 : vector<128x1xf32>
    %add3A_107 = arith.addf %add3A_102, %mul3A_106 : vector<128x1xf32>
    %mul3A_108 = arith.constant -2.100000e+01 : f32
    %mul3A_109 = vector.broadcast %mul3A_108 : f32 to vector<128x1xf32>
    %mul3A_110 = arith.mulf %mul3A_109, %mul3A_95 : vector<128x1xf32>
    %mul3A_111 = arith.mulf %mul3A_110, %max3A_91 : vector<128x1xf32>
    %mul3A_112 = arith.mulf %mul3A_111, %max3A_91 : vector<128x1xf32>
    %add3A_113 = arith.addf %add3A_107, %mul3A_112 : vector<128x1xf32>
    %lt3A_114 = arith.constant 1.000000e+00 : f32
    %lt3A_115 = vector.broadcast %lt3A_114 : f32 to vector<128x1xf32>
    %lt3A_116 = arith.cmpf olt, %mul3A_88, %lt3A_115 : vector<128x1xf32>
    %jit3A_117 = arith.constant 0.000000e+00 : f32
    %broadcast_in_dim3A_118 = vector.broadcast %jit3A_117 : f32 to vector<128x1xf32>
    %select_n3A_119 = arith.select %lt3A_116, %add3A_113, %broadcast_in_dim3A_118 : vector<128x1xi1>, vector<128x1xf32>
    %mul3A_120 = vector.broadcast %mul3A_88 : vector<128x1xf32> to vector<128x16xf32>
    %mul3A_121 = vector.broadcast %mul3A_6 : vector<1x16xf32> to vector<128x16xf32>
    %mul3A_122 = arith.mulf %mul3A_120, %mul3A_121 : vector<128x16xf32>
    %round3A_123 = math.roundeven %mul3A_122 : vector<128x16xf32>
    %sub3A_124 = arith.subf %mul3A_122, %round3A_123 : vector<128x16xf32>
    %mul3A_125 = arith.constant 3.14159274 : f32
    %mul3A_126 = vector.broadcast %mul3A_125 : f32 to vector<128x16xf32>
    %mul3A_127 = arith.mulf %mul3A_126, %sub3A_124 : vector<128x16xf32>
    %mul3A_128 = arith.mulf %mul3A_127, %mul3A_127 : vector<128x16xf32>
    %mul3A_129 = arith.constant 2.75573188E-6 : f32
    %mul3A_130 = vector.broadcast %mul3A_129 : f32 to vector<128x16xf32>
    %mul3A_131 = arith.mulf %mul3A_128, %mul3A_130 : vector<128x16xf32>
    %add3A_132 = arith.constant -1.98412701E-4 : f32
    %add3A_133 = vector.broadcast %add3A_132 : f32 to vector<128x16xf32>
    %add3A_134 = arith.addf %add3A_133, %mul3A_131 : vector<128x16xf32>
    %mul3A_135 = arith.mulf %mul3A_128, %add3A_134 : vector<128x16xf32>
    %add3A_136 = arith.constant 0.00833333377 : f32
    %add3A_137 = vector.broadcast %add3A_136 : f32 to vector<128x16xf32>
    %add3A_138 = arith.addf %add3A_137, %mul3A_135 : vector<128x16xf32>
    %mul3A_139 = arith.mulf %mul3A_128, %add3A_138 : vector<128x16xf32>
    %add3A_140 = arith.constant -0.166666672 : f32
    %add3A_141 = vector.broadcast %add3A_140 : f32 to vector<128x16xf32>
    %add3A_142 = arith.addf %add3A_141, %mul3A_139 : vector<128x16xf32>
    %mul3A_143 = arith.mulf %mul3A_128, %add3A_142 : vector<128x16xf32>
    %add3A_144 = arith.constant 1.000000e+00 : f32
    %add3A_145 = vector.broadcast %add3A_144 : f32 to vector<128x16xf32>
    %add3A_146 = arith.addf %add3A_145, %mul3A_143 : vector<128x16xf32>
    %mul3A_147 = arith.mulf %mul3A_127, %add3A_146 : vector<128x16xf32>
    %convert_element_type3A_148 = arith.fptosi %round3A_123 : vector<128x16xf32> to vector<128x16xi32>
    %and3A_149 = arith.constant 1 : i32
    %and3A_150 = vector.broadcast %and3A_149 : i32 to vector<128x16xi32>
    %and3A_151 = arith.andi %convert_element_type3A_148, %and3A_150 : vector<128x16xi32>
    %eq3A_152 = arith.constant 0 : i32
    %eq3A_153 = vector.broadcast %eq3A_152 : i32 to vector<128x16xi32>
    %eq3A_154 = arith.cmpi eq, %and3A_151, %eq3A_153 : vector<128x16xi32>
    %neg3A_155 = arith.constant 0.000000e+00 : f32
    %neg3A_156 = vector.broadcast %neg3A_155 : f32 to vector<128x16xf32>
    %neg3A_157 = arith.subf %neg3A_156, %mul3A_147 : vector<128x16xf32>
    %select_n3A_158 = arith.select %eq3A_154, %mul3A_147, %neg3A_157 : vector<128x16xi1>, vector<128x16xf32>
    %mul3A_159 = vector.broadcast %select_n3A_119 : vector<128x1xf32> to vector<128x16xf32>
    %mul3A_160 = arith.mulf %mul3A_159, %select_n3A_158 : vector<128x16xf32>
    %dot_general3A_161 = arith.constant dense<0.000000e+00> : vector<128x128xf32>
    %dot_general3A_162 = tpu.matmul %mul3A_160, %get3A_9, %dot_general3A_161 {dimension_numbers = #tpu.dot_dimension_numbers<[1], [0], [0], [1], [0, 0, 1, 1], [], []>, transpose_lhs_hint = false} : vector<128x16xf32>, vector<16x128xf32>, vector<128x128xf32> -> vector<128x128xf32>
    %max3A_163 = arith.constant 0.000000e+00 : f32
    %max3A_164 = vector.broadcast %max3A_163 : f32 to vector<128x128xf32>
    %max3A_165 = arith.maximumf %dot_general3A_162, %max3A_164 : vector<128x128xf32>
    %swap3A_166 = arith.constant 128 : index
    %swap3A_167 = arith.constant 0 : index
    %swap3A_168 = vector.load %arg4[%swap3A_166, %swap3A_167] : memref<2048x128xf32, #tpu.memory_space<vmem>>, vector<128x128xf32>
    tpu.vector_store %arg4[%swap3A_166, %swap3A_167], %max3A_165 {strides = array<i32>} : memref<2048x128xf32, #tpu.memory_space<vmem>>, vector<128x128xf32>,
    %slice3A_169 = vector.extract_strided_slice %transpose3A {offsets = [0, 2], sizes = [128, 1], strides = [1, 1]} : vector<128x16xf32> to vector<128x1xf32>
    %add3A_170 = arith.constant 9.99999996E-13 : f32
    %add3A_171 = vector.broadcast %add3A_170 : f32 to vector<128x1xf32>
    %add3A_172 = arith.addf %slice3A_169, %add3A_171 : vector<128x1xf32>
    %sqrt3A_173 = math.sqrt %add3A_172 : vector<128x1xf32>
    %mul3A_174 = arith.constant 1.000000e-01 : f32
    %mul3A_175 = vector.broadcast %mul3A_174 : f32 to vector<128x1xf32>
    %mul3A_176 = arith.mulf %sqrt3A_173, %mul3A_175 : vector<128x1xf32>
    %max3A_177 = arith.constant 9.99999997E-7 : f32
    %max3A_178 = vector.broadcast %max3A_177 : f32 to vector<128x1xf32>
    %max3A_179 = arith.maximumf %mul3A_176, %max3A_178 : vector<128x1xf32>
    %mul3A_180 = arith.mulf %max3A_179, %max3A_179 : vector<128x1xf32>
    %mul3A_181 = arith.mulf %max3A_179, %max3A_179 : vector<128x1xf32>
    %mul3A_182 = arith.mulf %mul3A_180, %mul3A_181 : vector<128x1xf32>
    %mul3A_183 = arith.mulf %mul3A_182, %max3A_179 : vector<128x1xf32>
    %div3A_184 = arith.constant 1.000000e+00 : f32
    %div3A_185 = vector.broadcast %div3A_184 : f32 to vector<128x1xf32>
    %div3A_186 = arith.divf %div3A_185, %max3A_179 : vector<128x1xf32>
    %mul3A_187 = arith.constant -2.800000e+01 : f32
    %mul3A_188 = vector.broadcast %mul3A_187 : f32 to vector<128x1xf32>
    %mul3A_189 = arith.mulf %mul3A_188, %mul3A_183 : vector<128x1xf32>
    %add3A_190 = arith.addf %div3A_186, %mul3A_189 : vector<128x1xf32>
    %mul3A_191 = arith.constant 4.800000e+01 : f32
    %mul3A_192 = vector.broadcast %mul3A_191 : f32 to vector<128x1xf32>
    %mul3A_193 = arith.mulf %mul3A_192, %mul3A_183 : vector<128x1xf32>
    %mul3A_194 = arith.mulf %mul3A_193, %max3A_179 : vector<128x1xf32>
    %add3A_195 = arith.addf %add3A_190, %mul3A_194 : vector<128x1xf32>
    %mul3A_196 = arith.constant -2.100000e+01 : f32
    %mul3A_197 = vector.broadcast %mul3A_196 : f32 to vector<128x1xf32>
    %mul3A_198 = arith.mulf %mul3A_197, %mul3A_183 : vector<128x1xf32>
    %mul3A_199 = arith.mulf %mul3A_198, %max3A_179 : vector<128x1xf32>
    %mul3A_200 = arith.mulf %mul3A_199, %max3A_179 : vector<128x1xf32>
    %add3A_201 = arith.addf %add3A_195, %mul3A_200 : vector<128x1xf32>
    %lt3A_202 = arith.constant 1.000000e+00 : f32
    %lt3A_203 = vector.broadcast %lt3A_202 : f32 to vector<128x1xf32>
    %lt3A_204 = arith.cmpf olt, %mul3A_176, %lt3A_203 : vector<128x1xf32>
    %jit3A_205 = arith.constant 0.000000e+00 : f32
    %broadcast_in_dim3A_206 = vector.broadcast %jit3A_205 : f32 to vector<128x1xf32>
    %select_n3A_207 = arith.select %lt3A_204, %add3A_201, %broadcast_in_dim3A_206 : vector<128x1xi1>, vector<128x1xf32>
    %mul3A_208 = vector.broadcast %mul3A_176 : vector<128x1xf32> to vector<128x16xf32>
    %mul3A_209 = vector.broadcast %mul3A_6 : vector<1x16xf32> to vector<128x16xf32>
    %mul3A_210 = arith.mulf %mul3A_208, %mul3A_209 : vector<128x16xf32>
    %round3A_211 = math.roundeven %mul3A_210 : vector<128x16xf32>
    %sub3A_212 = arith.subf %mul3A_210, %round3A_211 : vector<128x16xf32>
    %mul3A_213 = arith.constant 3.14159274 : f32
    %mul3A_214 = vector.broadcast %mul3A_213 : f32 to vector<128x16xf32>
    %mul3A_215 = arith.mulf %mul3A_214, %sub3A_212 : vector<128x16xf32>
    %mul3A_216 = arith.mulf %mul3A_215, %mul3A_215 : vector<128x16xf32>
    %mul3A_217 = arith.constant 2.75573188E-6 : f32
    %mul3A_218 = vector.broadcast %mul3A_217 : f32 to vector<128x16xf32>
    %mul3A_219 = arith.mulf %mul3A_216, %mul3A_218 : vector<128x16xf32>
    %add3A_220 = arith.constant -1.98412701E-4 : f32
    %add3A_221 = vector.broadcast %add3A_220 : f32 to vector<128x16xf32>
    %add3A_222 = arith.addf %add3A_221, %mul3A_219 : vector<128x16xf32>
    %mul3A_223 = arith.mulf %mul3A_216, %add3A_222 : vector<128x16xf32>
    %add3A_224 = arith.constant 0.00833333377 : f32
    %add3A_225 = vector.broadcast %add3A_224 : f32 to vector<128x16xf32>
    %add3A_226 = arith.addf %add3A_225, %mul3A_223 : vector<128x16xf32>
    %mul3A_227 = arith.mulf %mul3A_216, %add3A_226 : vector<128x16xf32>
    %add3A_228 = arith.constant -0.166666672 : f32
    %add3A_229 = vector.broadcast %add3A_228 : f32 to vector<128x16xf32>
    %add3A_230 = arith.addf %add3A_229, %mul3A_227 : vector<128x16xf32>
    %mul3A_231 = arith.mulf %mul3A_216, %add3A_230 : vector<128x16xf32>
    %add3A_232 = arith.constant 1.000000e+00 : f32
    %add3A_233 = vector.broadcast %add3A_232 : f32 to vector<128x16xf32>
    %add3A_234 = arith.addf %add3A_233, %mul3A_231 : vector<128x16xf32>
    %mul3A_235 = arith.mulf %mul3A_215, %add3A_234 : vector<128x16xf32>
    %convert_element_type3A_236 = arith.fptosi %round3A_211 : vector<128x16xf32> to vector<128x16xi32>
    %and3A_237 = arith.constant 1 : i32
    %and3A_238 = vector.broadcast %and3A_237 : i32 to vector<128x16xi32>
    %and3A_239 = arith.andi %convert_element_type3A_236, %and3A_238 : vector<128x16xi32>
    %eq3A_240 = arith.constant 0 : i32
    %eq3A_241 = vector.broadcast %eq3A_240 : i32 to vector<128x16xi32>
    %eq3A_242 = arith.cmpi eq, %and3A_239, %eq3A_241 : vector<128x16xi32>
    %neg3A_243 = arith.constant 0.000000e+00 : f32
    %neg3A_244 = vector.broadcast %neg3A_243 : f32 to vector<128x16xf32>
    %neg3A_245 = arith.subf %neg3A_244, %mul3A_235 : vector<128x16xf32>
    %select_n3A_246 = arith.select %eq3A_242, %mul3A_235, %neg3A_245 : vector<128x16xi1>, vector<128x16xf32>
    %mul3A_247 = vector.broadcast %select_n3A_207 : vector<128x1xf32> to vector<128x16xf32>
    %mul3A_248 = arith.mulf %mul3A_247, %select_n3A_246 : vector<128x16xf32>
    %dot_general3A_249 = arith.constant dense<0.000000e+00> : vector<128x128xf32>
    %dot_general3A_250 = tpu.matmul %mul3A_248, %get3A_9, %dot_general3A_249 {dimension_numbers = #tpu.dot_dimension_numbers<[1], [0], [0], [1], [0, 0, 1, 1], [], []>, transpose_lhs_hint = false} : vector<128x16xf32>, vector<16x128xf32>, vector<128x128xf32> -> vector<128x128xf32>
    %max3A_251 = arith.constant 0.000000e+00 : f32
    %max3A_252 = vector.broadcast %max3A_251 : f32 to vector<128x128xf32>
    %max3A_253 = arith.maximumf %dot_general3A_250, %max3A_252 : vector<128x128xf32>
    %swap3A_254 = arith.constant 256 : index
    %swap3A_255 = arith.constant 0 : index
    %swap3A_256 = vector.load %arg4[%swap3A_254, %swap3A_255] : memref<2048x128xf32, #tpu.memory_space<vmem>>, vector<128x128xf32>
    tpu.vector_store %arg4[%swap3A_254, %swap3A_255], %max3A_253 {strides = array<i32>} : memref<2048x128xf32, #tpu.memory_space<vmem>>, vector<128x128xf32>,
    %slice3A_257 = vector.extract_strided_slice %transpose3A {offsets = [0, 3], sizes = [128, 1], strides = [1, 1]} : vector<128x16xf32> to vector<128x1xf32>
    %add3A_258 = arith.constant 9.99999996E-13 : f32
    %add3A_259 = vector.broadcast %add3A_258 : f32 to vector<128x1xf32>
    %add3A_260 = arith.addf %slice3A_257, %add3A_259 : vector<128x1xf32>
    %sqrt3A_261 = math.sqrt %add3A_260 : vector<128x1xf32>
    %mul3A_262 = arith.constant 1.000000e-01 : f32
    %mul3A_263 = vector.broadcast %mul3A_262 : f32 to vector<128x1xf32>
    %mul3A_264 = arith.mulf %sqrt3A_261, %mul3A_263 : vector<128x1xf32>
    %max3A_265 = arith.constant 9.99999997E-7 : f32
    %max3A_266 = vector.broadcast %max3A_265 : f32 to vector<128x1xf32>
    %max3A_267 = arith.maximumf %mul3A_264, %max3A_266 : vector<128x1xf32>
    %mul3A_268 = arith.mulf %max3A_267, %max3A_267 : vector<128x1xf32>
    %mul3A_269 = arith.mulf %max3A_267, %max3A_267 : vector<128x1xf32>
    %mul3A_270 = arith.mulf %mul3A_268, %mul3A_269 : vector<128x1xf32>
    %mul3A_271 = arith.mulf %mul3A_270, %max3A_267 : vector<128x1xf32>
    %div3A_272 = arith.constant 1.000000e+00 : f32
    %div3A_273 = vector.broadcast %div3A_272 : f32 to vector<128x1xf32>
    %div3A_274 = arith.divf %div3A_273, %max3A_267 : vector<128x1xf32>
    %mul3A_275 = arith.constant -2.800000e+01 : f32
    %mul3A_276 = vector.broadcast %mul3A_275 : f32 to vector<128x1xf32>
    %mul3A_277 = arith.mulf %mul3A_276, %mul3A_271 : vector<128x1xf32>
    %add3A_278 = arith.addf %div3A_274, %mul3A_277 : vector<128x1xf32>
    %mul3A_279 = arith.constant 4.800000e+01 : f32
    %mul3A_280 = vector.broadcast %mul3A_279 : f32 to vector<128x1xf32>
    %mul3A_281 = arith.mulf %mul3A_280, %mul3A_271 : vector<128x1xf32>
    %mul3A_282 = arith.mulf %mul3A_281, %max3A_267 : vector<128x1xf32>
    %add3A_283 = arith.addf %add3A_278, %mul3A_282 : vector<128x1xf32>
    %mul3A_284 = arith.constant -2.100000e+01 : f32
    %mul3A_285 = vector.broadcast %mul3A_284 : f32 to vector<128x1xf32>
    %mul3A_286 = arith.mulf %mul3A_285, %mul3A_271 : vector<128x1xf32>
    %mul3A_287 = arith.mulf %mul3A_286, %max3A_267 : vector<128x1xf32>
    %mul3A_288 = arith.mulf %mul3A_287, %max3A_267 : vector<128x1xf32>
    %add3A_289 = arith.addf %add3A_283, %mul3A_288 : vector<128x1xf32>
    %lt3A_290 = arith.constant 1.000000e+00 : f32
    %lt3A_291 = vector.broadcast %lt3A_290 : f32 to vector<128x1xf32>
    %lt3A_292 = arith.cmpf olt, %mul3A_264, %lt3A_291 : vector<128x1xf32>
    %jit3A_293 = arith.constant 0.000000e+00 : f32
    %broadcast_in_dim3A_294 = vector.broadcast %jit3A_293 : f32 to vector<128x1xf32>
    %select_n3A_295 = arith.select %lt3A_292, %add3A_289, %broadcast_in_dim3A_294 : vector<128x1xi1>, vector<128x1xf32>
    %mul3A_296 = vector.broadcast %mul3A_264 : vector<128x1xf32> to vector<128x16xf32>
    %mul3A_297 = vector.broadcast %mul3A_6 : vector<1x16xf32> to vector<128x16xf32>
    %mul3A_298 = arith.mulf %mul3A_296, %mul3A_297 : vector<128x16xf32>
    %round3A_299 = math.roundeven %mul3A_298 : vector<128x16xf32>
    %sub3A_300 = arith.subf %mul3A_298, %round3A_299 : vector<128x16xf32>
    %mul3A_301 = arith.constant 3.14159274 : f32
    %mul3A_302 = vector.broadcast %mul3A_301 : f32 to vector<128x16xf32>
    %mul3A_303 = arith.mulf %mul3A_302, %sub3A_300 : vector<128x16xf32>
    %mul3A_304 = arith.mulf %mul3A_303, %mul3A_303 : vector<128x16xf32>
    %mul3A_305 = arith.constant 2.75573188E-6 : f32
    %mul3A_306 = vector.broadcast %mul3A_305 : f32 to vector<128x16xf32>
    %mul3A_307 = arith.mulf %mul3A_304, %mul3A_306 : vector<128x16xf32>
    %add3A_308 = arith.constant -1.98412701E-4 : f32
    %add3A_309 = vector.broadcast %add3A_308 : f32 to vector<128x16xf32>
    %add3A_310 = arith.addf %add3A_309, %mul3A_307 : vector<128x16xf32>
    %mul3A_311 = arith.mulf %mul3A_304, %add3A_310 : vector<128x16xf32>
    %add3A_312 = arith.constant 0.00833333377 : f32
    %add3A_313 = vector.broadcast %add3A_312 : f32 to vector<128x16xf32>
    %add3A_314 = arith.addf %add3A_313, %mul3A_311 : vector<128x16xf32>
    %mul3A_315 = arith.mulf %mul3A_304, %add3A_314 : vector<128x16xf32>
    %add3A_316 = arith.constant -0.166666672 : f32
    %add3A_317 = vector.broadcast %add3A_316 : f32 to vector<128x16xf32>
    %add3A_318 = arith.addf %add3A_317, %mul3A_315 : vector<128x16xf32>
    %mul3A_319 = arith.mulf %mul3A_304, %add3A_318 : vector<128x16xf32>
    %add3A_320 = arith.constant 1.000000e+00 : f32
    %add3A_321 = vector.broadcast %add3A_320 : f32 to vector<128x16xf32>
    %add3A_322 = arith.addf %add3A_321, %mul3A_319 : vector<128x16xf32>
    %mul3A_323 = arith.mulf %mul3A_303, %add3A_322 : vector<128x16xf32>
    %convert_element_type3A_324 = arith.fptosi %round3A_299 : vector<128x16xf32> to vector<128x16xi32>
    %and3A_325 = arith.constant 1 : i32
    %and3A_326 = vector.broadcast %and3A_325 : i32 to vector<128x16xi32>
    %and3A_327 = arith.andi %convert_element_type3A_324, %and3A_326 : vector<128x16xi32>
    %eq3A_328 = arith.constant 0 : i32
    %eq3A_329 = vector.broadcast %eq3A_328 : i32 to vector<128x16xi32>
    %eq3A_330 = arith.cmpi eq, %and3A_327, %eq3A_329 : vector<128x16xi32>
    %neg3A_331 = arith.constant 0.000000e+00 : f32
    %neg3A_332 = vector.broadcast %neg3A_331 : f32 to vector<128x16xf32>
    %neg3A_333 = arith.subf %neg3A_332, %mul3A_323 : vector<128x16xf32>
    %select_n3A_334 = arith.select %eq3A_330, %mul3A_323, %neg3A_333 : vector<128x16xi1>, vector<128x16xf32>
    %mul3A_335 = vector.broadcast %select_n3A_295 : vector<128x1xf32> to vector<128x16xf32>
    %mul3A_336 = arith.mulf %mul3A_335, %select_n3A_334 : vector<128x16xf32>
    %dot_general3A_337 = arith.constant dense<0.000000e+00> : vector<128x128xf32>
    %dot_general3A_338 = tpu.matmul %mul3A_336, %get3A_9, %dot_general3A_337 {dimension_numbers = #tpu.dot_dimension_numbers<[1], [0], [0], [1], [0, 0, 1, 1], [], []>, transpose_lhs_hint = false} : vector<128x16xf32>, vector<16x128xf32>, vector<128x128xf32> -> vector<128x128xf32>
    %max3A_339 = arith.constant 0.000000e+00 : f32
    %max3A_340 = vector.broadcast %max3A_339 : f32 to vector<128x128xf32>
    %max3A_341 = arith.maximumf %dot_general3A_338, %max3A_340 : vector<128x128xf32>
    %swap3A_342 = arith.constant 384 : index
    %swap3A_343 = arith.constant 0 : index
    %swap3A_344 = vector.load %arg4[%swap3A_342, %swap3A_343] : memref<2048x128xf32, #tpu.memory_space<vmem>>, vector<128x128xf32>
    tpu.vector_store %arg4[%swap3A_342, %swap3A_343], %max3A_341 {strides = array<i32>} : memref<2048x128xf32, #tpu.memory_space<vmem>>, vector<128x128xf32>,
    %slice3A_345 = vector.extract_strided_slice %transpose3A {offsets = [0, 4], sizes = [128, 1], strides = [1, 1]} : vector<128x16xf32> to vector<128x1xf32>
    %add3A_346 = arith.constant 9.99999996E-13 : f32
    %add3A_347 = vector.broadcast %add3A_346 : f32 to vector<128x1xf32>
    %add3A_348 = arith.addf %slice3A_345, %add3A_347 : vector<128x1xf32>
    %sqrt3A_349 = math.sqrt %add3A_348 : vector<128x1xf32>
    %mul3A_350 = arith.constant 1.000000e-01 : f32
    %mul3A_351 = vector.broadcast %mul3A_350 : f32 to vector<128x1xf32>
    %mul3A_352 = arith.mulf %sqrt3A_349, %mul3A_351 : vector<128x1xf32>
    %max3A_353 = arith.constant 9.99999997E-7 : f32
    %max3A_354 = vector.broadcast %max3A_353 : f32 to vector<128x1xf32>
    %max3A_355 = arith.maximumf %mul3A_352, %max3A_354 : vector<128x1xf32>
    %mul3A_356 = arith.mulf %max3A_355, %max3A_355 : vector<128x1xf32>
    %mul3A_357 = arith.mulf %max3A_355, %max3A_355 : vector<128x1xf32>
    %mul3A_358 = arith.mulf %mul3A_356, %mul3A_357 : vector<128x1xf32>
    %mul3A_359 = arith.mulf %mul3A_358, %max3A_355 : vector<128x1xf32>
    %div3A_360 = arith.constant 1.000000e+00 : f32
    %div3A_361 = vector.broadcast %div3A_360 : f32 to vector<128x1xf32>
    %div3A_362 = arith.divf %div3A_361, %max3A_355 : vector<128x1xf32>
    %mul3A_363 = arith.constant -2.800000e+01 : f32
    %mul3A_364 = vector.broadcast %mul3A_363 : f32 to vector<128x1xf32>
    %mul3A_365 = arith.mulf %mul3A_364, %mul3A_359 : vector<128x1xf32>
    %add3A_366 = arith.addf %div3A_362, %mul3A_365 : vector<128x1xf32>
    %mul3A_367 = arith.constant 4.800000e+01 : f32
    %mul3A_368 = vector.broadcast %mul3A_367 : f32 to vector<128x1xf32>
    %mul3A_369 = arith.mulf %mul3A_368, %mul3A_359 : vector<128x1xf32>
    %mul3A_370 = arith.mulf %mul3A_369, %max3A_355 : vector<128x1xf32>
    %add3A_371 = arith.addf %add3A_366, %mul3A_370 : vector<128x1xf32>
    %mul3A_372 = arith.constant -2.100000e+01 : f32
    %mul3A_373 = vector.broadcast %mul3A_372 : f32 to vector<128x1xf32>
    %mul3A_374 = arith.mulf %mul3A_373, %mul3A_359 : vector<128x1xf32>
    %mul3A_375 = arith.mulf %mul3A_374, %max3A_355 : vector<128x1xf32>
    %mul3A_376 = arith.mulf %mul3A_375, %max3A_355 : vector<128x1xf32>
    %add3A_377 = arith.addf %add3A_371, %mul3A_376 : vector<128x1xf32>
    %lt3A_378 = arith.constant 1.000000e+00 : f32
    %lt3A_379 = vector.broadcast %lt3A_378 : f32 to vector<128x1xf32>
    %lt3A_380 = arith.cmpf olt, %mul3A_352, %lt3A_379 : vector<128x1xf32>
    %jit3A_381 = arith.constant 0.000000e+00 : f32
    %broadcast_in_dim3A_382 = vector.broadcast %jit3A_381 : f32 to vector<128x1xf32>
    %select_n3A_383 = arith.select %lt3A_380, %add3A_377, %broadcast_in_dim3A_382 : vector<128x1xi1>, vector<128x1xf32>
    %mul3A_384 = vector.broadcast %mul3A_352 : vector<128x1xf32> to vector<128x16xf32>
    %mul3A_385 = vector.broadcast %mul3A_6 : vector<1x16xf32> to vector<128x16xf32>
    %mul3A_386 = arith.mulf %mul3A_384, %mul3A_385 : vector<128x16xf32>
    %round3A_387 = math.roundeven %mul3A_386 : vector<128x16xf32>
    %sub3A_388 = arith.subf %mul3A_386, %round3A_387 : vector<128x16xf32>
    %mul3A_389 = arith.constant 3.14159274 : f32
    %mul3A_390 = vector.broadcast %mul3A_389 : f32 to vector<128x16xf32>
    %mul3A_391 = arith.mulf %mul3A_390, %sub3A_388 : vector<128x16xf32>
    %mul3A_392 = arith.mulf %mul3A_391, %mul3A_391 : vector<128x16xf32>
    %mul3A_393 = arith.constant 2.75573188E-6 : f32
    %mul3A_394 = vector.broadcast %mul3A_393 : f32 to vector<128x16xf32>
    %mul3A_395 = arith.mulf %mul3A_392, %mul3A_394 : vector<128x16xf32>
    %add3A_396 = arith.constant -1.98412701E-4 : f32
    %add3A_397 = vector.broadcast %add3A_396 : f32 to vector<128x16xf32>
    %add3A_398 = arith.addf %add3A_397, %mul3A_395 : vector<128x16xf32>
    %mul3A_399 = arith.mulf %mul3A_392, %add3A_398 : vector<128x16xf32>
    %add3A_400 = arith.constant 0.00833333377 : f32
    %add3A_401 = vector.broadcast %add3A_400 : f32 to vector<128x16xf32>
    %add3A_402 = arith.addf %add3A_401, %mul3A_399 : vector<128x16xf32>
    %mul3A_403 = arith.mulf %mul3A_392, %add3A_402 : vector<128x16xf32>
    %add3A_404 = arith.constant -0.166666672 : f32
    %add3A_405 = vector.broadcast %add3A_404 : f32 to vector<128x16xf32>
    %add3A_406 = arith.addf %add3A_405, %mul3A_403 : vector<128x16xf32>
    %mul3A_407 = arith.mulf %mul3A_392, %add3A_406 : vector<128x16xf32>
    %add3A_408 = arith.constant 1.000000e+00 : f32
    %add3A_409 = vector.broadcast %add3A_408 : f32 to vector<128x16xf32>
    %add3A_410 = arith.addf %add3A_409, %mul3A_407 : vector<128x16xf32>
    %mul3A_411 = arith.mulf %mul3A_391, %add3A_410 : vector<128x16xf32>
    %convert_element_type3A_412 = arith.fptosi %round3A_387 : vector<128x16xf32> to vector<128x16xi32>
    %and3A_413 = arith.constant 1 : i32
    %and3A_414 = vector.broadcast %and3A_413 : i32 to vector<128x16xi32>
    %and3A_415 = arith.andi %convert_element_type3A_412, %and3A_414 : vector<128x16xi32>
    %eq3A_416 = arith.constant 0 : i32
    %eq3A_417 = vector.broadcast %eq3A_416 : i32 to vector<128x16xi32>
    %eq3A_418 = arith.cmpi eq, %and3A_415, %eq3A_417 : vector<128x16xi32>
    %neg3A_419 = arith.constant 0.000000e+00 : f32
    %neg3A_420 = vector.broadcast %neg3A_419 : f32 to vector<128x16xf32>
    %neg3A_421 = arith.subf %neg3A_420, %mul3A_411 : vector<128x16xf32>
    %select_n3A_422 = arith.select %eq3A_418, %mul3A_411, %neg3A_421 : vector<128x16xi1>, vector<128x16xf32>
    %mul3A_423 = vector.broadcast %select_n3A_383 : vector<128x1xf32> to vector<128x16xf32>
    %mul3A_424 = arith.mulf %mul3A_423, %select_n3A_422 : vector<128x16xf32>
    %dot_general3A_425 = arith.constant dense<0.000000e+00> : vector<128x128xf32>
    %dot_general3A_426 = tpu.matmul %mul3A_424, %get3A_9, %dot_general3A_425 {dimension_numbers = #tpu.dot_dimension_numbers<[1], [0], [0], [1], [0, 0, 1, 1], [], []>, transpose_lhs_hint = false} : vector<128x16xf32>, vector<16x128xf32>, vector<128x128xf32> -> vector<128x128xf32>
    %max3A_427 = arith.constant 0.000000e+00 : f32
    %max3A_428 = vector.broadcast %max3A_427 : f32 to vector<128x128xf32>
    %max3A_429 = arith.maximumf %dot_general3A_426, %max3A_428 : vector<128x128xf32>
    %swap3A_430 = arith.constant 512 : index
    %swap3A_431 = arith.constant 0 : index
    %swap3A_432 = vector.load %arg4[%swap3A_430, %swap3A_431] : memref<2048x128xf32, #tpu.memory_space<vmem>>, vector<128x128xf32>
    tpu.vector_store %arg4[%swap3A_430, %swap3A_431], %max3A_429 {strides = array<i32>} : memref<2048x128xf32, #tpu.memory_space<vmem>>, vector<128x128xf32>,
    %slice3A_433 = vector.extract_strided_slice %transpose3A {offsets = [0, 5], sizes = [128, 1], strides = [1, 1]} : vector<128x16xf32> to vector<128x1xf32>
    %add3A_434 = arith.constant 9.99999996E-13 : f32
    %add3A_435 = vector.broadcast %add3A_434 : f32 to vector<128x1xf32>
    %add3A_436 = arith.addf %slice3A_433, %add3A_435 : vector<128x1xf32>
    %sqrt3A_437 = math.sqrt %add3A_436 : vector<128x1xf32>
    %mul3A_438 = arith.constant 1.000000e-01 : f32
    %mul3A_439 = vector.broadcast %mul3A_438 : f32 to vector<128x1xf32>
    %mul3A_440 = arith.mulf %sqrt3A_437, %mul3A_439 : vector<128x1xf32>
    %max3A_441 = arith.constant 9.99999997E-7 : f32
    %max3A_442 = vector.broadcast %max3A_441 : f32 to vector<128x1xf32>
    %max3A_443 = arith.maximumf %mul3A_440, %max3A_442 : vector<128x1xf32>
    %mul3A_444 = arith.mulf %max3A_443, %max3A_443 : vector<128x1xf32>
    %mul3A_445 = arith.mulf %max3A_443, %max3A_443 : vector<128x1xf32>
    %mul3A_446 = arith.mulf %mul3A_444, %mul3A_445 : vector<128x1xf32>
    %mul3A_447 = arith.mulf %mul3A_446, %max3A_443 : vector<128x1xf32>
    %div3A_448 = arith.constant 1.000000e+00 : f32
    %div3A_449 = vector.broadcast %div3A_448 : f32 to vector<128x1xf32>
    %div3A_450 = arith.divf %div3A_449, %max3A_443 : vector<128x1xf32>
    %mul3A_451 = arith.constant -2.800000e+01 : f32
    %mul3A_452 = vector.broadcast %mul3A_451 : f32 to vector<128x1xf32>
    %mul3A_453 = arith.mulf %mul3A_452, %mul3A_447 : vector<128x1xf32>
    %add3A_454 = arith.addf %div3A_450, %mul3A_453 : vector<128x1xf32>
    %mul3A_455 = arith.constant 4.800000e+01 : f32
    %mul3A_456 = vector.broadcast %mul3A_455 : f32 to vector<128x1xf32>
    %mul3A_457 = arith.mulf %mul3A_456, %mul3A_447 : vector<128x1xf32>
    %mul3A_458 = arith.mulf %mul3A_457, %max3A_443 : vector<128x1xf32>
    %add3A_459 = arith.addf %add3A_454, %mul3A_458 : vector<128x1xf32>
    %mul3A_460 = arith.constant -2.100000e+01 : f32
    %mul3A_461 = vector.broadcast %mul3A_460 : f32 to vector<128x1xf32>
    %mul3A_462 = arith.mulf %mul3A_461, %mul3A_447 : vector<128x1xf32>
    %mul3A_463 = arith.mulf %mul3A_462, %max3A_443 : vector<128x1xf32>
    %mul3A_464 = arith.mulf %mul3A_463, %max3A_443 : vector<128x1xf32>
    %add3A_465 = arith.addf %add3A_459, %mul3A_464 : vector<128x1xf32>
    %lt3A_466 = arith.constant 1.000000e+00 : f32
    %lt3A_467 = vector.broadcast %lt3A_466 : f32 to vector<128x1xf32>
    %lt3A_468 = arith.cmpf olt, %mul3A_440, %lt3A_467 : vector<128x1xf32>
    %jit3A_469 = arith.constant 0.000000e+00 : f32
    %broadcast_in_dim3A_470 = vector.broadcast %jit3A_469 : f32 to vector<128x1xf32>
    %select_n3A_471 = arith.select %lt3A_468, %add3A_465, %broadcast_in_dim3A_470 : vector<128x1xi1>, vector<128x1xf32>
    %mul3A_472 = vector.broadcast %mul3A_440 : vector<128x1xf32> to vector<128x16xf32>
    %mul3A_473 = vector.broadcast %mul3A_6 : vector<1x16xf32> to vector<128x16xf32>
    %mul3A_474 = arith.mulf %mul3A_472, %mul3A_473 : vector<128x16xf32>
    %round3A_475 = math.roundeven %mul3A_474 : vector<128x16xf32>
    %sub3A_476 = arith.subf %mul3A_474, %round3A_475 : vector<128x16xf32>
    %mul3A_477 = arith.constant 3.14159274 : f32
    %mul3A_478 = vector.broadcast %mul3A_477 : f32 to vector<128x16xf32>
    %mul3A_479 = arith.mulf %mul3A_478, %sub3A_476 : vector<128x16xf32>
    %mul3A_480 = arith.mulf %mul3A_479, %mul3A_479 : vector<128x16xf32>
    %mul3A_481 = arith.constant 2.75573188E-6 : f32
    %mul3A_482 = vector.broadcast %mul3A_481 : f32 to vector<128x16xf32>
    %mul3A_483 = arith.mulf %mul3A_480, %mul3A_482 : vector<128x16xf32>
    %add3A_484 = arith.constant -1.98412701E-4 : f32
    %add3A_485 = vector.broadcast %add3A_484 : f32 to vector<128x16xf32>
    %add3A_486 = arith.addf %add3A_485, %mul3A_483 : vector<128x16xf32>
    %mul3A_487 = arith.mulf %mul3A_480, %add3A_486 : vector<128x16xf32>
    %add3A_488 = arith.constant 0.00833333377 : f32
    %add3A_489 = vector.broadcast %add3A_488 : f32 to vector<128x16xf32>
    %add3A_490 = arith.addf %add3A_489, %mul3A_487 : vector<128x16xf32>
    %mul3A_491 = arith.mulf %mul3A_480, %add3A_490 : vector<128x16xf32>
    %add3A_492 = arith.constant -0.166666672 : f32
    %add3A_493 = vector.broadcast %add3A_492 : f32 to vector<128x16xf32>
    %add3A_494 = arith.addf %add3A_493, %mul3A_491 : vector<128x16xf32>
    %mul3A_495 = arith.mulf %mul3A_480, %add3A_494 : vector<128x16xf32>
    %add3A_496 = arith.constant 1.000000e+00 : f32
    %add3A_497 = vector.broadcast %add3A_496 : f32 to vector<128x16xf32>
    %add3A_498 = arith.addf %add3A_497, %mul3A_495 : vector<128x16xf32>
    %mul3A_499 = arith.mulf %mul3A_479, %add3A_498 : vector<128x16xf32>
    %convert_element_type3A_500 = arith.fptosi %round3A_475 : vector<128x16xf32> to vector<128x16xi32>
    %and3A_501 = arith.constant 1 : i32
    %and3A_502 = vector.broadcast %and3A_501 : i32 to vector<128x16xi32>
    %and3A_503 = arith.andi %convert_element_type3A_500, %and3A_502 : vector<128x16xi32>
    %eq3A_504 = arith.constant 0 : i32
    %eq3A_505 = vector.broadcast %eq3A_504 : i32 to vector<128x16xi32>
    %eq3A_506 = arith.cmpi eq, %and3A_503, %eq3A_505 : vector<128x16xi32>
    %neg3A_507 = arith.constant 0.000000e+00 : f32
    %neg3A_508 = vector.broadcast %neg3A_507 : f32 to vector<128x16xf32>
    %neg3A_509 = arith.subf %neg3A_508, %mul3A_499 : vector<128x16xf32>
    %select_n3A_510 = arith.select %eq3A_506, %mul3A_499, %neg3A_509 : vector<128x16xi1>, vector<128x16xf32>
    %mul3A_511 = vector.broadcast %select_n3A_471 : vector<128x1xf32> to vector<128x16xf32>
    %mul3A_512 = arith.mulf %mul3A_511, %select_n3A_510 : vector<128x16xf32>
    %dot_general3A_513 = arith.constant dense<0.000000e+00> : vector<128x128xf32>
    %dot_general3A_514 = tpu.matmul %mul3A_512, %get3A_9, %dot_general3A_513 {dimension_numbers = #tpu.dot_dimension_numbers<[1], [0], [0], [1], [0, 0, 1, 1], [], []>, transpose_lhs_hint = false} : vector<128x16xf32>, vector<16x128xf32>, vector<128x128xf32> -> vector<128x128xf32>
    %max3A_515 = arith.constant 0.000000e+00 : f32
    %max3A_516 = vector.broadcast %max3A_515 : f32 to vector<128x128xf32>
    %max3A_517 = arith.maximumf %dot_general3A_514, %max3A_516 : vector<128x128xf32>
    %swap3A_518 = arith.constant 640 : index
    %swap3A_519 = arith.constant 0 : index
    %swap3A_520 = vector.load %arg4[%swap3A_518, %swap3A_519] : memref<2048x128xf32, #tpu.memory_space<vmem>>, vector<128x128xf32>
    tpu.vector_store %arg4[%swap3A_518, %swap3A_519], %max3A_517 {strides = array<i32>} : memref<2048x128xf32, #tpu.memory_space<vmem>>, vector<128x128xf32>,
    %slice3A_521 = vector.extract_strided_slice %transpose3A {offsets = [0, 6], sizes = [128, 1], strides = [1, 1]} : vector<128x16xf32> to vector<128x1xf32>
    %add3A_522 = arith.constant 9.99999996E-13 : f32
    %add3A_523 = vector.broadcast %add3A_522 : f32 to vector<128x1xf32>
    %add3A_524 = arith.addf %slice3A_521, %add3A_523 : vector<128x1xf32>
    %sqrt3A_525 = math.sqrt %add3A_524 : vector<128x1xf32>
    %mul3A_526 = arith.constant 1.000000e-01 : f32
    %mul3A_527 = vector.broadcast %mul3A_526 : f32 to vector<128x1xf32>
    %mul3A_528 = arith.mulf %sqrt3A_525, %mul3A_527 : vector<128x1xf32>
    %max3A_529 = arith.constant 9.99999997E-7 : f32
    %max3A_530 = vector.broadcast %max3A_529 : f32 to vector<128x1xf32>
    %max3A_531 = arith.maximumf %mul3A_528, %max3A_530 : vector<128x1xf32>
    %mul3A_532 = arith.mulf %max3A_531, %max3A_531 : vector<128x1xf32>
    %mul3A_533 = arith.mulf %max3A_531, %max3A_531 : vector<128x1xf32>
    %mul3A_534 = arith.mulf %mul3A_532, %mul3A_533 : vector<128x1xf32>
    %mul3A_535 = arith.mulf %mul3A_534, %max3A_531 : vector<128x1xf32>
    %div3A_536 = arith.constant 1.000000e+00 : f32
    %div3A_537 = vector.broadcast %div3A_536 : f32 to vector<128x1xf32>
    %div3A_538 = arith.divf %div3A_537, %max3A_531 : vector<128x1xf32>
    %mul3A_539 = arith.constant -2.800000e+01 : f32
    %mul3A_540 = vector.broadcast %mul3A_539 : f32 to vector<128x1xf32>
    %mul3A_541 = arith.mulf %mul3A_540, %mul3A_535 : vector<128x1xf32>
    %add3A_542 = arith.addf %div3A_538, %mul3A_541 : vector<128x1xf32>
    %mul3A_543 = arith.constant 4.800000e+01 : f32
    %mul3A_544 = vector.broadcast %mul3A_543 : f32 to vector<128x1xf32>
    %mul3A_545 = arith.mulf %mul3A_544, %mul3A_535 : vector<128x1xf32>
    %mul3A_546 = arith.mulf %mul3A_545, %max3A_531 : vector<128x1xf32>
    %add3A_547 = arith.addf %add3A_542, %mul3A_546 : vector<128x1xf32>
    %mul3A_548 = arith.constant -2.100000e+01 : f32
    %mul3A_549 = vector.broadcast %mul3A_548 : f32 to vector<128x1xf32>
    %mul3A_550 = arith.mulf %mul3A_549, %mul3A_535 : vector<128x1xf32>
    %mul3A_551 = arith.mulf %mul3A_550, %max3A_531 : vector<128x1xf32>
    %mul3A_552 = arith.mulf %mul3A_551, %max3A_531 : vector<128x1xf32>
    %add3A_553 = arith.addf %add3A_547, %mul3A_552 : vector<128x1xf32>
    %lt3A_554 = arith.constant 1.000000e+00 : f32
    %lt3A_555 = vector.broadcast %lt3A_554 : f32 to vector<128x1xf32>
    %lt3A_556 = arith.cmpf olt, %mul3A_528, %lt3A_555 : vector<128x1xf32>
    %jit3A_557 = arith.constant 0.000000e+00 : f32
    %broadcast_in_dim3A_558 = vector.broadcast %jit3A_557 : f32 to vector<128x1xf32>
    %select_n3A_559 = arith.select %lt3A_556, %add3A_553, %broadcast_in_dim3A_558 : vector<128x1xi1>, vector<128x1xf32>
    %mul3A_560 = vector.broadcast %mul3A_528 : vector<128x1xf32> to vector<128x16xf32>
    %mul3A_561 = vector.broadcast %mul3A_6 : vector<1x16xf32> to vector<128x16xf32>
    %mul3A_562 = arith.mulf %mul3A_560, %mul3A_561 : vector<128x16xf32>
    %round3A_563 = math.roundeven %mul3A_562 : vector<128x16xf32>
    %sub3A_564 = arith.subf %mul3A_562, %round3A_563 : vector<128x16xf32>
    %mul3A_565 = arith.constant 3.14159274 : f32
    %mul3A_566 = vector.broadcast %mul3A_565 : f32 to vector<128x16xf32>
    %mul3A_567 = arith.mulf %mul3A_566, %sub3A_564 : vector<128x16xf32>
    %mul3A_568 = arith.mulf %mul3A_567, %mul3A_567 : vector<128x16xf32>
    %mul3A_569 = arith.constant 2.75573188E-6 : f32
    %mul3A_570 = vector.broadcast %mul3A_569 : f32 to vector<128x16xf32>
    %mul3A_571 = arith.mulf %mul3A_568, %mul3A_570 : vector<128x16xf32>
    %add3A_572 = arith.constant -1.98412701E-4 : f32
    %add3A_573 = vector.broadcast %add3A_572 : f32 to vector<128x16xf32>
    %add3A_574 = arith.addf %add3A_573, %mul3A_571 : vector<128x16xf32>
    %mul3A_575 = arith.mulf %mul3A_568, %add3A_574 : vector<128x16xf32>
    %add3A_576 = arith.constant 0.00833333377 : f32
    %add3A_577 = vector.broadcast %add3A_576 : f32 to vector<128x16xf32>
    %add3A_578 = arith.addf %add3A_577, %mul3A_575 : vector<128x16xf32>
    %mul3A_579 = arith.mulf %mul3A_568, %add3A_578 : vector<128x16xf32>
    %add3A_580 = arith.constant -0.166666672 : f32
    %add3A_581 = vector.broadcast %add3A_580 : f32 to vector<128x16xf32>
    %add3A_582 = arith.addf %add3A_581, %mul3A_579 : vector<128x16xf32>
    %mul3A_583 = arith.mulf %mul3A_568, %add3A_582 : vector<128x16xf32>
    %add3A_584 = arith.constant 1.000000e+00 : f32
    %add3A_585 = vector.broadcast %add3A_584 : f32 to vector<128x16xf32>
    %add3A_586 = arith.addf %add3A_585, %mul3A_583 : vector<128x16xf32>
    %mul3A_587 = arith.mulf %mul3A_567, %add3A_586 : vector<128x16xf32>
    %convert_element_type3A_588 = arith.fptosi %round3A_563 : vector<128x16xf32> to vector<128x16xi32>
    %and3A_589 = arith.constant 1 : i32
    %and3A_590 = vector.broadcast %and3A_589 : i32 to vector<128x16xi32>
    %and3A_591 = arith.andi %convert_element_type3A_588, %and3A_590 : vector<128x16xi32>
    %eq3A_592 = arith.constant 0 : i32
    %eq3A_593 = vector.broadcast %eq3A_592 : i32 to vector<128x16xi32>
    %eq3A_594 = arith.cmpi eq, %and3A_591, %eq3A_593 : vector<128x16xi32>
    %neg3A_595 = arith.constant 0.000000e+00 : f32
    %neg3A_596 = vector.broadcast %neg3A_595 : f32 to vector<128x16xf32>
    %neg3A_597 = arith.subf %neg3A_596, %mul3A_587 : vector<128x16xf32>
    %select_n3A_598 = arith.select %eq3A_594, %mul3A_587, %neg3A_597 : vector<128x16xi1>, vector<128x16xf32>
    %mul3A_599 = vector.broadcast %select_n3A_559 : vector<128x1xf32> to vector<128x16xf32>
    %mul3A_600 = arith.mulf %mul3A_599, %select_n3A_598 : vector<128x16xf32>
    %dot_general3A_601 = arith.constant dense<0.000000e+00> : vector<128x128xf32>
    %dot_general3A_602 = tpu.matmul %mul3A_600, %get3A_9, %dot_general3A_601 {dimension_numbers = #tpu.dot_dimension_numbers<[1], [0], [0], [1], [0, 0, 1, 1], [], []>, transpose_lhs_hint = false} : vector<128x16xf32>, vector<16x128xf32>, vector<128x128xf32> -> vector<128x128xf32>
    %max3A_603 = arith.constant 0.000000e+00 : f32
    %max3A_604 = vector.broadcast %max3A_603 : f32 to vector<128x128xf32>
    %max3A_605 = arith.maximumf %dot_general3A_602, %max3A_604 : vector<128x128xf32>
    %swap3A_606 = arith.constant 768 : index
    %swap3A_607 = arith.constant 0 : index
    %swap3A_608 = vector.load %arg4[%swap3A_606, %swap3A_607] : memref<2048x128xf32, #tpu.memory_space<vmem>>, vector<128x128xf32>
    tpu.vector_store %arg4[%swap3A_606, %swap3A_607], %max3A_605 {strides = array<i32>} : memref<2048x128xf32, #tpu.memory_space<vmem>>, vector<128x128xf32>,
    %slice3A_609 = vector.extract_strided_slice %transpose3A {offsets = [0, 7], sizes = [128, 1], strides = [1, 1]} : vector<128x16xf32> to vector<128x1xf32>
    %add3A_610 = arith.constant 9.99999996E-13 : f32
    %add3A_611 = vector.broadcast %add3A_610 : f32 to vector<128x1xf32>
    %add3A_612 = arith.addf %slice3A_609, %add3A_611 : vector<128x1xf32>
    %sqrt3A_613 = math.sqrt %add3A_612 : vector<128x1xf32>
    %mul3A_614 = arith.constant 1.000000e-01 : f32
    %mul3A_615 = vector.broadcast %mul3A_614 : f32 to vector<128x1xf32>
    %mul3A_616 = arith.mulf %sqrt3A_613, %mul3A_615 : vector<128x1xf32>
    %max3A_617 = arith.constant 9.99999997E-7 : f32
    %max3A_618 = vector.broadcast %max3A_617 : f32 to vector<128x1xf32>
    %max3A_619 = arith.maximumf %mul3A_616, %max3A_618 : vector<128x1xf32>
    %mul3A_620 = arith.mulf %max3A_619, %max3A_619 : vector<128x1xf32>
    %mul3A_621 = arith.mulf %max3A_619, %max3A_619 : vector<128x1xf32>
    %mul3A_622 = arith.mulf %mul3A_620, %mul3A_621 : vector<128x1xf32>
    %mul3A_623 = arith.mulf %mul3A_622, %max3A_619 : vector<128x1xf32>
    %div3A_624 = arith.constant 1.000000e+00 : f32
    %div3A_625 = vector.broadcast %div3A_624 : f32 to vector<128x1xf32>
    %div3A_626 = arith.divf %div3A_625, %max3A_619 : vector<128x1xf32>
    %mul3A_627 = arith.constant -2.800000e+01 : f32
    %mul3A_628 = vector.broadcast %mul3A_627 : f32 to vector<128x1xf32>
    %mul3A_629 = arith.mulf %mul3A_628, %mul3A_623 : vector<128x1xf32>
    %add3A_630 = arith.addf %div3A_626, %mul3A_629 : vector<128x1xf32>
    %mul3A_631 = arith.constant 4.800000e+01 : f32
    %mul3A_632 = vector.broadcast %mul3A_631 : f32 to vector<128x1xf32>
    %mul3A_633 = arith.mulf %mul3A_632, %mul3A_623 : vector<128x1xf32>
    %mul3A_634 = arith.mulf %mul3A_633, %max3A_619 : vector<128x1xf32>
    %add3A_635 = arith.addf %add3A_630, %mul3A_634 : vector<128x1xf32>
    %mul3A_636 = arith.constant -2.100000e+01 : f32
    %mul3A_637 = vector.broadcast %mul3A_636 : f32 to vector<128x1xf32>
    %mul3A_638 = arith.mulf %mul3A_637, %mul3A_623 : vector<128x1xf32>
    %mul3A_639 = arith.mulf %mul3A_638, %max3A_619 : vector<128x1xf32>
    %mul3A_640 = arith.mulf %mul3A_639, %max3A_619 : vector<128x1xf32>
    %add3A_641 = arith.addf %add3A_635, %mul3A_640 : vector<128x1xf32>
    %lt3A_642 = arith.constant 1.000000e+00 : f32
    %lt3A_643 = vector.broadcast %lt3A_642 : f32 to vector<128x1xf32>
    %lt3A_644 = arith.cmpf olt, %mul3A_616, %lt3A_643 : vector<128x1xf32>
    %jit3A_645 = arith.constant 0.000000e+00 : f32
    %broadcast_in_dim3A_646 = vector.broadcast %jit3A_645 : f32 to vector<128x1xf32>
    %select_n3A_647 = arith.select %lt3A_644, %add3A_641, %broadcast_in_dim3A_646 : vector<128x1xi1>, vector<128x1xf32>
    %mul3A_648 = vector.broadcast %mul3A_616 : vector<128x1xf32> to vector<128x16xf32>
    %mul3A_649 = vector.broadcast %mul3A_6 : vector<1x16xf32> to vector<128x16xf32>
    %mul3A_650 = arith.mulf %mul3A_648, %mul3A_649 : vector<128x16xf32>
    %round3A_651 = math.roundeven %mul3A_650 : vector<128x16xf32>
    %sub3A_652 = arith.subf %mul3A_650, %round3A_651 : vector<128x16xf32>
    %mul3A_653 = arith.constant 3.14159274 : f32
    %mul3A_654 = vector.broadcast %mul3A_653 : f32 to vector<128x16xf32>
    %mul3A_655 = arith.mulf %mul3A_654, %sub3A_652 : vector<128x16xf32>
    %mul3A_656 = arith.mulf %mul3A_655, %mul3A_655 : vector<128x16xf32>
    %mul3A_657 = arith.constant 2.75573188E-6 : f32
    %mul3A_658 = vector.broadcast %mul3A_657 : f32 to vector<128x16xf32>
    %mul3A_659 = arith.mulf %mul3A_656, %mul3A_658 : vector<128x16xf32>
    %add3A_660 = arith.constant -1.98412701E-4 : f32
    %add3A_661 = vector.broadcast %add3A_660 : f32 to vector<128x16xf32>
    %add3A_662 = arith.addf %add3A_661, %mul3A_659 : vector<128x16xf32>
    %mul3A_663 = arith.mulf %mul3A_656, %add3A_662 : vector<128x16xf32>
    %add3A_664 = arith.constant 0.00833333377 : f32
    %add3A_665 = vector.broadcast %add3A_664 : f32 to vector<128x16xf32>
    %add3A_666 = arith.addf %add3A_665, %mul3A_663 : vector<128x16xf32>
    %mul3A_667 = arith.mulf %mul3A_656, %add3A_666 : vector<128x16xf32>
    %add3A_668 = arith.constant -0.166666672 : f32
    %add3A_669 = vector.broadcast %add3A_668 : f32 to vector<128x16xf32>
    %add3A_670 = arith.addf %add3A_669, %mul3A_667 : vector<128x16xf32>
    %mul3A_671 = arith.mulf %mul3A_656, %add3A_670 : vector<128x16xf32>
    %add3A_672 = arith.constant 1.000000e+00 : f32
    %add3A_673 = vector.broadcast %add3A_672 : f32 to vector<128x16xf32>
    %add3A_674 = arith.addf %add3A_673, %mul3A_671 : vector<128x16xf32>
    %mul3A_675 = arith.mulf %mul3A_655, %add3A_674 : vector<128x16xf32>
    %convert_element_type3A_676 = arith.fptosi %round3A_651 : vector<128x16xf32> to vector<128x16xi32>
    %and3A_677 = arith.constant 1 : i32
    %and3A_678 = vector.broadcast %and3A_677 : i32 to vector<128x16xi32>
    %and3A_679 = arith.andi %convert_element_type3A_676, %and3A_678 : vector<128x16xi32>
    %eq3A_680 = arith.constant 0 : i32
    %eq3A_681 = vector.broadcast %eq3A_680 : i32 to vector<128x16xi32>
    %eq3A_682 = arith.cmpi eq, %and3A_679, %eq3A_681 : vector<128x16xi32>
    %neg3A_683 = arith.constant 0.000000e+00 : f32
    %neg3A_684 = vector.broadcast %neg3A_683 : f32 to vector<128x16xf32>
    %neg3A_685 = arith.subf %neg3A_684, %mul3A_675 : vector<128x16xf32>
    %select_n3A_686 = arith.select %eq3A_682, %mul3A_675, %neg3A_685 : vector<128x16xi1>, vector<128x16xf32>
    %mul3A_687 = vector.broadcast %select_n3A_647 : vector<128x1xf32> to vector<128x16xf32>
    %mul3A_688 = arith.mulf %mul3A_687, %select_n3A_686 : vector<128x16xf32>
    %dot_general3A_689 = arith.constant dense<0.000000e+00> : vector<128x128xf32>
    %dot_general3A_690 = tpu.matmul %mul3A_688, %get3A_9, %dot_general3A_689 {dimension_numbers = #tpu.dot_dimension_numbers<[1], [0], [0], [1], [0, 0, 1, 1], [], []>, transpose_lhs_hint = false} : vector<128x16xf32>, vector<16x128xf32>, vector<128x128xf32> -> vector<128x128xf32>
    %max3A_691 = arith.constant 0.000000e+00 : f32
    %max3A_692 = vector.broadcast %max3A_691 : f32 to vector<128x128xf32>
    %max3A_693 = arith.maximumf %dot_general3A_690, %max3A_692 : vector<128x128xf32>
    %swap3A_694 = arith.constant 896 : index
    %swap3A_695 = arith.constant 0 : index
    %swap3A_696 = vector.load %arg4[%swap3A_694, %swap3A_695] : memref<2048x128xf32, #tpu.memory_space<vmem>>, vector<128x128xf32>
    tpu.vector_store %arg4[%swap3A_694, %swap3A_695], %max3A_693 {strides = array<i32>} : memref<2048x128xf32, #tpu.memory_space<vmem>>, vector<128x128xf32>,
    %slice3A_697 = vector.extract_strided_slice %transpose3A {offsets = [0, 8], sizes = [128, 1], strides = [1, 1]} : vector<128x16xf32> to vector<128x1xf32>
    %add3A_698 = arith.constant 9.99999996E-13 : f32
    %add3A_699 = vector.broadcast %add3A_698 : f32 to vector<128x1xf32>
    %add3A_700 = arith.addf %slice3A_697, %add3A_699 : vector<128x1xf32>
    %sqrt3A_701 = math.sqrt %add3A_700 : vector<128x1xf32>
    %mul3A_702 = arith.constant 1.000000e-01 : f32
    %mul3A_703 = vector.broadcast %mul3A_702 : f32 to vector<128x1xf32>
    %mul3A_704 = arith.mulf %sqrt3A_701, %mul3A_703 : vector<128x1xf32>
    %max3A_705 = arith.constant 9.99999997E-7 : f32
    %max3A_706 = vector.broadcast %max3A_705 : f32 to vector<128x1xf32>
    %max3A_707 = arith.maximumf %mul3A_704, %max3A_706 : vector<128x1xf32>
    %mul3A_708 = arith.mulf %max3A_707, %max3A_707 : vector<128x1xf32>
    %mul3A_709 = arith.mulf %max3A_707, %max3A_707 : vector<128x1xf32>
    %mul3A_710 = arith.mulf %mul3A_708, %mul3A_709 : vector<128x1xf32>
    %mul3A_711 = arith.mulf %mul3A_710, %max3A_707 : vector<128x1xf32>
    %div3A_712 = arith.constant 1.000000e+00 : f32
    %div3A_713 = vector.broadcast %div3A_712 : f32 to vector<128x1xf32>
    %div3A_714 = arith.divf %div3A_713, %max3A_707 : vector<128x1xf32>
    %mul3A_715 = arith.constant -2.800000e+01 : f32
    %mul3A_716 = vector.broadcast %mul3A_715 : f32 to vector<128x1xf32>
    %mul3A_717 = arith.mulf %mul3A_716, %mul3A_711 : vector<128x1xf32>
    %add3A_718 = arith.addf %div3A_714, %mul3A_717 : vector<128x1xf32>
    %mul3A_719 = arith.constant 4.800000e+01 : f32
    %mul3A_720 = vector.broadcast %mul3A_719 : f32 to vector<128x1xf32>
    %mul3A_721 = arith.mulf %mul3A_720, %mul3A_711 : vector<128x1xf32>
    %mul3A_722 = arith.mulf %mul3A_721, %max3A_707 : vector<128x1xf32>
    %add3A_723 = arith.addf %add3A_718, %mul3A_722 : vector<128x1xf32>
    %mul3A_724 = arith.constant -2.100000e+01 : f32
    %mul3A_725 = vector.broadcast %mul3A_724 : f32 to vector<128x1xf32>
    %mul3A_726 = arith.mulf %mul3A_725, %mul3A_711 : vector<128x1xf32>
    %mul3A_727 = arith.mulf %mul3A_726, %max3A_707 : vector<128x1xf32>
    %mul3A_728 = arith.mulf %mul3A_727, %max3A_707 : vector<128x1xf32>
    %add3A_729 = arith.addf %add3A_723, %mul3A_728 : vector<128x1xf32>
    %lt3A_730 = arith.constant 1.000000e+00 : f32
    %lt3A_731 = vector.broadcast %lt3A_730 : f32 to vector<128x1xf32>
    %lt3A_732 = arith.cmpf olt, %mul3A_704, %lt3A_731 : vector<128x1xf32>
    %jit3A_733 = arith.constant 0.000000e+00 : f32
    %broadcast_in_dim3A_734 = vector.broadcast %jit3A_733 : f32 to vector<128x1xf32>
    %select_n3A_735 = arith.select %lt3A_732, %add3A_729, %broadcast_in_dim3A_734 : vector<128x1xi1>, vector<128x1xf32>
    %mul3A_736 = vector.broadcast %mul3A_704 : vector<128x1xf32> to vector<128x16xf32>
    %mul3A_737 = vector.broadcast %mul3A_6 : vector<1x16xf32> to vector<128x16xf32>
    %mul3A_738 = arith.mulf %mul3A_736, %mul3A_737 : vector<128x16xf32>
    %round3A_739 = math.roundeven %mul3A_738 : vector<128x16xf32>
    %sub3A_740 = arith.subf %mul3A_738, %round3A_739 : vector<128x16xf32>
    %mul3A_741 = arith.constant 3.14159274 : f32
    %mul3A_742 = vector.broadcast %mul3A_741 : f32 to vector<128x16xf32>
    %mul3A_743 = arith.mulf %mul3A_742, %sub3A_740 : vector<128x16xf32>
    %mul3A_744 = arith.mulf %mul3A_743, %mul3A_743 : vector<128x16xf32>
    %mul3A_745 = arith.constant 2.75573188E-6 : f32
    %mul3A_746 = vector.broadcast %mul3A_745 : f32 to vector<128x16xf32>
    %mul3A_747 = arith.mulf %mul3A_744, %mul3A_746 : vector<128x16xf32>
    %add3A_748 = arith.constant -1.98412701E-4 : f32
    %add3A_749 = vector.broadcast %add3A_748 : f32 to vector<128x16xf32>
    %add3A_750 = arith.addf %add3A_749, %mul3A_747 : vector<128x16xf32>
    %mul3A_751 = arith.mulf %mul3A_744, %add3A_750 : vector<128x16xf32>
    %add3A_752 = arith.constant 0.00833333377 : f32
    %add3A_753 = vector.broadcast %add3A_752 : f32 to vector<128x16xf32>
    %add3A_754 = arith.addf %add3A_753, %mul3A_751 : vector<128x16xf32>
    %mul3A_755 = arith.mulf %mul3A_744, %add3A_754 : vector<128x16xf32>
    %add3A_756 = arith.constant -0.166666672 : f32
    %add3A_757 = vector.broadcast %add3A_756 : f32 to vector<128x16xf32>
    %add3A_758 = arith.addf %add3A_757, %mul3A_755 : vector<128x16xf32>
    %mul3A_759 = arith.mulf %mul3A_744, %add3A_758 : vector<128x16xf32>
    %add3A_760 = arith.constant 1.000000e+00 : f32
    %add3A_761 = vector.broadcast %add3A_760 : f32 to vector<128x16xf32>
    %add3A_762 = arith.addf %add3A_761, %mul3A_759 : vector<128x16xf32>
    %mul3A_763 = arith.mulf %mul3A_743, %add3A_762 : vector<128x16xf32>
    %convert_element_type3A_764 = arith.fptosi %round3A_739 : vector<128x16xf32> to vector<128x16xi32>
    %and3A_765 = arith.constant 1 : i32
    %and3A_766 = vector.broadcast %and3A_765 : i32 to vector<128x16xi32>
    %and3A_767 = arith.andi %convert_element_type3A_764, %and3A_766 : vector<128x16xi32>
    %eq3A_768 = arith.constant 0 : i32
    %eq3A_769 = vector.broadcast %eq3A_768 : i32 to vector<128x16xi32>
    %eq3A_770 = arith.cmpi eq, %and3A_767, %eq3A_769 : vector<128x16xi32>
    %neg3A_771 = arith.constant 0.000000e+00 : f32
    %neg3A_772 = vector.broadcast %neg3A_771 : f32 to vector<128x16xf32>
    %neg3A_773 = arith.subf %neg3A_772, %mul3A_763 : vector<128x16xf32>
    %select_n3A_774 = arith.select %eq3A_770, %mul3A_763, %neg3A_773 : vector<128x16xi1>, vector<128x16xf32>
    %mul3A_775 = vector.broadcast %select_n3A_735 : vector<128x1xf32> to vector<128x16xf32>
    %mul3A_776 = arith.mulf %mul3A_775, %select_n3A_774 : vector<128x16xf32>
    %dot_general3A_777 = arith.constant dense<0.000000e+00> : vector<128x128xf32>
    %dot_general3A_778 = tpu.matmul %mul3A_776, %get3A_9, %dot_general3A_777 {dimension_numbers = #tpu.dot_dimension_numbers<[1], [0], [0], [1], [0, 0, 1, 1], [], []>, transpose_lhs_hint = false} : vector<128x16xf32>, vector<16x128xf32>, vector<128x128xf32> -> vector<128x128xf32>
    %max3A_779 = arith.constant 0.000000e+00 : f32
    %max3A_780 = vector.broadcast %max3A_779 : f32 to vector<128x128xf32>
    %max3A_781 = arith.maximumf %dot_general3A_778, %max3A_780 : vector<128x128xf32>
    %swap3A_782 = arith.constant 1024 : index
    %swap3A_783 = arith.constant 0 : index
    %swap3A_784 = vector.load %arg4[%swap3A_782, %swap3A_783] : memref<2048x128xf32, #tpu.memory_space<vmem>>, vector<128x128xf32>
    tpu.vector_store %arg4[%swap3A_782, %swap3A_783], %max3A_781 {strides = array<i32>} : memref<2048x128xf32, #tpu.memory_space<vmem>>, vector<128x128xf32>,
    %slice3A_785 = vector.extract_strided_slice %transpose3A {offsets = [0, 9], sizes = [128, 1], strides = [1, 1]} : vector<128x16xf32> to vector<128x1xf32>
    %add3A_786 = arith.constant 9.99999996E-13 : f32
    %add3A_787 = vector.broadcast %add3A_786 : f32 to vector<128x1xf32>
    %add3A_788 = arith.addf %slice3A_785, %add3A_787 : vector<128x1xf32>
    %sqrt3A_789 = math.sqrt %add3A_788 : vector<128x1xf32>
    %mul3A_790 = arith.constant 1.000000e-01 : f32
    %mul3A_791 = vector.broadcast %mul3A_790 : f32 to vector<128x1xf32>
    %mul3A_792 = arith.mulf %sqrt3A_789, %mul3A_791 : vector<128x1xf32>
    %max3A_793 = arith.constant 9.99999997E-7 : f32
    %max3A_794 = vector.broadcast %max3A_793 : f32 to vector<128x1xf32>
    %max3A_795 = arith.maximumf %mul3A_792, %max3A_794 : vector<128x1xf32>
    %mul3A_796 = arith.mulf %max3A_795, %max3A_795 : vector<128x1xf32>
    %mul3A_797 = arith.mulf %max3A_795, %max3A_795 : vector<128x1xf32>
    %mul3A_798 = arith.mulf %mul3A_796, %mul3A_797 : vector<128x1xf32>
    %mul3A_799 = arith.mulf %mul3A_798, %max3A_795 : vector<128x1xf32>
    %div3A_800 = arith.constant 1.000000e+00 : f32
    %div3A_801 = vector.broadcast %div3A_800 : f32 to vector<128x1xf32>
    %div3A_802 = arith.divf %div3A_801, %max3A_795 : vector<128x1xf32>
    %mul3A_803 = arith.constant -2.800000e+01 : f32
    %mul3A_804 = vector.broadcast %mul3A_803 : f32 to vector<128x1xf32>
    %mul3A_805 = arith.mulf %mul3A_804, %mul3A_799 : vector<128x1xf32>
    %add3A_806 = arith.addf %div3A_802, %mul3A_805 : vector<128x1xf32>
    %mul3A_807 = arith.constant 4.800000e+01 : f32
    %mul3A_808 = vector.broadcast %mul3A_807 : f32 to vector<128x1xf32>
    %mul3A_809 = arith.mulf %mul3A_808, %mul3A_799 : vector<128x1xf32>
    %mul3A_810 = arith.mulf %mul3A_809, %max3A_795 : vector<128x1xf32>
    %add3A_811 = arith.addf %add3A_806, %mul3A_810 : vector<128x1xf32>
    %mul3A_812 = arith.constant -2.100000e+01 : f32
    %mul3A_813 = vector.broadcast %mul3A_812 : f32 to vector<128x1xf32>
    %mul3A_814 = arith.mulf %mul3A_813, %mul3A_799 : vector<128x1xf32>
    %mul3A_815 = arith.mulf %mul3A_814, %max3A_795 : vector<128x1xf32>
    %mul3A_816 = arith.mulf %mul3A_815, %max3A_795 : vector<128x1xf32>
    %add3A_817 = arith.addf %add3A_811, %mul3A_816 : vector<128x1xf32>
    %lt3A_818 = arith.constant 1.000000e+00 : f32
    %lt3A_819 = vector.broadcast %lt3A_818 : f32 to vector<128x1xf32>
    %lt3A_820 = arith.cmpf olt, %mul3A_792, %lt3A_819 : vector<128x1xf32>
    %jit3A_821 = arith.constant 0.000000e+00 : f32
    %broadcast_in_dim3A_822 = vector.broadcast %jit3A_821 : f32 to vector<128x1xf32>
    %select_n3A_823 = arith.select %lt3A_820, %add3A_817, %broadcast_in_dim3A_822 : vector<128x1xi1>, vector<128x1xf32>
    %mul3A_824 = vector.broadcast %mul3A_792 : vector<128x1xf32> to vector<128x16xf32>
    %mul3A_825 = vector.broadcast %mul3A_6 : vector<1x16xf32> to vector<128x16xf32>
    %mul3A_826 = arith.mulf %mul3A_824, %mul3A_825 : vector<128x16xf32>
    %round3A_827 = math.roundeven %mul3A_826 : vector<128x16xf32>
    %sub3A_828 = arith.subf %mul3A_826, %round3A_827 : vector<128x16xf32>
    %mul3A_829 = arith.constant 3.14159274 : f32
    %mul3A_830 = vector.broadcast %mul3A_829 : f32 to vector<128x16xf32>
    %mul3A_831 = arith.mulf %mul3A_830, %sub3A_828 : vector<128x16xf32>
    %mul3A_832 = arith.mulf %mul3A_831, %mul3A_831 : vector<128x16xf32>
    %mul3A_833 = arith.constant 2.75573188E-6 : f32
    %mul3A_834 = vector.broadcast %mul3A_833 : f32 to vector<128x16xf32>
    %mul3A_835 = arith.mulf %mul3A_832, %mul3A_834 : vector<128x16xf32>
    %add3A_836 = arith.constant -1.98412701E-4 : f32
    %add3A_837 = vector.broadcast %add3A_836 : f32 to vector<128x16xf32>
    %add3A_838 = arith.addf %add3A_837, %mul3A_835 : vector<128x16xf32>
    %mul3A_839 = arith.mulf %mul3A_832, %add3A_838 : vector<128x16xf32>
    %add3A_840 = arith.constant 0.00833333377 : f32
    %add3A_841 = vector.broadcast %add3A_840 : f32 to vector<128x16xf32>
    %add3A_842 = arith.addf %add3A_841, %mul3A_839 : vector<128x16xf32>
    %mul3A_843 = arith.mulf %mul3A_832, %add3A_842 : vector<128x16xf32>
    %add3A_844 = arith.constant -0.166666672 : f32
    %add3A_845 = vector.broadcast %add3A_844 : f32 to vector<128x16xf32>
    %add3A_846 = arith.addf %add3A_845, %mul3A_843 : vector<128x16xf32>
    %mul3A_847 = arith.mulf %mul3A_832, %add3A_846 : vector<128x16xf32>
    %add3A_848 = arith.constant 1.000000e+00 : f32
    %add3A_849 = vector.broadcast %add3A_848 : f32 to vector<128x16xf32>
    %add3A_850 = arith.addf %add3A_849, %mul3A_847 : vector<128x16xf32>
    %mul3A_851 = arith.mulf %mul3A_831, %add3A_850 : vector<128x16xf32>
    %convert_element_type3A_852 = arith.fptosi %round3A_827 : vector<128x16xf32> to vector<128x16xi32>
    %and3A_853 = arith.constant 1 : i32
    %and3A_854 = vector.broadcast %and3A_853 : i32 to vector<128x16xi32>
    %and3A_855 = arith.andi %convert_element_type3A_852, %and3A_854 : vector<128x16xi32>
    %eq3A_856 = arith.constant 0 : i32
    %eq3A_857 = vector.broadcast %eq3A_856 : i32 to vector<128x16xi32>
    %eq3A_858 = arith.cmpi eq, %and3A_855, %eq3A_857 : vector<128x16xi32>
    %neg3A_859 = arith.constant 0.000000e+00 : f32
    %neg3A_860 = vector.broadcast %neg3A_859 : f32 to vector<128x16xf32>
    %neg3A_861 = arith.subf %neg3A_860, %mul3A_851 : vector<128x16xf32>
    %select_n3A_862 = arith.select %eq3A_858, %mul3A_851, %neg3A_861 : vector<128x16xi1>, vector<128x16xf32>
    %mul3A_863 = vector.broadcast %select_n3A_823 : vector<128x1xf32> to vector<128x16xf32>
    %mul3A_864 = arith.mulf %mul3A_863, %select_n3A_862 : vector<128x16xf32>
    %dot_general3A_865 = arith.constant dense<0.000000e+00> : vector<128x128xf32>
    %dot_general3A_866 = tpu.matmul %mul3A_864, %get3A_9, %dot_general3A_865 {dimension_numbers = #tpu.dot_dimension_numbers<[1], [0], [0], [1], [0, 0, 1, 1], [], []>, transpose_lhs_hint = false} : vector<128x16xf32>, vector<16x128xf32>, vector<128x128xf32> -> vector<128x128xf32>
    %max3A_867 = arith.constant 0.000000e+00 : f32
    %max3A_868 = vector.broadcast %max3A_867 : f32 to vector<128x128xf32>
    %max3A_869 = arith.maximumf %dot_general3A_866, %max3A_868 : vector<128x128xf32>
    %swap3A_870 = arith.constant 1152 : index
    %swap3A_871 = arith.constant 0 : index
    %swap3A_872 = vector.load %arg4[%swap3A_870, %swap3A_871] : memref<2048x128xf32, #tpu.memory_space<vmem>>, vector<128x128xf32>
    tpu.vector_store %arg4[%swap3A_870, %swap3A_871], %max3A_869 {strides = array<i32>} : memref<2048x128xf32, #tpu.memory_space<vmem>>, vector<128x128xf32>,
    %slice3A_873 = vector.extract_strided_slice %transpose3A {offsets = [0, 10], sizes = [128, 1], strides = [1, 1]} : vector<128x16xf32> to vector<128x1xf32>
    %add3A_874 = arith.constant 9.99999996E-13 : f32
    %add3A_875 = vector.broadcast %add3A_874 : f32 to vector<128x1xf32>
    %add3A_876 = arith.addf %slice3A_873, %add3A_875 : vector<128x1xf32>
    %sqrt3A_877 = math.sqrt %add3A_876 : vector<128x1xf32>
    %mul3A_878 = arith.constant 1.000000e-01 : f32
    %mul3A_879 = vector.broadcast %mul3A_878 : f32 to vector<128x1xf32>
    %mul3A_880 = arith.mulf %sqrt3A_877, %mul3A_879 : vector<128x1xf32>
    %max3A_881 = arith.constant 9.99999997E-7 : f32
    %max3A_882 = vector.broadcast %max3A_881 : f32 to vector<128x1xf32>
    %max3A_883 = arith.maximumf %mul3A_880, %max3A_882 : vector<128x1xf32>
    %mul3A_884 = arith.mulf %max3A_883, %max3A_883 : vector<128x1xf32>
    %mul3A_885 = arith.mulf %max3A_883, %max3A_883 : vector<128x1xf32>
    %mul3A_886 = arith.mulf %mul3A_884, %mul3A_885 : vector<128x1xf32>
    %mul3A_887 = arith.mulf %mul3A_886, %max3A_883 : vector<128x1xf32>
    %div3A_888 = arith.constant 1.000000e+00 : f32
    %div3A_889 = vector.broadcast %div3A_888 : f32 to vector<128x1xf32>
    %div3A_890 = arith.divf %div3A_889, %max3A_883 : vector<128x1xf32>
    %mul3A_891 = arith.constant -2.800000e+01 : f32
    %mul3A_892 = vector.broadcast %mul3A_891 : f32 to vector<128x1xf32>
    %mul3A_893 = arith.mulf %mul3A_892, %mul3A_887 : vector<128x1xf32>
    %add3A_894 = arith.addf %div3A_890, %mul3A_893 : vector<128x1xf32>
    %mul3A_895 = arith.constant 4.800000e+01 : f32
    %mul3A_896 = vector.broadcast %mul3A_895 : f32 to vector<128x1xf32>
    %mul3A_897 = arith.mulf %mul3A_896, %mul3A_887 : vector<128x1xf32>
    %mul3A_898 = arith.mulf %mul3A_897, %max3A_883 : vector<128x1xf32>
    %add3A_899 = arith.addf %add3A_894, %mul3A_898 : vector<128x1xf32>
    %mul3A_900 = arith.constant -2.100000e+01 : f32
    %mul3A_901 = vector.broadcast %mul3A_900 : f32 to vector<128x1xf32>
    %mul3A_902 = arith.mulf %mul3A_901, %mul3A_887 : vector<128x1xf32>
    %mul3A_903 = arith.mulf %mul3A_902, %max3A_883 : vector<128x1xf32>
    %mul3A_904 = arith.mulf %mul3A_903, %max3A_883 : vector<128x1xf32>
    %add3A_905 = arith.addf %add3A_899, %mul3A_904 : vector<128x1xf32>
    %lt3A_906 = arith.constant 1.000000e+00 : f32
    %lt3A_907 = vector.broadcast %lt3A_906 : f32 to vector<128x1xf32>
    %lt3A_908 = arith.cmpf olt, %mul3A_880, %lt3A_907 : vector<128x1xf32>
    %jit3A_909 = arith.constant 0.000000e+00 : f32
    %broadcast_in_dim3A_910 = vector.broadcast %jit3A_909 : f32 to vector<128x1xf32>
    %select_n3A_911 = arith.select %lt3A_908, %add3A_905, %broadcast_in_dim3A_910 : vector<128x1xi1>, vector<128x1xf32>
    %mul3A_912 = vector.broadcast %mul3A_880 : vector<128x1xf32> to vector<128x16xf32>
    %mul3A_913 = vector.broadcast %mul3A_6 : vector<1x16xf32> to vector<128x16xf32>
    %mul3A_914 = arith.mulf %mul3A_912, %mul3A_913 : vector<128x16xf32>
    %round3A_915 = math.roundeven %mul3A_914 : vector<128x16xf32>
    %sub3A_916 = arith.subf %mul3A_914, %round3A_915 : vector<128x16xf32>
    %mul3A_917 = arith.constant 3.14159274 : f32
    %mul3A_918 = vector.broadcast %mul3A_917 : f32 to vector<128x16xf32>
    %mul3A_919 = arith.mulf %mul3A_918, %sub3A_916 : vector<128x16xf32>
    %mul3A_920 = arith.mulf %mul3A_919, %mul3A_919 : vector<128x16xf32>
    %mul3A_921 = arith.constant 2.75573188E-6 : f32
    %mul3A_922 = vector.broadcast %mul3A_921 : f32 to vector<128x16xf32>
    %mul3A_923 = arith.mulf %mul3A_920, %mul3A_922 : vector<128x16xf32>
    %add3A_924 = arith.constant -1.98412701E-4 : f32
    %add3A_925 = vector.broadcast %add3A_924 : f32 to vector<128x16xf32>
    %add3A_926 = arith.addf %add3A_925, %mul3A_923 : vector<128x16xf32>
    %mul3A_927 = arith.mulf %mul3A_920, %add3A_926 : vector<128x16xf32>
    %add3A_928 = arith.constant 0.00833333377 : f32
    %add3A_929 = vector.broadcast %add3A_928 : f32 to vector<128x16xf32>
    %add3A_930 = arith.addf %add3A_929, %mul3A_927 : vector<128x16xf32>
    %mul3A_931 = arith.mulf %mul3A_920, %add3A_930 : vector<128x16xf32>
    %add3A_932 = arith.constant -0.166666672 : f32
    %add3A_933 = vector.broadcast %add3A_932 : f32 to vector<128x16xf32>
    %add3A_934 = arith.addf %add3A_933, %mul3A_931 : vector<128x16xf32>
    %mul3A_935 = arith.mulf %mul3A_920, %add3A_934 : vector<128x16xf32>
    %add3A_936 = arith.constant 1.000000e+00 : f32
    %add3A_937 = vector.broadcast %add3A_936 : f32 to vector<128x16xf32>
    %add3A_938 = arith.addf %add3A_937, %mul3A_935 : vector<128x16xf32>
    %mul3A_939 = arith.mulf %mul3A_919, %add3A_938 : vector<128x16xf32>
    %convert_element_type3A_940 = arith.fptosi %round3A_915 : vector<128x16xf32> to vector<128x16xi32>
    %and3A_941 = arith.constant 1 : i32
    %and3A_942 = vector.broadcast %and3A_941 : i32 to vector<128x16xi32>
    %and3A_943 = arith.andi %convert_element_type3A_940, %and3A_942 : vector<128x16xi32>
    %eq3A_944 = arith.constant 0 : i32
    %eq3A_945 = vector.broadcast %eq3A_944 : i32 to vector<128x16xi32>
    %eq3A_946 = arith.cmpi eq, %and3A_943, %eq3A_945 : vector<128x16xi32>
    %neg3A_947 = arith.constant 0.000000e+00 : f32
    %neg3A_948 = vector.broadcast %neg3A_947 : f32 to vector<128x16xf32>
    %neg3A_949 = arith.subf %neg3A_948, %mul3A_939 : vector<128x16xf32>
    %select_n3A_950 = arith.select %eq3A_946, %mul3A_939, %neg3A_949 : vector<128x16xi1>, vector<128x16xf32>
    %mul3A_951 = vector.broadcast %select_n3A_911 : vector<128x1xf32> to vector<128x16xf32>
    %mul3A_952 = arith.mulf %mul3A_951, %select_n3A_950 : vector<128x16xf32>
    %dot_general3A_953 = arith.constant dense<0.000000e+00> : vector<128x128xf32>
    %dot_general3A_954 = tpu.matmul %mul3A_952, %get3A_9, %dot_general3A_953 {dimension_numbers = #tpu.dot_dimension_numbers<[1], [0], [0], [1], [0, 0, 1, 1], [], []>, transpose_lhs_hint = false} : vector<128x16xf32>, vector<16x128xf32>, vector<128x128xf32> -> vector<128x128xf32>
    %max3A_955 = arith.constant 0.000000e+00 : f32
    %max3A_956 = vector.broadcast %max3A_955 : f32 to vector<128x128xf32>
    %max3A_957 = arith.maximumf %dot_general3A_954, %max3A_956 : vector<128x128xf32>
    %swap3A_958 = arith.constant 1280 : index
    %swap3A_959 = arith.constant 0 : index
    %swap3A_960 = vector.load %arg4[%swap3A_958, %swap3A_959] : memref<2048x128xf32, #tpu.memory_space<vmem>>, vector<128x128xf32>
    tpu.vector_store %arg4[%swap3A_958, %swap3A_959], %max3A_957 {strides = array<i32>} : memref<2048x128xf32, #tpu.memory_space<vmem>>, vector<128x128xf32>,
    %slice3A_961 = vector.extract_strided_slice %transpose3A {offsets = [0, 11], sizes = [128, 1], strides = [1, 1]} : vector<128x16xf32> to vector<128x1xf32>
    %add3A_962 = arith.constant 9.99999996E-13 : f32
    %add3A_963 = vector.broadcast %add3A_962 : f32 to vector<128x1xf32>
    %add3A_964 = arith.addf %slice3A_961, %add3A_963 : vector<128x1xf32>
    %sqrt3A_965 = math.sqrt %add3A_964 : vector<128x1xf32>
    %mul3A_966 = arith.constant 1.000000e-01 : f32
    %mul3A_967 = vector.broadcast %mul3A_966 : f32 to vector<128x1xf32>
    %mul3A_968 = arith.mulf %sqrt3A_965, %mul3A_967 : vector<128x1xf32>
    %max3A_969 = arith.constant 9.99999997E-7 : f32
    %max3A_970 = vector.broadcast %max3A_969 : f32 to vector<128x1xf32>
    %max3A_971 = arith.maximumf %mul3A_968, %max3A_970 : vector<128x1xf32>
    %mul3A_972 = arith.mulf %max3A_971, %max3A_971 : vector<128x1xf32>
    %mul3A_973 = arith.mulf %max3A_971, %max3A_971 : vector<128x1xf32>
    %mul3A_974 = arith.mulf %mul3A_972, %mul3A_973 : vector<128x1xf32>
    %mul3A_975 = arith.mulf %mul3A_974, %max3A_971 : vector<128x1xf32>
    %div3A_976 = arith.constant 1.000000e+00 : f32
    %div3A_977 = vector.broadcast %div3A_976 : f32 to vector<128x1xf32>
    %div3A_978 = arith.divf %div3A_977, %max3A_971 : vector<128x1xf32>
    %mul3A_979 = arith.constant -2.800000e+01 : f32
    %mul3A_980 = vector.broadcast %mul3A_979 : f32 to vector<128x1xf32>
    %mul3A_981 = arith.mulf %mul3A_980, %mul3A_975 : vector<128x1xf32>
    %add3A_982 = arith.addf %div3A_978, %mul3A_981 : vector<128x1xf32>
    %mul3A_983 = arith.constant 4.800000e+01 : f32
    %mul3A_984 = vector.broadcast %mul3A_983 : f32 to vector<128x1xf32>
    %mul3A_985 = arith.mulf %mul3A_984, %mul3A_975 : vector<128x1xf32>
    %mul3A_986 = arith.mulf %mul3A_985, %max3A_971 : vector<128x1xf32>
    %add3A_987 = arith.addf %add3A_982, %mul3A_986 : vector<128x1xf32>
    %mul3A_988 = arith.constant -2.100000e+01 : f32
    %mul3A_989 = vector.broadcast %mul3A_988 : f32 to vector<128x1xf32>
    %mul3A_990 = arith.mulf %mul3A_989, %mul3A_975 : vector<128x1xf32>
    %mul3A_991 = arith.mulf %mul3A_990, %max3A_971 : vector<128x1xf32>
    %mul3A_992 = arith.mulf %mul3A_991, %max3A_971 : vector<128x1xf32>
    %add3A_993 = arith.addf %add3A_987, %mul3A_992 : vector<128x1xf32>
    %lt3A_994 = arith.constant 1.000000e+00 : f32
    %lt3A_995 = vector.broadcast %lt3A_994 : f32 to vector<128x1xf32>
    %lt3A_996 = arith.cmpf olt, %mul3A_968, %lt3A_995 : vector<128x1xf32>
    %jit3A_997 = arith.constant 0.000000e+00 : f32
    %broadcast_in_dim3A_998 = vector.broadcast %jit3A_997 : f32 to vector<128x1xf32>
    %select_n3A_999 = arith.select %lt3A_996, %add3A_993, %broadcast_in_dim3A_998 : vector<128x1xi1>, vector<128x1xf32>
    %mul3A_1000 = vector.broadcast %mul3A_968 : vector<128x1xf32> to vector<128x16xf32>
    %mul3A_1001 = vector.broadcast %mul3A_6 : vector<1x16xf32> to vector<128x16xf32>
    %mul3A_1002 = arith.mulf %mul3A_1000, %mul3A_1001 : vector<128x16xf32>
    %round3A_1003 = math.roundeven %mul3A_1002 : vector<128x16xf32>
    %sub3A_1004 = arith.subf %mul3A_1002, %round3A_1003 : vector<128x16xf32>
    %mul3A_1005 = arith.constant 3.14159274 : f32
    %mul3A_1006 = vector.broadcast %mul3A_1005 : f32 to vector<128x16xf32>
    %mul3A_1007 = arith.mulf %mul3A_1006, %sub3A_1004 : vector<128x16xf32>
    %mul3A_1008 = arith.mulf %mul3A_1007, %mul3A_1007 : vector<128x16xf32>
    %mul3A_1009 = arith.constant 2.75573188E-6 : f32
    %mul3A_1010 = vector.broadcast %mul3A_1009 : f32 to vector<128x16xf32>
    %mul3A_1011 = arith.mulf %mul3A_1008, %mul3A_1010 : vector<128x16xf32>
    %add3A_1012 = arith.constant -1.98412701E-4 : f32
    %add3A_1013 = vector.broadcast %add3A_1012 : f32 to vector<128x16xf32>
    %add3A_1014 = arith.addf %add3A_1013, %mul3A_1011 : vector<128x16xf32>
    %mul3A_1015 = arith.mulf %mul3A_1008, %add3A_1014 : vector<128x16xf32>
    %add3A_1016 = arith.constant 0.00833333377 : f32
    %add3A_1017 = vector.broadcast %add3A_1016 : f32 to vector<128x16xf32>
    %add3A_1018 = arith.addf %add3A_1017, %mul3A_1015 : vector<128x16xf32>
    %mul3A_1019 = arith.mulf %mul3A_1008, %add3A_1018 : vector<128x16xf32>
    %add3A_1020 = arith.constant -0.166666672 : f32
    %add3A_1021 = vector.broadcast %add3A_1020 : f32 to vector<128x16xf32>
    %add3A_1022 = arith.addf %add3A_1021, %mul3A_1019 : vector<128x16xf32>
    %mul3A_1023 = arith.mulf %mul3A_1008, %add3A_1022 : vector<128x16xf32>
    %add3A_1024 = arith.constant 1.000000e+00 : f32
    %add3A_1025 = vector.broadcast %add3A_1024 : f32 to vector<128x16xf32>
    %add3A_1026 = arith.addf %add3A_1025, %mul3A_1023 : vector<128x16xf32>
    %mul3A_1027 = arith.mulf %mul3A_1007, %add3A_1026 : vector<128x16xf32>
    %convert_element_type3A_1028 = arith.fptosi %round3A_1003 : vector<128x16xf32> to vector<128x16xi32>
    %and3A_1029 = arith.constant 1 : i32
    %and3A_1030 = vector.broadcast %and3A_1029 : i32 to vector<128x16xi32>
    %and3A_1031 = arith.andi %convert_element_type3A_1028, %and3A_1030 : vector<128x16xi32>
    %eq3A_1032 = arith.constant 0 : i32
    %eq3A_1033 = vector.broadcast %eq3A_1032 : i32 to vector<128x16xi32>
    %eq3A_1034 = arith.cmpi eq, %and3A_1031, %eq3A_1033 : vector<128x16xi32>
    %neg3A_1035 = arith.constant 0.000000e+00 : f32
    %neg3A_1036 = vector.broadcast %neg3A_1035 : f32 to vector<128x16xf32>
    %neg3A_1037 = arith.subf %neg3A_1036, %mul3A_1027 : vector<128x16xf32>
    %select_n3A_1038 = arith.select %eq3A_1034, %mul3A_1027, %neg3A_1037 : vector<128x16xi1>, vector<128x16xf32>
    %mul3A_1039 = vector.broadcast %select_n3A_999 : vector<128x1xf32> to vector<128x16xf32>
    %mul3A_1040 = arith.mulf %mul3A_1039, %select_n3A_1038 : vector<128x16xf32>
    %dot_general3A_1041 = arith.constant dense<0.000000e+00> : vector<128x128xf32>
    %dot_general3A_1042 = tpu.matmul %mul3A_1040, %get3A_9, %dot_general3A_1041 {dimension_numbers = #tpu.dot_dimension_numbers<[1], [0], [0], [1], [0, 0, 1, 1], [], []>, transpose_lhs_hint = false} : vector<128x16xf32>, vector<16x128xf32>, vector<128x128xf32> -> vector<128x128xf32>
    %max3A_1043 = arith.constant 0.000000e+00 : f32
    %max3A_1044 = vector.broadcast %max3A_1043 : f32 to vector<128x128xf32>
    %max3A_1045 = arith.maximumf %dot_general3A_1042, %max3A_1044 : vector<128x128xf32>
    %swap3A_1046 = arith.constant 1408 : index
    %swap3A_1047 = arith.constant 0 : index
    %swap3A_1048 = vector.load %arg4[%swap3A_1046, %swap3A_1047] : memref<2048x128xf32, #tpu.memory_space<vmem>>, vector<128x128xf32>
    tpu.vector_store %arg4[%swap3A_1046, %swap3A_1047], %max3A_1045 {strides = array<i32>} : memref<2048x128xf32, #tpu.memory_space<vmem>>, vector<128x128xf32>,
    %slice3A_1049 = vector.extract_strided_slice %transpose3A {offsets = [0, 12], sizes = [128, 1], strides = [1, 1]} : vector<128x16xf32> to vector<128x1xf32>
    %add3A_1050 = arith.constant 9.99999996E-13 : f32
    %add3A_1051 = vector.broadcast %add3A_1050 : f32 to vector<128x1xf32>
    %add3A_1052 = arith.addf %slice3A_1049, %add3A_1051 : vector<128x1xf32>
    %sqrt3A_1053 = math.sqrt %add3A_1052 : vector<128x1xf32>
    %mul3A_1054 = arith.constant 1.000000e-01 : f32
    %mul3A_1055 = vector.broadcast %mul3A_1054 : f32 to vector<128x1xf32>
    %mul3A_1056 = arith.mulf %sqrt3A_1053, %mul3A_1055 : vector<128x1xf32>
    %max3A_1057 = arith.constant 9.99999997E-7 : f32
    %max3A_1058 = vector.broadcast %max3A_1057 : f32 to vector<128x1xf32>
    %max3A_1059 = arith.maximumf %mul3A_1056, %max3A_1058 : vector<128x1xf32>
    %mul3A_1060 = arith.mulf %max3A_1059, %max3A_1059 : vector<128x1xf32>
    %mul3A_1061 = arith.mulf %max3A_1059, %max3A_1059 : vector<128x1xf32>
    %mul3A_1062 = arith.mulf %mul3A_1060, %mul3A_1061 : vector<128x1xf32>
    %mul3A_1063 = arith.mulf %mul3A_1062, %max3A_1059 : vector<128x1xf32>
    %div3A_1064 = arith.constant 1.000000e+00 : f32
    %div3A_1065 = vector.broadcast %div3A_1064 : f32 to vector<128x1xf32>
    %div3A_1066 = arith.divf %div3A_1065, %max3A_1059 : vector<128x1xf32>
    %mul3A_1067 = arith.constant -2.800000e+01 : f32
    %mul3A_1068 = vector.broadcast %mul3A_1067 : f32 to vector<128x1xf32>
    %mul3A_1069 = arith.mulf %mul3A_1068, %mul3A_1063 : vector<128x1xf32>
    %add3A_1070 = arith.addf %div3A_1066, %mul3A_1069 : vector<128x1xf32>
    %mul3A_1071 = arith.constant 4.800000e+01 : f32
    %mul3A_1072 = vector.broadcast %mul3A_1071 : f32 to vector<128x1xf32>
    %mul3A_1073 = arith.mulf %mul3A_1072, %mul3A_1063 : vector<128x1xf32>
    %mul3A_1074 = arith.mulf %mul3A_1073, %max3A_1059 : vector<128x1xf32>
    %add3A_1075 = arith.addf %add3A_1070, %mul3A_1074 : vector<128x1xf32>
    %mul3A_1076 = arith.constant -2.100000e+01 : f32
    %mul3A_1077 = vector.broadcast %mul3A_1076 : f32 to vector<128x1xf32>
    %mul3A_1078 = arith.mulf %mul3A_1077, %mul3A_1063 : vector<128x1xf32>
    %mul3A_1079 = arith.mulf %mul3A_1078, %max3A_1059 : vector<128x1xf32>
    %mul3A_1080 = arith.mulf %mul3A_1079, %max3A_1059 : vector<128x1xf32>
    %add3A_1081 = arith.addf %add3A_1075, %mul3A_1080 : vector<128x1xf32>
    %lt3A_1082 = arith.constant 1.000000e+00 : f32
    %lt3A_1083 = vector.broadcast %lt3A_1082 : f32 to vector<128x1xf32>
    %lt3A_1084 = arith.cmpf olt, %mul3A_1056, %lt3A_1083 : vector<128x1xf32>
    %jit3A_1085 = arith.constant 0.000000e+00 : f32
    %broadcast_in_dim3A_1086 = vector.broadcast %jit3A_1085 : f32 to vector<128x1xf32>
    %select_n3A_1087 = arith.select %lt3A_1084, %add3A_1081, %broadcast_in_dim3A_1086 : vector<128x1xi1>, vector<128x1xf32>
    %mul3A_1088 = vector.broadcast %mul3A_1056 : vector<128x1xf32> to vector<128x16xf32>
    %mul3A_1089 = vector.broadcast %mul3A_6 : vector<1x16xf32> to vector<128x16xf32>
    %mul3A_1090 = arith.mulf %mul3A_1088, %mul3A_1089 : vector<128x16xf32>
    %round3A_1091 = math.roundeven %mul3A_1090 : vector<128x16xf32>
    %sub3A_1092 = arith.subf %mul3A_1090, %round3A_1091 : vector<128x16xf32>
    %mul3A_1093 = arith.constant 3.14159274 : f32
    %mul3A_1094 = vector.broadcast %mul3A_1093 : f32 to vector<128x16xf32>
    %mul3A_1095 = arith.mulf %mul3A_1094, %sub3A_1092 : vector<128x16xf32>
    %mul3A_1096 = arith.mulf %mul3A_1095, %mul3A_1095 : vector<128x16xf32>
    %mul3A_1097 = arith.constant 2.75573188E-6 : f32
    %mul3A_1098 = vector.broadcast %mul3A_1097 : f32 to vector<128x16xf32>
    %mul3A_1099 = arith.mulf %mul3A_1096, %mul3A_1098 : vector<128x16xf32>
    %add3A_1100 = arith.constant -1.98412701E-4 : f32
    %add3A_1101 = vector.broadcast %add3A_1100 : f32 to vector<128x16xf32>
    %add3A_1102 = arith.addf %add3A_1101, %mul3A_1099 : vector<128x16xf32>
    %mul3A_1103 = arith.mulf %mul3A_1096, %add3A_1102 : vector<128x16xf32>
    %add3A_1104 = arith.constant 0.00833333377 : f32
    %add3A_1105 = vector.broadcast %add3A_1104 : f32 to vector<128x16xf32>
    %add3A_1106 = arith.addf %add3A_1105, %mul3A_1103 : vector<128x16xf32>
    %mul3A_1107 = arith.mulf %mul3A_1096, %add3A_1106 : vector<128x16xf32>
    %add3A_1108 = arith.constant -0.166666672 : f32
    %add3A_1109 = vector.broadcast %add3A_1108 : f32 to vector<128x16xf32>
    %add3A_1110 = arith.addf %add3A_1109, %mul3A_1107 : vector<128x16xf32>
    %mul3A_1111 = arith.mulf %mul3A_1096, %add3A_1110 : vector<128x16xf32>
    %add3A_1112 = arith.constant 1.000000e+00 : f32
    %add3A_1113 = vector.broadcast %add3A_1112 : f32 to vector<128x16xf32>
    %add3A_1114 = arith.addf %add3A_1113, %mul3A_1111 : vector<128x16xf32>
    %mul3A_1115 = arith.mulf %mul3A_1095, %add3A_1114 : vector<128x16xf32>
    %convert_element_type3A_1116 = arith.fptosi %round3A_1091 : vector<128x16xf32> to vector<128x16xi32>
    %and3A_1117 = arith.constant 1 : i32
    %and3A_1118 = vector.broadcast %and3A_1117 : i32 to vector<128x16xi32>
    %and3A_1119 = arith.andi %convert_element_type3A_1116, %and3A_1118 : vector<128x16xi32>
    %eq3A_1120 = arith.constant 0 : i32
    %eq3A_1121 = vector.broadcast %eq3A_1120 : i32 to vector<128x16xi32>
    %eq3A_1122 = arith.cmpi eq, %and3A_1119, %eq3A_1121 : vector<128x16xi32>
    %neg3A_1123 = arith.constant 0.000000e+00 : f32
    %neg3A_1124 = vector.broadcast %neg3A_1123 : f32 to vector<128x16xf32>
    %neg3A_1125 = arith.subf %neg3A_1124, %mul3A_1115 : vector<128x16xf32>
    %select_n3A_1126 = arith.select %eq3A_1122, %mul3A_1115, %neg3A_1125 : vector<128x16xi1>, vector<128x16xf32>
    %mul3A_1127 = vector.broadcast %select_n3A_1087 : vector<128x1xf32> to vector<128x16xf32>
    %mul3A_1128 = arith.mulf %mul3A_1127, %select_n3A_1126 : vector<128x16xf32>
    %dot_general3A_1129 = arith.constant dense<0.000000e+00> : vector<128x128xf32>
    %dot_general3A_1130 = tpu.matmul %mul3A_1128, %get3A_9, %dot_general3A_1129 {dimension_numbers = #tpu.dot_dimension_numbers<[1], [0], [0], [1], [0, 0, 1, 1], [], []>, transpose_lhs_hint = false} : vector<128x16xf32>, vector<16x128xf32>, vector<128x128xf32> -> vector<128x128xf32>
    %max3A_1131 = arith.constant 0.000000e+00 : f32
    %max3A_1132 = vector.broadcast %max3A_1131 : f32 to vector<128x128xf32>
    %max3A_1133 = arith.maximumf %dot_general3A_1130, %max3A_1132 : vector<128x128xf32>
    %swap3A_1134 = arith.constant 1536 : index
    %swap3A_1135 = arith.constant 0 : index
    %swap3A_1136 = vector.load %arg4[%swap3A_1134, %swap3A_1135] : memref<2048x128xf32, #tpu.memory_space<vmem>>, vector<128x128xf32>
    tpu.vector_store %arg4[%swap3A_1134, %swap3A_1135], %max3A_1133 {strides = array<i32>} : memref<2048x128xf32, #tpu.memory_space<vmem>>, vector<128x128xf32>,
    %slice3A_1137 = vector.extract_strided_slice %transpose3A {offsets = [0, 13], sizes = [128, 1], strides = [1, 1]} : vector<128x16xf32> to vector<128x1xf32>
    %add3A_1138 = arith.constant 9.99999996E-13 : f32
    %add3A_1139 = vector.broadcast %add3A_1138 : f32 to vector<128x1xf32>
    %add3A_1140 = arith.addf %slice3A_1137, %add3A_1139 : vector<128x1xf32>
    %sqrt3A_1141 = math.sqrt %add3A_1140 : vector<128x1xf32>
    %mul3A_1142 = arith.constant 1.000000e-01 : f32
    %mul3A_1143 = vector.broadcast %mul3A_1142 : f32 to vector<128x1xf32>
    %mul3A_1144 = arith.mulf %sqrt3A_1141, %mul3A_1143 : vector<128x1xf32>
    %max3A_1145 = arith.constant 9.99999997E-7 : f32
    %max3A_1146 = vector.broadcast %max3A_1145 : f32 to vector<128x1xf32>
    %max3A_1147 = arith.maximumf %mul3A_1144, %max3A_1146 : vector<128x1xf32>
    %mul3A_1148 = arith.mulf %max3A_1147, %max3A_1147 : vector<128x1xf32>
    %mul3A_1149 = arith.mulf %max3A_1147, %max3A_1147 : vector<128x1xf32>
    %mul3A_1150 = arith.mulf %mul3A_1148, %mul3A_1149 : vector<128x1xf32>
    %mul3A_1151 = arith.mulf %mul3A_1150, %max3A_1147 : vector<128x1xf32>
    %div3A_1152 = arith.constant 1.000000e+00 : f32
    %div3A_1153 = vector.broadcast %div3A_1152 : f32 to vector<128x1xf32>
    %div3A_1154 = arith.divf %div3A_1153, %max3A_1147 : vector<128x1xf32>
    %mul3A_1155 = arith.constant -2.800000e+01 : f32
    %mul3A_1156 = vector.broadcast %mul3A_1155 : f32 to vector<128x1xf32>
    %mul3A_1157 = arith.mulf %mul3A_1156, %mul3A_1151 : vector<128x1xf32>
    %add3A_1158 = arith.addf %div3A_1154, %mul3A_1157 : vector<128x1xf32>
    %mul3A_1159 = arith.constant 4.800000e+01 : f32
    %mul3A_1160 = vector.broadcast %mul3A_1159 : f32 to vector<128x1xf32>
    %mul3A_1161 = arith.mulf %mul3A_1160, %mul3A_1151 : vector<128x1xf32>
    %mul3A_1162 = arith.mulf %mul3A_1161, %max3A_1147 : vector<128x1xf32>
    %add3A_1163 = arith.addf %add3A_1158, %mul3A_1162 : vector<128x1xf32>
    %mul3A_1164 = arith.constant -2.100000e+01 : f32
    %mul3A_1165 = vector.broadcast %mul3A_1164 : f32 to vector<128x1xf32>
    %mul3A_1166 = arith.mulf %mul3A_1165, %mul3A_1151 : vector<128x1xf32>
    %mul3A_1167 = arith.mulf %mul3A_1166, %max3A_1147 : vector<128x1xf32>
    %mul3A_1168 = arith.mulf %mul3A_1167, %max3A_1147 : vector<128x1xf32>
    %add3A_1169 = arith.addf %add3A_1163, %mul3A_1168 : vector<128x1xf32>
    %lt3A_1170 = arith.constant 1.000000e+00 : f32
    %lt3A_1171 = vector.broadcast %lt3A_1170 : f32 to vector<128x1xf32>
    %lt3A_1172 = arith.cmpf olt, %mul3A_1144, %lt3A_1171 : vector<128x1xf32>
    %jit3A_1173 = arith.constant 0.000000e+00 : f32
    %broadcast_in_dim3A_1174 = vector.broadcast %jit3A_1173 : f32 to vector<128x1xf32>
    %select_n3A_1175 = arith.select %lt3A_1172, %add3A_1169, %broadcast_in_dim3A_1174 : vector<128x1xi1>, vector<128x1xf32>
    %mul3A_1176 = vector.broadcast %mul3A_1144 : vector<128x1xf32> to vector<128x16xf32>
    %mul3A_1177 = vector.broadcast %mul3A_6 : vector<1x16xf32> to vector<128x16xf32>
    %mul3A_1178 = arith.mulf %mul3A_1176, %mul3A_1177 : vector<128x16xf32>
    %round3A_1179 = math.roundeven %mul3A_1178 : vector<128x16xf32>
    %sub3A_1180 = arith.subf %mul3A_1178, %round3A_1179 : vector<128x16xf32>
    %mul3A_1181 = arith.constant 3.14159274 : f32
    %mul3A_1182 = vector.broadcast %mul3A_1181 : f32 to vector<128x16xf32>
    %mul3A_1183 = arith.mulf %mul3A_1182, %sub3A_1180 : vector<128x16xf32>
    %mul3A_1184 = arith.mulf %mul3A_1183, %mul3A_1183 : vector<128x16xf32>
    %mul3A_1185 = arith.constant 2.75573188E-6 : f32
    %mul3A_1186 = vector.broadcast %mul3A_1185 : f32 to vector<128x16xf32>
    %mul3A_1187 = arith.mulf %mul3A_1184, %mul3A_1186 : vector<128x16xf32>
    %add3A_1188 = arith.constant -1.98412701E-4 : f32
    %add3A_1189 = vector.broadcast %add3A_1188 : f32 to vector<128x16xf32>
    %add3A_1190 = arith.addf %add3A_1189, %mul3A_1187 : vector<128x16xf32>
    %mul3A_1191 = arith.mulf %mul3A_1184, %add3A_1190 : vector<128x16xf32>
    %add3A_1192 = arith.constant 0.00833333377 : f32
    %add3A_1193 = vector.broadcast %add3A_1192 : f32 to vector<128x16xf32>
    %add3A_1194 = arith.addf %add3A_1193, %mul3A_1191 : vector<128x16xf32>
    %mul3A_1195 = arith.mulf %mul3A_1184, %add3A_1194 : vector<128x16xf32>
    %add3A_1196 = arith.constant -0.166666672 : f32
    %add3A_1197 = vector.broadcast %add3A_1196 : f32 to vector<128x16xf32>
    %add3A_1198 = arith.addf %add3A_1197, %mul3A_1195 : vector<128x16xf32>
    %mul3A_1199 = arith.mulf %mul3A_1184, %add3A_1198 : vector<128x16xf32>
    %add3A_1200 = arith.constant 1.000000e+00 : f32
    %add3A_1201 = vector.broadcast %add3A_1200 : f32 to vector<128x16xf32>
    %add3A_1202 = arith.addf %add3A_1201, %mul3A_1199 : vector<128x16xf32>
    %mul3A_1203 = arith.mulf %mul3A_1183, %add3A_1202 : vector<128x16xf32>
    %convert_element_type3A_1204 = arith.fptosi %round3A_1179 : vector<128x16xf32> to vector<128x16xi32>
    %and3A_1205 = arith.constant 1 : i32
    %and3A_1206 = vector.broadcast %and3A_1205 : i32 to vector<128x16xi32>
    %and3A_1207 = arith.andi %convert_element_type3A_1204, %and3A_1206 : vector<128x16xi32>
    %eq3A_1208 = arith.constant 0 : i32
    %eq3A_1209 = vector.broadcast %eq3A_1208 : i32 to vector<128x16xi32>
    %eq3A_1210 = arith.cmpi eq, %and3A_1207, %eq3A_1209 : vector<128x16xi32>
    %neg3A_1211 = arith.constant 0.000000e+00 : f32
    %neg3A_1212 = vector.broadcast %neg3A_1211 : f32 to vector<128x16xf32>
    %neg3A_1213 = arith.subf %neg3A_1212, %mul3A_1203 : vector<128x16xf32>
    %select_n3A_1214 = arith.select %eq3A_1210, %mul3A_1203, %neg3A_1213 : vector<128x16xi1>, vector<128x16xf32>
    %mul3A_1215 = vector.broadcast %select_n3A_1175 : vector<128x1xf32> to vector<128x16xf32>
    %mul3A_1216 = arith.mulf %mul3A_1215, %select_n3A_1214 : vector<128x16xf32>
    %dot_general3A_1217 = arith.constant dense<0.000000e+00> : vector<128x128xf32>
    %dot_general3A_1218 = tpu.matmul %mul3A_1216, %get3A_9, %dot_general3A_1217 {dimension_numbers = #tpu.dot_dimension_numbers<[1], [0], [0], [1], [0, 0, 1, 1], [], []>, transpose_lhs_hint = false} : vector<128x16xf32>, vector<16x128xf32>, vector<128x128xf32> -> vector<128x128xf32>
    %max3A_1219 = arith.constant 0.000000e+00 : f32
    %max3A_1220 = vector.broadcast %max3A_1219 : f32 to vector<128x128xf32>
    %max3A_1221 = arith.maximumf %dot_general3A_1218, %max3A_1220 : vector<128x128xf32>
    %swap3A_1222 = arith.constant 1664 : index
    %swap3A_1223 = arith.constant 0 : index
    %swap3A_1224 = vector.load %arg4[%swap3A_1222, %swap3A_1223] : memref<2048x128xf32, #tpu.memory_space<vmem>>, vector<128x128xf32>
    tpu.vector_store %arg4[%swap3A_1222, %swap3A_1223], %max3A_1221 {strides = array<i32>} : memref<2048x128xf32, #tpu.memory_space<vmem>>, vector<128x128xf32>,
    %slice3A_1225 = vector.extract_strided_slice %transpose3A {offsets = [0, 14], sizes = [128, 1], strides = [1, 1]} : vector<128x16xf32> to vector<128x1xf32>
    %add3A_1226 = arith.constant 9.99999996E-13 : f32
    %add3A_1227 = vector.broadcast %add3A_1226 : f32 to vector<128x1xf32>
    %add3A_1228 = arith.addf %slice3A_1225, %add3A_1227 : vector<128x1xf32>
    %sqrt3A_1229 = math.sqrt %add3A_1228 : vector<128x1xf32>
    %mul3A_1230 = arith.constant 1.000000e-01 : f32
    %mul3A_1231 = vector.broadcast %mul3A_1230 : f32 to vector<128x1xf32>
    %mul3A_1232 = arith.mulf %sqrt3A_1229, %mul3A_1231 : vector<128x1xf32>
    %max3A_1233 = arith.constant 9.99999997E-7 : f32
    %max3A_1234 = vector.broadcast %max3A_1233 : f32 to vector<128x1xf32>
    %max3A_1235 = arith.maximumf %mul3A_1232, %max3A_1234 : vector<128x1xf32>
    %mul3A_1236 = arith.mulf %max3A_1235, %max3A_1235 : vector<128x1xf32>
    %mul3A_1237 = arith.mulf %max3A_1235, %max3A_1235 : vector<128x1xf32>
    %mul3A_1238 = arith.mulf %mul3A_1236, %mul3A_1237 : vector<128x1xf32>
    %mul3A_1239 = arith.mulf %mul3A_1238, %max3A_1235 : vector<128x1xf32>
    %div3A_1240 = arith.constant 1.000000e+00 : f32
    %div3A_1241 = vector.broadcast %div3A_1240 : f32 to vector<128x1xf32>
    %div3A_1242 = arith.divf %div3A_1241, %max3A_1235 : vector<128x1xf32>
    %mul3A_1243 = arith.constant -2.800000e+01 : f32
    %mul3A_1244 = vector.broadcast %mul3A_1243 : f32 to vector<128x1xf32>
    %mul3A_1245 = arith.mulf %mul3A_1244, %mul3A_1239 : vector<128x1xf32>
    %add3A_1246 = arith.addf %div3A_1242, %mul3A_1245 : vector<128x1xf32>
    %mul3A_1247 = arith.constant 4.800000e+01 : f32
    %mul3A_1248 = vector.broadcast %mul3A_1247 : f32 to vector<128x1xf32>
    %mul3A_1249 = arith.mulf %mul3A_1248, %mul3A_1239 : vector<128x1xf32>
    %mul3A_1250 = arith.mulf %mul3A_1249, %max3A_1235 : vector<128x1xf32>
    %add3A_1251 = arith.addf %add3A_1246, %mul3A_1250 : vector<128x1xf32>
    %mul3A_1252 = arith.constant -2.100000e+01 : f32
    %mul3A_1253 = vector.broadcast %mul3A_1252 : f32 to vector<128x1xf32>
    %mul3A_1254 = arith.mulf %mul3A_1253, %mul3A_1239 : vector<128x1xf32>
    %mul3A_1255 = arith.mulf %mul3A_1254, %max3A_1235 : vector<128x1xf32>
    %mul3A_1256 = arith.mulf %mul3A_1255, %max3A_1235 : vector<128x1xf32>
    %add3A_1257 = arith.addf %add3A_1251, %mul3A_1256 : vector<128x1xf32>
    %lt3A_1258 = arith.constant 1.000000e+00 : f32
    %lt3A_1259 = vector.broadcast %lt3A_1258 : f32 to vector<128x1xf32>
    %lt3A_1260 = arith.cmpf olt, %mul3A_1232, %lt3A_1259 : vector<128x1xf32>
    %jit3A_1261 = arith.constant 0.000000e+00 : f32
    %broadcast_in_dim3A_1262 = vector.broadcast %jit3A_1261 : f32 to vector<128x1xf32>
    %select_n3A_1263 = arith.select %lt3A_1260, %add3A_1257, %broadcast_in_dim3A_1262 : vector<128x1xi1>, vector<128x1xf32>
    %mul3A_1264 = vector.broadcast %mul3A_1232 : vector<128x1xf32> to vector<128x16xf32>
    %mul3A_1265 = vector.broadcast %mul3A_6 : vector<1x16xf32> to vector<128x16xf32>
    %mul3A_1266 = arith.mulf %mul3A_1264, %mul3A_1265 : vector<128x16xf32>
    %round3A_1267 = math.roundeven %mul3A_1266 : vector<128x16xf32>
    %sub3A_1268 = arith.subf %mul3A_1266, %round3A_1267 : vector<128x16xf32>
    %mul3A_1269 = arith.constant 3.14159274 : f32
    %mul3A_1270 = vector.broadcast %mul3A_1269 : f32 to vector<128x16xf32>
    %mul3A_1271 = arith.mulf %mul3A_1270, %sub3A_1268 : vector<128x16xf32>
    %mul3A_1272 = arith.mulf %mul3A_1271, %mul3A_1271 : vector<128x16xf32>
    %mul3A_1273 = arith.constant 2.75573188E-6 : f32
    %mul3A_1274 = vector.broadcast %mul3A_1273 : f32 to vector<128x16xf32>
    %mul3A_1275 = arith.mulf %mul3A_1272, %mul3A_1274 : vector<128x16xf32>
    %add3A_1276 = arith.constant -1.98412701E-4 : f32
    %add3A_1277 = vector.broadcast %add3A_1276 : f32 to vector<128x16xf32>
    %add3A_1278 = arith.addf %add3A_1277, %mul3A_1275 : vector<128x16xf32>
    %mul3A_1279 = arith.mulf %mul3A_1272, %add3A_1278 : vector<128x16xf32>
    %add3A_1280 = arith.constant 0.00833333377 : f32
    %add3A_1281 = vector.broadcast %add3A_1280 : f32 to vector<128x16xf32>
    %add3A_1282 = arith.addf %add3A_1281, %mul3A_1279 : vector<128x16xf32>
    %mul3A_1283 = arith.mulf %mul3A_1272, %add3A_1282 : vector<128x16xf32>
    %add3A_1284 = arith.constant -0.166666672 : f32
    %add3A_1285 = vector.broadcast %add3A_1284 : f32 to vector<128x16xf32>
    %add3A_1286 = arith.addf %add3A_1285, %mul3A_1283 : vector<128x16xf32>
    %mul3A_1287 = arith.mulf %mul3A_1272, %add3A_1286 : vector<128x16xf32>
    %add3A_1288 = arith.constant 1.000000e+00 : f32
    %add3A_1289 = vector.broadcast %add3A_1288 : f32 to vector<128x16xf32>
    %add3A_1290 = arith.addf %add3A_1289, %mul3A_1287 : vector<128x16xf32>
    %mul3A_1291 = arith.mulf %mul3A_1271, %add3A_1290 : vector<128x16xf32>
    %convert_element_type3A_1292 = arith.fptosi %round3A_1267 : vector<128x16xf32> to vector<128x16xi32>
    %and3A_1293 = arith.constant 1 : i32
    %and3A_1294 = vector.broadcast %and3A_1293 : i32 to vector<128x16xi32>
    %and3A_1295 = arith.andi %convert_element_type3A_1292, %and3A_1294 : vector<128x16xi32>
    %eq3A_1296 = arith.constant 0 : i32
    %eq3A_1297 = vector.broadcast %eq3A_1296 : i32 to vector<128x16xi32>
    %eq3A_1298 = arith.cmpi eq, %and3A_1295, %eq3A_1297 : vector<128x16xi32>
    %neg3A_1299 = arith.constant 0.000000e+00 : f32
    %neg3A_1300 = vector.broadcast %neg3A_1299 : f32 to vector<128x16xf32>
    %neg3A_1301 = arith.subf %neg3A_1300, %mul3A_1291 : vector<128x16xf32>
    %select_n3A_1302 = arith.select %eq3A_1298, %mul3A_1291, %neg3A_1301 : vector<128x16xi1>, vector<128x16xf32>
    %mul3A_1303 = vector.broadcast %select_n3A_1263 : vector<128x1xf32> to vector<128x16xf32>
    %mul3A_1304 = arith.mulf %mul3A_1303, %select_n3A_1302 : vector<128x16xf32>
    %dot_general3A_1305 = arith.constant dense<0.000000e+00> : vector<128x128xf32>
    %dot_general3A_1306 = tpu.matmul %mul3A_1304, %get3A_9, %dot_general3A_1305 {dimension_numbers = #tpu.dot_dimension_numbers<[1], [0], [0], [1], [0, 0, 1, 1], [], []>, transpose_lhs_hint = false} : vector<128x16xf32>, vector<16x128xf32>, vector<128x128xf32> -> vector<128x128xf32>
    %max3A_1307 = arith.constant 0.000000e+00 : f32
    %max3A_1308 = vector.broadcast %max3A_1307 : f32 to vector<128x128xf32>
    %max3A_1309 = arith.maximumf %dot_general3A_1306, %max3A_1308 : vector<128x128xf32>
    %swap3A_1310 = arith.constant 1792 : index
    %swap3A_1311 = arith.constant 0 : index
    %swap3A_1312 = vector.load %arg4[%swap3A_1310, %swap3A_1311] : memref<2048x128xf32, #tpu.memory_space<vmem>>, vector<128x128xf32>
    tpu.vector_store %arg4[%swap3A_1310, %swap3A_1311], %max3A_1309 {strides = array<i32>} : memref<2048x128xf32, #tpu.memory_space<vmem>>, vector<128x128xf32>,
    %slice3A_1313 = vector.extract_strided_slice %transpose3A {offsets = [0, 15], sizes = [128, 1], strides = [1, 1]} : vector<128x16xf32> to vector<128x1xf32>
    %add3A_1314 = arith.constant 9.99999996E-13 : f32
    %add3A_1315 = vector.broadcast %add3A_1314 : f32 to vector<128x1xf32>
    %add3A_1316 = arith.addf %slice3A_1313, %add3A_1315 : vector<128x1xf32>
    %sqrt3A_1317 = math.sqrt %add3A_1316 : vector<128x1xf32>
    %mul3A_1318 = arith.constant 1.000000e-01 : f32
    %mul3A_1319 = vector.broadcast %mul3A_1318 : f32 to vector<128x1xf32>
    %mul3A_1320 = arith.mulf %sqrt3A_1317, %mul3A_1319 : vector<128x1xf32>
    %max3A_1321 = arith.constant 9.99999997E-7 : f32
    %max3A_1322 = vector.broadcast %max3A_1321 : f32 to vector<128x1xf32>
    %max3A_1323 = arith.maximumf %mul3A_1320, %max3A_1322 : vector<128x1xf32>
    %mul3A_1324 = arith.mulf %max3A_1323, %max3A_1323 : vector<128x1xf32>
    %mul3A_1325 = arith.mulf %max3A_1323, %max3A_1323 : vector<128x1xf32>
    %mul3A_1326 = arith.mulf %mul3A_1324, %mul3A_1325 : vector<128x1xf32>
    %mul3A_1327 = arith.mulf %mul3A_1326, %max3A_1323 : vector<128x1xf32>
    %div3A_1328 = arith.constant 1.000000e+00 : f32
    %div3A_1329 = vector.broadcast %div3A_1328 : f32 to vector<128x1xf32>
    %div3A_1330 = arith.divf %div3A_1329, %max3A_1323 : vector<128x1xf32>
    %mul3A_1331 = arith.constant -2.800000e+01 : f32
    %mul3A_1332 = vector.broadcast %mul3A_1331 : f32 to vector<128x1xf32>
    %mul3A_1333 = arith.mulf %mul3A_1332, %mul3A_1327 : vector<128x1xf32>
    %add3A_1334 = arith.addf %div3A_1330, %mul3A_1333 : vector<128x1xf32>
    %mul3A_1335 = arith.constant 4.800000e+01 : f32
    %mul3A_1336 = vector.broadcast %mul3A_1335 : f32 to vector<128x1xf32>
    %mul3A_1337 = arith.mulf %mul3A_1336, %mul3A_1327 : vector<128x1xf32>
    %mul3A_1338 = arith.mulf %mul3A_1337, %max3A_1323 : vector<128x1xf32>
    %add3A_1339 = arith.addf %add3A_1334, %mul3A_1338 : vector<128x1xf32>
    %mul3A_1340 = arith.constant -2.100000e+01 : f32
    %mul3A_1341 = vector.broadcast %mul3A_1340 : f32 to vector<128x1xf32>
    %mul3A_1342 = arith.mulf %mul3A_1341, %mul3A_1327 : vector<128x1xf32>
    %mul3A_1343 = arith.mulf %mul3A_1342, %max3A_1323 : vector<128x1xf32>
    %mul3A_1344 = arith.mulf %mul3A_1343, %max3A_1323 : vector<128x1xf32>
    %add3A_1345 = arith.addf %add3A_1339, %mul3A_1344 : vector<128x1xf32>
    %lt3A_1346 = arith.constant 1.000000e+00 : f32
    %lt3A_1347 = vector.broadcast %lt3A_1346 : f32 to vector<128x1xf32>
    %lt3A_1348 = arith.cmpf olt, %mul3A_1320, %lt3A_1347 : vector<128x1xf32>
    %jit3A_1349 = arith.constant 0.000000e+00 : f32
    %broadcast_in_dim3A_1350 = vector.broadcast %jit3A_1349 : f32 to vector<128x1xf32>
    %select_n3A_1351 = arith.select %lt3A_1348, %add3A_1345, %broadcast_in_dim3A_1350 : vector<128x1xi1>, vector<128x1xf32>
    %mul3A_1352 = vector.broadcast %mul3A_1320 : vector<128x1xf32> to vector<128x16xf32>
    %mul3A_1353 = vector.broadcast %mul3A_6 : vector<1x16xf32> to vector<128x16xf32>
    %mul3A_1354 = arith.mulf %mul3A_1352, %mul3A_1353 : vector<128x16xf32>
    %round3A_1355 = math.roundeven %mul3A_1354 : vector<128x16xf32>
    %sub3A_1356 = arith.subf %mul3A_1354, %round3A_1355 : vector<128x16xf32>
    %mul3A_1357 = arith.constant 3.14159274 : f32
    %mul3A_1358 = vector.broadcast %mul3A_1357 : f32 to vector<128x16xf32>
    %mul3A_1359 = arith.mulf %mul3A_1358, %sub3A_1356 : vector<128x16xf32>
    %mul3A_1360 = arith.mulf %mul3A_1359, %mul3A_1359 : vector<128x16xf32>
    %mul3A_1361 = arith.constant 2.75573188E-6 : f32
    %mul3A_1362 = vector.broadcast %mul3A_1361 : f32 to vector<128x16xf32>
    %mul3A_1363 = arith.mulf %mul3A_1360, %mul3A_1362 : vector<128x16xf32>
    %add3A_1364 = arith.constant -1.98412701E-4 : f32
    %add3A_1365 = vector.broadcast %add3A_1364 : f32 to vector<128x16xf32>
    %add3A_1366 = arith.addf %add3A_1365, %mul3A_1363 : vector<128x16xf32>
    %mul3A_1367 = arith.mulf %mul3A_1360, %add3A_1366 : vector<128x16xf32>
    %add3A_1368 = arith.constant 0.00833333377 : f32
    %add3A_1369 = vector.broadcast %add3A_1368 : f32 to vector<128x16xf32>
    %add3A_1370 = arith.addf %add3A_1369, %mul3A_1367 : vector<128x16xf32>
    %mul3A_1371 = arith.mulf %mul3A_1360, %add3A_1370 : vector<128x16xf32>
    %add3A_1372 = arith.constant -0.166666672 : f32
    %add3A_1373 = vector.broadcast %add3A_1372 : f32 to vector<128x16xf32>
    %add3A_1374 = arith.addf %add3A_1373, %mul3A_1371 : vector<128x16xf32>
    %mul3A_1375 = arith.mulf %mul3A_1360, %add3A_1374 : vector<128x16xf32>
    %add3A_1376 = arith.constant 1.000000e+00 : f32
    %add3A_1377 = vector.broadcast %add3A_1376 : f32 to vector<128x16xf32>
    %add3A_1378 = arith.addf %add3A_1377, %mul3A_1375 : vector<128x16xf32>
    %mul3A_1379 = arith.mulf %mul3A_1359, %add3A_1378 : vector<128x16xf32>
    %convert_element_type3A_1380 = arith.fptosi %round3A_1355 : vector<128x16xf32> to vector<128x16xi32>
    %and3A_1381 = arith.constant 1 : i32
    %and3A_1382 = vector.broadcast %and3A_1381 : i32 to vector<128x16xi32>
    %and3A_1383 = arith.andi %convert_element_type3A_1380, %and3A_1382 : vector<128x16xi32>
    %eq3A_1384 = arith.constant 0 : i32
    %eq3A_1385 = vector.broadcast %eq3A_1384 : i32 to vector<128x16xi32>
    %eq3A_1386 = arith.cmpi eq, %and3A_1383, %eq3A_1385 : vector<128x16xi32>
    %neg3A_1387 = arith.constant 0.000000e+00 : f32
    %neg3A_1388 = vector.broadcast %neg3A_1387 : f32 to vector<128x16xf32>
    %neg3A_1389 = arith.subf %neg3A_1388, %mul3A_1379 : vector<128x16xf32>
    %select_n3A_1390 = arith.select %eq3A_1386, %mul3A_1379, %neg3A_1389 : vector<128x16xi1>, vector<128x16xf32>
    %mul3A_1391 = vector.broadcast %select_n3A_1351 : vector<128x1xf32> to vector<128x16xf32>
    %mul3A_1392 = arith.mulf %mul3A_1391, %select_n3A_1390 : vector<128x16xf32>
    %dot_general3A_1393 = arith.constant dense<0.000000e+00> : vector<128x128xf32>
    %dot_general3A_1394 = tpu.matmul %mul3A_1392, %get3A_9, %dot_general3A_1393 {dimension_numbers = #tpu.dot_dimension_numbers<[1], [0], [0], [1], [0, 0, 1, 1], [], []>, transpose_lhs_hint = false} : vector<128x16xf32>, vector<16x128xf32>, vector<128x128xf32> -> vector<128x128xf32>
    %max3A_1395 = arith.constant 0.000000e+00 : f32
    %max3A_1396 = vector.broadcast %max3A_1395 : f32 to vector<128x128xf32>
    %max3A_1397 = arith.maximumf %dot_general3A_1394, %max3A_1396 : vector<128x128xf32>
    %swap3A_1398 = arith.constant 1920 : index
    %swap3A_1399 = arith.constant 0 : index
    %swap3A_1400 = vector.load %arg4[%swap3A_1398, %swap3A_1399] : memref<2048x128xf32, #tpu.memory_space<vmem>>, vector<128x128xf32>
    tpu.vector_store %arg4[%swap3A_1398, %swap3A_1399], %max3A_1397 {strides = array<i32>} : memref<2048x128xf32, #tpu.memory_space<vmem>>, vector<128x128xf32>,
    return
  }
  func.func @transform_0(%arg0: i32) -> (i32, i32) {
    %c0_i32 = arith.constant 0 : i32
    %c0_i32_0 = arith.constant 0 : i32
    return %arg0, %c0_i32 : i32, i32
  }
  func.func @transform_1(%arg0: i32) -> (i32, i32) {
    %c0_i32 = arith.constant 0 : i32
    %c0_i32_0 = arith.constant 0 : i32
    %c0_i32_1 = arith.constant 0 : i32
    return %c0_i32, %c0_i32_0 : i32, i32
  }
  func.func @transform_2(%arg0: i32) -> (i32, i32) {
    %c0_i32 = arith.constant 0 : i32
    %c0_i32_0 = arith.constant 0 : i32
    %c0_i32_1 = arith.constant 0 : i32
    return %c0_i32, %c0_i32_0 : i32, i32
  }
  func.func @transform_3(%arg0: i32) -> (i32, i32) {
    %c0_i32 = arith.constant 0 : i32
    %c0_i32_0 = arith.constant 0 : i32
    return %arg0, %c0_i32 : i32, i32
  }
}

module attributes {stable_mosaic.version = 14 : i64} {
  func.func @_final_tc_body(%arg0: i32, %arg1: memref<2000x128xf32, #tpu.memory_space<vmem>>, %arg2: memref<2x2000x128xf32, #tpu.memory_space<vmem>>, %arg3: memref<128x128xf32, #tpu.memory_space<vmem>>, %arg4: memref<128x128xf32, #tpu.memory_space<vmem>>, %arg5: memref<128x128xf32, #tpu.memory_space<vmem>>, %arg6: memref<2000x128xf32, #tpu.memory_space<vmem>>) attributes {dimension_semantics = [#tpu.dimension_semantics<arbitrary>], iteration_bounds = array<i64: 5>, scalar_prefetch = 0 : i64, scratch_operands = 0 : i64, tpu.core_type = #tpu.core_type<tc>, window_params = [{transform_indices = @transform_0, window_bounds = array<i64: 2000, 128>}, {transform_indices = @transform_1, window_bounds = array<i64: 2, 2000, 128>}, {pipeline_mode = #tpu.pipeline_mode<synchronous>, transform_indices = @transform_2, window_bounds = array<i64: 128, 128>}, {pipeline_mode = #tpu.pipeline_mode<synchronous>, transform_indices = @transform_3, window_bounds = array<i64: 128, 128>}, {pipeline_mode = #tpu.pipeline_mode<synchronous>, transform_indices = @transform_4, window_bounds = array<i64: 128, 128>}, {transform_indices = @transform_5, window_bounds = array<i64: 2000, 128>}]} {
    %get3A = arith.constant 0 : index
    %get3A_0 = arith.constant 0 : index
    %get3A_1 = arith.constant 0 : index
    %get3A_2 = vector.load %arg2[%get3A, %get3A_0, %get3A_1] : memref<2x2000x128xf32, #tpu.memory_space<vmem>>, vector<1x2000x128xf32>
    %get3A_3 = vector.shape_cast %get3A_2 : vector<1x2000x128xf32> to vector<2000x128xf32>
    %get3A_4 = arith.constant 1 : index
    %get3A_5 = arith.constant 0 : index
    %get3A_6 = arith.constant 0 : index
    %get3A_7 = vector.load %arg2[%get3A_4, %get3A_5, %get3A_6] : memref<2x2000x128xf32, #tpu.memory_space<vmem>>, vector<1x2000x128xf32>
    %get3A_8 = vector.shape_cast %get3A_7 : vector<1x2000x128xf32> to vector<2000x128xf32>
    %add3A = arith.addf %get3A_3, %get3A_8 : vector<2000x128xf32>
    %get3A_9 = arith.constant 0 : index
    %get3A_10 = arith.constant 0 : index
    %get3A_11 = vector.load %arg3[%get3A_9, %get3A_10] : memref<128x128xf32, #tpu.memory_space<vmem>>, vector<128x128xf32>
    %dot_general3A = arith.constant dense<0.000000e+00> : vector<2000x128xf32>
    %dot_general3A_12 = tpu.matmul %add3A, %get3A_11, %dot_general3A {dimension_numbers = #tpu.dot_dimension_numbers<[1], [0], [0], [1], [0, 0, 1, 1], [], []>, transpose_lhs_hint = false} : vector<2000x128xf32>, vector<128x128xf32>, vector<2000x128xf32> -> vector<2000x128xf32>
    %get3A_13 = arith.constant 0 : index
    %get3A_14 = arith.constant 0 : index
    %get3A_15 = vector.load %arg4[%get3A_13, %get3A_14] : memref<128x128xf32, #tpu.memory_space<vmem>>, vector<128x128xf32>
    %dot_general3A_16 = arith.constant dense<0.000000e+00> : vector<2000x128xf32>
    %dot_general3A_17 = tpu.matmul %dot_general3A_12, %get3A_15, %dot_general3A_16 {dimension_numbers = #tpu.dot_dimension_numbers<[1], [0], [0], [1], [0, 0, 1, 1], [], []>, transpose_lhs_hint = false} : vector<2000x128xf32>, vector<128x128xf32>, vector<2000x128xf32> -> vector<2000x128xf32>
    %get3A_18 = arith.constant 0 : index
    %get3A_19 = arith.constant 0 : index
    %get3A_20 = vector.load %arg1[%get3A_18, %get3A_19] : memref<2000x128xf32, #tpu.memory_space<vmem>>, vector<2000x128xf32>
    %add3A_21 = arith.addf %get3A_20, %dot_general3A_17 : vector<2000x128xf32>
    %max3A = arith.constant 0.000000e+00 : f32
    %max3A_22 = vector.broadcast %max3A : f32 to vector<2000x128xf32>
    %max3A_23 = arith.maximumf %add3A_21, %max3A_22 : vector<2000x128xf32>
    %get3A_24 = arith.constant 0 : index
    %get3A_25 = arith.constant 0 : index
    %get3A_26 = vector.load %arg5[%get3A_24, %get3A_25] : memref<128x128xf32, #tpu.memory_space<vmem>>, vector<128x128xf32>
    %dot_general3A_27 = arith.constant dense<0.000000e+00> : vector<2000x128xf32>
    %dot_general3A_28 = tpu.matmul %max3A_23, %get3A_26, %dot_general3A_27 {dimension_numbers = #tpu.dot_dimension_numbers<[1], [0], [0], [1], [0, 0, 1, 1], [], []>, transpose_lhs_hint = false} : vector<2000x128xf32>, vector<128x128xf32>, vector<2000x128xf32> -> vector<2000x128xf32>
    %swap3A = arith.constant 0 : index
    %swap3A_29 = arith.constant 0 : index
    %swap3A_30 = vector.load %arg6[%swap3A, %swap3A_29] : memref<2000x128xf32, #tpu.memory_space<vmem>>, vector<2000x128xf32>
    tpu.vector_store %arg6[%swap3A, %swap3A_29], %dot_general3A_28 {strides = array<i32>} : memref<2000x128xf32, #tpu.memory_space<vmem>>, vector<2000x128xf32>,
    return
  }
  func.func @transform_0(%arg0: i32) -> (i32, i32) {
    %c0_i32 = arith.constant 0 : i32
    %c0_i32_0 = arith.constant 0 : i32
    return %arg0, %c0_i32 : i32, i32
  }
  func.func @transform_1(%arg0: i32) -> (i32, i32, i32) {
    %c0_i32 = arith.constant 0 : i32
    %c0_i32_0 = arith.constant 0 : i32
    %c0_i32_1 = arith.constant 0 : i32
    return %c0_i32, %arg0, %c0_i32_0 : i32, i32, i32
  }
  func.func @transform_2(%arg0: i32) -> (i32, i32) {
    %c0_i32 = arith.constant 0 : i32
    %c0_i32_0 = arith.constant 0 : i32
    %c0_i32_1 = arith.constant 0 : i32
    return %c0_i32, %c0_i32_0 : i32, i32
  }
  func.func @transform_3(%arg0: i32) -> (i32, i32) {
    %c0_i32 = arith.constant 0 : i32
    %c0_i32_0 = arith.constant 0 : i32
    %c0_i32_1 = arith.constant 0 : i32
    return %c0_i32, %c0_i32_0 : i32, i32
  }
  func.func @transform_4(%arg0: i32) -> (i32, i32) {
    %c0_i32 = arith.constant 0 : i32
    %c0_i32_0 = arith.constant 0 : i32
    %c0_i32_1 = arith.constant 0 : i32
    return %c0_i32, %c0_i32_0 : i32, i32
  }
  func.func @transform_5(%arg0: i32) -> (i32, i32) {
    %c0_i32 = arith.constant 0 : i32
    %c0_i32_0 = arith.constant 0 : i32
    return %arg0, %c0_i32 : i32, i32
  }
}

</mosaic_0001>

<sc_bundles>
// kernel: _run.12.cloned.1.call-start
scs
__scs_entry_jumppad:
0x0: {  	(pc) =	sbr.rel $0x88, $3  }
0x1: {  	(tag) =	ssettag $0x0;
	lr =	simm.s32 $0x1  }
0x2: {  	[smem:$0x3F99] =	sst lr;
	_ =	strace $0xD0000000  }
0x3: {  	_ = 	snop  }
0x4: {  	_ = 	snop  }
0x5: {  	_ = 	snop  }
0x6: {  	_ = 	snop  }
0x7: {  	_ = 	snop  }
__scs_overlays_trampoline_lowered:
0x8: {  	[smem:$0x3FA8] =	sst s0  }
0x9: {  	[smem:$0x3FA9] =	sst s1  }
0xa: {  	[smem:$0x3FAA] =	sst s2  }
0xb: {  	[smem:$0x3FAB] =	sst s3  }
0xc: {  	[smem:$0x3FAC] =	sst s4  }
0xd: {  	[smem:$0x3FAD] =	sst s5  }
0xe: {  	[smem:$0x3FAE] =	sst s6  }
0xf: {  	[smem:$0x3FAF] =	sst s7  }
0x10: {  	[smem:$0x3FB0] =	sst s8  }
0x11: {  	[smem:$0x3FB1] =	sst s9;
	s0 =	simm.s32 @!p0 $0x0  }
0x12: {  	s1 =	sld [smem:$0x3F97];
	s0 =	simm.s32 @p0 $0x1  }
0x13: {  	[smem:$0x3FB2] =	sst s0;
	s0 =	simm.s32 @!p1 $0x0  }
0x14: {  	s2 =	sld [smem:$0x3F96];
	s0 =	simm.s32 @p1 $0x1  }
0x15: {  	[smem:$0x3FB3] =	sst s0;
	s0 =	simm.s32 @!p2 $0x0  }
0x16: {  	s3 =	sld [smem:$0x3FDB];
	s0 =	simm.s32 @p2 $0x1  }
0x17: {  	s4 =	simm.s32 $0x1BF5;
	[smem:$0x3FB5] =	sst s0  }
0x18: {  	s0 =	sld [smem:$0x3F98];
	_ =	swait.ge [sflag:s4], $0x0  }
0x19: {  	s7 =	sld [smem:$0x3F99]  }
0x1a: {  	s8 =	sadd.s32 $0xFFFFE003, lr  }
0x1b: {  	s9 =	sadd.s32 $0xFFFFFEF7, lr;
	s5 =	simm.s32 $0xFFFFFFFF;
	p2 =	slt.u32 s8, $0xFFFFF086  }
0x1c: {  	p1 =	slt.u32 s9, $0xF7A;
	s5 =	simm.s32 @!p2 $0x0  }
0x1d: {  	s5 =	simm.s32 @p1 $0x1;
	p0 =	seq.s32 s7, s2  }
0x1e: {  	s7 =	smul.u32 @!p0 $0xF7A, s2;
	p2 =	seq.s32 @!p0 s5, $0x0  }
0x1f: {  	s9 =	smul.u32 $0xF7A, s1;
	s8 =	simm.s32 @!p0 $0x1BF5;
	p2 =	por !p2, p0  }
0x20: {  	[sflag:s8] =	ssyncset.s32 @!p0 $0xFFFFF086;
	s6 =	sadd.s32 @!p0 s3, s7;
	s7 =	simm.s32 @!p0 $0x108  }
0x21: {  	s3 =	sadd.s32 s3, s9;
	s6 =	sadd.s32 @!p0 $0x88, s6;
	s7 =	simm.s32 @p2 $0x1082  }
0x22: {  	[simem:s7], [sflag:s8] =	dma.local @!p0 [hbm:s6], $0xF7A  }
0x23: {  	s9 =	sor.u32 $0xD0000000, s2;
	s6 =	simm.s32 $0x108;
	_ =	swait.ge @!p0 [sflag:s8], $0x0  }
0x24: {  	s3 =	sadd.s32 $0x88, s3;
	s6 =	simm.s32 @!p1 $0x1082;
	[sflag:s4] =	ssyncset.s32 $0xFFFFF086  }
0x25: {  	[simem:s6], [sflag:s4] =	dma.local [hbm:s3], $0xF7A  }
0x26: {  	[smem:$0x3F99] =	sst s1;
	(tag) =	ssettag s2;
	_ =	strace s9  }
0x27: {  	s1 =	sld [smem:$0x3FA9]  }
0x28: {  	s2 =	sld [smem:$0x3FAA]  }
0x29: {  	s4 =	sld [smem:$0x3FAC]  }
0x2a: {  	p0 =	seq.s32 s5, $0x0;
	s5 =	sld [smem:$0x3FAD]  }
0x2b: {  	s6 =	sld [smem:$0x3FAE]  }
0x2c: {  	s7 =	sld [smem:$0x3FAF]  }
0x2d: {  	s3 =	simm.s32 $0x108;
	s8 =	sld [smem:$0x3FB0]  }
0x2e: {  	s3 =	simm.s32 @!p0 $0x1082;
	s9 =	sld [smem:$0x3FB1]  }
0x2f: {  	lr =	sadd.s32 s0, s3;
	s0 =	sld [smem:$0x3FA8]  }
0x30: {  	s3 =	sld [smem:$0x3FAB]  }
0x31: {  	[smem:$0x3FB4] =	sst s10  }
0x32: {  	s10 =	sld [smem:$0x3FB2];
	_ =	sdelay $0x3  }
0x33: {  	p0 =	seq.s32 s10, $0x1;
	s10 =	sld [smem:$0x3FB4];
	_ =	sdelay $0x3  }
0x34: {  	[smem:$0x3FB4] =	sst s10  }
0x35: {  	s10 =	sld [smem:$0x3FB3];
	_ =	sdelay $0x3  }
0x36: {  	p1 =	seq.s32 s10, $0x1;
	s10 =	sld [smem:$0x3FB4];
	_ =	sdelay $0x3  }
0x37: {  	[smem:$0x3FB4] =	sst s10  }
0x38: {  	s10 =	sld [smem:$0x3FB5]  }
0x39: {  	_ = 	snop;
	(pc) =	sbr.ind lr, $3  }
0x3a: {  	_ = 	snop  }
0x3b: {  	_ = 	snop  }
0x3c: {  	p2 =	seq.s32 s10, $0x1;
	s10 =	sld [smem:$0x3FB4]  }
0x3d: {  	_ =	shalt  }
0x3e: {  	_ =	shalt  }
0x3f: {  	_ =	shalt  }
0x40: {  	_ =	shalt  }
0x41: {  	_ =	shalt  }
0x42: {  	_ =	shalt  }
0x43: {  	_ =	shalt  }
0x44: {  	_ =	shalt  }
0x45: {  	_ =	shalt  }
0x46: {  	_ =	shalt  }
0x47: {  	_ =	shalt  }
0x48: {  	_ =	shalt  }
0x49: {  	_ =	shalt  }
0x4a: {  	_ =	shalt  }
0x4b: {  	_ =	shalt  }
0x4c: {  	_ =	shalt  }
0x4d: {  	_ =	shalt  }
0x4e: {  	_ =	shalt  }
0x4f: {  	_ =	shalt  }
0x50: {  	_ =	shalt  }
0x51: {  	_ =	shalt  }
0x52: {  	_ =	shalt  }
0x53: {  	_ =	shalt  }
0x54: {  	_ =	shalt  }
0x55: {  	_ =	shalt  }
0x56: {  	_ =	shalt  }
0x57: {  	_ =	shalt  }
0x58: {  	_ =	shalt  }
0x59: {  	_ =	shalt  }
0x5a: {  	_ =	shalt  }
0x5b: {  	_ =	shalt  }
0x5c: {  	_ =	shalt  }
0x5d: {  	_ =	shalt  }
0x5e: {  	_ =	shalt  }
0x5f: {  	_ =	shalt  }
0x60: {  	_ =	shalt  }
0x61: {  	_ =	shalt  }
0x62: {  	_ =	shalt  }
0x63: {  	_ =	shalt  }
0x64: {  	_ =	shalt  }
0x65: {  	_ =	shalt  }
0x66: {  	_ =	shalt  }
0x67: {  	_ =	shalt  }
0x68: {  	_ =	shalt  }
0x69: {  	_ =	shalt  }
0x6a: {  	_ =	shalt  }
0x6b: {  	_ =	shalt  }
0x6c: {  	_ =	shalt  }
0x6d: {  	_ =	shalt  }
0x6e: {  	_ =	shalt  }
0x6f: {  	_ =	shalt  }
0x70: {  	_ =	shalt  }
0x71: {  	_ =	shalt  }
0x72: {  	_ =	shalt  }
0x73: {  	_ =	shalt  }
0x74: {  	_ =	shalt  }
0x75: {  	_ =	shalt  }
0x76: {  	_ =	shalt  }
0x77: {  	_ =	shalt  }
0x78: {  	_ =	shalt  }
0x79: {  	_ =	shalt  }
0x7a: {  	_ =	shalt  }
0x7b: {  	_ =	shalt  }
0x7c: {  	_ =	shalt  }
0x7d: {  	_ =	shalt  }
0x7e: {  	_ =	shalt  }
0x7f: {  	_ =	shalt  }
0x80: {  	_ =	shalt  }
0x81: {  	_ =	shalt  }
0x82: {  	_ =	shalt  }
0x83: {  	_ =	shalt  }
0x84: {  	_ =	shalt  }
0x85: {  	_ =	shalt  }
0x86: {  	_ =	shalt  }
0x87: {  	_ =	shalt  }
.Lfunc_end0:
.L_simem_size_0:
called_computation.1_lowered:
.L_overlay_start_0:
0x88: {  	s2 =	sld [smem:$0x3FD9]  }
0x89: {  	s3 =	sld [smem:$0x3FFE];
	_ =	sdelay $0x1  }
0x8a: {  	s1 =	srdreg.scid  }
0x8b: {  	s0 =	sand.u32 $0x1, s1  }
0x8c: {  	s16 =	sshll.u32 s0, $0xA;
	s2 =	sadd.s32 s3, s2  }
0x8d: {  	s2 =	sadd.s32 s2, s16  }
0x8e: {  	[smem:$0x3FC0] =	sst s2  }
0x8f: {  	_ = 	snop  }
0x90: {  	(tm) =	ssettm $0x1  }
0x91: {  	s17 =	sld [smem:$0x3FFB];
	_ =	sdelay $0x3  }
0x92: {  	_ =	strace s17  }
0x93: {  	s2 =	sld [smem:$0x3FFC];
	_ =	sdelay $0x3  }
0x94: {  	_ =	strace s2  }
0x95: {  	s2 =	sld [smem:$0x3FFD];
	_ =	sdelay $0x3  }
0x96: {  	_ =	strace s2  }
0x97: {  	_ =	strace $0x8FFFFFFF  }
0x98: {  	s18 =	sld [smem:$0x3FDB];
	_ =	sdelay $0x1  }
0x99: {  	s19 =	simm.s32 $_scs_section_size  }
0x9a: {  	s4 =	simm.s32 $_size__tile_overlayer_lowered;
	s5 =	simm.s32 $_tile_overlayer_lowered  }
0x9b: {  	s22 =	simm.s32 $0x1BFF;
	s21 =	sshll.u32 s5, $0x1;
	s2 =	sadd.s32 s19, s18  }
0x9c: {  	s6 =	simm.s32 $0x0;
	s20 =	sshll.u32 s4, $0x1;
	s4 =	sadd.s32 s21, s2  }
0x9d: {  	[timem:s6], [sflag:s22] =	dma.local [hbm:s4], s20  }
0x9e: {  	_ =	swait.ge [sflag:s22], s20  }
0x9f: {  	s3 =	ssub.s32 $0x0, s20;
	[sflag:s22] =	ssyncset.done $0x0  }
0xa0: {  	[sflag:s22] =	ssyncadd.s32 s3;
	_ =	sdelay $0x1  }
0xa1: {  	s23 =	simm.s32 $0x1B8B  }
0xa2: {  	_ =	swait.ge [sflag:s23], $0x1  }
0xa3: {  	[sflag:s23] =	ssyncset.done $0x0  }
0xa4: {  	s25 =	simm.s32 $0x1B8E;
	s24 =	sld [smem:$0x3FFE];
	[sflag:s23] =	ssyncadd.s32 $0xFFFFFFFF  }
0xa5: {  	s26 =	simm.s32 $execute0_lowered;
	[smem:$0x3FD2] =	sst s25  }
0xa6: {  	s4 =	sshll.u32 s26, $0x1;
	_ =	strace $0x80000049;
	[dreg:$0x1] =	wrdreg $0xFFFFFFFF  }
0xa7: {  	s28 =	simm.s32 $_size_execute0_lowered;
	s2 =	sadd.s32 s2, s4;
	[dreg:$0x0] =	wrdreg $0x0  }
0xa8: {  	s4 =	sshll.u32 s28, $0x1;
	[dreg:$0x2] =	wrdreg s2  }
0xa9: {  	[dreg:$0x3] =	wrdreg s4  }
0xaa: {  	[dreg:$0x4] =	wrdreg $0xC0  }
0xab: {  	_ =	task [dreg:s6], $0x5FFFF  }
0xac: {  	[dreg:$0x1] =	wrdreg $0xFFFFFFFF  }
0xad: {  	[dreg:$0x0] =	wrdreg $0x60  }
0xae: {  	[dreg:$0x2] =	wrdreg s24  }
0xaf: {  	[dreg:$0x3] =	wrdreg $0xB1000  }
0xb0: {  	[dreg:$0x4] =	wrdreg $0x9  }
0xb1: {  	_ =	task.clear_ibuf [dreg:s6], $0x5FFFF;
	_ =	strace $0x90000049  }
0xb2: {  	s29 =	simm.s32 $0x9;
	_ =	strace $0x8000004B  }
0xb3: {  	_ =	swait.ge [sflag:s29], $0x1  }
0xb4: {  	[sflag:s29] =	ssyncadd.s32 $0xFFFFFFFF  }
0xb5: {  	_ =	strace $0x9000004B  }
0xb6: {  	_ =	sfence  }
0xb7: {  	s30 =	sld [smem:$0x0];
	_ =	sdelay $0x2  }
0xb8: {  	s31 =	sshll.u32 s1, $0xD;
	s1 =	sshrl.u32 s1, $0x2  }
0xb9: {  	s3 =	sand.u32 $0x4000, s31;
	s1 =	sadd.s32 s1, s30  }
0xba: {  	s0 =	sor.u32 s3, s0;
	s1 =	sshll.u32 s1, $0x11  }
0xbb: {  	s0 =	sor.u32 s1, s0  }
0xbc: {  	s0 =	sadd.s32 $0x8F2B, s0  }
0xbd: {  	[sflag:s0] =	ssyncadd.remote.s32 $0x1  }
0xbe: {  	_ =	sfence.sel $0xFFFF  }
0xbf: {  	[dreg:$0x0] =	wrdreg $0xFFFFFFFF;
	(pc) =	sbr.abs _section_cstart, $3  }
0xc0: {  	[dreg:$0x1] =	wrdreg $0xFFFFFFFF  }
0xc1: {  	_ =	task.clear_ibuf [dreg:s6], $0x2FFFF;
	_ =	strace $0x9FFFFFFF  }
0xc2: {  	(tm) =	ssettm $0x7FFFFFFF  }
0xc3: {  	_ =	shalt  }
tec
execute0_lowered:
.L_overlay_start_1:
0x0: {  	(tag) =	ssettag $0x1  }
0x1: {  	s0 =	rddreg [dreg:$0x0]  }
0x2: {  	s1 =	rddreg [dreg:$0x1]  }
0x3: {  	s2 =	simm.s32 $0x0;
	s3 =	srdreg.scid;
	s28 =	simm.s32 $0x2  }
0x4: {  	s29 =	simm.s32 $0x3;
	s9 =	sand.u32 $0x1, s3;
	s3 =	stileid.u32  }
0x5: {  	s7 =	sshll.u32 s9, $0x4;
	s11 =	ssub.s32 $0x2, s9;
	s9 =	smul.u32 $0x138800, s9  }
0x6: {  	s30 =	simm.s32 $0xA880;
	s31 =	simm.s32 $0x3000;
	s13 =	smul.u32 $0x6400, s3  }
0x7: {  	[smem:$0x7FF] =	sst s2;
	s15 =	smul.u32 $0x19000, s3;
	s16 =	sor.u32 $0x10, s3  }
0x8: {  	s4 =	sadd.s32 $0x1FA00, s0;
	s5 =	sadd.s32 $0x46C00, s0;
	s18 =	smul.u32 $0x6400, s16  }
0x9: {  	s6 =	sadd.s32 $0xB200, s0;
	s22 =	sor.u32 $0x20, s3;
	s21 =	smul.u32 $0x19000, s16  }
0xa: {  	_ =	strace $0x8000004A;
	s24 =	sor.u32 $0x30, s3;
	s23 =	smul.u32 $0x19000, s22  }
0xb: {  	s10 =	sor.u32 s3, s7;
	s7 =	sadd.s32 $0x1400, s0;
	s16 =	smul.u32 $0x6400, s24  }
0xc: {  	s0 =	sadd.s32 $0x546C00, s0;
	s12 =	sshrl.u32 s11, $0x1;
	s8 =	smul.u32 $0x2710, s10  }
0xd: {  	p0 =	sgt.u32 s24, $0x31;
	s11 =	ssub.s32 s11, s12;
	s10 =	smul.u32 $0x27100, s10  }
0xe: {  	s19 =	sshrl.u32 s15, $0x2;
	s15 =	smul.u32 $0x6400, s22;
	s11 =	smax.u32 s11, $0x1  }
0xf: {  	s20 =	sadd.s32 s9, s18;
	s18 =	simm.s32 $0x4;
	s26 =	sshrl.u32 s8, $0x3  }
0x10: {  	s10 =	sadd.s32 s5, s10;
	[dreg:$0x6] =	wrdreg s11;
	s11 =	sshrl.u32 s20, $0x3  }
0x11: {  	s15 =	sadd.s32 s9, s15;
	s14 =	sadd.s32 s6, s26;
	[dreg:$0x5] =	wrdreg s10  }
0x12: {  	s20 =	simm.s32 $0x8000;
	s12 =	sadd.s32 s7, s26;
	[dreg:$0x3] =	wrdreg s14  }
0x13: {  	s11 =	sadd.s32 s0, s11;
	s15 =	sshrl.u32 s15, $0x3;
	[dreg:$0x4] =	wrdreg s12  }
0x14: {  	s26 =	sshll.u32 s3, $0xB;
	s14 =	sadd.s32 s9, s13;
	[dreg:$0x8] =	wrdreg s11  }
0x15: {  	s12 =	sshrl.u32 s21, $0x2;
	s25 =	sadd.s32 s0, s15;
	s11 =	sshrl.u32 s23, $0x2  }
0x16: {  	s9 =	sadd.s32 s9, s16;
	s21 =	simm.s32 $0x50;
	s17 =	sshrl.u32 s14, $0x3  }
0x17: {  	s12 =	sadd.s32 s12, s1;
	[dreg:$0x9] =	wrdreg s25;
	s11 =	sadd.s32 s11, s1  }
0x18: {  	s9 =	sshrl.u32 s9, $0x3;
	s10 =	sadd.s32 s0, s17;
	s17 =	smul.u32 $0x19000, s24  }
.Ltmp0:
0x19: {  	s16 =	sadd.s32 s0, s9;
	s23 =	sshrl.u32 s12, $0x3;
	(pc) =	sbr.rel .LBB2_1-.Ltmp0, $4  }
0x1a: {  	s24 =	sshrl.u32 s11, $0x3;
	s9 =	simm.s32 $0x0;
	[dreg:$0x7] =	wrdreg s10  }
0x1b: {  	s10 =	sadd.s32 s19, s1;
	s19 =	simm.s32 $0xA800;
	s17 =	sshrl.u32 s17, $0x2  }
0x1c: {  	s22 =	sshrl.u32 s10, $0x3;
	s0 =	sadd.s32 s17, s1;
	s17 =	sadd.s32 s26, s1  }
0x1d: {  	v0 =	vimm.f32 $0.0e+00;
	s26 =	simm.s32 $0x800;
	s25 =	sshrl.u32 @!p0 s0, $0x3;
	s0 =	simm.s32 $0x1  }
.LBB2_15:
0x1e: {  	_ =	swait.ge [sflag:s29], $0x2800  }
0x1f: {  	[sflag:s29] =	ssyncset.done $0x0  }
0x20: {  	[sflag:s29] =	ssyncadd.s32 $0xFFFFD800  }
0x21: {  	s10 =	sshll.u32 s3, $0x6;
	[bflag:$0x0] =	sbarrier.arrive $0xFFFF  }
0x22: {  	s10 =	sor.u32 $0x1C04, s10;
	s11 =	rddreg [dreg:$0x7]  }
0x23: {  	[hbm:s11], [sflag:s10] =	dma.local [spmem:s22], $0xC80  }
0x24: {  	_ =	swait.ge [sflag:s18], $0xC80  }
0x25: {  	[sflag:s18] =	ssyncset.done $0x0  }
0x26: {  	s13 =	rddreg [dreg:$0x8];
	[sflag:s18] =	ssyncadd.s32 $0xFFFFF380  }
0x27: {  	[hbm:s13], [sflag:s10] =	dma.local [spmem:s23], $0xC80  }
0x28: {  	_ =	swait.ge [sflag:s18], $0xC80  }
0x29: {  	[sflag:s18] =	ssyncset.done $0x0  }
0x2a: {  	s14 =	rddreg [dreg:$0x9];
	[sflag:s18] =	ssyncadd.s32 $0xFFFFF380  }
0x2b: {  	[hbm:s14], [sflag:s10] =	dma.local [spmem:s24], $0xC80  }
0x2c: {  	_ =	swait.ge [sflag:s18], $0xC80  }
0x2d: {  	[sflag:s18] =	ssyncset.done $0x0  }
0x2e: {  	[sflag:s18] =	ssyncadd.s32 $0xFFFFF380  }
0x2f: {  	[hbm:s16], [sflag:s10] =	dma.local @!p0 [spmem:s25], $0xC80  }
0x30: {  	s10 =	simm.s32 @!p0 $0x4  }
0x31: {  	_ =	swait.ge @!p0 [sflag:s10], $0xC80  }
0x32: {  	s9 =	sadd.s32 $0x1, s9;
	s15 =	rddreg [dreg:$0x6]  }
0x33: {  	p1 =	sne.s32 s9, s15  }
.Ltmp1:
0x34: {  	_ = 	snop;
	(pc) =	sbr.rel @!p1 .LBB2_16-.Ltmp1, $3  }
0x35: {  	_ =	sdelay $0x1  }
0x36: {  	[sflag:s10] =	ssyncset.done @!p0 $0x0  }
0x37: {  	[sflag:s10] =	ssyncadd.s32 @!p0 $0xFFFFF380  }
.LBB2_1:
0x38: {  	s10 =	rddreg [dreg:$0x3]  }
0x39: {  	[tilespmem:s2], [sflag:$0x4] =	stream.linear.gather [hbm4b:s10+s2], $0x7D0, $0x38;
	[tilespmem:$0x1E980] =	vst v63  }
0x3a: {  	_ =	swait.ge [sflag:s18], $0x7D0  }
0x3b: {  	[sflag:s18] =	ssyncset.done $0x0  }
0x3c: {  	[sflag:s18] =	ssyncadd.s32 $0xFFFFF830  }
0x3d: {  	[tilespmem:$0xA900] =	vst v0  }
0x3e: {  	[tilespmem:$0xA910] =	vst v0  }
0x3f: {  	[tilespmem:$0xA920] =	vst v0  }
0x40: {  	[tilespmem:$0xA930] =	vst v0  }
0x41: {  	[tilespmem:$0xA940] =	vst v0  }
0x42: {  	[tilespmem:$0xA950] =	vst v0  }
0x43: {  	[tilespmem:$0xA960] =	vst v0  }
0x44: {  	[tilespmem:$0xA970] =	vst v0  }
0x45: {  	[tilespmem:$0xA980] =	vst v0  }
0x46: {  	[tilespmem:$0xA990] =	vst v0  }
0x47: {  	[tilespmem:$0xA9A0] =	vst v0  }
0x48: {  	[tilespmem:$0xA9B0] =	vst v0  }
0x49: {  	[tilespmem:$0xA9C0] =	vst v0  }
0x4a: {  	[tilespmem:$0xA9D0] =	vst v0  }
0x4b: {  	[tilespmem:$0xA9E0] =	vst v0  }
0x4c: {  	[tilespmem:$0xA9F0] =	vst v0  }
0x4d: {  	[tilespmem:$0xAA00] =	vst v0  }
0x4e: {  	[tilespmem:$0xAA10] =	vst v0  }
0x4f: {  	[tilespmem:$0xAA20] =	vst v0  }
0x50: {  	[tilespmem:$0xAA30] =	vst v0  }
0x51: {  	[tilespmem:$0xAA40] =	vst v0  }
0x52: {  	[tilespmem:$0xAA50] =	vst v0  }
0x53: {  	[tilespmem:$0xAA60] =	vst v0  }
0x54: {  	[tilespmem:$0xAA70] =	vst v0  }
0x55: {  	[tilespmem:$0xAA80] =	vst v0  }
0x56: {  	[tilespmem:$0xAA90] =	vst v0  }
0x57: {  	[tilespmem:$0xAAA0] =	vst v0  }
0x58: {  	[tilespmem:$0xAAB0] =	vst v0  }
0x59: {  	[tilespmem:$0xAAC0] =	vst v0  }
0x5a: {  	[tilespmem:$0xAAD0] =	vst v0  }
0x5b: {  	[tilespmem:$0xAAE0] =	vst v0  }
0x5c: {  	[tilespmem:$0xAAF0] =	vst v0  }
0x5d: {  	[tilespmem:$0xAB00] =	vst v0  }
0x5e: {  	[tilespmem:$0xAB10] =	vst v0  }
0x5f: {  	[tilespmem:$0xAB20] =	vst v0  }
0x60: {  	[tilespmem:$0xAB30] =	vst v0  }
0x61: {  	[tilespmem:$0xAB40] =	vst v0  }
0x62: {  	[tilespmem:$0xAB50] =	vst v0  }
0x63: {  	[tilespmem:$0xAB60] =	vst v0  }
0x64: {  	[tilespmem:$0xAB70] =	vst v0  }
0x65: {  	[tilespmem:$0xAB80] =	vst v0  }
0x66: {  	[tilespmem:$0xAB90] =	vst v0  }
0x67: {  	[tilespmem:$0xABA0] =	vst v0  }
0x68: {  	[tilespmem:$0xABB0] =	vst v0  }
0x69: {  	[tilespmem:$0xABC0] =	vst v0  }
0x6a: {  	[tilespmem:$0xABD0] =	vst v0  }
0x6b: {  	[tilespmem:$0xABE0] =	vst v0  }
0x6c: {  	[tilespmem:$0xABF0] =	vst v0  }
0x6d: {  	[tilespmem:$0xAC00] =	vst v0  }
0x6e: {  	[tilespmem:$0xAC10] =	vst v0  }
0x6f: {  	[tilespmem:$0xAC20] =	vst v0  }
0x70: {  	[tilespmem:$0xAC30] =	vst v0  }
0x71: {  	[tilespmem:$0xAC40] =	vst v0  }
0x72: {  	[tilespmem:$0xAC50] =	vst v0  }
0x73: {  	[tilespmem:$0xAC60] =	vst v0  }
0x74: {  	[tilespmem:$0xAC70] =	vst v0  }
0x75: {  	[tilespmem:$0xAC80] =	vst v0  }
0x76: {  	[tilespmem:$0xAC90] =	vst v0  }
0x77: {  	[tilespmem:$0xACA0] =	vst v0  }
0x78: {  	[tilespmem:$0xACB0] =	vst v0  }
0x79: {  	[tilespmem:$0xACC0] =	vst v0  }
0x7a: {  	[tilespmem:$0xACD0] =	vst v0  }
0x7b: {  	[tilespmem:$0xACE0] =	vst v0  }
0x7c: {  	[tilespmem:$0xACF0] =	vst v0  }
0x7d: {  	[tilespmem:$0xAD00] =	vst v0  }
0x7e: {  	[tilespmem:$0xAD10] =	vst v0  }
0x7f: {  	[tilespmem:$0xAD20] =	vst v0  }
0x80: {  	[tilespmem:$0xAD30] =	vst v0  }
0x81: {  	[tilespmem:$0xAD40] =	vst v0  }
0x82: {  	[tilespmem:$0xAD50] =	vst v0  }
0x83: {  	[tilespmem:$0xAD60] =	vst v0  }
0x84: {  	[tilespmem:$0xAD70] =	vst v0  }
0x85: {  	[tilespmem:$0xAD80] =	vst v0  }
0x86: {  	[tilespmem:$0xAD90] =	vst v0  }
0x87: {  	[tilespmem:$0xADA0] =	vst v0  }
0x88: {  	[tilespmem:$0xADB0] =	vst v0  }
0x89: {  	[tilespmem:$0xADC0] =	vst v0  }
0x8a: {  	[tilespmem:$0xADD0] =	vst v0  }
0x8b: {  	[tilespmem:$0xADE0] =	vst v0  }
0x8c: {  	[tilespmem:$0xADF0] =	vst v0  }
0x8d: {  	[tilespmem:$0xAE00] =	vst v0  }
0x8e: {  	[tilespmem:$0xAE10] =	vst v0  }
0x8f: {  	[tilespmem:$0xAE20] =	vst v0  }
0x90: {  	[tilespmem:$0xAE30] =	vst v0  }
0x91: {  	[tilespmem:$0xAE40] =	vst v0  }
0x92: {  	[tilespmem:$0xAE50] =	vst v0  }
0x93: {  	[tilespmem:$0xAE60] =	vst v0  }
0x94: {  	[tilespmem:$0xAE70] =	vst v0  }
0x95: {  	[tilespmem:$0xAE80] =	vst v0  }
0x96: {  	[tilespmem:$0xAE90] =	vst v0  }
0x97: {  	[tilespmem:$0xAEA0] =	vst v0  }
0x98: {  	[tilespmem:$0xAEB0] =	vst v0  }
0x99: {  	[tilespmem:$0xAEC0] =	vst v0  }
0x9a: {  	[tilespmem:$0xAED0] =	vst v0  }
0x9b: {  	[tilespmem:$0xAEE0] =	vst v0  }
0x9c: {  	[tilespmem:$0xAEF0] =	vst v0  }
0x9d: {  	[tilespmem:$0xAF00] =	vst v0  }
0x9e: {  	[tilespmem:$0xAF10] =	vst v0  }
0x9f: {  	[tilespmem:$0xAF20] =	vst v0  }
0xa0: {  	[tilespmem:$0xAF30] =	vst v0  }
0xa1: {  	[tilespmem:$0xAF40] =	vst v0  }
0xa2: {  	[tilespmem:$0xAF50] =	vst v0  }
0xa3: {  	[tilespmem:$0xAF60] =	vst v0  }
0xa4: {  	[tilespmem:$0xAF70] =	vst v0  }
0xa5: {  	[tilespmem:$0xAF80] =	vst v0  }
0xa6: {  	[tilespmem:$0xAF90] =	vst v0  }
0xa7: {  	[tilespmem:$0xAFA0] =	vst v0  }
0xa8: {  	[tilespmem:$0xAFB0] =	vst v0  }
0xa9: {  	[tilespmem:$0xAFC0] =	vst v0  }
0xaa: {  	[tilespmem:$0xAFD0] =	vst v0  }
0xab: {  	[tilespmem:$0xAFE0] =	vst v0  }
0xac: {  	[tilespmem:$0xAFF0] =	vst v0  }
0xad: {  	[tilespmem:$0xB000] =	vst v0  }
0xae: {  	[tilespmem:$0xB010] =	vst v0  }
0xaf: {  	[tilespmem:$0xB020] =	vst v0  }
0xb0: {  	[tilespmem:$0xB030] =	vst v0  }
0xb1: {  	[tilespmem:$0xB040] =	vst v0  }
0xb2: {  	[tilespmem:$0xB050] =	vst v0  }
0xb3: {  	[tilespmem:$0xB060] =	vst v0  }
0xb4: {  	[tilespmem:$0xB070] =	vst v0  }
0xb5: {  	[tilespmem:$0xB080] =	vst v0  }
0xb6: {  	[tilespmem:$0xB090] =	vst v0  }
0xb7: {  	[tilespmem:$0xB0A0] =	vst v0  }
0xb8: {  	[tilespmem:$0xB0B0] =	vst v0  }
0xb9: {  	[tilespmem:$0xB0C0] =	vst v0  }
0xba: {  	s15 =	sadd.s32 $0x0, s3;
	[tilespmem:$0xB0D0] =	vst v0  }
0xbb: {  	p1 =	sgt.u32 s15, $0x270;
	[tilespmem:$0xB0E0] =	vst v0  }
0xbc: {  	s10 =	simm.s32 @!p1 $0xA900;
	s13 =	simm.s32 @!p1 $0x4;
	[tilespmem:$0xB0F0] =	vst v0  }
0xbd: {  	[spmem:s17] =	stream.linear.scatter @!p1 [tilespmem:s10], [sflag:$0x4], $0x800, $0x38;
	[tilespmem:$0x1E980] =	vst v63  }
0xbe: {  	s11 =	simm.s32 $0x10;
	_ =	swait.ge @!p1 [sflag:s13], $0x800  }
0xbf: {  	s12 =	simm.s32 $0x20;
	s10 =	sadd.s32 $0x8000, s17;
	[sflag:s13] =	ssyncset.done @!p1 $0x0  }
.LBB2_2:
0xc0: {  	s14 =	sadd.s32 s11, s3;
	s11 =	smov.u32 s12;
	s12 =	sadd.s32 $0x10, s12  }
0xc1: {  	[sflag:s13] =	ssyncadd.s32 @!p1 $0xFFFFF800;
	p2 =	sne.s32 s12, $0x280  }
.Ltmp2:
0xc2: {  	p1 =	sgt.u32 s14, $0x270;
	(pc) =	sbr.rel @p2 .LBB2_2-.Ltmp2, $4  }
0xc3: {  	s14 =	simm.s32 @!p1 $0xA900;
	s13 =	simm.s32 @!p1 $0x4  }
0xc4: {  	[spmem:s10] =	stream.linear.scatter @!p1 [tilespmem:s14], [sflag:$0x4], $0x800, $0x38;
	[tilespmem:$0x1E980] =	vst v63  }
0xc5: {  	_ =	swait.ge @!p1 [sflag:s13], $0x800  }
0xc6: {  	s10 =	sadd.s32 $0x8000, s10;
	[sflag:s13] =	ssyncset.done @!p1 $0x0  }
0xc7: {  	s11 =	sadd.s32 s11, s3  }
0xc8: {  	p2 =	sgt.u32 s11, $0x270  }
0xc9: {  	[sflag:s13] =	ssyncadd.s32 @!p1 $0xFFFFF800;
	s11 =	simm.s32 @!p2 $0xA900;
	s12 =	simm.s32 @!p2 $0x4  }
0xca: {  	[spmem:s10] =	stream.linear.scatter @!p2 [tilespmem:s11], [sflag:$0x4], $0x800, $0x38;
	[tilespmem:$0x1E980] =	vst v63  }
0xcb: {  	_ =	swait.ge @!p2 [sflag:s12], $0x800  }
0xcc: {  	[sflag:s12] =	ssyncset.done @!p2 $0x0  }
0xcd: {  	[sflag:s12] =	ssyncadd.s32 @!p2 $0xFFFFF800  }
0xce: {  	[bflag:$0x0] =	sbarrier.arrive $0xFFFF  }
0xcf: {  	s10 =	simm.s32 $0x0;
	s13 =	rddreg [dreg:$0x4]  }
0xd0: {  	[tilespmem:s19], [sflag:$0x1] =	stream.linear.gather [hbm4b:s13+s10], $0x50, $0x38;
	[tilespmem:$0x1E980] =	vst v63  }
.Ltmp3:
0xd1: {  	_ = 	snop;
	(pc) =	sbr.rel .LBB2_4-.Ltmp3, $4  }
0xd2: {  	s15 =	simm.s32 $0x5800;
	s14 =	rddreg [dreg:$0x5]  }
0xd3: {  	[tilespmem:s15], [sflag:$0x1] =	stream.linear.gather [hbm4b:s14+s10], $0x2800, $0x38;
	[tilespmem:$0x1E980] =	vst v63  }
0xd4: {  	_ = 	snop  }
0xd5: {  	[tilespmem:s26], [sflag:$0x1] =	stream.indirect.gather [hbm4b:s4+s21], $0x80, s10, s21, $0xb8;
	[tilespmem:$0x1E980] =	vst v63  }
.LBB2_10:
0xd6: {  	s11 =	sor.u32 $0x1, s10  }
.LBB2_14:
0xd7: {  	p1 =	sne.s32 s11, $0x7D  }
.Ltmp4:
0xd8: {  	_ = 	snop;
	(pc) =	sbr.rel @!p1 .LBB2_15-.Ltmp4, $2  }
0xd9: {  	_ =	sdelay $0x2  }
0xda: {  	s10 =	smov.u32 s11  }
.LBB2_4:
0xdb: {  	s11 =	sand.u32 $0x1, s10  }
0xdc: {  	p1 =	seq.s32 s11, $0x1  }
.Ltmp5:
0xdd: {  	_ = 	snop;
	(pc) =	sbr.rel @p1 .LBB2_11-.Ltmp5, $1  }
0xde: {  	_ =	sdelay $0x3  }
0xdf: {  	p1 =	seq.s32 s10, $0x0  }
0xe0: {  	s13 =	sor.u32 @!p1 $0x1, s10  }
0xe1: {  	s12 =	smul.u32 @!p1 $0x29, s13;
	_ =	sdelay $0x1  }
0xe2: {  	s12 =	sshrl.u32 @!p1 s12, $0xA  }
0xe3: {  	s12 =	sand.u32 @!p1 $0x3F, s12  }
0xe4: {  	s12 =	smul.u32 @!p1 $0x19, s12;
	_ =	sdelay $0x1  }
0xe5: {  	s12 =	ssub.s32 @!p1 s13, s12  }
0xe6: {  	_ =	swait.ge [sflag:s0], $0x50;
	s12 =	sand.u32 @!p1 $0xFF, s12  }
0xe7: {  	[sflag:s0] =	ssyncset.done $0x0;
	p2 =	sne.s32 @!p1 s12, $0x0  }
0xe8: {  	[sflag:s0] =	ssyncadd.s32 $0xFFFFFFB0;
	p3 =	por p2, p1  }
0xe9: {  	_ =	swait.ge [sflag:s0], $0x2800;
	s14 =	smul.u32 @!p3 $0x29, s13  }
0xea: {  	[sflag:s0] =	ssyncset.done $0x0  }
0xeb: {  	[sflag:s0] =	ssyncadd.s32 $0xFFFFD800;
	s14 =	sshrl.u32 @!p3 s14, $0xA  }
0xec: {  	_ =	swait.ge [sflag:s0], $0x2800;
	s14 =	sand.u32 @!p3 $0x3F, s14  }
0xed: {  	[sflag:s0] =	ssyncset.done $0x0;
	s14 =	smul.u32 @!p3 $0x7D0, s14  }
0xee: {  	s15 =	simm.s32 @!p1 $0x3;
	[sflag:s0] =	ssyncadd.s32 $0xFFFFD800  }
0xef: {  	p4 =	seq.s32 @!p1 s10, $0x7C;
	_ =	swait.ge @!p1 [sflag:s15], $0x2800;
	s14 =	sadd.s32 @!p3 s8, s14  }
0xf0: {  	p4 =	por p1, !p4;
	[sflag:s15] =	ssyncset.done @!p1 $0x0;
	s14 =	sshrl.u32 @!p3 s14, $0x3  }
0xf1: {  	[sflag:s15] =	ssyncadd.s32 @!p1 $0xFFFFD800;
	s15 =	simm.s32 @!p3 $0x0;
	s14 =	sadd.s32 @!p3 s6, s14  }
0xf2: {  	[tilespmem:s15], [sflag:$0x4] =	stream.linear.gather @!p3 [hbm4b:s14+s15], $0x7D0, $0x38;
	[tilespmem:$0x1E980] =	vst v63  }
.Ltmp6:
0xf3: {  	_ = 	snop;
	(pc) =	sbr.rel @!p4 .LBB2_7-.Ltmp6, $4  }
0xf4: {  	s14 =	simm.s32 @!p3 $0x4  }
0xf5: {  	_ =	swait.ge @!p3 [sflag:s14], $0x7D0  }
0xf6: {  	[sflag:s14] =	ssyncset.done @!p3 $0x0  }
0xf7: {  	[sflag:s14] =	ssyncadd.s32 @!p3 $0xFFFFF830  }
0xf8: {  	s13 =	simm.s32 @p1 $0x1  }
0xf9: {  	s13 =	smul.u32 $0x50, s13;
	_ =	sdelay $0x1  }
0xfa: {  	p2 =	por !p2, p1;
	s13 =	sadd.s32 s8, s13  }
0xfb: {  	s12 =	simm.s32 @p2 $0x0;
	s14 =	sshrl.u32 s13, $0x3  }
0xfc: {  	s12 =	simm.s32 @p1 $0x1;
	s13 =	sshll.u32 s13, $0x4;
	s14 =	sadd.s32 s7, s14  }
0xfd: {  	[tilespmem:s30], [sflag:$0x2] =	stream.linear.gather [hbm4b:s14+s2], $0x50, $0x38;
	[tilespmem:$0x1E980] =	vst v63  }
0xfe: {  	s12 =	smul.u32 $0x140, s12;
	s13 =	sadd.s32 s5, s13  }
0xff: {  	[tilespmem:s20], [sflag:$0x2] =	stream.linear.gather [hbm4b:s13+s2], $0x2800, $0x38;
	[tilespmem:$0x1E980] =	vst v63  }
0x100: {  	s12 =	sshrl.u32 s12, $0x2  }
0x101: {  	[tilespmem:s31], [sflag:$0x2] =	stream.indirect.gather [hbm4b:s4+s21], $0x80, s12, s21, $0xb8;
	[tilespmem:$0x1E980] =	vst v63  }
.LBB2_7:
0x102: {  	s12 =	simm.s32 $0x0  }
0x103: {  	v8 =	vld [tilespmem:s12+$0x5800]  }
0x104: {  	v12 =	vld [tilespmem:s12+$0x5810]  }
0x105: {  	v6 =	vld [tilespmem:s12+$0x5820]  }
0x106: {  	v5 =	vld [tilespmem:s12+$0x5830]  }
0x107: {  	v4 =	vld [tilespmem:s12+$0x5840]  }
0x108: {  	v3 =	vld [tilespmem:s12+$0x5850]  }
0x109: {  	v2 =	vld [tilespmem:s12+$0x5860]  }
0x10a: {  	v1 =	vld [tilespmem:s12+$0x5870]  }
0x10b: {  	v13 =	vld [tilespmem:s12+$0x800]  }
0x10c: {  	v14 =	vld [tilespmem:s12+$0x810]  }
0x10d: {  	v11 =	vld [tilespmem:s12+$0x820]  }
0x10e: {  	v10 =	vld [tilespmem:s12+$0x830]  }
0x10f: {  	v9 =	vld [tilespmem:s12+$0x840]  }
0x110: {  	v7 =	vld [tilespmem:s12+$0x850];
	v13 =	vmul.f32 v8, v13  }
0x111: {  	s13 =	simm.s32 $0x200;
	v12 =	vmul.f32 v12, v14;
	v8 =	vld [tilespmem:s12+$0x860]  }
.LBB2_8:
0x112: {  	s14 =	sshra.s32 s13, $0x2;
	p1 =	sne.s32 s13, $0x9E00;
	[tilespmem:s12+$0x800] =	vst v13;
	v6 =	vmul.f32 v6, v11;
	v11 =	vld [tilespmem:s12+$0x870]  }
0x113: {  	v13 =	vld [tilespmem:s14+$0x5800];
	[tilespmem:s12+$0x810] =	vst v12;
	v5 =	vmul.f32 v5, v10  }
0x114: {  	v12 =	vld [tilespmem:s14+$0x5810];
	[tilespmem:s12+$0x820] =	vst v6;
	v4 =	vmul.f32 v4, v9  }
0x115: {  	v6 =	vld [tilespmem:s14+$0x5820];
	[tilespmem:s12+$0x830] =	vst v5;
	v3 =	vmul.f32 v3, v7  }
0x116: {  	v5 =	vld [tilespmem:s14+$0x5830];
	[tilespmem:s12+$0x840] =	vst v4;
	v2 =	vmul.f32 v2, v8  }
0x117: {  	v4 =	vld [tilespmem:s14+$0x5840];
	[tilespmem:s12+$0x850] =	vst v3;
	v1 =	vmul.f32 v1, v11  }
0x118: {  	v3 =	vld [tilespmem:s14+$0x5850];
	[tilespmem:s12+$0x860] =	vst v2  }
0x119: {  	v2 =	vld [tilespmem:s14+$0x5860];
	[tilespmem:s12+$0x870] =	vst v1;
	s12 =	smov.u32 s14  }
0x11a: {  	v1 =	vld [tilespmem:s12+$0x5870]  }
0x11b: {  	v7 =	vld [tilespmem:s12+$0x800]  }
0x11c: {  	v8 =	vld [tilespmem:s12+$0x810]  }
.Ltmp7:
0x11d: {  	v11 =	vld [tilespmem:s12+$0x820];
	(pc) =	sbr.rel @p1 .LBB2_8-.Ltmp7, $4  }
0x11e: {  	v10 =	vld [tilespmem:s12+$0x830]  }
0x11f: {  	v9 =	vld [tilespmem:s12+$0x840]  }
0x120: {  	v13 =	vmul.f32 v13, v7;
	v7 =	vld [tilespmem:s12+$0x850]  }
0x121: {  	s13 =	sadd.s32 $0x200, s13;
	v12 =	vmul.f32 v12, v8;
	v8 =	vld [tilespmem:s12+$0x860]  }
0x122: {  	[tilespmem:s12+$0x800] =	vst v13;
	v6 =	vmul.f32 v6, v11;
	v63 =	vld [tilespmem:s12+$0x870]  }
0x123: {  	[tilespmem:s12+$0x810] =	vst v12;
	v5 =	vmul.f32 v5, v10  }
0x124: {  	[tilespmem:s12+$0x820] =	vst v6;
	v4 =	vmul.f32 v4, v9  }
0x125: {  	p1 =	sne.s32 s11, $0x0;
	[tilespmem:s12+$0x830] =	vst v5;
	v3 =	vmul.f32 v3, v7  }
.Ltmp8:
0x126: {  	[tilespmem:s12+$0x840] =	vst v4;
	v2 =	vmul.f32 v2, v8;
	(pc) =	sbr.rel @!p1 .LBB2_10-.Ltmp8, $4  }
0x127: {  	[tilespmem:s12+$0x850] =	vst v3;
	v1 =	vmul.f32 v1, v63  }
0x128: {  	[tilespmem:s12+$0x860] =	vst v2  }
0x129: {  	[tilespmem:s12+$0x870] =	vst v1  }
0x12a: {  	[spmem:s1] =	stream.indirect.scatter.add.f32 [tilespmem:s26], [sflag:$0x3], $0x80, s19, s21, $0xb8;
	[tilespmem:$0x1E980] =	vst v63  }
.LBB2_11:
0x12b: {  	s11 =	sadd.s32 $0x1, s10  }
0x12c: {  	s12 =	smulhi.u32 $0x51EB851F, s11;
	_ =	sdelay $0x1  }
0x12d: {  	s12 =	sshrl.u32 s12, $0x3  }
0x12e: {  	_ =	swait.ge [sflag:s28], $0x50;
	s12 =	smul.u32 $0x19, s12  }
0x12f: {  	[sflag:s28] =	ssyncset.done $0x0  }
0x130: {  	[sflag:s28] =	ssyncadd.s32 $0xFFFFFFB0;
	s12 =	ssub.s32 s11, s12  }
0x131: {  	_ =	swait.ge [sflag:s28], $0x2800;
	p1 =	sne.s32 s12, $0x0  }
0x132: {  	[sflag:s28] =	ssyncset.done $0x0;
	s13 =	smulhi.u32 @!p1 $0x51EB851F, s11  }
0x133: {  	[sflag:s28] =	ssyncadd.s32 $0xFFFFD800  }
0x134: {  	_ =	swait.ge [sflag:s28], $0x2800;
	s13 =	sshrl.u32 @!p1 s13, $0x3  }
0x135: {  	[sflag:s28] =	ssyncset.done $0x0;
	s13 =	smul.u32 @!p1 $0x7D0, s13  }
0x136: {  	[sflag:s28] =	ssyncadd.s32 $0xFFFFD800  }
0x137: {  	_ =	swait.ge [sflag:s29], $0x2800;
	s13 =	sadd.s32 @!p1 s8, s13  }
0x138: {  	p2 =	seq.s32 s10, $0x7C;
	[sflag:s29] =	ssyncset.done $0x0;
	s13 =	sshrl.u32 @!p1 s13, $0x3  }
0x139: {  	s14 =	simm.s32 @!p1 $0x0;
	[sflag:s29] =	ssyncadd.s32 $0xFFFFD800;
	s13 =	sadd.s32 @!p1 s6, s13  }
0x13a: {  	[tilespmem:s14], [sflag:$0x4] =	stream.linear.gather @!p1 [hbm4b:s13+s14], $0x7D0, $0x38;
	[tilespmem:$0x1E980] =	vst v63  }
0x13b: {  	s10 =	simm.s32 @!p1 $0x4;
	s13 =	smul.u32 @!p2 $0x50, s11  }
0x13c: {  	_ =	swait.ge @!p1 [sflag:s10], $0x7D0  }
0x13d: {  	[sflag:s10] =	ssyncset.done @!p1 $0x0;
	s13 =	sadd.s32 @!p2 s8, s13  }
0x13e: {  	[sflag:s10] =	ssyncadd.s32 @!p1 $0xFFFFF830;
	s10 =	sshrl.u32 @!p2 s13, $0x3  }
0x13f: {  	s15 =	simm.s32 @!p2 $0xA800;
	s14 =	simm.s32 @!p2 $0x0;
	s10 =	sadd.s32 @!p2 s7, s10  }
0x140: {  	[tilespmem:s15], [sflag:$0x1] =	stream.linear.gather @!p2 [hbm4b:s10+s14], $0x50, $0x38;
	[tilespmem:$0x1E980] =	vst v63  }
0x141: {  	s10 =	sshll.u32 @!p2 s13, $0x4  }
0x142: {  	s12 =	smul.u32 @!p2 $0x140, s12;
	s13 =	simm.s32 @!p2 $0x5800;
	s10 =	sadd.s32 @!p2 s5, s10  }
0x143: {  	[tilespmem:s13], [sflag:$0x1] =	stream.linear.gather @!p2 [hbm4b:s10+s14], $0x2800, $0x38;
	[tilespmem:$0x1E980] =	vst v63  }
0x144: {  	s10 =	sshra.s32 @!p2 s12, $0x2;
	s12 =	simm.s32 @!p2 $0x50;
	s13 =	simm.s32 @!p2 $0x800  }
0x145: {  	[tilespmem:s13], [sflag:$0x1] =	stream.indirect.gather @!p2 [hbm4b:s4+s12], $0x80, s10, s12, $0xb8;
	[tilespmem:$0x1E980] =	vst v63  }
0x146: {  	s10 =	simm.s32 $0x0  }
0x147: {  	v8 =	vld [tilespmem:s10+$0x8000]  }
0x148: {  	v12 =	vld [tilespmem:s10+$0x8010]  }
0x149: {  	v6 =	vld [tilespmem:s10+$0x8020]  }
0x14a: {  	v5 =	vld [tilespmem:s10+$0x8030]  }
0x14b: {  	v4 =	vld [tilespmem:s10+$0x8040]  }
0x14c: {  	v3 =	vld [tilespmem:s10+$0x8050]  }
0x14d: {  	v2 =	vld [tilespmem:s10+$0x8060]  }
0x14e: {  	v1 =	vld [tilespmem:s10+$0x8070]  }
0x14f: {  	v13 =	vld [tilespmem:s10+$0x3000]  }
0x150: {  	v14 =	vld [tilespmem:s10+$0x3010]  }
0x151: {  	v11 =	vld [tilespmem:s10+$0x3020]  }
0x152: {  	v10 =	vld [tilespmem:s10+$0x3030]  }
0x153: {  	v9 =	vld [tilespmem:s10+$0x3040]  }
0x154: {  	v7 =	vld [tilespmem:s10+$0x3050];
	v13 =	vmul.f32 v8, v13  }
0x155: {  	s12 =	simm.s32 $0x200;
	v12 =	vmul.f32 v12, v14;
	v8 =	vld [tilespmem:s10+$0x3060]  }
.LBB2_12:
0x156: {  	s13 =	sshra.s32 s12, $0x2;
	p1 =	sne.s32 s12, $0x9E00;
	[tilespmem:s10+$0x3000] =	vst v13;
	v6 =	vmul.f32 v6, v11;
	v11 =	vld [tilespmem:s10+$0x3070]  }
0x157: {  	v13 =	vld [tilespmem:s13+$0x8000];
	[tilespmem:s10+$0x3010] =	vst v12;
	v5 =	vmul.f32 v5, v10  }
0x158: {  	v12 =	vld [tilespmem:s13+$0x8010];
	[tilespmem:s10+$0x3020] =	vst v6;
	v4 =	vmul.f32 v4, v9  }
0x159: {  	v6 =	vld [tilespmem:s13+$0x8020];
	[tilespmem:s10+$0x3030] =	vst v5;
	v3 =	vmul.f32 v3, v7  }
0x15a: {  	v5 =	vld [tilespmem:s13+$0x8030];
	[tilespmem:s10+$0x3040] =	vst v4;
	v2 =	vmul.f32 v2, v8  }
0x15b: {  	v4 =	vld [tilespmem:s13+$0x8040];
	[tilespmem:s10+$0x3050] =	vst v3;
	v1 =	vmul.f32 v1, v11  }
0x15c: {  	v3 =	vld [tilespmem:s13+$0x8050];
	[tilespmem:s10+$0x3060] =	vst v2  }
0x15d: {  	v2 =	vld [tilespmem:s13+$0x8060];
	[tilespmem:s10+$0x3070] =	vst v1;
	s10 =	smov.u32 s13  }
0x15e: {  	v1 =	vld [tilespmem:s10+$0x8070]  }
0x15f: {  	v7 =	vld [tilespmem:s10+$0x3000]  }
0x160: {  	v8 =	vld [tilespmem:s10+$0x3010]  }
.Ltmp9:
0x161: {  	v11 =	vld [tilespmem:s10+$0x3020];
	(pc) =	sbr.rel @p1 .LBB2_12-.Ltmp9, $4  }
0x162: {  	v10 =	vld [tilespmem:s10+$0x3030]  }
0x163: {  	v9 =	vld [tilespmem:s10+$0x3040]  }
0x164: {  	v13 =	vmul.f32 v13, v7;
	v7 =	vld [tilespmem:s10+$0x3050]  }
0x165: {  	s12 =	sadd.s32 $0x200, s12;
	v12 =	vmul.f32 v12, v8;
	v8 =	vld [tilespmem:s10+$0x3060]  }
0x166: {  	[tilespmem:s10+$0x3000] =	vst v13;
	v6 =	vmul.f32 v6, v11;
	v63 =	vld [tilespmem:s10+$0x3070]  }
0x167: {  	[tilespmem:s10+$0x3010] =	vst v12;
	v5 =	vmul.f32 v5, v10  }
0x168: {  	[tilespmem:s10+$0x3020] =	vst v6;
	v4 =	vmul.f32 v4, v9  }
0x169: {  	[tilespmem:s10+$0x3030] =	vst v5;
	v3 =	vmul.f32 v3, v7  }
.Ltmp10:
0x16a: {  	[tilespmem:s10+$0x3040] =	vst v4;
	v2 =	vmul.f32 v2, v8;
	(pc) =	sbr.rel .LBB2_14-.Ltmp10, $4  }
0x16b: {  	[tilespmem:s10+$0x3050] =	vst v3;
	v1 =	vmul.f32 v1, v63  }
0x16c: {  	[tilespmem:s10+$0x3060] =	vst v2  }
0x16d: {  	[tilespmem:s10+$0x3070] =	vst v1  }
0x16e: {  	[spmem:s1] =	stream.indirect.scatter.add.f32 [tilespmem:s31], [sflag:$0x3], $0x80, s30, s21, $0xb8;
	[tilespmem:$0x1E980] =	vst v63  }
.LBB2_16:
0x16f: {  	_ =	sfence.sel $0x180000  }
0x170: {  	[bflag:$0x0] =	sbarrier.arrive $0xFFFF  }
0x171: {  	_ =	strace $0x9000004A  }
0x172: {  	[bflag:$0x2] =	sbarrier.arrive $0xFFFF  }
0x173: {  	p0 =	sne.s32 s3, $0x0;
	s0 =	rddreg [dreg:$0x2]  }
0x174: {  	s0 =	sadd.s32 @!p0 $0x100000, s0  }
0x175: {  	[sflag:s0] =	ssyncadd.tile.s32 @!p0 $0x1;
	_ =	shalt  }
.Lfunc_end2:
_tile_overlayer_lowered:
.L_overlay_start_2:
0x176: {  	(tag) =	ssettag $0x2  }
0x177: {  	s0 =	rddreg [dreg:$0x0];
	s2 =	stileid.u32  }
0x178: {  	s1 =	rddreg [dreg:$0x1];
	p0 =	sne.s32 s2, $0x0  }
0x179: {  	s3 =	rddreg [dreg:$0x2];
	[bflag:$0x3] =	sbarrier.arrive $0xFFFF;
	s2 =	simm.s32 @!p0 $0x1C04  }
0x17a: {  	[timem:s3], [sflag:s2] =	dma.local @!p0 [hbm:s0], s1  }
0x17b: {  	s0 =	simm.s32 @!p0 $0x4  }
0x17c: {  	_ =	swait.ge @!p0 [sflag:s0], s1  }
0x17d: {  	s1 =	ssub.s32 @!p0 $0x0, s1;
	[sflag:s0] =	ssyncset.done @!p0 $0x0  }
0x17e: {  	[sflag:s0] =	ssyncadd.s32 @!p0 s1  }
0x17f: {  	[bflag:$0x3] =	sbarrier.arrive $0xFFFF  }
0x180: {  	_ =	shalt  }

// kernel: _run.15.cloned.1.call-start
scs
__scs_entry_jumppad:
0x0: {  	(pc) =	sbr.rel $0x88, $3  }
0x1: {  	(tag) =	ssettag $0x0;
	lr =	simm.s32 $0x1  }
0x2: {  	[smem:$0x3F99] =	sst lr;
	_ =	strace $0xD0000000  }
0x3: {  	_ = 	snop  }
0x4: {  	_ = 	snop  }
0x5: {  	_ = 	snop  }
0x6: {  	_ = 	snop  }
0x7: {  	_ = 	snop  }
__scs_overlays_trampoline_lowered:
0x8: {  	[smem:$0x3FA8] =	sst s0  }
0x9: {  	[smem:$0x3FA9] =	sst s1  }
0xa: {  	[smem:$0x3FAA] =	sst s2  }
0xb: {  	[smem:$0x3FAB] =	sst s3  }
0xc: {  	[smem:$0x3FAC] =	sst s4  }
0xd: {  	[smem:$0x3FAD] =	sst s5  }
0xe: {  	[smem:$0x3FAE] =	sst s6  }
0xf: {  	[smem:$0x3FAF] =	sst s7  }
0x10: {  	[smem:$0x3FB0] =	sst s8  }
0x11: {  	[smem:$0x3FB1] =	sst s9;
	s0 =	simm.s32 @!p0 $0x0  }
0x12: {  	s1 =	sld [smem:$0x3F97];
	s0 =	simm.s32 @p0 $0x1  }
0x13: {  	[smem:$0x3FB2] =	sst s0;
	s0 =	simm.s32 @!p1 $0x0  }
0x14: {  	s2 =	sld [smem:$0x3F96];
	s0 =	simm.s32 @p1 $0x1  }
0x15: {  	[smem:$0x3FB3] =	sst s0;
	s0 =	simm.s32 @!p2 $0x0  }
0x16: {  	s3 =	sld [smem:$0x3FDB];
	s0 =	simm.s32 @p2 $0x1  }
0x17: {  	s4 =	simm.s32 $0x1BF5;
	[smem:$0x3FB5] =	sst s0  }
0x18: {  	s0 =	sld [smem:$0x3F98];
	_ =	swait.ge [sflag:s4], $0x0  }
0x19: {  	s7 =	sld [smem:$0x3F99]  }
0x1a: {  	s8 =	sadd.s32 $0xFFFFE003, lr  }
0x1b: {  	s9 =	sadd.s32 $0xFFFFFEF7, lr;
	s5 =	simm.s32 $0xFFFFFFFF;
	p2 =	slt.u32 s8, $0xFFFFF086  }
0x1c: {  	p1 =	slt.u32 s9, $0xF7A;
	s5 =	simm.s32 @!p2 $0x0  }
0x1d: {  	s5 =	simm.s32 @p1 $0x1;
	p0 =	seq.s32 s7, s2  }
0x1e: {  	s7 =	smul.u32 @!p0 $0xF7A, s2;
	p2 =	seq.s32 @!p0 s5, $0x0  }
0x1f: {  	s9 =	smul.u32 $0xF7A, s1;
	s8 =	simm.s32 @!p0 $0x1BF5;
	p2 =	por !p2, p0  }
0x20: {  	[sflag:s8] =	ssyncset.s32 @!p0 $0xFFFFF086;
	s6 =	sadd.s32 @!p0 s3, s7;
	s7 =	simm.s32 @!p0 $0x108  }
0x21: {  	s3 =	sadd.s32 s3, s9;
	s6 =	sadd.s32 @!p0 $0x88, s6;
	s7 =	simm.s32 @p2 $0x1082  }
0x22: {  	[simem:s7], [sflag:s8] =	dma.local @!p0 [hbm:s6], $0xF7A  }
0x23: {  	s9 =	sor.u32 $0xD0000000, s2;
	s6 =	simm.s32 $0x108;
	_ =	swait.ge @!p0 [sflag:s8], $0x0  }
0x24: {  	s3 =	sadd.s32 $0x88, s3;
	s6 =	simm.s32 @!p1 $0x1082;
	[sflag:s4] =	ssyncset.s32 $0xFFFFF086  }
0x25: {  	[simem:s6], [sflag:s4] =	dma.local [hbm:s3], $0xF7A  }
0x26: {  	[smem:$0x3F99] =	sst s1;
	(tag) =	ssettag s2;
	_ =	strace s9  }
0x27: {  	s1 =	sld [smem:$0x3FA9]  }
0x28: {  	s2 =	sld [smem:$0x3FAA]  }
0x29: {  	s4 =	sld [smem:$0x3FAC]  }
0x2a: {  	p0 =	seq.s32 s5, $0x0;
	s5 =	sld [smem:$0x3FAD]  }
0x2b: {  	s6 =	sld [smem:$0x3FAE]  }
0x2c: {  	s7 =	sld [smem:$0x3FAF]  }
0x2d: {  	s3 =	simm.s32 $0x108;
	s8 =	sld [smem:$0x3FB0]  }
0x2e: {  	s3 =	simm.s32 @!p0 $0x1082;
	s9 =	sld [smem:$0x3FB1]  }
0x2f: {  	lr =	sadd.s32 s0, s3;
	s0 =	sld [smem:$0x3FA8]  }
0x30: {  	s3 =	sld [smem:$0x3FAB]  }
0x31: {  	[smem:$0x3FB4] =	sst s10  }
0x32: {  	s10 =	sld [smem:$0x3FB2];
	_ =	sdelay $0x3  }
0x33: {  	p0 =	seq.s32 s10, $0x1;
	s10 =	sld [smem:$0x3FB4];
	_ =	sdelay $0x3  }
0x34: {  	[smem:$0x3FB4] =	sst s10  }
0x35: {  	s10 =	sld [smem:$0x3FB3];
	_ =	sdelay $0x3  }
0x36: {  	p1 =	seq.s32 s10, $0x1;
	s10 =	sld [smem:$0x3FB4];
	_ =	sdelay $0x3  }
0x37: {  	[smem:$0x3FB4] =	sst s10  }
0x38: {  	s10 =	sld [smem:$0x3FB5]  }
0x39: {  	_ = 	snop;
	(pc) =	sbr.ind lr, $3  }
0x3a: {  	_ = 	snop  }
0x3b: {  	_ = 	snop  }
0x3c: {  	p2 =	seq.s32 s10, $0x1;
	s10 =	sld [smem:$0x3FB4]  }
0x3d: {  	_ =	shalt  }
0x3e: {  	_ =	shalt  }
0x3f: {  	_ =	shalt  }
0x40: {  	_ =	shalt  }
0x41: {  	_ =	shalt  }
0x42: {  	_ =	shalt  }
0x43: {  	_ =	shalt  }
0x44: {  	_ =	shalt  }
0x45: {  	_ =	shalt  }
0x46: {  	_ =	shalt  }
0x47: {  	_ =	shalt  }
0x48: {  	_ =	shalt  }
0x49: {  	_ =	shalt  }
0x4a: {  	_ =	shalt  }
0x4b: {  	_ =	shalt  }
0x4c: {  	_ =	shalt  }
0x4d: {  	_ =	shalt  }
0x4e: {  	_ =	shalt  }
0x4f: {  	_ =	shalt  }
0x50: {  	_ =	shalt  }
0x51: {  	_ =	shalt  }
0x52: {  	_ =	shalt  }
0x53: {  	_ =	shalt  }
0x54: {  	_ =	shalt  }
0x55: {  	_ =	shalt  }
0x56: {  	_ =	shalt  }
0x57: {  	_ =	shalt  }
0x58: {  	_ =	shalt  }
0x59: {  	_ =	shalt  }
0x5a: {  	_ =	shalt  }
0x5b: {  	_ =	shalt  }
0x5c: {  	_ =	shalt  }
0x5d: {  	_ =	shalt  }
0x5e: {  	_ =	shalt  }
0x5f: {  	_ =	shalt  }
0x60: {  	_ =	shalt  }
0x61: {  	_ =	shalt  }
0x62: {  	_ =	shalt  }
0x63: {  	_ =	shalt  }
0x64: {  	_ =	shalt  }
0x65: {  	_ =	shalt  }
0x66: {  	_ =	shalt  }
0x67: {  	_ =	shalt  }
0x68: {  	_ =	shalt  }
0x69: {  	_ =	shalt  }
0x6a: {  	_ =	shalt  }
0x6b: {  	_ =	shalt  }
0x6c: {  	_ =	shalt  }
0x6d: {  	_ =	shalt  }
0x6e: {  	_ =	shalt  }
0x6f: {  	_ =	shalt  }
0x70: {  	_ =	shalt  }
0x71: {  	_ =	shalt  }
0x72: {  	_ =	shalt  }
0x73: {  	_ =	shalt  }
0x74: {  	_ =	shalt  }
0x75: {  	_ =	shalt  }
0x76: {  	_ =	shalt  }
0x77: {  	_ =	shalt  }
0x78: {  	_ =	shalt  }
0x79: {  	_ =	shalt  }
0x7a: {  	_ =	shalt  }
0x7b: {  	_ =	shalt  }
0x7c: {  	_ =	shalt  }
0x7d: {  	_ =	shalt  }
0x7e: {  	_ =	shalt  }
0x7f: {  	_ =	shalt  }
0x80: {  	_ =	shalt  }
0x81: {  	_ =	shalt  }
0x82: {  	_ =	shalt  }
0x83: {  	_ =	shalt  }
0x84: {  	_ =	shalt  }
0x85: {  	_ =	shalt  }
0x86: {  	_ =	shalt  }
0x87: {  	_ =	shalt  }
.Lfunc_end0:
.L_simem_size_0:
called_computation.2_lowered:
.L_overlay_start_0:
0x88: {  	s2 =	sld [smem:$0x3FD9]  }
0x89: {  	s3 =	sld [smem:$0x3FFE];
	_ =	sdelay $0x1  }
0x8a: {  	s1 =	srdreg.scid  }
0x8b: {  	s0 =	sand.u32 $0x1, s1  }
0x8c: {  	s16 =	sshll.u32 s0, $0xA;
	s2 =	sadd.s32 s3, s2  }
0x8d: {  	s2 =	sadd.s32 s2, s16  }
0x8e: {  	[smem:$0x3FC0] =	sst s2  }
0x8f: {  	_ = 	snop  }
0x90: {  	(tm) =	ssettm $0x1  }
0x91: {  	s17 =	sld [smem:$0x3FFB];
	_ =	sdelay $0x3  }
0x92: {  	_ =	strace s17  }
0x93: {  	s2 =	sld [smem:$0x3FFC];
	_ =	sdelay $0x3  }
0x94: {  	_ =	strace s2  }
0x95: {  	s2 =	sld [smem:$0x3FFD];
	_ =	sdelay $0x3  }
0x96: {  	_ =	strace s2  }
0x97: {  	_ =	strace $0x8FFFFFFF  }
0x98: {  	s18 =	sld [smem:$0x3FDB];
	_ =	sdelay $0x1  }
0x99: {  	s19 =	simm.s32 $_scs_section_size  }
0x9a: {  	s4 =	simm.s32 $_size__tile_overlayer_lowered;
	s5 =	simm.s32 $_tile_overlayer_lowered  }
0x9b: {  	s22 =	simm.s32 $0x1BFF;
	s21 =	sshll.u32 s5, $0x1;
	s2 =	sadd.s32 s19, s18  }
0x9c: {  	s6 =	simm.s32 $0x0;
	s20 =	sshll.u32 s4, $0x1;
	s4 =	sadd.s32 s21, s2  }
0x9d: {  	[timem:s6], [sflag:s22] =	dma.local [hbm:s4], s20  }
0x9e: {  	_ =	swait.ge [sflag:s22], s20  }
0x9f: {  	s3 =	ssub.s32 $0x0, s20;
	[sflag:s22] =	ssyncset.done $0x0  }
0xa0: {  	[sflag:s22] =	ssyncadd.s32 s3;
	_ =	sdelay $0x1  }
0xa1: {  	s23 =	simm.s32 $0x1B8B  }
0xa2: {  	_ =	swait.ge [sflag:s23], $0x1  }
0xa3: {  	[sflag:s23] =	ssyncset.done $0x0  }
0xa4: {  	s25 =	simm.s32 $0x1B8E;
	s24 =	sld [smem:$0x3FFE];
	[sflag:s23] =	ssyncadd.s32 $0xFFFFFFFF  }
0xa5: {  	s26 =	simm.s32 $execute0_lowered;
	[smem:$0x3FD2] =	sst s25  }
0xa6: {  	s4 =	sshll.u32 s26, $0x1;
	_ =	strace $0x8000004C;
	[dreg:$0x1] =	wrdreg $0xFFFFFFFF  }
0xa7: {  	s28 =	simm.s32 $_size_execute0_lowered;
	s2 =	sadd.s32 s2, s4;
	[dreg:$0x0] =	wrdreg $0x0  }
0xa8: {  	s4 =	sshll.u32 s28, $0x1;
	[dreg:$0x2] =	wrdreg s2  }
0xa9: {  	[dreg:$0x3] =	wrdreg s4  }
0xaa: {  	[dreg:$0x4] =	wrdreg $0xC0  }
0xab: {  	_ =	task [dreg:s6], $0x5FFFF  }
0xac: {  	[dreg:$0x1] =	wrdreg $0xFFFFFFFF  }
0xad: {  	[dreg:$0x0] =	wrdreg $0x60  }
0xae: {  	[dreg:$0x2] =	wrdreg s24  }
0xaf: {  	[dreg:$0x3] =	wrdreg $0xB1000  }
0xb0: {  	[dreg:$0x4] =	wrdreg $0x9  }
0xb1: {  	_ =	task.clear_ibuf [dreg:s6], $0x5FFFF;
	_ =	strace $0x9000004C  }
0xb2: {  	s29 =	simm.s32 $0x9;
	_ =	strace $0x8000004E  }
0xb3: {  	_ =	swait.ge [sflag:s29], $0x1  }
0xb4: {  	[sflag:s29] =	ssyncadd.s32 $0xFFFFFFFF  }
0xb5: {  	_ =	strace $0x9000004E  }
0xb6: {  	_ =	sfence  }
0xb7: {  	s30 =	sld [smem:$0x0];
	_ =	sdelay $0x2  }
0xb8: {  	s31 =	sshll.u32 s1, $0xD;
	s1 =	sshrl.u32 s1, $0x2  }
0xb9: {  	s3 =	sand.u32 $0x4000, s31;
	s1 =	sadd.s32 s1, s30  }
0xba: {  	s0 =	sor.u32 s3, s0;
	s1 =	sshll.u32 s1, $0x11  }
0xbb: {  	s0 =	sor.u32 s1, s0  }
0xbc: {  	s0 =	sadd.s32 $0x8F2B, s0  }
0xbd: {  	[sflag:s0] =	ssyncadd.remote.s32 $0x1  }
0xbe: {  	_ =	sfence.sel $0xFFFF  }
0xbf: {  	[dreg:$0x0] =	wrdreg $0xFFFFFFFF;
	(pc) =	sbr.abs _section_cstart, $3  }
0xc0: {  	[dreg:$0x1] =	wrdreg $0xFFFFFFFF  }
0xc1: {  	_ =	task.clear_ibuf [dreg:s6], $0x2FFFF;
	_ =	strace $0x9FFFFFFF  }
0xc2: {  	(tm) =	ssettm $0x7FFFFFFF  }
0xc3: {  	_ =	shalt  }
tec
execute0_lowered:
.L_overlay_start_1:
0x0: {  	(tag) =	ssettag $0x1  }
0x1: {  	s0 =	rddreg [dreg:$0x0]  }
0x2: {  	s1 =	rddreg [dreg:$0x1]  }
0x3: {  	s2 =	simm.s32 $0x0;
	s3 =	srdreg.scid;
	s28 =	simm.s32 $0x2  }
0x4: {  	s29 =	simm.s32 $0x3;
	s9 =	sand.u32 $0x1, s3;
	s3 =	stileid.u32  }
0x5: {  	s7 =	sshll.u32 s9, $0x4;
	s11 =	ssub.s32 $0x2, s9;
	s9 =	smul.u32 $0x138800, s9  }
0x6: {  	s30 =	simm.s32 $0xA880;
	s31 =	simm.s32 $0x3000;
	s13 =	smul.u32 $0x6400, s3  }
0x7: {  	[smem:$0x7FF] =	sst s2;
	s15 =	smul.u32 $0x19000, s3;
	s16 =	sor.u32 $0x10, s3  }
0x8: {  	s4 =	sadd.s32 $0x15800, s0;
	s5 =	sadd.s32 $0x46C00, s0;
	s18 =	smul.u32 $0x6400, s16  }
0x9: {  	s6 =	sadd.s32 $0xB200, s0;
	s22 =	sor.u32 $0x20, s3;
	s21 =	smul.u32 $0x19000, s16  }
0xa: {  	_ =	strace $0x8000004D;
	s24 =	sor.u32 $0x30, s3;
	s23 =	smul.u32 $0x19000, s22  }
0xb: {  	s10 =	sor.u32 s3, s7;
	s7 =	sadd.s32 $0x1400, s0;
	s16 =	smul.u32 $0x6400, s24  }
0xc: {  	s0 =	sadd.s32 $0x546C00, s0;
	s12 =	sshrl.u32 s11, $0x1;
	s8 =	smul.u32 $0x2710, s10  }
0xd: {  	p0 =	sgt.u32 s24, $0x31;
	s11 =	ssub.s32 s11, s12;
	s10 =	smul.u32 $0x27100, s10  }
0xe: {  	s19 =	sshrl.u32 s15, $0x2;
	s15 =	smul.u32 $0x6400, s22;
	s11 =	smax.u32 s11, $0x1  }
0xf: {  	s20 =	sadd.s32 s9, s18;
	s18 =	simm.s32 $0x4;
	s26 =	sshrl.u32 s8, $0x3  }
0x10: {  	s10 =	sadd.s32 s5, s10;
	[dreg:$0x6] =	wrdreg s11;
	s11 =	sshrl.u32 s20, $0x3  }
0x11: {  	s15 =	sadd.s32 s9, s15;
	s14 =	sadd.s32 s6, s26;
	[dreg:$0x5] =	wrdreg s10  }
0x12: {  	s20 =	simm.s32 $0x8000;
	s12 =	sadd.s32 s7, s26;
	[dreg:$0x3] =	wrdreg s14  }
0x13: {  	s11 =	sadd.s32 s0, s11;
	s15 =	sshrl.u32 s15, $0x3;
	[dreg:$0x4] =	wrdreg s12  }
0x14: {  	s26 =	sshll.u32 s3, $0xB;
	s14 =	sadd.s32 s9, s13;
	[dreg:$0x8] =	wrdreg s11  }
0x15: {  	s12 =	sshrl.u32 s21, $0x2;
	s25 =	sadd.s32 s0, s15;
	s11 =	sshrl.u32 s23, $0x2  }
0x16: {  	s9 =	sadd.s32 s9, s16;
	s21 =	simm.s32 $0x50;
	s17 =	sshrl.u32 s14, $0x3  }
0x17: {  	s12 =	sadd.s32 s12, s1;
	[dreg:$0x9] =	wrdreg s25;
	s11 =	sadd.s32 s11, s1  }
0x18: {  	s9 =	sshrl.u32 s9, $0x3;
	s10 =	sadd.s32 s0, s17;
	s17 =	smul.u32 $0x19000, s24  }
.Ltmp0:
0x19: {  	s16 =	sadd.s32 s0, s9;
	s23 =	sshrl.u32 s12, $0x3;
	(pc) =	sbr.rel .LBB2_1-.Ltmp0, $4  }
0x1a: {  	s24 =	sshrl.u32 s11, $0x3;
	s9 =	simm.s32 $0x0;
	[dreg:$0x7] =	wrdreg s10  }
0x1b: {  	s10 =	sadd.s32 s19, s1;
	s19 =	simm.s32 $0xA800;
	s17 =	sshrl.u32 s17, $0x2  }
0x1c: {  	s22 =	sshrl.u32 s10, $0x3;
	s0 =	sadd.s32 s17, s1;
	s17 =	sadd.s32 s26, s1  }
0x1d: {  	v0 =	vimm.f32 $0.0e+00;
	s26 =	simm.s32 $0x800;
	s25 =	sshrl.u32 @!p0 s0, $0x3;
	s0 =	simm.s32 $0x1  }
.LBB2_15:
0x1e: {  	_ =	swait.ge [sflag:s29], $0x2800  }
0x1f: {  	[sflag:s29] =	ssyncset.done $0x0  }
0x20: {  	[sflag:s29] =	ssyncadd.s32 $0xFFFFD800  }
0x21: {  	s10 =	sshll.u32 s3, $0x6;
	[bflag:$0x0] =	sbarrier.arrive $0xFFFF  }
0x22: {  	s10 =	sor.u32 $0x1C04, s10;
	s11 =	rddreg [dreg:$0x7]  }
0x23: {  	[hbm:s11], [sflag:s10] =	dma.local [spmem:s22], $0xC80  }
0x24: {  	_ =	swait.ge [sflag:s18], $0xC80  }
0x25: {  	[sflag:s18] =	ssyncset.done $0x0  }
0x26: {  	s13 =	rddreg [dreg:$0x8];
	[sflag:s18] =	ssyncadd.s32 $0xFFFFF380  }
0x27: {  	[hbm:s13], [sflag:s10] =	dma.local [spmem:s23], $0xC80  }
0x28: {  	_ =	swait.ge [sflag:s18], $0xC80  }
0x29: {  	[sflag:s18] =	ssyncset.done $0x0  }
0x2a: {  	s14 =	rddreg [dreg:$0x9];
	[sflag:s18] =	ssyncadd.s32 $0xFFFFF380  }
0x2b: {  	[hbm:s14], [sflag:s10] =	dma.local [spmem:s24], $0xC80  }
0x2c: {  	_ =	swait.ge [sflag:s18], $0xC80  }
0x2d: {  	[sflag:s18] =	ssyncset.done $0x0  }
0x2e: {  	[sflag:s18] =	ssyncadd.s32 $0xFFFFF380  }
0x2f: {  	[hbm:s16], [sflag:s10] =	dma.local @!p0 [spmem:s25], $0xC80  }
0x30: {  	s10 =	simm.s32 @!p0 $0x4  }
0x31: {  	_ =	swait.ge @!p0 [sflag:s10], $0xC80  }
0x32: {  	s9 =	sadd.s32 $0x1, s9;
	s15 =	rddreg [dreg:$0x6]  }
0x33: {  	p1 =	sne.s32 s9, s15  }
.Ltmp1:
0x34: {  	_ = 	snop;
	(pc) =	sbr.rel @!p1 .LBB2_16-.Ltmp1, $3  }
0x35: {  	_ =	sdelay $0x1  }
0x36: {  	[sflag:s10] =	ssyncset.done @!p0 $0x0  }
0x37: {  	[sflag:s10] =	ssyncadd.s32 @!p0 $0xFFFFF380  }
.LBB2_1:
0x38: {  	s10 =	rddreg [dreg:$0x3]  }
0x39: {  	[tilespmem:s2], [sflag:$0x4] =	stream.linear.gather [hbm4b:s10+s2], $0x7D0, $0x38;
	[tilespmem:$0x1E980] =	vst v63  }
0x3a: {  	_ =	swait.ge [sflag:s18], $0x7D0  }
0x3b: {  	[sflag:s18] =	ssyncset.done $0x0  }
0x3c: {  	[sflag:s18] =	ssyncadd.s32 $0xFFFFF830  }
0x3d: {  	[tilespmem:$0xA900] =	vst v0  }
0x3e: {  	[tilespmem:$0xA910] =	vst v0  }
0x3f: {  	[tilespmem:$0xA920] =	vst v0  }
0x40: {  	[tilespmem:$0xA930] =	vst v0  }
0x41: {  	[tilespmem:$0xA940] =	vst v0  }
0x42: {  	[tilespmem:$0xA950] =	vst v0  }
0x43: {  	[tilespmem:$0xA960] =	vst v0  }
0x44: {  	[tilespmem:$0xA970] =	vst v0  }
0x45: {  	[tilespmem:$0xA980] =	vst v0  }
0x46: {  	[tilespmem:$0xA990] =	vst v0  }
0x47: {  	[tilespmem:$0xA9A0] =	vst v0  }
0x48: {  	[tilespmem:$0xA9B0] =	vst v0  }
0x49: {  	[tilespmem:$0xA9C0] =	vst v0  }
0x4a: {  	[tilespmem:$0xA9D0] =	vst v0  }
0x4b: {  	[tilespmem:$0xA9E0] =	vst v0  }
0x4c: {  	[tilespmem:$0xA9F0] =	vst v0  }
0x4d: {  	[tilespmem:$0xAA00] =	vst v0  }
0x4e: {  	[tilespmem:$0xAA10] =	vst v0  }
0x4f: {  	[tilespmem:$0xAA20] =	vst v0  }
0x50: {  	[tilespmem:$0xAA30] =	vst v0  }
0x51: {  	[tilespmem:$0xAA40] =	vst v0  }
0x52: {  	[tilespmem:$0xAA50] =	vst v0  }
0x53: {  	[tilespmem:$0xAA60] =	vst v0  }
0x54: {  	[tilespmem:$0xAA70] =	vst v0  }
0x55: {  	[tilespmem:$0xAA80] =	vst v0  }
0x56: {  	[tilespmem:$0xAA90] =	vst v0  }
0x57: {  	[tilespmem:$0xAAA0] =	vst v0  }
0x58: {  	[tilespmem:$0xAAB0] =	vst v0  }
0x59: {  	[tilespmem:$0xAAC0] =	vst v0  }
0x5a: {  	[tilespmem:$0xAAD0] =	vst v0  }
0x5b: {  	[tilespmem:$0xAAE0] =	vst v0  }
0x5c: {  	[tilespmem:$0xAAF0] =	vst v0  }
0x5d: {  	[tilespmem:$0xAB00] =	vst v0  }
0x5e: {  	[tilespmem:$0xAB10] =	vst v0  }
0x5f: {  	[tilespmem:$0xAB20] =	vst v0  }
0x60: {  	[tilespmem:$0xAB30] =	vst v0  }
0x61: {  	[tilespmem:$0xAB40] =	vst v0  }
0x62: {  	[tilespmem:$0xAB50] =	vst v0  }
0x63: {  	[tilespmem:$0xAB60] =	vst v0  }
0x64: {  	[tilespmem:$0xAB70] =	vst v0  }
0x65: {  	[tilespmem:$0xAB80] =	vst v0  }
0x66: {  	[tilespmem:$0xAB90] =	vst v0  }
0x67: {  	[tilespmem:$0xABA0] =	vst v0  }
0x68: {  	[tilespmem:$0xABB0] =	vst v0  }
0x69: {  	[tilespmem:$0xABC0] =	vst v0  }
0x6a: {  	[tilespmem:$0xABD0] =	vst v0  }
0x6b: {  	[tilespmem:$0xABE0] =	vst v0  }
0x6c: {  	[tilespmem:$0xABF0] =	vst v0  }
0x6d: {  	[tilespmem:$0xAC00] =	vst v0  }
0x6e: {  	[tilespmem:$0xAC10] =	vst v0  }
0x6f: {  	[tilespmem:$0xAC20] =	vst v0  }
0x70: {  	[tilespmem:$0xAC30] =	vst v0  }
0x71: {  	[tilespmem:$0xAC40] =	vst v0  }
0x72: {  	[tilespmem:$0xAC50] =	vst v0  }
0x73: {  	[tilespmem:$0xAC60] =	vst v0  }
0x74: {  	[tilespmem:$0xAC70] =	vst v0  }
0x75: {  	[tilespmem:$0xAC80] =	vst v0  }
0x76: {  	[tilespmem:$0xAC90] =	vst v0  }
0x77: {  	[tilespmem:$0xACA0] =	vst v0  }
0x78: {  	[tilespmem:$0xACB0] =	vst v0  }
0x79: {  	[tilespmem:$0xACC0] =	vst v0  }
0x7a: {  	[tilespmem:$0xACD0] =	vst v0  }
0x7b: {  	[tilespmem:$0xACE0] =	vst v0  }
0x7c: {  	[tilespmem:$0xACF0] =	vst v0  }
0x7d: {  	[tilespmem:$0xAD00] =	vst v0  }
0x7e: {  	[tilespmem:$0xAD10] =	vst v0  }
0x7f: {  	[tilespmem:$0xAD20] =	vst v0  }
0x80: {  	[tilespmem:$0xAD30] =	vst v0  }
0x81: {  	[tilespmem:$0xAD40] =	vst v0  }
0x82: {  	[tilespmem:$0xAD50] =	vst v0  }
0x83: {  	[tilespmem:$0xAD60] =	vst v0  }
0x84: {  	[tilespmem:$0xAD70] =	vst v0  }
0x85: {  	[tilespmem:$0xAD80] =	vst v0  }
0x86: {  	[tilespmem:$0xAD90] =	vst v0  }
0x87: {  	[tilespmem:$0xADA0] =	vst v0  }
0x88: {  	[tilespmem:$0xADB0] =	vst v0  }
0x89: {  	[tilespmem:$0xADC0] =	vst v0  }
0x8a: {  	[tilespmem:$0xADD0] =	vst v0  }
0x8b: {  	[tilespmem:$0xADE0] =	vst v0  }
0x8c: {  	[tilespmem:$0xADF0] =	vst v0  }
0x8d: {  	[tilespmem:$0xAE00] =	vst v0  }
0x8e: {  	[tilespmem:$0xAE10] =	vst v0  }
0x8f: {  	[tilespmem:$0xAE20] =	vst v0  }
0x90: {  	[tilespmem:$0xAE30] =	vst v0  }
0x91: {  	[tilespmem:$0xAE40] =	vst v0  }
0x92: {  	[tilespmem:$0xAE50] =	vst v0  }
0x93: {  	[tilespmem:$0xAE60] =	vst v0  }
0x94: {  	[tilespmem:$0xAE70] =	vst v0  }
0x95: {  	[tilespmem:$0xAE80] =	vst v0  }
0x96: {  	[tilespmem:$0xAE90] =	vst v0  }
0x97: {  	[tilespmem:$0xAEA0] =	vst v0  }
0x98: {  	[tilespmem:$0xAEB0] =	vst v0  }
0x99: {  	[tilespmem:$0xAEC0] =	vst v0  }
0x9a: {  	[tilespmem:$0xAED0] =	vst v0  }
0x9b: {  	[tilespmem:$0xAEE0] =	vst v0  }
0x9c: {  	[tilespmem:$0xAEF0] =	vst v0  }
0x9d: {  	[tilespmem:$0xAF00] =	vst v0  }
0x9e: {  	[tilespmem:$0xAF10] =	vst v0  }
0x9f: {  	[tilespmem:$0xAF20] =	vst v0  }
0xa0: {  	[tilespmem:$0xAF30] =	vst v0  }
0xa1: {  	[tilespmem:$0xAF40] =	vst v0  }
0xa2: {  	[tilespmem:$0xAF50] =	vst v0  }
0xa3: {  	[tilespmem:$0xAF60] =	vst v0  }
0xa4: {  	[tilespmem:$0xAF70] =	vst v0  }
0xa5: {  	[tilespmem:$0xAF80] =	vst v0  }
0xa6: {  	[tilespmem:$0xAF90] =	vst v0  }
0xa7: {  	[tilespmem:$0xAFA0] =	vst v0  }
0xa8: {  	[tilespmem:$0xAFB0] =	vst v0  }
0xa9: {  	[tilespmem:$0xAFC0] =	vst v0  }
0xaa: {  	[tilespmem:$0xAFD0] =	vst v0  }
0xab: {  	[tilespmem:$0xAFE0] =	vst v0  }
0xac: {  	[tilespmem:$0xAFF0] =	vst v0  }
0xad: {  	[tilespmem:$0xB000] =	vst v0  }
0xae: {  	[tilespmem:$0xB010] =	vst v0  }
0xaf: {  	[tilespmem:$0xB020] =	vst v0  }
0xb0: {  	[tilespmem:$0xB030] =	vst v0  }
0xb1: {  	[tilespmem:$0xB040] =	vst v0  }
0xb2: {  	[tilespmem:$0xB050] =	vst v0  }
0xb3: {  	[tilespmem:$0xB060] =	vst v0  }
0xb4: {  	[tilespmem:$0xB070] =	vst v0  }
0xb5: {  	[tilespmem:$0xB080] =	vst v0  }
0xb6: {  	[tilespmem:$0xB090] =	vst v0  }
0xb7: {  	[tilespmem:$0xB0A0] =	vst v0  }
0xb8: {  	[tilespmem:$0xB0B0] =	vst v0  }
0xb9: {  	[tilespmem:$0xB0C0] =	vst v0  }
0xba: {  	s15 =	sadd.s32 $0x0, s3;
	[tilespmem:$0xB0D0] =	vst v0  }
0xbb: {  	p1 =	sgt.u32 s15, $0x270;
	[tilespmem:$0xB0E0] =	vst v0  }
0xbc: {  	s10 =	simm.s32 @!p1 $0xA900;
	s13 =	simm.s32 @!p1 $0x4;
	[tilespmem:$0xB0F0] =	vst v0  }
0xbd: {  	[spmem:s17] =	stream.linear.scatter @!p1 [tilespmem:s10], [sflag:$0x4], $0x800, $0x38;
	[tilespmem:$0x1E980] =	vst v63  }
0xbe: {  	s11 =	simm.s32 $0x10;
	_ =	swait.ge @!p1 [sflag:s13], $0x800  }
0xbf: {  	s12 =	simm.s32 $0x20;
	s10 =	sadd.s32 $0x8000, s17;
	[sflag:s13] =	ssyncset.done @!p1 $0x0  }
.LBB2_2:
0xc0: {  	s14 =	sadd.s32 s11, s3;
	s11 =	smov.u32 s12;
	s12 =	sadd.s32 $0x10, s12  }
0xc1: {  	[sflag:s13] =	ssyncadd.s32 @!p1 $0xFFFFF800;
	p2 =	sne.s32 s12, $0x280  }
.Ltmp2:
0xc2: {  	p1 =	sgt.u32 s14, $0x270;
	(pc) =	sbr.rel @p2 .LBB2_2-.Ltmp2, $4  }
0xc3: {  	s14 =	simm.s32 @!p1 $0xA900;
	s13 =	simm.s32 @!p1 $0x4  }
0xc4: {  	[spmem:s10] =	stream.linear.scatter @!p1 [tilespmem:s14], [sflag:$0x4], $0x800, $0x38;
	[tilespmem:$0x1E980] =	vst v63  }
0xc5: {  	_ =	swait.ge @!p1 [sflag:s13], $0x800  }
0xc6: {  	s10 =	sadd.s32 $0x8000, s10;
	[sflag:s13] =	ssyncset.done @!p1 $0x0  }
0xc7: {  	s11 =	sadd.s32 s11, s3  }
0xc8: {  	p2 =	sgt.u32 s11, $0x270  }
0xc9: {  	[sflag:s13] =	ssyncadd.s32 @!p1 $0xFFFFF800;
	s11 =	simm.s32 @!p2 $0xA900;
	s12 =	simm.s32 @!p2 $0x4  }
0xca: {  	[spmem:s10] =	stream.linear.scatter @!p2 [tilespmem:s11], [sflag:$0x4], $0x800, $0x38;
	[tilespmem:$0x1E980] =	vst v63  }
0xcb: {  	_ =	swait.ge @!p2 [sflag:s12], $0x800  }
0xcc: {  	[sflag:s12] =	ssyncset.done @!p2 $0x0  }
0xcd: {  	[sflag:s12] =	ssyncadd.s32 @!p2 $0xFFFFF800  }
0xce: {  	[bflag:$0x0] =	sbarrier.arrive $0xFFFF  }
0xcf: {  	s10 =	simm.s32 $0x0;
	s13 =	rddreg [dreg:$0x4]  }
0xd0: {  	[tilespmem:s19], [sflag:$0x1] =	stream.linear.gather [hbm4b:s13+s10], $0x50, $0x38;
	[tilespmem:$0x1E980] =	vst v63  }
.Ltmp3:
0xd1: {  	_ = 	snop;
	(pc) =	sbr.rel .LBB2_4-.Ltmp3, $4  }
0xd2: {  	s15 =	simm.s32 $0x5800;
	s14 =	rddreg [dreg:$0x5]  }
0xd3: {  	[tilespmem:s15], [sflag:$0x1] =	stream.linear.gather [hbm4b:s14+s10], $0x2800, $0x38;
	[tilespmem:$0x1E980] =	vst v63  }
0xd4: {  	_ = 	snop  }
0xd5: {  	[tilespmem:s26], [sflag:$0x1] =	stream.indirect.gather [hbm4b:s4+s21], $0x80, s10, s21, $0xb8;
	[tilespmem:$0x1E980] =	vst v63  }
.LBB2_10:
0xd6: {  	s11 =	sor.u32 $0x1, s10  }
.LBB2_14:
0xd7: {  	p1 =	sne.s32 s11, $0x7D  }
.Ltmp4:
0xd8: {  	_ = 	snop;
	(pc) =	sbr.rel @!p1 .LBB2_15-.Ltmp4, $2  }
0xd9: {  	_ =	sdelay $0x2  }
0xda: {  	s10 =	smov.u32 s11  }
.LBB2_4:
0xdb: {  	s11 =	sand.u32 $0x1, s10  }
0xdc: {  	p1 =	seq.s32 s11, $0x1  }
.Ltmp5:
0xdd: {  	_ = 	snop;
	(pc) =	sbr.rel @p1 .LBB2_11-.Ltmp5, $1  }
0xde: {  	_ =	sdelay $0x3  }
0xdf: {  	p1 =	seq.s32 s10, $0x0  }
0xe0: {  	s13 =	sor.u32 @!p1 $0x1, s10  }
0xe1: {  	s12 =	smul.u32 @!p1 $0x29, s13;
	_ =	sdelay $0x1  }
0xe2: {  	s12 =	sshrl.u32 @!p1 s12, $0xA  }
0xe3: {  	s12 =	sand.u32 @!p1 $0x3F, s12  }
0xe4: {  	s12 =	smul.u32 @!p1 $0x19, s12;
	_ =	sdelay $0x1  }
0xe5: {  	s12 =	ssub.s32 @!p1 s13, s12  }
0xe6: {  	_ =	swait.ge [sflag:s0], $0x50;
	s12 =	sand.u32 @!p1 $0xFF, s12  }
0xe7: {  	[sflag:s0] =	ssyncset.done $0x0;
	p2 =	sne.s32 @!p1 s12, $0x0  }
0xe8: {  	[sflag:s0] =	ssyncadd.s32 $0xFFFFFFB0;
	p3 =	por p2, p1  }
0xe9: {  	_ =	swait.ge [sflag:s0], $0x2800;
	s14 =	smul.u32 @!p3 $0x29, s13  }
0xea: {  	[sflag:s0] =	ssyncset.done $0x0  }
0xeb: {  	[sflag:s0] =	ssyncadd.s32 $0xFFFFD800;
	s14 =	sshrl.u32 @!p3 s14, $0xA  }
0xec: {  	_ =	swait.ge [sflag:s0], $0x2800;
	s14 =	sand.u32 @!p3 $0x3F, s14  }
0xed: {  	[sflag:s0] =	ssyncset.done $0x0;
	s14 =	smul.u32 @!p3 $0x7D0, s14  }
0xee: {  	s15 =	simm.s32 @!p1 $0x3;
	[sflag:s0] =	ssyncadd.s32 $0xFFFFD800  }
0xef: {  	p4 =	seq.s32 @!p1 s10, $0x7C;
	_ =	swait.ge @!p1 [sflag:s15], $0x2800;
	s14 =	sadd.s32 @!p3 s8, s14  }
0xf0: {  	p4 =	por p1, !p4;
	[sflag:s15] =	ssyncset.done @!p1 $0x0;
	s14 =	sshrl.u32 @!p3 s14, $0x3  }
0xf1: {  	[sflag:s15] =	ssyncadd.s32 @!p1 $0xFFFFD800;
	s15 =	simm.s32 @!p3 $0x0;
	s14 =	sadd.s32 @!p3 s6, s14  }
0xf2: {  	[tilespmem:s15], [sflag:$0x4] =	stream.linear.gather @!p3 [hbm4b:s14+s15], $0x7D0, $0x38;
	[tilespmem:$0x1E980] =	vst v63  }
.Ltmp6:
0xf3: {  	_ = 	snop;
	(pc) =	sbr.rel @!p4 .LBB2_7-.Ltmp6, $4  }
0xf4: {  	s14 =	simm.s32 @!p3 $0x4  }
0xf5: {  	_ =	swait.ge @!p3 [sflag:s14], $0x7D0  }
0xf6: {  	[sflag:s14] =	ssyncset.done @!p3 $0x0  }
0xf7: {  	[sflag:s14] =	ssyncadd.s32 @!p3 $0xFFFFF830  }
0xf8: {  	s13 =	simm.s32 @p1 $0x1  }
0xf9: {  	s13 =	smul.u32 $0x50, s13;
	_ =	sdelay $0x1  }
0xfa: {  	p2 =	por !p2, p1;
	s13 =	sadd.s32 s8, s13  }
0xfb: {  	s12 =	simm.s32 @p2 $0x0;
	s14 =	sshrl.u32 s13, $0x3  }
0xfc: {  	s12 =	simm.s32 @p1 $0x1;
	s13 =	sshll.u32 s13, $0x4;
	s14 =	sadd.s32 s7, s14  }
0xfd: {  	[tilespmem:s30], [sflag:$0x2] =	stream.linear.gather [hbm4b:s14+s2], $0x50, $0x38;
	[tilespmem:$0x1E980] =	vst v63  }
0xfe: {  	s12 =	smul.u32 $0x140, s12;
	s13 =	sadd.s32 s5, s13  }
0xff: {  	[tilespmem:s20], [sflag:$0x2] =	stream.linear.gather [hbm4b:s13+s2], $0x2800, $0x38;
	[tilespmem:$0x1E980] =	vst v63  }
0x100: {  	s12 =	sshrl.u32 s12, $0x2  }
0x101: {  	[tilespmem:s31], [sflag:$0x2] =	stream.indirect.gather [hbm4b:s4+s21], $0x80, s12, s21, $0xb8;
	[tilespmem:$0x1E980] =	vst v63  }
.LBB2_7:
0x102: {  	s12 =	simm.s32 $0x0  }
0x103: {  	v8 =	vld [tilespmem:s12+$0x5800]  }
0x104: {  	v12 =	vld [tilespmem:s12+$0x5810]  }
0x105: {  	v6 =	vld [tilespmem:s12+$0x5820]  }
0x106: {  	v5 =	vld [tilespmem:s12+$0x5830]  }
0x107: {  	v4 =	vld [tilespmem:s12+$0x5840]  }
0x108: {  	v3 =	vld [tilespmem:s12+$0x5850]  }
0x109: {  	v2 =	vld [tilespmem:s12+$0x5860]  }
0x10a: {  	v1 =	vld [tilespmem:s12+$0x5870]  }
0x10b: {  	v13 =	vld [tilespmem:s12+$0x800]  }
0x10c: {  	v14 =	vld [tilespmem:s12+$0x810]  }
0x10d: {  	v11 =	vld [tilespmem:s12+$0x820]  }
0x10e: {  	v10 =	vld [tilespmem:s12+$0x830]  }
0x10f: {  	v9 =	vld [tilespmem:s12+$0x840]  }
0x110: {  	v7 =	vld [tilespmem:s12+$0x850];
	v13 =	vmul.f32 v8, v13  }
0x111: {  	s13 =	simm.s32 $0x200;
	v12 =	vmul.f32 v12, v14;
	v8 =	vld [tilespmem:s12+$0x860]  }
.LBB2_8:
0x112: {  	s14 =	sshra.s32 s13, $0x2;
	p1 =	sne.s32 s13, $0x9E00;
	[tilespmem:s12+$0x800] =	vst v13;
	v6 =	vmul.f32 v6, v11;
	v11 =	vld [tilespmem:s12+$0x870]  }
0x113: {  	v13 =	vld [tilespmem:s14+$0x5800];
	[tilespmem:s12+$0x810] =	vst v12;
	v5 =	vmul.f32 v5, v10  }
0x114: {  	v12 =	vld [tilespmem:s14+$0x5810];
	[tilespmem:s12+$0x820] =	vst v6;
	v4 =	vmul.f32 v4, v9  }
0x115: {  	v6 =	vld [tilespmem:s14+$0x5820];
	[tilespmem:s12+$0x830] =	vst v5;
	v3 =	vmul.f32 v3, v7  }
0x116: {  	v5 =	vld [tilespmem:s14+$0x5830];
	[tilespmem:s12+$0x840] =	vst v4;
	v2 =	vmul.f32 v2, v8  }
0x117: {  	v4 =	vld [tilespmem:s14+$0x5840];
	[tilespmem:s12+$0x850] =	vst v3;
	v1 =	vmul.f32 v1, v11  }
0x118: {  	v3 =	vld [tilespmem:s14+$0x5850];
	[tilespmem:s12+$0x860] =	vst v2  }
0x119: {  	v2 =	vld [tilespmem:s14+$0x5860];
	[tilespmem:s12+$0x870] =	vst v1;
	s12 =	smov.u32 s14  }
0x11a: {  	v1 =	vld [tilespmem:s12+$0x5870]  }
0x11b: {  	v7 =	vld [tilespmem:s12+$0x800]  }
0x11c: {  	v8 =	vld [tilespmem:s12+$0x810]  }
.Ltmp7:
0x11d: {  	v11 =	vld [tilespmem:s12+$0x820];
	(pc) =	sbr.rel @p1 .LBB2_8-.Ltmp7, $4  }
0x11e: {  	v10 =	vld [tilespmem:s12+$0x830]  }
0x11f: {  	v9 =	vld [tilespmem:s12+$0x840]  }
0x120: {  	v13 =	vmul.f32 v13, v7;
	v7 =	vld [tilespmem:s12+$0x850]  }
0x121: {  	s13 =	sadd.s32 $0x200, s13;
	v12 =	vmul.f32 v12, v8;
	v8 =	vld [tilespmem:s12+$0x860]  }
0x122: {  	[tilespmem:s12+$0x800] =	vst v13;
	v6 =	vmul.f32 v6, v11;
	v63 =	vld [tilespmem:s12+$0x870]  }
0x123: {  	[tilespmem:s12+$0x810] =	vst v12;
	v5 =	vmul.f32 v5, v10  }
0x124: {  	[tilespmem:s12+$0x820] =	vst v6;
	v4 =	vmul.f32 v4, v9  }
0x125: {  	p1 =	sne.s32 s11, $0x0;
	[tilespmem:s12+$0x830] =	vst v5;
	v3 =	vmul.f32 v3, v7  }
.Ltmp8:
0x126: {  	[tilespmem:s12+$0x840] =	vst v4;
	v2 =	vmul.f32 v2, v8;
	(pc) =	sbr.rel @!p1 .LBB2_10-.Ltmp8, $4  }
0x127: {  	[tilespmem:s12+$0x850] =	vst v3;
	v1 =	vmul.f32 v1, v63  }
0x128: {  	[tilespmem:s12+$0x860] =	vst v2  }
0x129: {  	[tilespmem:s12+$0x870] =	vst v1  }
0x12a: {  	[spmem:s1] =	stream.indirect.scatter.add.f32 [tilespmem:s26], [sflag:$0x3], $0x80, s19, s21, $0xb8;
	[tilespmem:$0x1E980] =	vst v63  }
.LBB2_11:
0x12b: {  	s11 =	sadd.s32 $0x1, s10  }
0x12c: {  	s12 =	smulhi.u32 $0x51EB851F, s11;
	_ =	sdelay $0x1  }
0x12d: {  	s12 =	sshrl.u32 s12, $0x3  }
0x12e: {  	_ =	swait.ge [sflag:s28], $0x50;
	s12 =	smul.u32 $0x19, s12  }
0x12f: {  	[sflag:s28] =	ssyncset.done $0x0  }
0x130: {  	[sflag:s28] =	ssyncadd.s32 $0xFFFFFFB0;
	s12 =	ssub.s32 s11, s12  }
0x131: {  	_ =	swait.ge [sflag:s28], $0x2800;
	p1 =	sne.s32 s12, $0x0  }
0x132: {  	[sflag:s28] =	ssyncset.done $0x0;
	s13 =	smulhi.u32 @!p1 $0x51EB851F, s11  }
0x133: {  	[sflag:s28] =	ssyncadd.s32 $0xFFFFD800  }
0x134: {  	_ =	swait.ge [sflag:s28], $0x2800;
	s13 =	sshrl.u32 @!p1 s13, $0x3  }
0x135: {  	[sflag:s28] =	ssyncset.done $0x0;
	s13 =	smul.u32 @!p1 $0x7D0, s13  }
0x136: {  	[sflag:s28] =	ssyncadd.s32 $0xFFFFD800  }
0x137: {  	_ =	swait.ge [sflag:s29], $0x2800;
	s13 =	sadd.s32 @!p1 s8, s13  }
0x138: {  	p2 =	seq.s32 s10, $0x7C;
	[sflag:s29] =	ssyncset.done $0x0;
	s13 =	sshrl.u32 @!p1 s13, $0x3  }
0x139: {  	s14 =	simm.s32 @!p1 $0x0;
	[sflag:s29] =	ssyncadd.s32 $0xFFFFD800;
	s13 =	sadd.s32 @!p1 s6, s13  }
0x13a: {  	[tilespmem:s14], [sflag:$0x4] =	stream.linear.gather @!p1 [hbm4b:s13+s14], $0x7D0, $0x38;
	[tilespmem:$0x1E980] =	vst v63  }
0x13b: {  	s10 =	simm.s32 @!p1 $0x4;
	s13 =	smul.u32 @!p2 $0x50, s11  }
0x13c: {  	_ =	swait.ge @!p1 [sflag:s10], $0x7D0  }
0x13d: {  	[sflag:s10] =	ssyncset.done @!p1 $0x0;
	s13 =	sadd.s32 @!p2 s8, s13  }
0x13e: {  	[sflag:s10] =	ssyncadd.s32 @!p1 $0xFFFFF830;
	s10 =	sshrl.u32 @!p2 s13, $0x3  }
0x13f: {  	s15 =	simm.s32 @!p2 $0xA800;
	s14 =	simm.s32 @!p2 $0x0;
	s10 =	sadd.s32 @!p2 s7, s10  }
0x140: {  	[tilespmem:s15], [sflag:$0x1] =	stream.linear.gather @!p2 [hbm4b:s10+s14], $0x50, $0x38;
	[tilespmem:$0x1E980] =	vst v63  }
0x141: {  	s10 =	sshll.u32 @!p2 s13, $0x4  }
0x142: {  	s12 =	smul.u32 @!p2 $0x140, s12;
	s13 =	simm.s32 @!p2 $0x5800;
	s10 =	sadd.s32 @!p2 s5, s10  }
0x143: {  	[tilespmem:s13], [sflag:$0x1] =	stream.linear.gather @!p2 [hbm4b:s10+s14], $0x2800, $0x38;
	[tilespmem:$0x1E980] =	vst v63  }
0x144: {  	s10 =	sshra.s32 @!p2 s12, $0x2;
	s12 =	simm.s32 @!p2 $0x50;
	s13 =	simm.s32 @!p2 $0x800  }
0x145: {  	[tilespmem:s13], [sflag:$0x1] =	stream.indirect.gather @!p2 [hbm4b:s4+s12], $0x80, s10, s12, $0xb8;
	[tilespmem:$0x1E980] =	vst v63  }
0x146: {  	s10 =	simm.s32 $0x0  }
0x147: {  	v8 =	vld [tilespmem:s10+$0x8000]  }
0x148: {  	v12 =	vld [tilespmem:s10+$0x8010]  }
0x149: {  	v6 =	vld [tilespmem:s10+$0x8020]  }
0x14a: {  	v5 =	vld [tilespmem:s10+$0x8030]  }
0x14b: {  	v4 =	vld [tilespmem:s10+$0x8040]  }
0x14c: {  	v3 =	vld [tilespmem:s10+$0x8050]  }
0x14d: {  	v2 =	vld [tilespmem:s10+$0x8060]  }
0x14e: {  	v1 =	vld [tilespmem:s10+$0x8070]  }
0x14f: {  	v13 =	vld [tilespmem:s10+$0x3000]  }
0x150: {  	v14 =	vld [tilespmem:s10+$0x3010]  }
0x151: {  	v11 =	vld [tilespmem:s10+$0x3020]  }
0x152: {  	v10 =	vld [tilespmem:s10+$0x3030]  }
0x153: {  	v9 =	vld [tilespmem:s10+$0x3040]  }
0x154: {  	v7 =	vld [tilespmem:s10+$0x3050];
	v13 =	vmul.f32 v8, v13  }
0x155: {  	s12 =	simm.s32 $0x200;
	v12 =	vmul.f32 v12, v14;
	v8 =	vld [tilespmem:s10+$0x3060]  }
.LBB2_12:
0x156: {  	s13 =	sshra.s32 s12, $0x2;
	p1 =	sne.s32 s12, $0x9E00;
	[tilespmem:s10+$0x3000] =	vst v13;
	v6 =	vmul.f32 v6, v11;
	v11 =	vld [tilespmem:s10+$0x3070]  }
0x157: {  	v13 =	vld [tilespmem:s13+$0x8000];
	[tilespmem:s10+$0x3010] =	vst v12;
	v5 =	vmul.f32 v5, v10  }
0x158: {  	v12 =	vld [tilespmem:s13+$0x8010];
	[tilespmem:s10+$0x3020] =	vst v6;
	v4 =	vmul.f32 v4, v9  }
0x159: {  	v6 =	vld [tilespmem:s13+$0x8020];
	[tilespmem:s10+$0x3030] =	vst v5;
	v3 =	vmul.f32 v3, v7  }
0x15a: {  	v5 =	vld [tilespmem:s13+$0x8030];
	[tilespmem:s10+$0x3040] =	vst v4;
	v2 =	vmul.f32 v2, v8  }
0x15b: {  	v4 =	vld [tilespmem:s13+$0x8040];
	[tilespmem:s10+$0x3050] =	vst v3;
	v1 =	vmul.f32 v1, v11  }
0x15c: {  	v3 =	vld [tilespmem:s13+$0x8050];
	[tilespmem:s10+$0x3060] =	vst v2  }
0x15d: {  	v2 =	vld [tilespmem:s13+$0x8060];
	[tilespmem:s10+$0x3070] =	vst v1;
	s10 =	smov.u32 s13  }
0x15e: {  	v1 =	vld [tilespmem:s10+$0x8070]  }
0x15f: {  	v7 =	vld [tilespmem:s10+$0x3000]  }
0x160: {  	v8 =	vld [tilespmem:s10+$0x3010]  }
.Ltmp9:
0x161: {  	v11 =	vld [tilespmem:s10+$0x3020];
	(pc) =	sbr.rel @p1 .LBB2_12-.Ltmp9, $4  }
0x162: {  	v10 =	vld [tilespmem:s10+$0x3030]  }
0x163: {  	v9 =	vld [tilespmem:s10+$0x3040]  }
0x164: {  	v13 =	vmul.f32 v13, v7;
	v7 =	vld [tilespmem:s10+$0x3050]  }
0x165: {  	s12 =	sadd.s32 $0x200, s12;
	v12 =	vmul.f32 v12, v8;
	v8 =	vld [tilespmem:s10+$0x3060]  }
0x166: {  	[tilespmem:s10+$0x3000] =	vst v13;
	v6 =	vmul.f32 v6, v11;
	v63 =	vld [tilespmem:s10+$0x3070]  }
0x167: {  	[tilespmem:s10+$0x3010] =	vst v12;
	v5 =	vmul.f32 v5, v10  }
0x168: {  	[tilespmem:s10+$0x3020] =	vst v6;
	v4 =	vmul.f32 v4, v9  }
0x169: {  	[tilespmem:s10+$0x3030] =	vst v5;
	v3 =	vmul.f32 v3, v7  }
.Ltmp10:
0x16a: {  	[tilespmem:s10+$0x3040] =	vst v4;
	v2 =	vmul.f32 v2, v8;
	(pc) =	sbr.rel .LBB2_14-.Ltmp10, $4  }
0x16b: {  	[tilespmem:s10+$0x3050] =	vst v3;
	v1 =	vmul.f32 v1, v63  }
0x16c: {  	[tilespmem:s10+$0x3060] =	vst v2  }
0x16d: {  	[tilespmem:s10+$0x3070] =	vst v1  }
0x16e: {  	[spmem:s1] =	stream.indirect.scatter.add.f32 [tilespmem:s31], [sflag:$0x3], $0x80, s30, s21, $0xb8;
	[tilespmem:$0x1E980] =	vst v63  }
.LBB2_16:
0x16f: {  	_ =	sfence.sel $0x180000  }
0x170: {  	[bflag:$0x0] =	sbarrier.arrive $0xFFFF  }
0x171: {  	_ =	strace $0x9000004D  }
0x172: {  	[bflag:$0x2] =	sbarrier.arrive $0xFFFF  }
0x173: {  	p0 =	sne.s32 s3, $0x0;
	s0 =	rddreg [dreg:$0x2]  }
0x174: {  	s0 =	sadd.s32 @!p0 $0x100000, s0  }
0x175: {  	[sflag:s0] =	ssyncadd.tile.s32 @!p0 $0x1;
	_ =	shalt  }
.Lfunc_end2:
_tile_overlayer_lowered:
.L_overlay_start_2:
0x176: {  	(tag) =	ssettag $0x2  }
0x177: {  	s0 =	rddreg [dreg:$0x0];
	s2 =	stileid.u32  }
0x178: {  	s1 =	rddreg [dreg:$0x1];
	p0 =	sne.s32 s2, $0x0  }
0x179: {  	s3 =	rddreg [dreg:$0x2];
	[bflag:$0x3] =	sbarrier.arrive $0xFFFF;
	s2 =	simm.s32 @!p0 $0x1C04  }
0x17a: {  	[timem:s3], [sflag:s2] =	dma.local @!p0 [hbm:s0], s1  }
0x17b: {  	s0 =	simm.s32 @!p0 $0x4  }
0x17c: {  	_ =	swait.ge @!p0 [sflag:s0], s1  }
0x17d: {  	s1 =	ssub.s32 @!p0 $0x0, s1;
	[sflag:s0] =	ssyncset.done @!p0 $0x0  }
0x17e: {  	[sflag:s0] =	ssyncadd.s32 @!p0 s1  }
0x17f: {  	[bflag:$0x3] =	sbarrier.arrive $0xFFFF  }
0x180: {  	_ =	shalt  }

// kernel: _run.9.cloned.1.call-start
scs
__scs_entry_jumppad:
0x0: {  	(pc) =	sbr.rel $0x88, $3  }
0x1: {  	(tag) =	ssettag $0x0;
	lr =	simm.s32 $0x1  }
0x2: {  	[smem:$0x3F99] =	sst lr;
	_ =	strace $0xD0000000  }
0x3: {  	_ = 	snop  }
0x4: {  	_ = 	snop  }
0x5: {  	_ = 	snop  }
0x6: {  	_ = 	snop  }
0x7: {  	_ = 	snop  }
__scs_overlays_trampoline_lowered:
0x8: {  	[smem:$0x3FA8] =	sst s0  }
0x9: {  	[smem:$0x3FA9] =	sst s1  }
0xa: {  	[smem:$0x3FAA] =	sst s2  }
0xb: {  	[smem:$0x3FAB] =	sst s3  }
0xc: {  	[smem:$0x3FAC] =	sst s4  }
0xd: {  	[smem:$0x3FAD] =	sst s5  }
0xe: {  	[smem:$0x3FAE] =	sst s6  }
0xf: {  	[smem:$0x3FAF] =	sst s7  }
0x10: {  	[smem:$0x3FB0] =	sst s8  }
0x11: {  	[smem:$0x3FB1] =	sst s9;
	s0 =	simm.s32 @!p0 $0x0  }
0x12: {  	s1 =	sld [smem:$0x3F97];
	s0 =	simm.s32 @p0 $0x1  }
0x13: {  	[smem:$0x3FB2] =	sst s0;
	s0 =	simm.s32 @!p1 $0x0  }
0x14: {  	s2 =	sld [smem:$0x3F96];
	s0 =	simm.s32 @p1 $0x1  }
0x15: {  	[smem:$0x3FB3] =	sst s0;
	s0 =	simm.s32 @!p2 $0x0  }
0x16: {  	s3 =	sld [smem:$0x3FDB];
	s0 =	simm.s32 @p2 $0x1  }
0x17: {  	s4 =	simm.s32 $0x1BF5;
	[smem:$0x3FB5] =	sst s0  }
0x18: {  	s0 =	sld [smem:$0x3F98];
	_ =	swait.ge [sflag:s4], $0x0  }
0x19: {  	s7 =	sld [smem:$0x3F99]  }
0x1a: {  	s8 =	sadd.s32 $0xFFFFE003, lr  }
0x1b: {  	s9 =	sadd.s32 $0xFFFFFEF7, lr;
	s5 =	simm.s32 $0xFFFFFFFF;
	p2 =	slt.u32 s8, $0xFFFFF086  }
0x1c: {  	p1 =	slt.u32 s9, $0xF7A;
	s5 =	simm.s32 @!p2 $0x0  }
0x1d: {  	s5 =	simm.s32 @p1 $0x1;
	p0 =	seq.s32 s7, s2  }
0x1e: {  	s7 =	smul.u32 @!p0 $0xF7A, s2;
	p2 =	seq.s32 @!p0 s5, $0x0  }
0x1f: {  	s9 =	smul.u32 $0xF7A, s1;
	s8 =	simm.s32 @!p0 $0x1BF5;
	p2 =	por !p2, p0  }
0x20: {  	[sflag:s8] =	ssyncset.s32 @!p0 $0xFFFFF086;
	s6 =	sadd.s32 @!p0 s3, s7;
	s7 =	simm.s32 @!p0 $0x108  }
0x21: {  	s3 =	sadd.s32 s3, s9;
	s6 =	sadd.s32 @!p0 $0x88, s6;
	s7 =	simm.s32 @p2 $0x1082  }
0x22: {  	[simem:s7], [sflag:s8] =	dma.local @!p0 [hbm:s6], $0xF7A  }
0x23: {  	s9 =	sor.u32 $0xD0000000, s2;
	s6 =	simm.s32 $0x108;
	_ =	swait.ge @!p0 [sflag:s8], $0x0  }
0x24: {  	s3 =	sadd.s32 $0x88, s3;
	s6 =	simm.s32 @!p1 $0x1082;
	[sflag:s4] =	ssyncset.s32 $0xFFFFF086  }
0x25: {  	[simem:s6], [sflag:s4] =	dma.local [hbm:s3], $0xF7A  }
0x26: {  	[smem:$0x3F99] =	sst s1;
	(tag) =	ssettag s2;
	_ =	strace s9  }
0x27: {  	s1 =	sld [smem:$0x3FA9]  }
0x28: {  	s2 =	sld [smem:$0x3FAA]  }
0x29: {  	s4 =	sld [smem:$0x3FAC]  }
0x2a: {  	p0 =	seq.s32 s5, $0x0;
	s5 =	sld [smem:$0x3FAD]  }
0x2b: {  	s6 =	sld [smem:$0x3FAE]  }
0x2c: {  	s7 =	sld [smem:$0x3FAF]  }
0x2d: {  	s3 =	simm.s32 $0x108;
	s8 =	sld [smem:$0x3FB0]  }
0x2e: {  	s3 =	simm.s32 @!p0 $0x1082;
	s9 =	sld [smem:$0x3FB1]  }
0x2f: {  	lr =	sadd.s32 s0, s3;
	s0 =	sld [smem:$0x3FA8]  }
0x30: {  	s3 =	sld [smem:$0x3FAB]  }
0x31: {  	[smem:$0x3FB4] =	sst s10  }
0x32: {  	s10 =	sld [smem:$0x3FB2];
	_ =	sdelay $0x3  }
0x33: {  	p0 =	seq.s32 s10, $0x1;
	s10 =	sld [smem:$0x3FB4];
	_ =	sdelay $0x3  }
0x34: {  	[smem:$0x3FB4] =	sst s10  }
0x35: {  	s10 =	sld [smem:$0x3FB3];
	_ =	sdelay $0x3  }
0x36: {  	p1 =	seq.s32 s10, $0x1;
	s10 =	sld [smem:$0x3FB4];
	_ =	sdelay $0x3  }
0x37: {  	[smem:$0x3FB4] =	sst s10  }
0x38: {  	s10 =	sld [smem:$0x3FB5]  }
0x39: {  	_ = 	snop;
	(pc) =	sbr.ind lr, $3  }
0x3a: {  	_ = 	snop  }
0x3b: {  	_ = 	snop  }
0x3c: {  	p2 =	seq.s32 s10, $0x1;
	s10 =	sld [smem:$0x3FB4]  }
0x3d: {  	_ =	shalt  }
0x3e: {  	_ =	shalt  }
0x3f: {  	_ =	shalt  }
0x40: {  	_ =	shalt  }
0x41: {  	_ =	shalt  }
0x42: {  	_ =	shalt  }
0x43: {  	_ =	shalt  }
0x44: {  	_ =	shalt  }
0x45: {  	_ =	shalt  }
0x46: {  	_ =	shalt  }
0x47: {  	_ =	shalt  }
0x48: {  	_ =	shalt  }
0x49: {  	_ =	shalt  }
0x4a: {  	_ =	shalt  }
0x4b: {  	_ =	shalt  }
0x4c: {  	_ =	shalt  }
0x4d: {  	_ =	shalt  }
0x4e: {  	_ =	shalt  }
0x4f: {  	_ =	shalt  }
0x50: {  	_ =	shalt  }
0x51: {  	_ =	shalt  }
0x52: {  	_ =	shalt  }
0x53: {  	_ =	shalt  }
0x54: {  	_ =	shalt  }
0x55: {  	_ =	shalt  }
0x56: {  	_ =	shalt  }
0x57: {  	_ =	shalt  }
0x58: {  	_ =	shalt  }
0x59: {  	_ =	shalt  }
0x5a: {  	_ =	shalt  }
0x5b: {  	_ =	shalt  }
0x5c: {  	_ =	shalt  }
0x5d: {  	_ =	shalt  }
0x5e: {  	_ =	shalt  }
0x5f: {  	_ =	shalt  }
0x60: {  	_ =	shalt  }
0x61: {  	_ =	shalt  }
0x62: {  	_ =	shalt  }
0x63: {  	_ =	shalt  }
0x64: {  	_ =	shalt  }
0x65: {  	_ =	shalt  }
0x66: {  	_ =	shalt  }
0x67: {  	_ =	shalt  }
0x68: {  	_ =	shalt  }
0x69: {  	_ =	shalt  }
0x6a: {  	_ =	shalt  }
0x6b: {  	_ =	shalt  }
0x6c: {  	_ =	shalt  }
0x6d: {  	_ =	shalt  }
0x6e: {  	_ =	shalt  }
0x6f: {  	_ =	shalt  }
0x70: {  	_ =	shalt  }
0x71: {  	_ =	shalt  }
0x72: {  	_ =	shalt  }
0x73: {  	_ =	shalt  }
0x74: {  	_ =	shalt  }
0x75: {  	_ =	shalt  }
0x76: {  	_ =	shalt  }
0x77: {  	_ =	shalt  }
0x78: {  	_ =	shalt  }
0x79: {  	_ =	shalt  }
0x7a: {  	_ =	shalt  }
0x7b: {  	_ =	shalt  }
0x7c: {  	_ =	shalt  }
0x7d: {  	_ =	shalt  }
0x7e: {  	_ =	shalt  }
0x7f: {  	_ =	shalt  }
0x80: {  	_ =	shalt  }
0x81: {  	_ =	shalt  }
0x82: {  	_ =	shalt  }
0x83: {  	_ =	shalt  }
0x84: {  	_ =	shalt  }
0x85: {  	_ =	shalt  }
0x86: {  	_ =	shalt  }
0x87: {  	_ =	shalt  }
.Lfunc_end0:
.L_simem_size_0:
called_computation_lowered:
.L_overlay_start_0:
0x88: {  	s2 =	sld [smem:$0x3FD9]  }
0x89: {  	s3 =	sld [smem:$0x3FFE];
	_ =	sdelay $0x1  }
0x8a: {  	s1 =	srdreg.scid  }
0x8b: {  	s0 =	sand.u32 $0x1, s1  }
0x8c: {  	s17 =	sshll.u32 s0, $0xA;
	s2 =	sadd.s32 s3, s2  }
0x8d: {  	s2 =	sadd.s32 s2, s17  }
0x8e: {  	[smem:$0x3FC0] =	sst s2  }
0x8f: {  	_ = 	snop  }
0x90: {  	s2 =	sld [smem:$0x3FD0];
	(tm) =	ssettm $0x1  }
0x91: {  	s18 =	sld [smem:$0x3FFB];
	_ =	sdelay $0x3  }
0x92: {  	_ =	strace s18  }
0x93: {  	s3 =	sld [smem:$0x3FFC];
	_ =	sdelay $0x3  }
0x94: {  	_ =	strace s3  }
0x95: {  	s3 =	sld [smem:$0x3FFD];
	_ =	sdelay $0x3  }
0x96: {  	_ =	strace s3  }
0x97: {  	_ =	strace $0x8FFFFFFF  }
0x98: {  	s19 =	sld [smem:$0x3FDB];
	_ =	sdelay $0x1  }
0x99: {  	s4 =	simm.s32 $_scs_section_size  }
0x9a: {  	s5 =	simm.s32 $_size__tile_overlayer_lowered;
	s6 =	simm.s32 $_tile_overlayer_lowered  }
0x9b: {  	s22 =	simm.s32 $0x1BFF;
	s21 =	sshll.u32 s6, $0x1;
	s3 =	sadd.s32 s4, s19  }
0x9c: {  	s7 =	simm.s32 $0x0;
	s20 =	sshll.u32 s5, $0x1;
	s5 =	sadd.s32 s21, s3  }
0x9d: {  	[timem:s7], [sflag:s22] =	dma.local [hbm:s5], s20  }
0x9e: {  	_ =	swait.ge [sflag:s22], s20  }
0x9f: {  	s4 =	ssub.s32 $0x0, s20;
	[sflag:s22] =	ssyncset.done $0x0  }
0xa0: {  	[sflag:s22] =	ssyncadd.s32 s4;
	_ =	sdelay $0x1  }
0xa1: {  	s23 =	simm.s32 $0x1B8B  }
0xa2: {  	_ =	swait.ge [sflag:s23], $0x1  }
0xa3: {  	[sflag:s23] =	ssyncset.done $0x0  }
0xa4: {  	s25 =	simm.s32 $0x1B8E;
	s24 =	sld [smem:$0x3FFE];
	[sflag:s23] =	ssyncadd.s32 $0xFFFFFFFF  }
0xa5: {  	s26 =	simm.s32 $execute0_lowered;
	[smem:$0x3FD2] =	sst s25  }
0xa6: {  	s5 =	sshll.u32 s26, $0x1;
	_ =	strace $0x80000046;
	[dreg:$0x1] =	wrdreg $0xFFFFFFFF  }
0xa7: {  	s28 =	simm.s32 $_size_execute0_lowered;
	s3 =	sadd.s32 s3, s5;
	[dreg:$0x0] =	wrdreg $0x0  }
0xa8: {  	s5 =	sshll.u32 s28, $0x1;
	[dreg:$0x2] =	wrdreg s3  }
0xa9: {  	[dreg:$0x3] =	wrdreg s5  }
0xaa: {  	[dreg:$0x4] =	wrdreg $0xC0  }
0xab: {  	_ =	task [dreg:s7], $0x5FFFF  }
0xac: {  	[dreg:$0x1] =	wrdreg $0xFFFFFFFF  }
0xad: {  	[dreg:$0x0] =	wrdreg $0x60  }
0xae: {  	[dreg:$0x2] =	wrdreg s24  }
0xaf: {  	[dreg:$0x3] =	wrdreg s2  }
0xb0: {  	[dreg:$0x4] =	wrdreg $0x9  }
0xb1: {  	_ =	task.clear_ibuf [dreg:s7], $0x5FFFF;
	_ =	strace $0x90000046  }
0xb2: {  	s29 =	simm.s32 $0x9;
	_ =	strace $0x80000048  }
0xb3: {  	_ =	swait.ge [sflag:s29], $0x1  }
0xb4: {  	[sflag:s29] =	ssyncadd.s32 $0xFFFFFFFF  }
0xb5: {  	_ =	strace $0x90000048  }
0xb6: {  	_ =	sfence  }
0xb7: {  	s30 =	sld [smem:$0x0];
	_ =	sdelay $0x2  }
0xb8: {  	s31 =	sshll.u32 s1, $0xD;
	s1 =	sshrl.u32 s1, $0x2  }
0xb9: {  	s3 =	sand.u32 $0x4000, s31;
	s1 =	sadd.s32 s1, s30  }
0xba: {  	s0 =	sor.u32 s3, s0;
	s1 =	sshll.u32 s1, $0x11  }
0xbb: {  	s0 =	sor.u32 s1, s0  }
0xbc: {  	s0 =	sadd.s32 $0x8F2B, s0  }
0xbd: {  	[sflag:s0] =	ssyncadd.remote.s32 $0x1  }
0xbe: {  	_ =	sfence.sel $0xFFFF  }
0xbf: {  	[dreg:$0x0] =	wrdreg $0xFFFFFFFF;
	(pc) =	sbr.abs _section_cstart, $3  }
0xc0: {  	[dreg:$0x1] =	wrdreg $0xFFFFFFFF  }
0xc1: {  	_ =	task.clear_ibuf [dreg:s7], $0x2FFFF;
	_ =	strace $0x9FFFFFFF  }
0xc2: {  	(tm) =	ssettm $0x7FFFFFFF  }
0xc3: {  	_ =	shalt  }
tec
execute0_lowered:
.L_overlay_start_1:
0x0: {  	(tag) =	ssettag $0x1  }
0x1: {  	s0 =	srdreg.scid;
	s6 =	rddreg [dreg:$0x0]  }
0x2: {  	s2 =	rddreg [dreg:$0x1];
	s1 =	stileid.u32;
	s3 =	simm.s32 $0x0  }
0x3: {  	s11 =	simm.s32 $0x2780;
	s12 =	simm.s32 $0x4F00;
	s5 =	sand.u32 $0x1, s0  }
0x4: {  	s13 =	simm.s32 $0x7680;
	s14 =	simm.s32 $0x9E00;
	s4 =	sshll.u32 s5, $0x4  }
0x5: {  	s15 =	simm.s32 $0xC580;
	s0 =	rddreg [dreg:$0x2];
	s4 =	sor.u32 s1, s4  }
0x6: {  	s16 =	simm.s32 $0x0;
	[smem:$0x7FF] =	sst s3;
	s7 =	smul.u32 $0x4E2, s4  }
0x7: {  	_ =	strace $0x80000047;
	s8 =	ssub.s32 $0x2, s5;
	s5 =	sadd.s32 $0x15000, s6  }
0x8: {  	s31 =	sshrl.u32 s8, $0x1;
	s4 =	sadd.s32 $0x15600, s6;
	s9 =	sadd.s32 s7, s6  }
0x9: {  	s10 =	ssub.s32 s8, s31;
	s6 =	sadd.s32 $0xB200, s9;
	s7 =	sadd.s32 $0x1400, s9  }
0xa: {  	s8 =	sadd.s32 $0x15C00, s9;
	s9 =	smax.u32 s10, $0x1;
	s10 =	simm.s32 $0x1  }
.LBB2_1:
0xb: {  	[tilespmem:s3], [sflag:$0x1] =	stream.linear.gather [hbm4b:s4+s3], $0x2780, $0x38;
	[tilespmem:$0xED00] =	vst v63  }
0xc: {  	_ =	swait.ge [sflag:s10], $0x2780  }
0xd: {  	[sflag:s10] =	ssyncset.done $0x0  }
0xe: {  	[sflag:s10] =	ssyncadd.s32 $0xFFFFD880  }
0xf: {  	[tilespmem:s11], [sflag:$0x1] =	stream.linear.gather [hbm4b:s5+s3], $0x2780, $0x38;
	[tilespmem:$0xED00] =	vst v63  }
0x10: {  	_ =	swait.ge [sflag:s10], $0x2780  }
0x11: {  	[sflag:s10] =	ssyncset.done $0x0  }
0x12: {  	[sflag:s10] =	ssyncadd.s32 $0xFFFFD880  }
0x13: {  	[tilespmem:s12], [sflag:$0x1] =	stream.linear.gather [hbm4b:s2+s3], $0x2780, $0x38;
	[tilespmem:$0xED00] =	vst v63  }
0x14: {  	_ =	swait.ge [sflag:s10], $0x2780  }
0x15: {  	[sflag:s10] =	ssyncset.done $0x0  }
0x16: {  	[sflag:s10] =	ssyncadd.s32 $0xFFFFD880  }
0x17: {  	[tilespmem:s13], [sflag:$0x1] =	stream.linear.gather [hbm4b:s6+s3], $0x2710, $0x38;
	[tilespmem:$0xED00] =	vst v63  }
0x18: {  	_ =	swait.ge [sflag:s10], $0x2710  }
0x19: {  	[sflag:s10] =	ssyncset.done $0x0  }
0x1a: {  	[sflag:s10] =	ssyncadd.s32 $0xFFFFD8F0  }
0x1b: {  	[tilespmem:s14], [sflag:$0x1] =	stream.linear.gather [hbm4b:s7+s3], $0x2710, $0x38;
	[tilespmem:$0xED00] =	vst v63  }
0x1c: {  	_ =	swait.ge [sflag:s10], $0x2710  }
0x1d: {  	[sflag:s10] =	ssyncset.done $0x0  }
0x1e: {  	s17 =	simm.s32 $0x0;
	[sflag:s10] =	ssyncadd.s32 $0xFFFFD8F0  }
0x1f: {  	v0 =	vld [tilespmem:s17+$0x7680]  }
0x20: {  	v1 =	vld [tilespmem:s17+$0x9E00];
	_ =	sdelay $0x6  }
0x21: {  	v2 =	vld.idx.msk [tilespmem:v0+s3+$0x0], $0xffff  }
0x22: {  	v3 =	vld.idx.msk [tilespmem:v1+s3+$0x0], $0xffff  }
0x23: {  	v4 =	vld.idx.msk [tilespmem:v1+s11+$0x0], $0xffff  }
0x24: {  	v5 =	vld.idx.msk [tilespmem:v0+s11+$0x0], $0xffff  }
0x25: {  	v6 =	vld.idx.msk [tilespmem:v1+s12+$0x0], $0xffff  }
0x26: {  	v7 =	vld.idx.msk [tilespmem:v0+s12+$0x0], $0xffff;
	_ =	sdelay $0x2  }
0x27: {  	s18 =	simm.s32 $0x10;
	v3 =	vsub.f32 v3, v2;
	v4 =	vsub.f32 v4, v5  }
0x28: {  	v0 =	vld [tilespmem:s18+$0x7680]  }
0x29: {  	v1 =	vld [tilespmem:s18+$0x9E00];
	v2 =	vsub.f32 v6, v7;
	v3 =	vmul.f32 v3, v3;
	v4 =	vmul.f32 v4, v4  }
0x2a: {  	s19 =	simm.s32 $0x80  }
.LBB2_2:
0x2b: {  	p0 =	sne.s32 s19, $0x9C00;
	v3 =	vadd.f32 v4, v3;
	v2 =	vmul.f32 v2, v2;
	_ =	sdelay $0x1  }
0x2c: {  	v2 =	vadd.f32 v2, v3;
	_ =	sdelay $0x1  }
0x2d: {  	[tilespmem:s17+$0xC580] =	vst v2;
	s17 =	smov.u32 s18  }
0x2e: {  	v2 =	vld.idx.msk [tilespmem:v0+s3+$0x0], $0xffff  }
0x2f: {  	v3 =	vld.idx.msk [tilespmem:v1+s3+$0x0], $0xffff  }
0x30: {  	v4 =	vld.idx.msk [tilespmem:v1+s11+$0x0], $0xffff  }
0x31: {  	v5 =	vld.idx.msk [tilespmem:v0+s11+$0x0], $0xffff  }
0x32: {  	v6 =	vld.idx.msk [tilespmem:v1+s12+$0x0], $0xffff  }
0x33: {  	v7 =	vld.idx.msk [tilespmem:v0+s12+$0x0], $0xffff;
	_ =	sdelay $0x2  }
.Ltmp0:
0x34: {  	(pc) =	sbr.rel @p0 .LBB2_2-.Ltmp0, $4  }
0x35: {  	s18 =	sshra.s32 s19, $0x2;
	v3 =	vsub.f32 v3, v2;
	v4 =	vsub.f32 v4, v5  }
0x36: {  	v0 =	vld [tilespmem:s18+$0x7680]  }
0x37: {  	v3 =	vmul.f32 v3, v3;
	v2 =	vsub.f32 v6, v7;
	v4 =	vmul.f32 v4, v4;
	v1 =	vld [tilespmem:s18+$0x9E00]  }
0x38: {  	s19 =	sadd.s32 $0x40, s19  }
0x39: {  	_ = 	snop  }
0x3a: {  	v3 =	vadd.f32 v4, v3;
	v2 =	vmul.f32 v2, v2;
	_ =	sdelay $0x1  }
0x3b: {  	v2 =	vadd.f32 v2, v3;
	_ =	sdelay $0x1  }
0x3c: {  	[tilespmem:s17+$0xC580] =	vst v2  }
0x3d: {  	v2 =	vld.idx.msk [tilespmem:v0+s3+$0x0], $0xffff  }
0x3e: {  	v57 =	vld.idx.msk [tilespmem:v1+s3+$0x0], $0xffff  }
0x3f: {  	v58 =	vld.idx.msk [tilespmem:v1+s11+$0x0], $0xffff  }
0x40: {  	v5 =	vld.idx.msk [tilespmem:v0+s11+$0x0], $0xffff  }
0x41: {  	v59 =	vld.idx.msk [tilespmem:v1+s12+$0x0], $0xffff  }
0x42: {  	v60 =	vld.idx.msk [tilespmem:v0+s12+$0x0], $0xffff;
	_ =	sdelay $0x2  }
0x43: {  	v2 =	vsub.f32 v57, v2;
	v61 =	vsub.f32 v58, v5;
	_ =	sdelay $0x1  }
0x44: {  	v0 =	vsub.f32 v59, v60;
	v62 =	vmul.f32 v2, v2;
	v63 =	vmul.f32 v61, v61;
	_ =	sdelay $0x1  }
0x45: {  	v0 =	vmul.f32 v0, v0;
	v1 =	vadd.f32 v63, v62;
	_ =	sdelay $0x1  }
0x46: {  	s16 =	sadd.s32 $0x1, s16;
	v0 =	vadd.f32 v0, v1  }
0x47: {  	p0 =	sne.s32 s16, s9  }
.Ltmp1:
0x48: {  	[tilespmem:s18+$0xC580] =	vst v0;
	(pc) =	sbr.rel @p0 .LBB2_1-.Ltmp1, $4  }
0x49: {  	[hbm4b:s8+s3] =	stream.linear.scatter [tilespmem:s15], [sflag:$0x1], $0x2710, $0x38;
	[tilespmem:$0xED00] =	vst v63  }
0x4a: {  	_ =	swait.ge [sflag:s10], $0x2710  }
0x4b: {  	[sflag:s10] =	ssyncset.done $0x0  }
0x4c: {  	[sflag:s10] =	ssyncadd.s32 $0xFFFFD8F0  }
0x4d: {  	_ =	sfence.sel $0x180000  }
0x4e: {  	[bflag:$0x0] =	sbarrier.arrive $0xFFFF  }
0x4f: {  	p0 =	sne.s32 s1, $0x0;
	_ =	strace $0x90000047  }
0x50: {  	s0 =	sadd.s32 @!p0 $0x100000, s0;
	[bflag:$0x2] =	sbarrier.arrive $0xFFFF  }
0x51: {  	[sflag:s0] =	ssyncadd.tile.s32 @!p0 $0x1;
	_ =	shalt  }
.Lfunc_end2:
_tile_overlayer_lowered:
.L_overlay_start_2:
0x52: {  	(tag) =	ssettag $0x2  }
0x53: {  	s0 =	rddreg [dreg:$0x0];
	s2 =	stileid.u32  }
0x54: {  	s1 =	rddreg [dreg:$0x1];
	p0 =	sne.s32 s2, $0x0  }
0x55: {  	s3 =	rddreg [dreg:$0x2];
	[bflag:$0x3] =	sbarrier.arrive $0xFFFF;
	s2 =	simm.s32 @!p0 $0x1C01  }
0x56: {  	[timem:s3], [sflag:s2] =	dma.local @!p0 [hbm:s0], s1  }
0x57: {  	s0 =	simm.s32 @!p0 $0x1  }
0x58: {  	_ =	swait.ge @!p0 [sflag:s0], s1  }
0x59: {  	s1 =	ssub.s32 @!p0 $0x0, s1;
	[sflag:s0] =	ssyncset.done @!p0 $0x0  }
0x5a: {  	[sflag:s0] =	ssyncadd.s32 @!p0 s1  }
0x5b: {  	[bflag:$0x3] =	sbarrier.arrive $0xFFFF  }
0x5c: {  	_ =	shalt  }

</sc_bundles>
